<compile_context>
chip_gen: v7x
topology: tpu7x:2x2x1
jax: 0.10.2.dev20260603
libtpu: 0.0.44.dev20260713+nightly
codegen_flags: <defaults>
</compile_context>

<pallas_src>
import functools

import jax
import jax.numpy as jnp
from jax import lax
from jax.experimental import pallas as pl
from jax.experimental.pallas import tpu as pltpu
from jax.experimental.pallas import tpu_sc as plsc

NC = 2
NS = 16
NW = NC * NS
LANES = 16
DP = 128


def _bitrev(x, nbits):
    r = 0
    for _ in range(nbits):
        r = (r << 1) | (x & 1)
        x >>= 1
    return r


_GDN = lax.GatherDimensionNumbers(
    offset_dims=(), collapsed_slice_dims=(0,), start_index_map=(0,))


def _perm_xor(v, lane, h):
    return lax.gather(v, (lane ^ h)[:, None], dimension_numbers=_GDN,
                      slice_sizes=(1,),
                      mode=lax.GatherScatterMode.PROMISE_IN_BOUNDS)


def _butterfly(accs, lane):
    n = len(accs)
    assert n & (n - 1) == 0 and n <= LANES
    nbits = n.bit_length() - 1
    vecs = [accs[_bitrev(j, nbits)] for j in range(n)]
    h = LANES // 2
    while h >= n:
        vecs = [v + _perm_xor(v, lane, h) for v in vecs]
        h //= 2
    while len(vecs) > 1:
        nxt = []
        mask = (lane & h) == 0
        for i in range(0, len(vecs), 2):
            fx = vecs[i] + _perm_xor(vecs[i], lane, h)
            fy = vecs[i + 1] + _perm_xor(vecs[i + 1], lane, h)
            nxt.append(jnp.where(mask, fx, fy))
        vecs = nxt
        h //= 2
    return vecs[0]


def _make_kernel(B, K, BC):
    BPW = B // NW
    NCHUNK = BPW // BC
    R = BC * (K + 2)
    NWIN = DP // LANES

    n_left = 1 + (K - LANES)
    assert 0 < n_left <= 8

    mesh = plsc.VectorSubcoreMesh(core_axis_name="c", subcore_axis_name="s")

    @functools.partial(
        pl.kernel,
        compiler_params=pltpu.CompilerParams(use_tc_tiling_on_sc=False),
        out_type=[
            jax.ShapeDtypeStruct((B * LANES,), jnp.float32),
            jax.ShapeDtypeStruct((B * LANES,), jnp.float32),
        ],
        mesh=mesh,
        scratch_types=[
            pltpu.VMEM((2, R), jnp.int32),
            pltpu.VMEM((2, R, DP), jnp.float32),
            pltpu.VMEM((BC * LANES,), jnp.float32),
            pltpu.VMEM((BC * LANES,), jnp.float32),
            pltpu.SemaphoreType.DMA,
            pltpu.SemaphoreType.DMA,
        ],
    )
    def k(c_hbm, p_hbm, n_hbm, wb_hbm, neg16_out, left_out,
          iv, rows, neg_stage, left_stage, sem0, sem1):
        wid = lax.axis_index("s") * NC + lax.axis_index("c")
        base_b = wid * BPW
        lane = lax.iota(jnp.int32, LANES)
        zero = jnp.zeros((LANES,), jnp.float32)
        bufs = [(iv.at[0], rows.at[0], sem0), (iv.at[1], rows.at[1], sem1)]

        def stage_and_fire(ci, buf):
            ivb, rowsb, semb = bufs[buf]
            b0 = base_b + ci * BC
            pltpu.sync_copy(c_hbm.at[pl.ds(b0, BC)], ivb.at[pl.ds(0, BC)])
            pltpu.sync_copy(p_hbm.at[pl.ds(b0, BC)], ivb.at[pl.ds(BC, BC)])
            pltpu.sync_copy(n_hbm.at[pl.ds(b0 * K, BC * K)],
                            ivb.at[pl.ds(2 * BC, BC * K)])
            pltpu.async_copy(wb_hbm.at[ivb], rowsb, semb)

        def compute_chunk(ci, buf):
            ivb, rowsb, semb = bufs[buf]
            pltpu.make_async_copy(wb_hbm.at[ivb], rowsb, semb).wait()
            b0 = base_b + ci * BC

            def b_body(b, carry2):
                cw = [rowsb[b, pl.ds(w * LANES, LANES)] for w in range(NWIN)]

                def dot_acc(r):
                    acc = cw[0] * rowsb[r, pl.ds(0, LANES)]
                    for w in range(1, NWIN):
                        acc = acc + cw[w] * rowsb[r, pl.ds(w * LANES, LANES)]
                    return acc

                accs = [dot_acc(2 * BC + b * K + kk) for kk in range(LANES)]
                neg_stage[pl.ds(b * LANES, LANES)] = _butterfly(accs, lane)

                left = [dot_acc(BC + b)]
                for kk in range(LANES, K):
                    left.append(dot_acc(2 * BC + b * K + kk))
                while len(left) < 8:
                    left.append(zero)
                left_stage[pl.ds(b * LANES, LANES)] = _butterfly(left, lane)
                return carry2

            lax.fori_loop(0, BC, b_body, 0)
            pltpu.sync_copy(neg_stage,
                            neg16_out.at[pl.ds(b0 * LANES, BC * LANES)])
            pltpu.sync_copy(left_stage,
                            left_out.at[pl.ds(b0 * LANES, BC * LANES)])

        assert NCHUNK % 2 == 0
        stage_and_fire(0, 0)

        def pair_body(m, carry):
            ca = 2 * m
            stage_and_fire(ca + 1, 1)
            compute_chunk(ca, 0)

            @pl.when(ca + 2 < NCHUNK)
            def _():
                stage_and_fire(ca + 2, 0)

            compute_chunk(ca + 1, 1)
            return carry

        lax.fori_loop(0, NCHUNK // 2, pair_body, 0)

    return k


def _pad_both_tc(wc, wx, dp):
    V, D = wc.shape
    BS = 8000
    assert V % BS == 0

    def body(c_ref, x_ref, o_ref):
        t = pl.program_id(0)
        z = jnp.zeros((BS, dp - D), jnp.float32)

        @pl.when(t == 0)
        def _():
            o_ref[0, :, pl.ds(0, D)] = c_ref[...]
            o_ref[0, :, pl.ds(D, dp - D)] = z

        @pl.when(t == 1)
        def _():
            o_ref[0, :, pl.ds(0, D)] = x_ref[...]
            o_ref[0, :, pl.ds(D, dp - D)] = z

    out = pl.pallas_call(
        body,
        grid=(2, V // BS),
        in_specs=[
            pl.BlockSpec((BS, D), lambda t, i: (jnp.where(t == 0, i, 0), 0)),
            pl.BlockSpec((BS, D), lambda t, i: (jnp.where(t == 0, 0, i), 0)),
        ],
        out_specs=pl.BlockSpec((1, BS, dp), lambda t, i: (t, i, 0)),
        out_shape=jax.ShapeDtypeStruct((2, V, dp), jnp.float32),
    )(wc, wx)
    return out.reshape(2 * V, dp)


def kernel(center, pos_context, neg_contexts, W_center, W_context):
    B = center.shape[0]
    K = neg_contexts.shape[1]
    D = W_center.shape[1]
    V = W_center.shape[0]
    c = center.astype(jnp.int32)
    p = pos_context.astype(jnp.int32) + V
    n = neg_contexts.astype(jnp.int32).reshape(-1) + V
    wb = _pad_both_tc(W_center.astype(jnp.float32),
                      W_context.astype(jnp.float32), DP)

    k = _make_kernel(B, K, BC=16)
    neg16_flat, left_flat = k(c, p, n, wb)
    neg16 = neg16_flat.reshape(B, LANES)
    left = left_flat.reshape(B, LANES)
    pos_dot = left[:, 0:1]
    neg_dot = jnp.concatenate([neg16, left[:, 1:1 + (K - LANES)]], axis=1)
    return pos_dot, neg_dot

# --- scband reference (transcript-rebuilt; emitter-appended) ---
"""Pipeline reference for scband-word2-vec-56324201120248 (READ-ONLY COPY).

The authoritative reference and input builder live on the scoring server;
editing this copy changes nothing except your own understanding.
"""

import jax, jax.numpy as jnp
import numpy as np

VOCAB = 1000000
DIM = 100
B = 16384
K = 20

def _xavier_uniform(key, shape):
    fan_in, fan_out = shape[0], shape[1]
    a = float(np.sqrt(6.0 / (fan_in + fan_out)))
    return jax.random.uniform(key, shape, dtype=jnp.float32, minval=-a, maxval=a)

def setup_inputs(seed: int = 0) -> dict:
    key = jax.random.key(seed)
    k1, k2, k3, k4, k5 = jax.random.split(key, 5)
    center = jax.random.randint(k1, (B,), 0, VOCAB, dtype=jnp.int64)
    pos_context = jax.random.randint(k2, (B,), 0, VOCAB, dtype=jnp.int64)
    neg_contexts = jax.random.randint(k3, (B, K), 0, VOCAB, dtype=jnp.int64)
    W_center = _xavier_uniform(k4, (VOCAB, DIM))
    W_context = _xavier_uniform(k5, (VOCAB, DIM))
    return {"center": center, "pos_context": pos_context, "neg_contexts": neg_contexts, "W_center": W_center, "W_context": W_context}

def reference(center, pos_context, neg_contexts, W_center, W_context):
    # embedding lookups (gathers)
    center_emb = jnp.take(W_center, center, axis=0)          # [B, D]
    pos_context_emb = jnp.take(W_context, pos_context, axis=0)  # [B, D]
    neg_context_embs = jnp.take(W_context, neg_contexts, axis=0)  # [B, K, D]
    # emb_dot_product(center, pos): bmm([B,1,D],[B,D,1]) -> squeeze(1) -> [B,1]
    pos_dot = jnp.sum(center_emb * pos_context_emb, axis=-1, keepdims=True)  # [B, 1]
    # emb_dot_product(center, neg): bmm([B,1,D],[B,D,K]) -> squeeze(1) -> [B,K]
    neg_dot = jnp.einsum('bd,bkd->bk', center_emb, neg_context_embs)  # [B, K]
    return (pos_dot, neg_dot)

if __name__ == "__main__":
    import jax
    _d = setup_inputs()
    print(jax.jit(kernel)(*tuple(_d.values())))

</pallas_src>

<mosaic_0001>
#map = affine_map<(d0, d1) -> (0)>
#map1 = affine_map<(d0, d1) -> (0, 0)>
module attributes {stable_mosaic.version = 14 : i64} {
  func.func @k(%arg0: i32, %arg1: i32, %arg2: memref<16384xi32, #tpu.memory_space<hbm>>, %arg3: memref<16384xi32, #tpu.memory_space<hbm>>, %arg4: memref<327680xi32, #tpu.memory_space<hbm>>, %arg5: memref<2000000x128xf32, #tpu.memory_space<hbm>>, %arg6: memref<262144xf32, #tpu.memory_space<hbm>>, %arg7: memref<262144xf32, #tpu.memory_space<hbm>>, %arg8: memref<2x352xi32, #tpu.memory_space<vmem>>, %arg9: memref<2x352x128xf32, #tpu.memory_space<vmem>>, %arg10: memref<256xf32, #tpu.memory_space<vmem>>, %arg11: memref<256xf32, #tpu.memory_space<vmem>>, %arg12: memref<!tpu.dma_semaphore, #tpu.memory_space<semaphore_mem>>, %arg13: memref<!tpu.dma_semaphore, #tpu.memory_space<semaphore_mem>>) attributes {dimension_semantics = [#tpu.dimension_semantics<core_parallel>, #tpu.dimension_semantics<subcore_parallel>], iteration_bounds = array<i64: 2, 16>, scalar_prefetch = 0 : i64, scratch_operands = 6 : i64, tpu.core_type = #tpu.core_type<sc_vector_subcore>, window_params = [{transform_indices = #map}, {transform_indices = #map}, {transform_indices = #map}, {transform_indices = #map1}, {transform_indices = #map}, {transform_indices = #map}]} {
    %mul3A = arith.constant 2 : i32
    %mul3A_0 = arith.muli %arg1, %mul3A : i32
    %add3A = arith.addi %mul3A_0, %arg0 : i32
    %mul3A_1 = arith.constant 512 : i32
    %mul3A_2 = arith.muli %add3A, %mul3A_1 : i32
    %iota3A = tpu.iota {dimensions = array<i32: 0>} : vector<16xi32>
    %broadcast_in_dim3A = arith.constant 0.000000e+00 : f32
    %broadcast_in_dim3A_3 = vector.broadcast %broadcast_in_dim3A : f32 to vector<16xf32>
    %add3A_4 = arith.constant 0 : i32
    %add3A_5 = arith.addi %mul3A_2, %add3A_4 : i32
    %run_scoped3A = arith.constant 0 : i32
    "tpu.region"() ({
      %run_scoped3A_30 = tpu.sem_alloc : memref<!tpu.dma_semaphore, #tpu.memory_space<semaphore_mem>>
      %dma_start3A_31 = arith.constant 0 : i32
      %dma_start3A_32 = tpu.memref_slice %arg8[%run_scoped3A, %dma_start3A_31] : memref<2x352xi32, #tpu.memory_space<vmem>> -> memref<1x352xi32, #tpu.memory_space<vmem>>
      %dma_start3A_33 = tpu.memref_squeeze %dma_start3A_32 : memref<1x352xi32, #tpu.memory_space<vmem>> -> memref<352xi32, #tpu.memory_space<vmem>>
      %dma_start3A_34 = arith.constant 0 : i32
      %dma_start3A_35 = tpu.memref_slice %dma_start3A_33[%dma_start3A_34] : memref<352xi32, #tpu.memory_space<vmem>> -> memref<16xi32, #tpu.memory_space<vmem>>
      %dma_start3A_36 = tpu.memref_slice %arg2[%add3A_5] : memref<16384xi32, #tpu.memory_space<hbm>> -> memref<16xi32, #tpu.memory_space<hbm>>
      %dma_start3A_37 = arith.constant 0 : i32
      %dma_start3A_38 = tpu.memref_slice %arg8[%run_scoped3A, %dma_start3A_37] : memref<2x352xi32, #tpu.memory_space<vmem>> -> memref<1x352xi32, #tpu.memory_space<vmem>>
      %dma_start3A_39 = tpu.memref_squeeze %dma_start3A_38 : memref<1x352xi32, #tpu.memory_space<vmem>> -> memref<352xi32, #tpu.memory_space<vmem>>
      %dma_start3A_40 = arith.constant 0 : i32
      %dma_start3A_41 = tpu.memref_slice %dma_start3A_39[%dma_start3A_40] : memref<352xi32, #tpu.memory_space<vmem>> -> memref<16xi32, #tpu.memory_space<vmem>>
      %dma_start3A_42 = tpu.memref_slice %arg2[%add3A_5] : memref<16384xi32, #tpu.memory_space<hbm>> -> memref<16xi32, #tpu.memory_space<hbm>>
      tpu.enqueue_dma source(%dma_start3A_42 : memref<16xi32, #tpu.memory_space<hbm>>) target(%dma_start3A_41 : memref<16xi32, #tpu.memory_space<vmem>>) target_semaphore(%run_scoped3A_30 : memref<!tpu.dma_semaphore, #tpu.memory_space<semaphore_mem>>)
      %dma_wait3A = arith.constant 0 : i32
      %dma_wait3A_43 = tpu.memref_slice %arg8[%run_scoped3A, %dma_wait3A] : memref<2x352xi32, #tpu.memory_space<vmem>> -> memref<1x352xi32, #tpu.memory_space<vmem>>
      %dma_wait3A_44 = tpu.memref_squeeze %dma_wait3A_43 : memref<1x352xi32, #tpu.memory_space<vmem>> -> memref<352xi32, #tpu.memory_space<vmem>>
      %dma_wait3A_45 = arith.constant 0 : i32
      %dma_wait3A_46 = tpu.memref_slice %dma_wait3A_44[%dma_wait3A_45] : memref<352xi32, #tpu.memory_space<vmem>> -> memref<16xi32, #tpu.memory_space<vmem>>
      %dma_wait3A_47 = tpu.memref_slice %arg2[%add3A_5] : memref<16384xi32, #tpu.memory_space<hbm>> -> memref<16xi32, #tpu.memory_space<hbm>>
      %dma_wait3A_48 = arith.constant 0 : i32
      %dma_wait3A_49 = tpu.memref_slice %arg8[%run_scoped3A, %dma_wait3A_48] : memref<2x352xi32, #tpu.memory_space<vmem>> -> memref<1x352xi32, #tpu.memory_space<vmem>>
      %dma_wait3A_50 = tpu.memref_squeeze %dma_wait3A_49 : memref<1x352xi32, #tpu.memory_space<vmem>> -> memref<352xi32, #tpu.memory_space<vmem>>
      %dma_wait3A_51 = arith.constant 0 : i32
      %dma_wait3A_52 = tpu.memref_slice %dma_wait3A_50[%dma_wait3A_51] : memref<352xi32, #tpu.memory_space<vmem>> -> memref<16xi32, #tpu.memory_space<vmem>>
      %dma_wait3A_53 = tpu.memref_slice %arg2[%add3A_5] : memref<16384xi32, #tpu.memory_space<hbm>> -> memref<16xi32, #tpu.memory_space<hbm>>
      tpu.wait_dma2 semaphore(%run_scoped3A_30 : memref<!tpu.dma_semaphore, #tpu.memory_space<semaphore_mem>>) src(%dma_wait3A_53 : memref<16xi32, #tpu.memory_space<hbm>>) dst(%dma_wait3A_52 : memref<16xi32, #tpu.memory_space<vmem>>)
      tpu.yield
    }) : () -> ()
    %run_scoped3A_6 = arith.constant 0 : i32
    "tpu.region"() ({
      %run_scoped3A_30 = tpu.sem_alloc : memref<!tpu.dma_semaphore, #tpu.memory_space<semaphore_mem>>
      %dma_start3A_31 = arith.constant 0 : i32
      %dma_start3A_32 = tpu.memref_slice %arg8[%run_scoped3A_6, %dma_start3A_31] : memref<2x352xi32, #tpu.memory_space<vmem>> -> memref<1x352xi32, #tpu.memory_space<vmem>>
      %dma_start3A_33 = tpu.memref_squeeze %dma_start3A_32 : memref<1x352xi32, #tpu.memory_space<vmem>> -> memref<352xi32, #tpu.memory_space<vmem>>
      %dma_start3A_34 = arith.constant 16 : i32
      %dma_start3A_35 = tpu.memref_slice %dma_start3A_33[%dma_start3A_34] : memref<352xi32, #tpu.memory_space<vmem>> -> memref<16xi32, #tpu.memory_space<vmem>>
      %dma_start3A_36 = tpu.memref_slice %arg3[%add3A_5] : memref<16384xi32, #tpu.memory_space<hbm>> -> memref<16xi32, #tpu.memory_space<hbm>>
      %dma_start3A_37 = arith.constant 0 : i32
      %dma_start3A_38 = tpu.memref_slice %arg8[%run_scoped3A_6, %dma_start3A_37] : memref<2x352xi32, #tpu.memory_space<vmem>> -> memref<1x352xi32, #tpu.memory_space<vmem>>
      %dma_start3A_39 = tpu.memref_squeeze %dma_start3A_38 : memref<1x352xi32, #tpu.memory_space<vmem>> -> memref<352xi32, #tpu.memory_space<vmem>>
      %dma_start3A_40 = arith.constant 16 : i32
      %dma_start3A_41 = tpu.memref_slice %dma_start3A_39[%dma_start3A_40] : memref<352xi32, #tpu.memory_space<vmem>> -> memref<16xi32, #tpu.memory_space<vmem>>
      %dma_start3A_42 = tpu.memref_slice %arg3[%add3A_5] : memref<16384xi32, #tpu.memory_space<hbm>> -> memref<16xi32, #tpu.memory_space<hbm>>
      tpu.enqueue_dma source(%dma_start3A_42 : memref<16xi32, #tpu.memory_space<hbm>>) target(%dma_start3A_41 : memref<16xi32, #tpu.memory_space<vmem>>) target_semaphore(%run_scoped3A_30 : memref<!tpu.dma_semaphore, #tpu.memory_space<semaphore_mem>>)
      %dma_wait3A = arith.constant 0 : i32
      %dma_wait3A_43 = tpu.memref_slice %arg8[%run_scoped3A_6, %dma_wait3A] : memref<2x352xi32, #tpu.memory_space<vmem>> -> memref<1x352xi32, #tpu.memory_space<vmem>>
      %dma_wait3A_44 = tpu.memref_squeeze %dma_wait3A_43 : memref<1x352xi32, #tpu.memory_space<vmem>> -> memref<352xi32, #tpu.memory_space<vmem>>
      %dma_wait3A_45 = arith.constant 16 : i32
      %dma_wait3A_46 = tpu.memref_slice %dma_wait3A_44[%dma_wait3A_45] : memref<352xi32, #tpu.memory_space<vmem>> -> memref<16xi32, #tpu.memory_space<vmem>>
      %dma_wait3A_47 = tpu.memref_slice %arg3[%add3A_5] : memref<16384xi32, #tpu.memory_space<hbm>> -> memref<16xi32, #tpu.memory_space<hbm>>
      %dma_wait3A_48 = arith.constant 0 : i32
      %dma_wait3A_49 = tpu.memref_slice %arg8[%run_scoped3A_6, %dma_wait3A_48] : memref<2x352xi32, #tpu.memory_space<vmem>> -> memref<1x352xi32, #tpu.memory_space<vmem>>
      %dma_wait3A_50 = tpu.memref_squeeze %dma_wait3A_49 : memref<1x352xi32, #tpu.memory_space<vmem>> -> memref<352xi32, #tpu.memory_space<vmem>>
      %dma_wait3A_51 = arith.constant 16 : i32
      %dma_wait3A_52 = tpu.memref_slice %dma_wait3A_50[%dma_wait3A_51] : memref<352xi32, #tpu.memory_space<vmem>> -> memref<16xi32, #tpu.memory_space<vmem>>
      %dma_wait3A_53 = tpu.memref_slice %arg3[%add3A_5] : memref<16384xi32, #tpu.memory_space<hbm>> -> memref<16xi32, #tpu.memory_space<hbm>>
      tpu.wait_dma2 semaphore(%run_scoped3A_30 : memref<!tpu.dma_semaphore, #tpu.memory_space<semaphore_mem>>) src(%dma_wait3A_53 : memref<16xi32, #tpu.memory_space<hbm>>) dst(%dma_wait3A_52 : memref<16xi32, #tpu.memory_space<vmem>>)
      tpu.yield
    }) : () -> ()
    %mul3A_7 = arith.constant 20 : i32
    %mul3A_8 = arith.muli %add3A_5, %mul3A_7 : i32
    %run_scoped3A_9 = arith.constant 0 : i32
    "tpu.region"() ({
      %run_scoped3A_30 = tpu.sem_alloc : memref<!tpu.dma_semaphore, #tpu.memory_space<semaphore_mem>>
      %dma_start3A_31 = arith.constant 0 : i32
      %dma_start3A_32 = tpu.memref_slice %arg8[%run_scoped3A_9, %dma_start3A_31] : memref<2x352xi32, #tpu.memory_space<vmem>> -> memref<1x352xi32, #tpu.memory_space<vmem>>
      %dma_start3A_33 = tpu.memref_squeeze %dma_start3A_32 : memref<1x352xi32, #tpu.memory_space<vmem>> -> memref<352xi32, #tpu.memory_space<vmem>>
      %dma_start3A_34 = arith.constant 32 : i32
      %dma_start3A_35 = tpu.memref_slice %dma_start3A_33[%dma_start3A_34] : memref<352xi32, #tpu.memory_space<vmem>> -> memref<320xi32, #tpu.memory_space<vmem>>
      %dma_start3A_36 = tpu.memref_slice %arg4[%mul3A_8] : memref<327680xi32, #tpu.memory_space<hbm>> -> memref<320xi32, #tpu.memory_space<hbm>>
      %dma_start3A_37 = arith.constant 0 : i32
      %dma_start3A_38 = tpu.memref_slice %arg8[%run_scoped3A_9, %dma_start3A_37] : memref<2x352xi32, #tpu.memory_space<vmem>> -> memref<1x352xi32, #tpu.memory_space<vmem>>
      %dma_start3A_39 = tpu.memref_squeeze %dma_start3A_38 : memref<1x352xi32, #tpu.memory_space<vmem>> -> memref<352xi32, #tpu.memory_space<vmem>>
      %dma_start3A_40 = arith.constant 32 : i32
      %dma_start3A_41 = tpu.memref_slice %dma_start3A_39[%dma_start3A_40] : memref<352xi32, #tpu.memory_space<vmem>> -> memref<320xi32, #tpu.memory_space<vmem>>
      %dma_start3A_42 = tpu.memref_slice %arg4[%mul3A_8] : memref<327680xi32, #tpu.memory_space<hbm>> -> memref<320xi32, #tpu.memory_space<hbm>>
      tpu.enqueue_dma source(%dma_start3A_42 : memref<320xi32, #tpu.memory_space<hbm>>) target(%dma_start3A_41 : memref<320xi32, #tpu.memory_space<vmem>>) target_semaphore(%run_scoped3A_30 : memref<!tpu.dma_semaphore, #tpu.memory_space<semaphore_mem>>)
      %dma_wait3A = arith.constant 0 : i32
      %dma_wait3A_43 = tpu.memref_slice %arg8[%run_scoped3A_9, %dma_wait3A] : memref<2x352xi32, #tpu.memory_space<vmem>> -> memref<1x352xi32, #tpu.memory_space<vmem>>
      %dma_wait3A_44 = tpu.memref_squeeze %dma_wait3A_43 : memref<1x352xi32, #tpu.memory_space<vmem>> -> memref<352xi32, #tpu.memory_space<vmem>>
      %dma_wait3A_45 = arith.constant 32 : i32
      %dma_wait3A_46 = tpu.memref_slice %dma_wait3A_44[%dma_wait3A_45] : memref<352xi32, #tpu.memory_space<vmem>> -> memref<320xi32, #tpu.memory_space<vmem>>
      %dma_wait3A_47 = tpu.memref_slice %arg4[%mul3A_8] : memref<327680xi32, #tpu.memory_space<hbm>> -> memref<320xi32, #tpu.memory_space<hbm>>
      %dma_wait3A_48 = arith.constant 0 : i32
      %dma_wait3A_49 = tpu.memref_slice %arg8[%run_scoped3A_9, %dma_wait3A_48] : memref<2x352xi32, #tpu.memory_space<vmem>> -> memref<1x352xi32, #tpu.memory_space<vmem>>
      %dma_wait3A_50 = tpu.memref_squeeze %dma_wait3A_49 : memref<1x352xi32, #tpu.memory_space<vmem>> -> memref<352xi32, #tpu.memory_space<vmem>>
      %dma_wait3A_51 = arith.constant 32 : i32
      %dma_wait3A_52 = tpu.memref_slice %dma_wait3A_50[%dma_wait3A_51] : memref<352xi32, #tpu.memory_space<vmem>> -> memref<320xi32, #tpu.memory_space<vmem>>
      %dma_wait3A_53 = tpu.memref_slice %arg4[%mul3A_8] : memref<327680xi32, #tpu.memory_space<hbm>> -> memref<320xi32, #tpu.memory_space<hbm>>
      tpu.wait_dma2 semaphore(%run_scoped3A_30 : memref<!tpu.dma_semaphore, #tpu.memory_space<semaphore_mem>>) src(%dma_wait3A_53 : memref<320xi32, #tpu.memory_space<hbm>>) dst(%dma_wait3A_52 : memref<320xi32, #tpu.memory_space<vmem>>)
      tpu.yield
    }) : () -> ()
    %dma_start3A = arith.constant 0 : i32
    %dma_start3A_10 = arith.constant 0 : i32
    %dma_start3A_11 = arith.constant 0 : i32
    %dma_start3A_12 = arith.constant 0 : i32
    %dma_start3A_13 = tpu.memref_slice %arg9[%dma_start3A_10, %dma_start3A_11, %dma_start3A_12] : memref<2x352x128xf32, #tpu.memory_space<vmem>> -> memref<1x352x128xf32, #tpu.memory_space<vmem>>
    %dma_start3A_14 = tpu.memref_squeeze %dma_start3A_13 : memref<1x352x128xf32, #tpu.memory_space<vmem>> -> memref<352x128xf32, #tpu.memory_space<vmem>>
    %dma_start3A_15 = arith.constant 0 : i32
    %dma_start3A_16 = tpu.memref_slice %arg8[%dma_start3A, %dma_start3A_15] : memref<2x352xi32, #tpu.memory_space<vmem>> -> memref<1x352xi32, #tpu.memory_space<vmem>>
    %dma_start3A_17 = tpu.memref_squeeze %dma_start3A_16 : memref<1x352xi32, #tpu.memory_space<vmem>> -> memref<352xi32, #tpu.memory_space<vmem>>
    %dma_start3A_18 = arith.constant 0 : i32
    %dma_start3A_19 = arith.constant 0 : i32
    %dma_start3A_20 = tpu.memref_slice %arg5[%dma_start3A_18, %dma_start3A_19] : memref<2000000x128xf32, #tpu.memory_space<hbm>> -> memref<2000000x128xf32, #tpu.memory_space<hbm>>
    tpu.enqueue_indirect_dma source(%dma_start3A_20 : memref<2000000x128xf32, #tpu.memory_space<hbm>>) target(%dma_start3A_14 : memref<352x128xf32, #tpu.memory_space<vmem>>) offsets(%dma_start3A_17 : memref<352xi32, #tpu.memory_space<vmem>>) semaphore(%arg12 : memref<!tpu.dma_semaphore, #tpu.memory_space<semaphore_mem>>)
    %scan3A = arith.constant 0 : i32
    %scan3A_21 = arith.constant 1 : i32
    %scan3A_22 = arith.constant 1 : i32
    %scan3A_23 = arith.constant 0 : i32
    %scan3A_24 = arith.constant 0 : i32
    %scan3A_25 = arith.constant 0 : i32
    %scan3A_26 = arith.constant 16 : i32
    %scan3A_27 = arith.addi %scan3A_25, %scan3A_26 : i32
    %scan3A_28 = arith.constant 1 : i32
    scf.for %scan3A_30 = %scan3A_25 to %scan3A_27 step %scan3A_28  : i32 {
      %mul3A_31 = arith.constant 2 : i32
      %mul3A_32 = arith.muli %mul3A_31, %scan3A_30 : i32
      %add3A_33 = arith.constant 1 : i32
      %add3A_34 = arith.addi %mul3A_32, %add3A_33 : i32
      %mul3A_35 = arith.constant 16 : i32
      %mul3A_36 = arith.muli %add3A_34, %mul3A_35 : i32
      %add3A_37 = arith.addi %mul3A_2, %mul3A_36 : i32
      "tpu.region"() ({
        %run_scoped3A_101 = tpu.sem_alloc : memref<!tpu.dma_semaphore, #tpu.memory_space<semaphore_mem>>
        %dma_start3A_102 = arith.constant 0 : i32
        %dma_start3A_103 = tpu.memref_slice %arg8[%scan3A_21, %dma_start3A_102] : memref<2x352xi32, #tpu.memory_space<vmem>> -> memref<1x352xi32, #tpu.memory_space<vmem>>
        %dma_start3A_104 = tpu.memref_squeeze %dma_start3A_103 : memref<1x352xi32, #tpu.memory_space<vmem>> -> memref<352xi32, #tpu.memory_space<vmem>>
        %dma_start3A_105 = arith.constant 0 : i32
        %dma_start3A_106 = tpu.memref_slice %dma_start3A_104[%dma_start3A_105] : memref<352xi32, #tpu.memory_space<vmem>> -> memref<16xi32, #tpu.memory_space<vmem>>
        %dma_start3A_107 = tpu.memref_slice %arg2[%add3A_37] : memref<16384xi32, #tpu.memory_space<hbm>> -> memref<16xi32, #tpu.memory_space<hbm>>
        %dma_start3A_108 = arith.constant 0 : i32
        %dma_start3A_109 = tpu.memref_slice %arg8[%scan3A_21, %dma_start3A_108] : memref<2x352xi32, #tpu.memory_space<vmem>> -> memref<1x352xi32, #tpu.memory_space<vmem>>
        %dma_start3A_110 = tpu.memref_squeeze %dma_start3A_109 : memref<1x352xi32, #tpu.memory_space<vmem>> -> memref<352xi32, #tpu.memory_space<vmem>>
        %dma_start3A_111 = arith.constant 0 : i32
        %dma_start3A_112 = tpu.memref_slice %dma_start3A_110[%dma_start3A_111] : memref<352xi32, #tpu.memory_space<vmem>> -> memref<16xi32, #tpu.memory_space<vmem>>
        %dma_start3A_113 = tpu.memref_slice %arg2[%add3A_37] : memref<16384xi32, #tpu.memory_space<hbm>> -> memref<16xi32, #tpu.memory_space<hbm>>
        tpu.enqueue_dma source(%dma_start3A_113 : memref<16xi32, #tpu.memory_space<hbm>>) target(%dma_start3A_112 : memref<16xi32, #tpu.memory_space<vmem>>) target_semaphore(%run_scoped3A_101 : memref<!tpu.dma_semaphore, #tpu.memory_space<semaphore_mem>>)
        %dma_wait3A_114 = arith.constant 0 : i32
        %dma_wait3A_115 = tpu.memref_slice %arg8[%scan3A_21, %dma_wait3A_114] : memref<2x352xi32, #tpu.memory_space<vmem>> -> memref<1x352xi32, #tpu.memory_space<vmem>>
        %dma_wait3A_116 = tpu.memref_squeeze %dma_wait3A_115 : memref<1x352xi32, #tpu.memory_space<vmem>> -> memref<352xi32, #tpu.memory_space<vmem>>
        %dma_wait3A_117 = arith.constant 0 : i32
        %dma_wait3A_118 = tpu.memref_slice %dma_wait3A_116[%dma_wait3A_117] : memref<352xi32, #tpu.memory_space<vmem>> -> memref<16xi32, #tpu.memory_space<vmem>>
        %dma_wait3A_119 = tpu.memref_slice %arg2[%add3A_37] : memref<16384xi32, #tpu.memory_space<hbm>> -> memref<16xi32, #tpu.memory_space<hbm>>
        %dma_wait3A_120 = arith.constant 0 : i32
        %dma_wait3A_121 = tpu.memref_slice %arg8[%scan3A_21, %dma_wait3A_120] : memref<2x352xi32, #tpu.memory_space<vmem>> -> memref<1x352xi32, #tpu.memory_space<vmem>>
        %dma_wait3A_122 = tpu.memref_squeeze %dma_wait3A_121 : memref<1x352xi32, #tpu.memory_space<vmem>> -> memref<352xi32, #tpu.memory_space<vmem>>
        %dma_wait3A_123 = arith.constant 0 : i32
        %dma_wait3A_124 = tpu.memref_slice %dma_wait3A_122[%dma_wait3A_123] : memref<352xi32, #tpu.memory_space<vmem>> -> memref<16xi32, #tpu.memory_space<vmem>>
        %dma_wait3A_125 = tpu.memref_slice %arg2[%add3A_37] : memref<16384xi32, #tpu.memory_space<hbm>> -> memref<16xi32, #tpu.memory_space<hbm>>
        tpu.wait_dma2 semaphore(%run_scoped3A_101 : memref<!tpu.dma_semaphore, #tpu.memory_space<semaphore_mem>>) src(%dma_wait3A_125 : memref<16xi32, #tpu.memory_space<hbm>>) dst(%dma_wait3A_124 : memref<16xi32, #tpu.memory_space<vmem>>)
        tpu.yield
      }) : () -> ()
      "tpu.region"() ({
        %run_scoped3A_101 = tpu.sem_alloc : memref<!tpu.dma_semaphore, #tpu.memory_space<semaphore_mem>>
        %dma_start3A_102 = arith.constant 0 : i32
        %dma_start3A_103 = tpu.memref_slice %arg8[%scan3A_21, %dma_start3A_102] : memref<2x352xi32, #tpu.memory_space<vmem>> -> memref<1x352xi32, #tpu.memory_space<vmem>>
        %dma_start3A_104 = tpu.memref_squeeze %dma_start3A_103 : memref<1x352xi32, #tpu.memory_space<vmem>> -> memref<352xi32, #tpu.memory_space<vmem>>
        %dma_start3A_105 = arith.constant 16 : i32
        %dma_start3A_106 = tpu.memref_slice %dma_start3A_104[%dma_start3A_105] : memref<352xi32, #tpu.memory_space<vmem>> -> memref<16xi32, #tpu.memory_space<vmem>>
        %dma_start3A_107 = tpu.memref_slice %arg3[%add3A_37] : memref<16384xi32, #tpu.memory_space<hbm>> -> memref<16xi32, #tpu.memory_space<hbm>>
        %dma_start3A_108 = arith.constant 0 : i32
        %dma_start3A_109 = tpu.memref_slice %arg8[%scan3A_21, %dma_start3A_108] : memref<2x352xi32, #tpu.memory_space<vmem>> -> memref<1x352xi32, #tpu.memory_space<vmem>>
        %dma_start3A_110 = tpu.memref_squeeze %dma_start3A_109 : memref<1x352xi32, #tpu.memory_space<vmem>> -> memref<352xi32, #tpu.memory_space<vmem>>
        %dma_start3A_111 = arith.constant 16 : i32
        %dma_start3A_112 = tpu.memref_slice %dma_start3A_110[%dma_start3A_111] : memref<352xi32, #tpu.memory_space<vmem>> -> memref<16xi32, #tpu.memory_space<vmem>>
        %dma_start3A_113 = tpu.memref_slice %arg3[%add3A_37] : memref<16384xi32, #tpu.memory_space<hbm>> -> memref<16xi32, #tpu.memory_space<hbm>>
        tpu.enqueue_dma source(%dma_start3A_113 : memref<16xi32, #tpu.memory_space<hbm>>) target(%dma_start3A_112 : memref<16xi32, #tpu.memory_space<vmem>>) target_semaphore(%run_scoped3A_101 : memref<!tpu.dma_semaphore, #tpu.memory_space<semaphore_mem>>)
        %dma_wait3A_114 = arith.constant 0 : i32
        %dma_wait3A_115 = tpu.memref_slice %arg8[%scan3A_21, %dma_wait3A_114] : memref<2x352xi32, #tpu.memory_space<vmem>> -> memref<1x352xi32, #tpu.memory_space<vmem>>
        %dma_wait3A_116 = tpu.memref_squeeze %dma_wait3A_115 : memref<1x352xi32, #tpu.memory_space<vmem>> -> memref<352xi32, #tpu.memory_space<vmem>>
        %dma_wait3A_117 = arith.constant 16 : i32
        %dma_wait3A_118 = tpu.memref_slice %dma_wait3A_116[%dma_wait3A_117] : memref<352xi32, #tpu.memory_space<vmem>> -> memref<16xi32, #tpu.memory_space<vmem>>
        %dma_wait3A_119 = tpu.memref_slice %arg3[%add3A_37] : memref<16384xi32, #tpu.memory_space<hbm>> -> memref<16xi32, #tpu.memory_space<hbm>>
        %dma_wait3A_120 = arith.constant 0 : i32
        %dma_wait3A_121 = tpu.memref_slice %arg8[%scan3A_21, %dma_wait3A_120] : memref<2x352xi32, #tpu.memory_space<vmem>> -> memref<1x352xi32, #tpu.memory_space<vmem>>
        %dma_wait3A_122 = tpu.memref_squeeze %dma_wait3A_121 : memref<1x352xi32, #tpu.memory_space<vmem>> -> memref<352xi32, #tpu.memory_space<vmem>>
        %dma_wait3A_123 = arith.constant 16 : i32
        %dma_wait3A_124 = tpu.memref_slice %dma_wait3A_122[%dma_wait3A_123] : memref<352xi32, #tpu.memory_space<vmem>> -> memref<16xi32, #tpu.memory_space<vmem>>
        %dma_wait3A_125 = tpu.memref_slice %arg3[%add3A_37] : memref<16384xi32, #tpu.memory_space<hbm>> -> memref<16xi32, #tpu.memory_space<hbm>>
        tpu.wait_dma2 semaphore(%run_scoped3A_101 : memref<!tpu.dma_semaphore, #tpu.memory_space<semaphore_mem>>) src(%dma_wait3A_125 : memref<16xi32, #tpu.memory_space<hbm>>) dst(%dma_wait3A_124 : memref<16xi32, #tpu.memory_space<vmem>>)
        tpu.yield
      }) : () -> ()
      %mul3A_38 = arith.constant 20 : i32
      %mul3A_39 = arith.muli %add3A_37, %mul3A_38 : i32
      "tpu.region"() ({
        %run_scoped3A_101 = tpu.sem_alloc : memref<!tpu.dma_semaphore, #tpu.memory_space<semaphore_mem>>
        %dma_start3A_102 = arith.constant 0 : i32
        %dma_start3A_103 = tpu.memref_slice %arg8[%scan3A_21, %dma_start3A_102] : memref<2x352xi32, #tpu.memory_space<vmem>> -> memref<1x352xi32, #tpu.memory_space<vmem>>
        %dma_start3A_104 = tpu.memref_squeeze %dma_start3A_103 : memref<1x352xi32, #tpu.memory_space<vmem>> -> memref<352xi32, #tpu.memory_space<vmem>>
        %dma_start3A_105 = arith.constant 32 : i32
        %dma_start3A_106 = tpu.memref_slice %dma_start3A_104[%dma_start3A_105] : memref<352xi32, #tpu.memory_space<vmem>> -> memref<320xi32, #tpu.memory_space<vmem>>
        %dma_start3A_107 = tpu.memref_slice %arg4[%mul3A_39] : memref<327680xi32, #tpu.memory_space<hbm>> -> memref<320xi32, #tpu.memory_space<hbm>>
        %dma_start3A_108 = arith.constant 0 : i32
        %dma_start3A_109 = tpu.memref_slice %arg8[%scan3A_21, %dma_start3A_108] : memref<2x352xi32, #tpu.memory_space<vmem>> -> memref<1x352xi32, #tpu.memory_space<vmem>>
        %dma_start3A_110 = tpu.memref_squeeze %dma_start3A_109 : memref<1x352xi32, #tpu.memory_space<vmem>> -> memref<352xi32, #tpu.memory_space<vmem>>
        %dma_start3A_111 = arith.constant 32 : i32
        %dma_start3A_112 = tpu.memref_slice %dma_start3A_110[%dma_start3A_111] : memref<352xi32, #tpu.memory_space<vmem>> -> memref<320xi32, #tpu.memory_space<vmem>>
        %dma_start3A_113 = tpu.memref_slice %arg4[%mul3A_39] : memref<327680xi32, #tpu.memory_space<hbm>> -> memref<320xi32, #tpu.memory_space<hbm>>
        tpu.enqueue_dma source(%dma_start3A_113 : memref<320xi32, #tpu.memory_space<hbm>>) target(%dma_start3A_112 : memref<320xi32, #tpu.memory_space<vmem>>) target_semaphore(%run_scoped3A_101 : memref<!tpu.dma_semaphore, #tpu.memory_space<semaphore_mem>>)
        %dma_wait3A_114 = arith.constant 0 : i32
        %dma_wait3A_115 = tpu.memref_slice %arg8[%scan3A_21, %dma_wait3A_114] : memref<2x352xi32, #tpu.memory_space<vmem>> -> memref<1x352xi32, #tpu.memory_space<vmem>>
        %dma_wait3A_116 = tpu.memref_squeeze %dma_wait3A_115 : memref<1x352xi32, #tpu.memory_space<vmem>> -> memref<352xi32, #tpu.memory_space<vmem>>
        %dma_wait3A_117 = arith.constant 32 : i32
        %dma_wait3A_118 = tpu.memref_slice %dma_wait3A_116[%dma_wait3A_117] : memref<352xi32, #tpu.memory_space<vmem>> -> memref<320xi32, #tpu.memory_space<vmem>>
        %dma_wait3A_119 = tpu.memref_slice %arg4[%mul3A_39] : memref<327680xi32, #tpu.memory_space<hbm>> -> memref<320xi32, #tpu.memory_space<hbm>>
        %dma_wait3A_120 = arith.constant 0 : i32
        %dma_wait3A_121 = tpu.memref_slice %arg8[%scan3A_21, %dma_wait3A_120] : memref<2x352xi32, #tpu.memory_space<vmem>> -> memref<1x352xi32, #tpu.memory_space<vmem>>
        %dma_wait3A_122 = tpu.memref_squeeze %dma_wait3A_121 : memref<1x352xi32, #tpu.memory_space<vmem>> -> memref<352xi32, #tpu.memory_space<vmem>>
        %dma_wait3A_123 = arith.constant 32 : i32
        %dma_wait3A_124 = tpu.memref_slice %dma_wait3A_122[%dma_wait3A_123] : memref<352xi32, #tpu.memory_space<vmem>> -> memref<320xi32, #tpu.memory_space<vmem>>
        %dma_wait3A_125 = tpu.memref_slice %arg4[%mul3A_39] : memref<327680xi32, #tpu.memory_space<hbm>> -> memref<320xi32, #tpu.memory_space<hbm>>
        tpu.wait_dma2 semaphore(%run_scoped3A_101 : memref<!tpu.dma_semaphore, #tpu.memory_space<semaphore_mem>>) src(%dma_wait3A_125 : memref<320xi32, #tpu.memory_space<hbm>>) dst(%dma_wait3A_124 : memref<320xi32, #tpu.memory_space<vmem>>)
        tpu.yield
      }) : () -> ()
      %dma_start3A_40 = arith.constant 0 : i32
      %dma_start3A_41 = arith.constant 0 : i32
      %dma_start3A_42 = tpu.memref_slice %arg9[%scan3A_22, %dma_start3A_40, %dma_start3A_41] : memref<2x352x128xf32, #tpu.memory_space<vmem>> -> memref<1x352x128xf32, #tpu.memory_space<vmem>>
      %dma_start3A_43 = tpu.memref_squeeze %dma_start3A_42 : memref<1x352x128xf32, #tpu.memory_space<vmem>> -> memref<352x128xf32, #tpu.memory_space<vmem>>
      %dma_start3A_44 = arith.constant 0 : i32
      %dma_start3A_45 = tpu.memref_slice %arg8[%scan3A_21, %dma_start3A_44] : memref<2x352xi32, #tpu.memory_space<vmem>> -> memref<1x352xi32, #tpu.memory_space<vmem>>
      %dma_start3A_46 = tpu.memref_squeeze %dma_start3A_45 : memref<1x352xi32, #tpu.memory_space<vmem>> -> memref<352xi32, #tpu.memory_space<vmem>>
      %dma_start3A_47 = arith.constant 0 : i32
      %dma_start3A_48 = arith.constant 0 : i32
      %dma_start3A_49 = tpu.memref_slice %arg5[%dma_start3A_47, %dma_start3A_48] : memref<2000000x128xf32, #tpu.memory_space<hbm>> -> memref<2000000x128xf32, #tpu.memory_space<hbm>>
      tpu.enqueue_indirect_dma source(%dma_start3A_49 : memref<2000000x128xf32, #tpu.memory_space<hbm>>) target(%dma_start3A_43 : memref<352x128xf32, #tpu.memory_space<vmem>>) offsets(%dma_start3A_46 : memref<352xi32, #tpu.memory_space<vmem>>) semaphore(%arg13 : memref<!tpu.dma_semaphore, #tpu.memory_space<semaphore_mem>>)
      %dma_wait3A = arith.constant 0 : i32
      %dma_wait3A_50 = arith.constant 0 : i32
      %dma_wait3A_51 = tpu.memref_slice %arg9[%scan3A_24, %dma_wait3A, %dma_wait3A_50] : memref<2x352x128xf32, #tpu.memory_space<vmem>> -> memref<1x352x128xf32, #tpu.memory_space<vmem>>
      %dma_wait3A_52 = tpu.memref_squeeze %dma_wait3A_51 : memref<1x352x128xf32, #tpu.memory_space<vmem>> -> memref<352x128xf32, #tpu.memory_space<vmem>>
      %dma_wait3A_53 = arith.constant 0 : i32
      %dma_wait3A_54 = tpu.memref_slice %arg8[%scan3A_23, %dma_wait3A_53] : memref<2x352xi32, #tpu.memory_space<vmem>> -> memref<1x352xi32, #tpu.memory_space<vmem>>
      %dma_wait3A_55 = tpu.memref_squeeze %dma_wait3A_54 : memref<1x352xi32, #tpu.memory_space<vmem>> -> memref<352xi32, #tpu.memory_space<vmem>>
      %dma_wait3A_56 = arith.constant 0 : i32
      %dma_wait3A_57 = arith.constant 0 : i32
      %dma_wait3A_58 = tpu.memref_slice %arg5[%dma_wait3A_56, %dma_wait3A_57] : memref<2000000x128xf32, #tpu.memory_space<hbm>> -> memref<2000000x128xf32, #tpu.memory_space<hbm>>
      tpu.wait_indirect_dma semaphore(%arg12 : memref<!tpu.dma_semaphore, #tpu.memory_space<semaphore_mem>>) src(%dma_wait3A_58 : memref<2000000x128xf32, #tpu.memory_space<hbm>>) dst(%dma_wait3A_52 : memref<352x128xf32, #tpu.memory_space<vmem>>)
      %mul3A_59 = arith.constant 16 : i32
      %mul3A_60 = arith.muli %mul3A_32, %mul3A_59 : i32
      %add3A_61 = arith.addi %mul3A_2, %mul3A_60 : i32
      %scan3A_62 = arith.constant 0 : i32
      %scan3A_63 = arith.constant 0 : i32
      %scan3A_64 = arith.constant 16 : i32
      %scan3A_65 = arith.addi %scan3A_63, %scan3A_64 : i32
      %scan3A_66 = arith.constant 1 : i32
      scf.for %scan3A_101 = %scan3A_63 to %scan3A_65 step %scan3A_66  : i32 {
        %get3A = arith.constant 0 : i32
        %get3A_102 = arith.constant 0 : i32
        %get3A_103 = tpu.memref_slice %arg9[%scan3A_24, %get3A, %get3A_102] : memref<2x352x128xf32, #tpu.memory_space<vmem>> -> memref<1x352x128xf32, #tpu.memory_space<vmem>>
        %get3A_104 = tpu.memref_squeeze %get3A_103 : memref<1x352x128xf32, #tpu.memory_space<vmem>> -> memref<352x128xf32, #tpu.memory_space<vmem>>
        %get3A_105 = arith.index_cast %scan3A_101 : i32 to index
        %get3A_106 = arith.constant 0 : index
        %get3A_107 = tpu.vector_load %get3A_104[%get3A_105, %get3A_106] {strides = array<i32>} : memref<352x128xf32, #tpu.memory_space<vmem>>, vector<1x16xf32>,
        %get3A_108 = vector.shape_cast %get3A_107 : vector<1x16xf32> to vector<16xf32>
        %get3A_109 = arith.constant 0 : i32
        %get3A_110 = arith.constant 0 : i32
        %get3A_111 = tpu.memref_slice %arg9[%scan3A_24, %get3A_109, %get3A_110] : memref<2x352x128xf32, #tpu.memory_space<vmem>> -> memref<1x352x128xf32, #tpu.memory_space<vmem>>
        %get3A_112 = tpu.memref_squeeze %get3A_111 : memref<1x352x128xf32, #tpu.memory_space<vmem>> -> memref<352x128xf32, #tpu.memory_space<vmem>>
        %get3A_113 = arith.index_cast %scan3A_101 : i32 to index
        %get3A_114 = arith.constant 16 : index
        %get3A_115 = tpu.vector_load %get3A_112[%get3A_113, %get3A_114] {strides = array<i32>} : memref<352x128xf32, #tpu.memory_space<vmem>>, vector<1x16xf32>,
        %get3A_116 = vector.shape_cast %get3A_115 : vector<1x16xf32> to vector<16xf32>
        %get3A_117 = arith.constant 0 : i32
        %get3A_118 = arith.constant 0 : i32
        %get3A_119 = tpu.memref_slice %arg9[%scan3A_24, %get3A_117, %get3A_118] : memref<2x352x128xf32, #tpu.memory_space<vmem>> -> memref<1x352x128xf32, #tpu.memory_space<vmem>>
        %get3A_120 = tpu.memref_squeeze %get3A_119 : memref<1x352x128xf32, #tpu.memory_space<vmem>> -> memref<352x128xf32, #tpu.memory_space<vmem>>
        %get3A_121 = arith.index_cast %scan3A_101 : i32 to index
        %get3A_122 = arith.constant 32 : index
        %get3A_123 = tpu.vector_load %get3A_120[%get3A_121, %get3A_122] {strides = array<i32>} : memref<352x128xf32, #tpu.memory_space<vmem>>, vector<1x16xf32>,
        %get3A_124 = vector.shape_cast %get3A_123 : vector<1x16xf32> to vector<16xf32>
        %get3A_125 = arith.constant 0 : i32
        %get3A_126 = arith.constant 0 : i32
        %get3A_127 = tpu.memref_slice %arg9[%scan3A_24, %get3A_125, %get3A_126] : memref<2x352x128xf32, #tpu.memory_space<vmem>> -> memref<1x352x128xf32, #tpu.memory_space<vmem>>
        %get3A_128 = tpu.memref_squeeze %get3A_127 : memref<1x352x128xf32, #tpu.memory_space<vmem>> -> memref<352x128xf32, #tpu.memory_space<vmem>>
        %get3A_129 = arith.index_cast %scan3A_101 : i32 to index
        %get3A_130 = arith.constant 48 : index
        %get3A_131 = tpu.vector_load %get3A_128[%get3A_129, %get3A_130] {strides = array<i32>} : memref<352x128xf32, #tpu.memory_space<vmem>>, vector<1x16xf32>,
        %get3A_132 = vector.shape_cast %get3A_131 : vector<1x16xf32> to vector<16xf32>
        %get3A_133 = arith.constant 0 : i32
        %get3A_134 = arith.constant 0 : i32
        %get3A_135 = tpu.memref_slice %arg9[%scan3A_24, %get3A_133, %get3A_134] : memref<2x352x128xf32, #tpu.memory_space<vmem>> -> memref<1x352x128xf32, #tpu.memory_space<vmem>>
        %get3A_136 = tpu.memref_squeeze %get3A_135 : memref<1x352x128xf32, #tpu.memory_space<vmem>> -> memref<352x128xf32, #tpu.memory_space<vmem>>
        %get3A_137 = arith.index_cast %scan3A_101 : i32 to index
        %get3A_138 = arith.constant 64 : index
        %get3A_139 = tpu.vector_load %get3A_136[%get3A_137, %get3A_138] {strides = array<i32>} : memref<352x128xf32, #tpu.memory_space<vmem>>, vector<1x16xf32>,
        %get3A_140 = vector.shape_cast %get3A_139 : vector<1x16xf32> to vector<16xf32>
        %get3A_141 = arith.constant 0 : i32
        %get3A_142 = arith.constant 0 : i32
        %get3A_143 = tpu.memref_slice %arg9[%scan3A_24, %get3A_141, %get3A_142] : memref<2x352x128xf32, #tpu.memory_space<vmem>> -> memref<1x352x128xf32, #tpu.memory_space<vmem>>
        %get3A_144 = tpu.memref_squeeze %get3A_143 : memref<1x352x128xf32, #tpu.memory_space<vmem>> -> memref<352x128xf32, #tpu.memory_space<vmem>>
        %get3A_145 = arith.index_cast %scan3A_101 : i32 to index
        %get3A_146 = arith.constant 80 : index
        %get3A_147 = tpu.vector_load %get3A_144[%get3A_145, %get3A_146] {strides = array<i32>} : memref<352x128xf32, #tpu.memory_space<vmem>>, vector<1x16xf32>,
        %get3A_148 = vector.shape_cast %get3A_147 : vector<1x16xf32> to vector<16xf32>
        %get3A_149 = arith.constant 0 : i32
        %get3A_150 = arith.constant 0 : i32
        %get3A_151 = tpu.memref_slice %arg9[%scan3A_24, %get3A_149, %get3A_150] : memref<2x352x128xf32, #tpu.memory_space<vmem>> -> memref<1x352x128xf32, #tpu.memory_space<vmem>>
        %get3A_152 = tpu.memref_squeeze %get3A_151 : memref<1x352x128xf32, #tpu.memory_space<vmem>> -> memref<352x128xf32, #tpu.memory_space<vmem>>
        %get3A_153 = arith.index_cast %scan3A_101 : i32 to index
        %get3A_154 = arith.constant 96 : index
        %get3A_155 = tpu.vector_load %get3A_152[%get3A_153, %get3A_154] {strides = array<i32>} : memref<352x128xf32, #tpu.memory_space<vmem>>, vector<1x16xf32>,
        %get3A_156 = vector.shape_cast %get3A_155 : vector<1x16xf32> to vector<16xf32>
        %get3A_157 = arith.constant 0 : i32
        %get3A_158 = arith.constant 0 : i32
        %get3A_159 = tpu.memref_slice %arg9[%scan3A_24, %get3A_157, %get3A_158] : memref<2x352x128xf32, #tpu.memory_space<vmem>> -> memref<1x352x128xf32, #tpu.memory_space<vmem>>
        %get3A_160 = tpu.memref_squeeze %get3A_159 : memref<1x352x128xf32, #tpu.memory_space<vmem>> -> memref<352x128xf32, #tpu.memory_space<vmem>>
        %get3A_161 = arith.index_cast %scan3A_101 : i32 to index
        %get3A_162 = arith.constant 112 : index
        %get3A_163 = tpu.vector_load %get3A_160[%get3A_161, %get3A_162] {strides = array<i32>} : memref<352x128xf32, #tpu.memory_space<vmem>>, vector<1x16xf32>,
        %get3A_164 = vector.shape_cast %get3A_163 : vector<1x16xf32> to vector<16xf32>
        %mul3A_165 = arith.constant 20 : i32
        %mul3A_166 = arith.muli %scan3A_101, %mul3A_165 : i32
        %add3A_167 = arith.constant 32 : i32
        %add3A_168 = arith.addi %add3A_167, %mul3A_166 : i32
        %add3A_169 = arith.constant 0 : i32
        %add3A_170 = arith.addi %add3A_168, %add3A_169 : i32
        %get3A_171 = arith.constant 0 : i32
        %get3A_172 = arith.constant 0 : i32
        %get3A_173 = tpu.memref_slice %arg9[%scan3A_24, %get3A_171, %get3A_172] : memref<2x352x128xf32, #tpu.memory_space<vmem>> -> memref<1x352x128xf32, #tpu.memory_space<vmem>>
        %get3A_174 = tpu.memref_squeeze %get3A_173 : memref<1x352x128xf32, #tpu.memory_space<vmem>> -> memref<352x128xf32, #tpu.memory_space<vmem>>
        %get3A_175 = arith.index_cast %add3A_170 : i32 to index
        %get3A_176 = arith.constant 0 : index
        %get3A_177 = tpu.vector_load %get3A_174[%get3A_175, %get3A_176] {strides = array<i32>} : memref<352x128xf32, #tpu.memory_space<vmem>>, vector<1x16xf32>,
        %get3A_178 = vector.shape_cast %get3A_177 : vector<1x16xf32> to vector<16xf32>
        %mul3A_179 = arith.mulf %get3A_108, %get3A_178 : vector<16xf32>
        %get3A_180 = arith.constant 0 : i32
        %get3A_181 = arith.constant 0 : i32
        %get3A_182 = tpu.memref_slice %arg9[%scan3A_24, %get3A_180, %get3A_181] : memref<2x352x128xf32, #tpu.memory_space<vmem>> -> memref<1x352x128xf32, #tpu.memory_space<vmem>>
        %get3A_183 = tpu.memref_squeeze %get3A_182 : memref<1x352x128xf32, #tpu.memory_space<vmem>> -> memref<352x128xf32, #tpu.memory_space<vmem>>
        %get3A_184 = arith.index_cast %add3A_170 : i32 to index
        %get3A_185 = arith.constant 16 : index
        %get3A_186 = tpu.vector_load %get3A_183[%get3A_184, %get3A_185] {strides = array<i32>} : memref<352x128xf32, #tpu.memory_space<vmem>>, vector<1x16xf32>,
        %get3A_187 = vector.shape_cast %get3A_186 : vector<1x16xf32> to vector<16xf32>
        %mul3A_188 = arith.mulf %get3A_116, %get3A_187 : vector<16xf32>
        %add3A_189 = arith.addf %mul3A_179, %mul3A_188 : vector<16xf32>
        %get3A_190 = arith.constant 0 : i32
        %get3A_191 = arith.constant 0 : i32
        %get3A_192 = tpu.memref_slice %arg9[%scan3A_24, %get3A_190, %get3A_191] : memref<2x352x128xf32, #tpu.memory_space<vmem>> -> memref<1x352x128xf32, #tpu.memory_space<vmem>>
        %get3A_193 = tpu.memref_squeeze %get3A_192 : memref<1x352x128xf32, #tpu.memory_space<vmem>> -> memref<352x128xf32, #tpu.memory_space<vmem>>
        %get3A_194 = arith.index_cast %add3A_170 : i32 to index
        %get3A_195 = arith.constant 32 : index
        %get3A_196 = tpu.vector_load %get3A_193[%get3A_194, %get3A_195] {strides = array<i32>} : memref<352x128xf32, #tpu.memory_space<vmem>>, vector<1x16xf32>,
        %get3A_197 = vector.shape_cast %get3A_196 : vector<1x16xf32> to vector<16xf32>
        %mul3A_198 = arith.mulf %get3A_124, %get3A_197 : vector<16xf32>
        %add3A_199 = arith.addf %add3A_189, %mul3A_198 : vector<16xf32>
        %get3A_200 = arith.constant 0 : i32
        %get3A_201 = arith.constant 0 : i32
        %get3A_202 = tpu.memref_slice %arg9[%scan3A_24, %get3A_200, %get3A_201] : memref<2x352x128xf32, #tpu.memory_space<vmem>> -> memref<1x352x128xf32, #tpu.memory_space<vmem>>
        %get3A_203 = tpu.memref_squeeze %get3A_202 : memref<1x352x128xf32, #tpu.memory_space<vmem>> -> memref<352x128xf32, #tpu.memory_space<vmem>>
        %get3A_204 = arith.index_cast %add3A_170 : i32 to index
        %get3A_205 = arith.constant 48 : index
        %get3A_206 = tpu.vector_load %get3A_203[%get3A_204, %get3A_205] {strides = array<i32>} : memref<352x128xf32, #tpu.memory_space<vmem>>, vector<1x16xf32>,
        %get3A_207 = vector.shape_cast %get3A_206 : vector<1x16xf32> to vector<16xf32>
        %mul3A_208 = arith.mulf %get3A_132, %get3A_207 : vector<16xf32>
        %add3A_209 = arith.addf %add3A_199, %mul3A_208 : vector<16xf32>
        %get3A_210 = arith.constant 0 : i32
        %get3A_211 = arith.constant 0 : i32
        %get3A_212 = tpu.memref_slice %arg9[%scan3A_24, %get3A_210, %get3A_211] : memref<2x352x128xf32, #tpu.memory_space<vmem>> -> memref<1x352x128xf32, #tpu.memory_space<vmem>>
        %get3A_213 = tpu.memref_squeeze %get3A_212 : memref<1x352x128xf32, #tpu.memory_space<vmem>> -> memref<352x128xf32, #tpu.memory_space<vmem>>
        %get3A_214 = arith.index_cast %add3A_170 : i32 to index
        %get3A_215 = arith.constant 64 : index
        %get3A_216 = tpu.vector_load %get3A_213[%get3A_214, %get3A_215] {strides = array<i32>} : memref<352x128xf32, #tpu.memory_space<vmem>>, vector<1x16xf32>,
        %get3A_217 = vector.shape_cast %get3A_216 : vector<1x16xf32> to vector<16xf32>
        %mul3A_218 = arith.mulf %get3A_140, %get3A_217 : vector<16xf32>
        %add3A_219 = arith.addf %add3A_209, %mul3A_218 : vector<16xf32>
        %get3A_220 = arith.constant 0 : i32
        %get3A_221 = arith.constant 0 : i32
        %get3A_222 = tpu.memref_slice %arg9[%scan3A_24, %get3A_220, %get3A_221] : memref<2x352x128xf32, #tpu.memory_space<vmem>> -> memref<1x352x128xf32, #tpu.memory_space<vmem>>
        %get3A_223 = tpu.memref_squeeze %get3A_222 : memref<1x352x128xf32, #tpu.memory_space<vmem>> -> memref<352x128xf32, #tpu.memory_space<vmem>>
        %get3A_224 = arith.index_cast %add3A_170 : i32 to index
        %get3A_225 = arith.constant 80 : index
        %get3A_226 = tpu.vector_load %get3A_223[%get3A_224, %get3A_225] {strides = array<i32>} : memref<352x128xf32, #tpu.memory_space<vmem>>, vector<1x16xf32>,
        %get3A_227 = vector.shape_cast %get3A_226 : vector<1x16xf32> to vector<16xf32>
        %mul3A_228 = arith.mulf %get3A_148, %get3A_227 : vector<16xf32>
        %add3A_229 = arith.addf %add3A_219, %mul3A_228 : vector<16xf32>
        %get3A_230 = arith.constant 0 : i32
        %get3A_231 = arith.constant 0 : i32
        %get3A_232 = tpu.memref_slice %arg9[%scan3A_24, %get3A_230, %get3A_231] : memref<2x352x128xf32, #tpu.memory_space<vmem>> -> memref<1x352x128xf32, #tpu.memory_space<vmem>>
        %get3A_233 = tpu.memref_squeeze %get3A_232 : memref<1x352x128xf32, #tpu.memory_space<vmem>> -> memref<352x128xf32, #tpu.memory_space<vmem>>
        %get3A_234 = arith.index_cast %add3A_170 : i32 to index
        %get3A_235 = arith.constant 96 : index
        %get3A_236 = tpu.vector_load %get3A_233[%get3A_234, %get3A_235] {strides = array<i32>} : memref<352x128xf32, #tpu.memory_space<vmem>>, vector<1x16xf32>,
        %get3A_237 = vector.shape_cast %get3A_236 : vector<1x16xf32> to vector<16xf32>
        %mul3A_238 = arith.mulf %get3A_156, %get3A_237 : vector<16xf32>
        %add3A_239 = arith.addf %add3A_229, %mul3A_238 : vector<16xf32>
        %get3A_240 = arith.constant 0 : i32
        %get3A_241 = arith.constant 0 : i32
        %get3A_242 = tpu.memref_slice %arg9[%scan3A_24, %get3A_240, %get3A_241] : memref<2x352x128xf32, #tpu.memory_space<vmem>> -> memref<1x352x128xf32, #tpu.memory_space<vmem>>
        %get3A_243 = tpu.memref_squeeze %get3A_242 : memref<1x352x128xf32, #tpu.memory_space<vmem>> -> memref<352x128xf32, #tpu.memory_space<vmem>>
        %get3A_244 = arith.index_cast %add3A_170 : i32 to index
        %get3A_245 = arith.constant 112 : index
        %get3A_246 = tpu.vector_load %get3A_243[%get3A_244, %get3A_245] {strides = array<i32>} : memref<352x128xf32, #tpu.memory_space<vmem>>, vector<1x16xf32>,
        %get3A_247 = vector.shape_cast %get3A_246 : vector<1x16xf32> to vector<16xf32>
        %mul3A_248 = arith.mulf %get3A_164, %get3A_247 : vector<16xf32>
        %add3A_249 = arith.addf %add3A_239, %mul3A_248 : vector<16xf32>
        %mul3A_250 = arith.constant 20 : i32
        %mul3A_251 = arith.muli %scan3A_101, %mul3A_250 : i32
        %add3A_252 = arith.constant 32 : i32
        %add3A_253 = arith.addi %add3A_252, %mul3A_251 : i32
        %add3A_254 = arith.constant 1 : i32
        %add3A_255 = arith.addi %add3A_253, %add3A_254 : i32
        %get3A_256 = arith.constant 0 : i32
        %get3A_257 = arith.constant 0 : i32
        %get3A_258 = tpu.memref_slice %arg9[%scan3A_24, %get3A_256, %get3A_257] : memref<2x352x128xf32, #tpu.memory_space<vmem>> -> memref<1x352x128xf32, #tpu.memory_space<vmem>>
        %get3A_259 = tpu.memref_squeeze %get3A_258 : memref<1x352x128xf32, #tpu.memory_space<vmem>> -> memref<352x128xf32, #tpu.memory_space<vmem>>
        %get3A_260 = arith.index_cast %add3A_255 : i32 to index
        %get3A_261 = arith.constant 0 : index
        %get3A_262 = tpu.vector_load %get3A_259[%get3A_260, %get3A_261] {strides = array<i32>} : memref<352x128xf32, #tpu.memory_space<vmem>>, vector<1x16xf32>,
        %get3A_263 = vector.shape_cast %get3A_262 : vector<1x16xf32> to vector<16xf32>
        %mul3A_264 = arith.mulf %get3A_108, %get3A_263 : vector<16xf32>
        %get3A_265 = arith.constant 0 : i32
        %get3A_266 = arith.constant 0 : i32
        %get3A_267 = tpu.memref_slice %arg9[%scan3A_24, %get3A_265, %get3A_266] : memref<2x352x128xf32, #tpu.memory_space<vmem>> -> memref<1x352x128xf32, #tpu.memory_space<vmem>>
        %get3A_268 = tpu.memref_squeeze %get3A_267 : memref<1x352x128xf32, #tpu.memory_space<vmem>> -> memref<352x128xf32, #tpu.memory_space<vmem>>
        %get3A_269 = arith.index_cast %add3A_255 : i32 to index
        %get3A_270 = arith.constant 16 : index
        %get3A_271 = tpu.vector_load %get3A_268[%get3A_269, %get3A_270] {strides = array<i32>} : memref<352x128xf32, #tpu.memory_space<vmem>>, vector<1x16xf32>,
        %get3A_272 = vector.shape_cast %get3A_271 : vector<1x16xf32> to vector<16xf32>
        %mul3A_273 = arith.mulf %get3A_116, %get3A_272 : vector<16xf32>
        %add3A_274 = arith.addf %mul3A_264, %mul3A_273 : vector<16xf32>
        %get3A_275 = arith.constant 0 : i32
        %get3A_276 = arith.constant 0 : i32
        %get3A_277 = tpu.memref_slice %arg9[%scan3A_24, %get3A_275, %get3A_276] : memref<2x352x128xf32, #tpu.memory_space<vmem>> -> memref<1x352x128xf32, #tpu.memory_space<vmem>>
        %get3A_278 = tpu.memref_squeeze %get3A_277 : memref<1x352x128xf32, #tpu.memory_space<vmem>> -> memref<352x128xf32, #tpu.memory_space<vmem>>
        %get3A_279 = arith.index_cast %add3A_255 : i32 to index
        %get3A_280 = arith.constant 32 : index
        %get3A_281 = tpu.vector_load %get3A_278[%get3A_279, %get3A_280] {strides = array<i32>} : memref<352x128xf32, #tpu.memory_space<vmem>>, vector<1x16xf32>,
        %get3A_282 = vector.shape_cast %get3A_281 : vector<1x16xf32> to vector<16xf32>
        %mul3A_283 = arith.mulf %get3A_124, %get3A_282 : vector<16xf32>
        %add3A_284 = arith.addf %add3A_274, %mul3A_283 : vector<16xf32>
        %get3A_285 = arith.constant 0 : i32
        %get3A_286 = arith.constant 0 : i32
        %get3A_287 = tpu.memref_slice %arg9[%scan3A_24, %get3A_285, %get3A_286] : memref<2x352x128xf32, #tpu.memory_space<vmem>> -> memref<1x352x128xf32, #tpu.memory_space<vmem>>
        %get3A_288 = tpu.memref_squeeze %get3A_287 : memref<1x352x128xf32, #tpu.memory_space<vmem>> -> memref<352x128xf32, #tpu.memory_space<vmem>>
        %get3A_289 = arith.index_cast %add3A_255 : i32 to index
        %get3A_290 = arith.constant 48 : index
        %get3A_291 = tpu.vector_load %get3A_288[%get3A_289, %get3A_290] {strides = array<i32>} : memref<352x128xf32, #tpu.memory_space<vmem>>, vector<1x16xf32>,
        %get3A_292 = vector.shape_cast %get3A_291 : vector<1x16xf32> to vector<16xf32>
        %mul3A_293 = arith.mulf %get3A_132, %get3A_292 : vector<16xf32>
        %add3A_294 = arith.addf %add3A_284, %mul3A_293 : vector<16xf32>
        %get3A_295 = arith.constant 0 : i32
        %get3A_296 = arith.constant 0 : i32
        %get3A_297 = tpu.memref_slice %arg9[%scan3A_24, %get3A_295, %get3A_296] : memref<2x352x128xf32, #tpu.memory_space<vmem>> -> memref<1x352x128xf32, #tpu.memory_space<vmem>>
        %get3A_298 = tpu.memref_squeeze %get3A_297 : memref<1x352x128xf32, #tpu.memory_space<vmem>> -> memref<352x128xf32, #tpu.memory_space<vmem>>
        %get3A_299 = arith.index_cast %add3A_255 : i32 to index
        %get3A_300 = arith.constant 64 : index
        %get3A_301 = tpu.vector_load %get3A_298[%get3A_299, %get3A_300] {strides = array<i32>} : memref<352x128xf32, #tpu.memory_space<vmem>>, vector<1x16xf32>,
        %get3A_302 = vector.shape_cast %get3A_301 : vector<1x16xf32> to vector<16xf32>
        %mul3A_303 = arith.mulf %get3A_140, %get3A_302 : vector<16xf32>
        %add3A_304 = arith.addf %add3A_294, %mul3A_303 : vector<16xf32>
        %get3A_305 = arith.constant 0 : i32
        %get3A_306 = arith.constant 0 : i32
        %get3A_307 = tpu.memref_slice %arg9[%scan3A_24, %get3A_305, %get3A_306] : memref<2x352x128xf32, #tpu.memory_space<vmem>> -> memref<1x352x128xf32, #tpu.memory_space<vmem>>
        %get3A_308 = tpu.memref_squeeze %get3A_307 : memref<1x352x128xf32, #tpu.memory_space<vmem>> -> memref<352x128xf32, #tpu.memory_space<vmem>>
        %get3A_309 = arith.index_cast %add3A_255 : i32 to index
        %get3A_310 = arith.constant 80 : index
        %get3A_311 = tpu.vector_load %get3A_308[%get3A_309, %get3A_310] {strides = array<i32>} : memref<352x128xf32, #tpu.memory_space<vmem>>, vector<1x16xf32>,
        %get3A_312 = vector.shape_cast %get3A_311 : vector<1x16xf32> to vector<16xf32>
        %mul3A_313 = arith.mulf %get3A_148, %get3A_312 : vector<16xf32>
        %add3A_314 = arith.addf %add3A_304, %mul3A_313 : vector<16xf32>
        %get3A_315 = arith.constant 0 : i32
        %get3A_316 = arith.constant 0 : i32
        %get3A_317 = tpu.memref_slice %arg9[%scan3A_24, %get3A_315, %get3A_316] : memref<2x352x128xf32, #tpu.memory_space<vmem>> -> memref<1x352x128xf32, #tpu.memory_space<vmem>>
        %get3A_318 = tpu.memref_squeeze %get3A_317 : memref<1x352x128xf32, #tpu.memory_space<vmem>> -> memref<352x128xf32, #tpu.memory_space<vmem>>
        %get3A_319 = arith.index_cast %add3A_255 : i32 to index
        %get3A_320 = arith.constant 96 : index
        %get3A_321 = tpu.vector_load %get3A_318[%get3A_319, %get3A_320] {strides = array<i32>} : memref<352x128xf32, #tpu.memory_space<vmem>>, vector<1x16xf32>,
        %get3A_322 = vector.shape_cast %get3A_321 : vector<1x16xf32> to vector<16xf32>
        %mul3A_323 = arith.mulf %get3A_156, %get3A_322 : vector<16xf32>
        %add3A_324 = arith.addf %add3A_314, %mul3A_323 : vector<16xf32>
        %get3A_325 = arith.constant 0 : i32
        %get3A_326 = arith.constant 0 : i32
        %get3A_327 = tpu.memref_slice %arg9[%scan3A_24, %get3A_325, %get3A_326] : memref<2x352x128xf32, #tpu.memory_space<vmem>> -> memref<1x352x128xf32, #tpu.memory_space<vmem>>
        %get3A_328 = tpu.memref_squeeze %get3A_327 : memref<1x352x128xf32, #tpu.memory_space<vmem>> -> memref<352x128xf32, #tpu.memory_space<vmem>>
        %get3A_329 = arith.index_cast %add3A_255 : i32 to index
        %get3A_330 = arith.constant 112 : index
        %get3A_331 = tpu.vector_load %get3A_328[%get3A_329, %get3A_330] {strides = array<i32>} : memref<352x128xf32, #tpu.memory_space<vmem>>, vector<1x16xf32>,
        %get3A_332 = vector.shape_cast %get3A_331 : vector<1x16xf32> to vector<16xf32>
        %mul3A_333 = arith.mulf %get3A_164, %get3A_332 : vector<16xf32>
        %add3A_334 = arith.addf %add3A_324, %mul3A_333 : vector<16xf32>
        %mul3A_335 = arith.constant 20 : i32
        %mul3A_336 = arith.muli %scan3A_101, %mul3A_335 : i32
        %add3A_337 = arith.constant 32 : i32
        %add3A_338 = arith.addi %add3A_337, %mul3A_336 : i32
        %add3A_339 = arith.constant 2 : i32
        %add3A_340 = arith.addi %add3A_338, %add3A_339 : i32
        %get3A_341 = arith.constant 0 : i32
        %get3A_342 = arith.constant 0 : i32
        %get3A_343 = tpu.memref_slice %arg9[%scan3A_24, %get3A_341, %get3A_342] : memref<2x352x128xf32, #tpu.memory_space<vmem>> -> memref<1x352x128xf32, #tpu.memory_space<vmem>>
        %get3A_344 = tpu.memref_squeeze %get3A_343 : memref<1x352x128xf32, #tpu.memory_space<vmem>> -> memref<352x128xf32, #tpu.memory_space<vmem>>
        %get3A_345 = arith.index_cast %add3A_340 : i32 to index
        %get3A_346 = arith.constant 0 : index
        %get3A_347 = tpu.vector_load %get3A_344[%get3A_345, %get3A_346] {strides = array<i32>} : memref<352x128xf32, #tpu.memory_space<vmem>>, vector<1x16xf32>,
        %get3A_348 = vector.shape_cast %get3A_347 : vector<1x16xf32> to vector<16xf32>
        %mul3A_349 = arith.mulf %get3A_108, %get3A_348 : vector<16xf32>
        %get3A_350 = arith.constant 0 : i32
        %get3A_351 = arith.constant 0 : i32
        %get3A_352 = tpu.memref_slice %arg9[%scan3A_24, %get3A_350, %get3A_351] : memref<2x352x128xf32, #tpu.memory_space<vmem>> -> memref<1x352x128xf32, #tpu.memory_space<vmem>>
        %get3A_353 = tpu.memref_squeeze %get3A_352 : memref<1x352x128xf32, #tpu.memory_space<vmem>> -> memref<352x128xf32, #tpu.memory_space<vmem>>
        %get3A_354 = arith.index_cast %add3A_340 : i32 to index
        %get3A_355 = arith.constant 16 : index
        %get3A_356 = tpu.vector_load %get3A_353[%get3A_354, %get3A_355] {strides = array<i32>} : memref<352x128xf32, #tpu.memory_space<vmem>>, vector<1x16xf32>,
        %get3A_357 = vector.shape_cast %get3A_356 : vector<1x16xf32> to vector<16xf32>
        %mul3A_358 = arith.mulf %get3A_116, %get3A_357 : vector<16xf32>
        %add3A_359 = arith.addf %mul3A_349, %mul3A_358 : vector<16xf32>
        %get3A_360 = arith.constant 0 : i32
        %get3A_361 = arith.constant 0 : i32
        %get3A_362 = tpu.memref_slice %arg9[%scan3A_24, %get3A_360, %get3A_361] : memref<2x352x128xf32, #tpu.memory_space<vmem>> -> memref<1x352x128xf32, #tpu.memory_space<vmem>>
        %get3A_363 = tpu.memref_squeeze %get3A_362 : memref<1x352x128xf32, #tpu.memory_space<vmem>> -> memref<352x128xf32, #tpu.memory_space<vmem>>
        %get3A_364 = arith.index_cast %add3A_340 : i32 to index
        %get3A_365 = arith.constant 32 : index
        %get3A_366 = tpu.vector_load %get3A_363[%get3A_364, %get3A_365] {strides = array<i32>} : memref<352x128xf32, #tpu.memory_space<vmem>>, vector<1x16xf32>,
        %get3A_367 = vector.shape_cast %get3A_366 : vector<1x16xf32> to vector<16xf32>
        %mul3A_368 = arith.mulf %get3A_124, %get3A_367 : vector<16xf32>
        %add3A_369 = arith.addf %add3A_359, %mul3A_368 : vector<16xf32>
        %get3A_370 = arith.constant 0 : i32
        %get3A_371 = arith.constant 0 : i32
        %get3A_372 = tpu.memref_slice %arg9[%scan3A_24, %get3A_370, %get3A_371] : memref<2x352x128xf32, #tpu.memory_space<vmem>> -> memref<1x352x128xf32, #tpu.memory_space<vmem>>
        %get3A_373 = tpu.memref_squeeze %get3A_372 : memref<1x352x128xf32, #tpu.memory_space<vmem>> -> memref<352x128xf32, #tpu.memory_space<vmem>>
        %get3A_374 = arith.index_cast %add3A_340 : i32 to index
        %get3A_375 = arith.constant 48 : index
        %get3A_376 = tpu.vector_load %get3A_373[%get3A_374, %get3A_375] {strides = array<i32>} : memref<352x128xf32, #tpu.memory_space<vmem>>, vector<1x16xf32>,
        %get3A_377 = vector.shape_cast %get3A_376 : vector<1x16xf32> to vector<16xf32>
        %mul3A_378 = arith.mulf %get3A_132, %get3A_377 : vector<16xf32>
        %add3A_379 = arith.addf %add3A_369, %mul3A_378 : vector<16xf32>
        %get3A_380 = arith.constant 0 : i32
        %get3A_381 = arith.constant 0 : i32
        %get3A_382 = tpu.memref_slice %arg9[%scan3A_24, %get3A_380, %get3A_381] : memref<2x352x128xf32, #tpu.memory_space<vmem>> -> memref<1x352x128xf32, #tpu.memory_space<vmem>>
        %get3A_383 = tpu.memref_squeeze %get3A_382 : memref<1x352x128xf32, #tpu.memory_space<vmem>> -> memref<352x128xf32, #tpu.memory_space<vmem>>
        %get3A_384 = arith.index_cast %add3A_340 : i32 to index
        %get3A_385 = arith.constant 64 : index
        %get3A_386 = tpu.vector_load %get3A_383[%get3A_384, %get3A_385] {strides = array<i32>} : memref<352x128xf32, #tpu.memory_space<vmem>>, vector<1x16xf32>,
        %get3A_387 = vector.shape_cast %get3A_386 : vector<1x16xf32> to vector<16xf32>
        %mul3A_388 = arith.mulf %get3A_140, %get3A_387 : vector<16xf32>
        %add3A_389 = arith.addf %add3A_379, %mul3A_388 : vector<16xf32>
        %get3A_390 = arith.constant 0 : i32
        %get3A_391 = arith.constant 0 : i32
        %get3A_392 = tpu.memref_slice %arg9[%scan3A_24, %get3A_390, %get3A_391] : memref<2x352x128xf32, #tpu.memory_space<vmem>> -> memref<1x352x128xf32, #tpu.memory_space<vmem>>
        %get3A_393 = tpu.memref_squeeze %get3A_392 : memref<1x352x128xf32, #tpu.memory_space<vmem>> -> memref<352x128xf32, #tpu.memory_space<vmem>>
        %get3A_394 = arith.index_cast %add3A_340 : i32 to index
        %get3A_395 = arith.constant 80 : index
        %get3A_396 = tpu.vector_load %get3A_393[%get3A_394, %get3A_395] {strides = array<i32>} : memref<352x128xf32, #tpu.memory_space<vmem>>, vector<1x16xf32>,
        %get3A_397 = vector.shape_cast %get3A_396 : vector<1x16xf32> to vector<16xf32>
        %mul3A_398 = arith.mulf %get3A_148, %get3A_397 : vector<16xf32>
        %add3A_399 = arith.addf %add3A_389, %mul3A_398 : vector<16xf32>
        %get3A_400 = arith.constant 0 : i32
        %get3A_401 = arith.constant 0 : i32
        %get3A_402 = tpu.memref_slice %arg9[%scan3A_24, %get3A_400, %get3A_401] : memref<2x352x128xf32, #tpu.memory_space<vmem>> -> memref<1x352x128xf32, #tpu.memory_space<vmem>>
        %get3A_403 = tpu.memref_squeeze %get3A_402 : memref<1x352x128xf32, #tpu.memory_space<vmem>> -> memref<352x128xf32, #tpu.memory_space<vmem>>
        %get3A_404 = arith.index_cast %add3A_340 : i32 to index
        %get3A_405 = arith.constant 96 : index
        %get3A_406 = tpu.vector_load %get3A_403[%get3A_404, %get3A_405] {strides = array<i32>} : memref<352x128xf32, #tpu.memory_space<vmem>>, vector<1x16xf32>,
        %get3A_407 = vector.shape_cast %get3A_406 : vector<1x16xf32> to vector<16xf32>
        %mul3A_408 = arith.mulf %get3A_156, %get3A_407 : vector<16xf32>
        %add3A_409 = arith.addf %add3A_399, %mul3A_408 : vector<16xf32>
        %get3A_410 = arith.constant 0 : i32
        %get3A_411 = arith.constant 0 : i32
        %get3A_412 = tpu.memref_slice %arg9[%scan3A_24, %get3A_410, %get3A_411] : memref<2x352x128xf32, #tpu.memory_space<vmem>> -> memref<1x352x128xf32, #tpu.memory_space<vmem>>
        %get3A_413 = tpu.memref_squeeze %get3A_412 : memref<1x352x128xf32, #tpu.memory_space<vmem>> -> memref<352x128xf32, #tpu.memory_space<vmem>>
        %get3A_414 = arith.index_cast %add3A_340 : i32 to index
        %get3A_415 = arith.constant 112 : index
        %get3A_416 = tpu.vector_load %get3A_413[%get3A_414, %get3A_415] {strides = array<i32>} : memref<352x128xf32, #tpu.memory_space<vmem>>, vector<1x16xf32>,
        %get3A_417 = vector.shape_cast %get3A_416 : vector<1x16xf32> to vector<16xf32>
        %mul3A_418 = arith.mulf %get3A_164, %get3A_417 : vector<16xf32>
        %add3A_419 = arith.addf %add3A_409, %mul3A_418 : vector<16xf32>
        %mul3A_420 = arith.constant 20 : i32
        %mul3A_421 = arith.muli %scan3A_101, %mul3A_420 : i32
        %add3A_422 = arith.constant 32 : i32
        %add3A_423 = arith.addi %add3A_422, %mul3A_421 : i32
        %add3A_424 = arith.constant 3 : i32
        %add3A_425 = arith.addi %add3A_423, %add3A_424 : i32
        %get3A_426 = arith.constant 0 : i32
        %get3A_427 = arith.constant 0 : i32
        %get3A_428 = tpu.memref_slice %arg9[%scan3A_24, %get3A_426, %get3A_427] : memref<2x352x128xf32, #tpu.memory_space<vmem>> -> memref<1x352x128xf32, #tpu.memory_space<vmem>>
        %get3A_429 = tpu.memref_squeeze %get3A_428 : memref<1x352x128xf32, #tpu.memory_space<vmem>> -> memref<352x128xf32, #tpu.memory_space<vmem>>
        %get3A_430 = arith.index_cast %add3A_425 : i32 to index
        %get3A_431 = arith.constant 0 : index
        %get3A_432 = tpu.vector_load %get3A_429[%get3A_430, %get3A_431] {strides = array<i32>} : memref<352x128xf32, #tpu.memory_space<vmem>>, vector<1x16xf32>,
        %get3A_433 = vector.shape_cast %get3A_432 : vector<1x16xf32> to vector<16xf32>
        %mul3A_434 = arith.mulf %get3A_108, %get3A_433 : vector<16xf32>
        %get3A_435 = arith.constant 0 : i32
        %get3A_436 = arith.constant 0 : i32
        %get3A_437 = tpu.memref_slice %arg9[%scan3A_24, %get3A_435, %get3A_436] : memref<2x352x128xf32, #tpu.memory_space<vmem>> -> memref<1x352x128xf32, #tpu.memory_space<vmem>>
        %get3A_438 = tpu.memref_squeeze %get3A_437 : memref<1x352x128xf32, #tpu.memory_space<vmem>> -> memref<352x128xf32, #tpu.memory_space<vmem>>
        %get3A_439 = arith.index_cast %add3A_425 : i32 to index
        %get3A_440 = arith.constant 16 : index
        %get3A_441 = tpu.vector_load %get3A_438[%get3A_439, %get3A_440] {strides = array<i32>} : memref<352x128xf32, #tpu.memory_space<vmem>>, vector<1x16xf32>,
        %get3A_442 = vector.shape_cast %get3A_441 : vector<1x16xf32> to vector<16xf32>
        %mul3A_443 = arith.mulf %get3A_116, %get3A_442 : vector<16xf32>
        %add3A_444 = arith.addf %mul3A_434, %mul3A_443 : vector<16xf32>
        %get3A_445 = arith.constant 0 : i32
        %get3A_446 = arith.constant 0 : i32
        %get3A_447 = tpu.memref_slice %arg9[%scan3A_24, %get3A_445, %get3A_446] : memref<2x352x128xf32, #tpu.memory_space<vmem>> -> memref<1x352x128xf32, #tpu.memory_space<vmem>>
        %get3A_448 = tpu.memref_squeeze %get3A_447 : memref<1x352x128xf32, #tpu.memory_space<vmem>> -> memref<352x128xf32, #tpu.memory_space<vmem>>
        %get3A_449 = arith.index_cast %add3A_425 : i32 to index
        %get3A_450 = arith.constant 32 : index
        %get3A_451 = tpu.vector_load %get3A_448[%get3A_449, %get3A_450] {strides = array<i32>} : memref<352x128xf32, #tpu.memory_space<vmem>>, vector<1x16xf32>,
        %get3A_452 = vector.shape_cast %get3A_451 : vector<1x16xf32> to vector<16xf32>
        %mul3A_453 = arith.mulf %get3A_124, %get3A_452 : vector<16xf32>
        %add3A_454 = arith.addf %add3A_444, %mul3A_453 : vector<16xf32>
        %get3A_455 = arith.constant 0 : i32
        %get3A_456 = arith.constant 0 : i32
        %get3A_457 = tpu.memref_slice %arg9[%scan3A_24, %get3A_455, %get3A_456] : memref<2x352x128xf32, #tpu.memory_space<vmem>> -> memref<1x352x128xf32, #tpu.memory_space<vmem>>
        %get3A_458 = tpu.memref_squeeze %get3A_457 : memref<1x352x128xf32, #tpu.memory_space<vmem>> -> memref<352x128xf32, #tpu.memory_space<vmem>>
        %get3A_459 = arith.index_cast %add3A_425 : i32 to index
        %get3A_460 = arith.constant 48 : index
        %get3A_461 = tpu.vector_load %get3A_458[%get3A_459, %get3A_460] {strides = array<i32>} : memref<352x128xf32, #tpu.memory_space<vmem>>, vector<1x16xf32>,
        %get3A_462 = vector.shape_cast %get3A_461 : vector<1x16xf32> to vector<16xf32>
        %mul3A_463 = arith.mulf %get3A_132, %get3A_462 : vector<16xf32>
        %add3A_464 = arith.addf %add3A_454, %mul3A_463 : vector<16xf32>
        %get3A_465 = arith.constant 0 : i32
        %get3A_466 = arith.constant 0 : i32
        %get3A_467 = tpu.memref_slice %arg9[%scan3A_24, %get3A_465, %get3A_466] : memref<2x352x128xf32, #tpu.memory_space<vmem>> -> memref<1x352x128xf32, #tpu.memory_space<vmem>>
        %get3A_468 = tpu.memref_squeeze %get3A_467 : memref<1x352x128xf32, #tpu.memory_space<vmem>> -> memref<352x128xf32, #tpu.memory_space<vmem>>
        %get3A_469 = arith.index_cast %add3A_425 : i32 to index
        %get3A_470 = arith.constant 64 : index
        %get3A_471 = tpu.vector_load %get3A_468[%get3A_469, %get3A_470] {strides = array<i32>} : memref<352x128xf32, #tpu.memory_space<vmem>>, vector<1x16xf32>,
        %get3A_472 = vector.shape_cast %get3A_471 : vector<1x16xf32> to vector<16xf32>
        %mul3A_473 = arith.mulf %get3A_140, %get3A_472 : vector<16xf32>
        %add3A_474 = arith.addf %add3A_464, %mul3A_473 : vector<16xf32>
        %get3A_475 = arith.constant 0 : i32
        %get3A_476 = arith.constant 0 : i32
        %get3A_477 = tpu.memref_slice %arg9[%scan3A_24, %get3A_475, %get3A_476] : memref<2x352x128xf32, #tpu.memory_space<vmem>> -> memref<1x352x128xf32, #tpu.memory_space<vmem>>
        %get3A_478 = tpu.memref_squeeze %get3A_477 : memref<1x352x128xf32, #tpu.memory_space<vmem>> -> memref<352x128xf32, #tpu.memory_space<vmem>>
        %get3A_479 = arith.index_cast %add3A_425 : i32 to index
        %get3A_480 = arith.constant 80 : index
        %get3A_481 = tpu.vector_load %get3A_478[%get3A_479, %get3A_480] {strides = array<i32>} : memref<352x128xf32, #tpu.memory_space<vmem>>, vector<1x16xf32>,
        %get3A_482 = vector.shape_cast %get3A_481 : vector<1x16xf32> to vector<16xf32>
        %mul3A_483 = arith.mulf %get3A_148, %get3A_482 : vector<16xf32>
        %add3A_484 = arith.addf %add3A_474, %mul3A_483 : vector<16xf32>
        %get3A_485 = arith.constant 0 : i32
        %get3A_486 = arith.constant 0 : i32
        %get3A_487 = tpu.memref_slice %arg9[%scan3A_24, %get3A_485, %get3A_486] : memref<2x352x128xf32, #tpu.memory_space<vmem>> -> memref<1x352x128xf32, #tpu.memory_space<vmem>>
        %get3A_488 = tpu.memref_squeeze %get3A_487 : memref<1x352x128xf32, #tpu.memory_space<vmem>> -> memref<352x128xf32, #tpu.memory_space<vmem>>
        %get3A_489 = arith.index_cast %add3A_425 : i32 to index
        %get3A_490 = arith.constant 96 : index
        %get3A_491 = tpu.vector_load %get3A_488[%get3A_489, %get3A_490] {strides = array<i32>} : memref<352x128xf32, #tpu.memory_space<vmem>>, vector<1x16xf32>,
        %get3A_492 = vector.shape_cast %get3A_491 : vector<1x16xf32> to vector<16xf32>
        %mul3A_493 = arith.mulf %get3A_156, %get3A_492 : vector<16xf32>
        %add3A_494 = arith.addf %add3A_484, %mul3A_493 : vector<16xf32>
        %get3A_495 = arith.constant 0 : i32
        %get3A_496 = arith.constant 0 : i32
        %get3A_497 = tpu.memref_slice %arg9[%scan3A_24, %get3A_495, %get3A_496] : memref<2x352x128xf32, #tpu.memory_space<vmem>> -> memref<1x352x128xf32, #tpu.memory_space<vmem>>
        %get3A_498 = tpu.memref_squeeze %get3A_497 : memref<1x352x128xf32, #tpu.memory_space<vmem>> -> memref<352x128xf32, #tpu.memory_space<vmem>>
        %get3A_499 = arith.index_cast %add3A_425 : i32 to index
        %get3A_500 = arith.constant 112 : index
        %get3A_501 = tpu.vector_load %get3A_498[%get3A_499, %get3A_500] {strides = array<i32>} : memref<352x128xf32, #tpu.memory_space<vmem>>, vector<1x16xf32>,
        %get3A_502 = vector.shape_cast %get3A_501 : vector<1x16xf32> to vector<16xf32>
        %mul3A_503 = arith.mulf %get3A_164, %get3A_502 : vector<16xf32>
        %add3A_504 = arith.addf %add3A_494, %mul3A_503 : vector<16xf32>
        %mul3A_505 = arith.constant 20 : i32
        %mul3A_506 = arith.muli %scan3A_101, %mul3A_505 : i32
        %add3A_507 = arith.constant 32 : i32
        %add3A_508 = arith.addi %add3A_507, %mul3A_506 : i32
        %add3A_509 = arith.constant 4 : i32
        %add3A_510 = arith.addi %add3A_508, %add3A_509 : i32
        %get3A_511 = arith.constant 0 : i32
        %get3A_512 = arith.constant 0 : i32
        %get3A_513 = tpu.memref_slice %arg9[%scan3A_24, %get3A_511, %get3A_512] : memref<2x352x128xf32, #tpu.memory_space<vmem>> -> memref<1x352x128xf32, #tpu.memory_space<vmem>>
        %get3A_514 = tpu.memref_squeeze %get3A_513 : memref<1x352x128xf32, #tpu.memory_space<vmem>> -> memref<352x128xf32, #tpu.memory_space<vmem>>
        %get3A_515 = arith.index_cast %add3A_510 : i32 to index
        %get3A_516 = arith.constant 0 : index
        %get3A_517 = tpu.vector_load %get3A_514[%get3A_515, %get3A_516] {strides = array<i32>} : memref<352x128xf32, #tpu.memory_space<vmem>>, vector<1x16xf32>,
        %get3A_518 = vector.shape_cast %get3A_517 : vector<1x16xf32> to vector<16xf32>
        %mul3A_519 = arith.mulf %get3A_108, %get3A_518 : vector<16xf32>
        %get3A_520 = arith.constant 0 : i32
        %get3A_521 = arith.constant 0 : i32
        %get3A_522 = tpu.memref_slice %arg9[%scan3A_24, %get3A_520, %get3A_521] : memref<2x352x128xf32, #tpu.memory_space<vmem>> -> memref<1x352x128xf32, #tpu.memory_space<vmem>>
        %get3A_523 = tpu.memref_squeeze %get3A_522 : memref<1x352x128xf32, #tpu.memory_space<vmem>> -> memref<352x128xf32, #tpu.memory_space<vmem>>
        %get3A_524 = arith.index_cast %add3A_510 : i32 to index
        %get3A_525 = arith.constant 16 : index
        %get3A_526 = tpu.vector_load %get3A_523[%get3A_524, %get3A_525] {strides = array<i32>} : memref<352x128xf32, #tpu.memory_space<vmem>>, vector<1x16xf32>,
        %get3A_527 = vector.shape_cast %get3A_526 : vector<1x16xf32> to vector<16xf32>
        %mul3A_528 = arith.mulf %get3A_116, %get3A_527 : vector<16xf32>
        %add3A_529 = arith.addf %mul3A_519, %mul3A_528 : vector<16xf32>
        %get3A_530 = arith.constant 0 : i32
        %get3A_531 = arith.constant 0 : i32
        %get3A_532 = tpu.memref_slice %arg9[%scan3A_24, %get3A_530, %get3A_531] : memref<2x352x128xf32, #tpu.memory_space<vmem>> -> memref<1x352x128xf32, #tpu.memory_space<vmem>>
        %get3A_533 = tpu.memref_squeeze %get3A_532 : memref<1x352x128xf32, #tpu.memory_space<vmem>> -> memref<352x128xf32, #tpu.memory_space<vmem>>
        %get3A_534 = arith.index_cast %add3A_510 : i32 to index
        %get3A_535 = arith.constant 32 : index
        %get3A_536 = tpu.vector_load %get3A_533[%get3A_534, %get3A_535] {strides = array<i32>} : memref<352x128xf32, #tpu.memory_space<vmem>>, vector<1x16xf32>,
        %get3A_537 = vector.shape_cast %get3A_536 : vector<1x16xf32> to vector<16xf32>
        %mul3A_538 = arith.mulf %get3A_124, %get3A_537 : vector<16xf32>
        %add3A_539 = arith.addf %add3A_529, %mul3A_538 : vector<16xf32>
        %get3A_540 = arith.constant 0 : i32
        %get3A_541 = arith.constant 0 : i32
        %get3A_542 = tpu.memref_slice %arg9[%scan3A_24, %get3A_540, %get3A_541] : memref<2x352x128xf32, #tpu.memory_space<vmem>> -> memref<1x352x128xf32, #tpu.memory_space<vmem>>
        %get3A_543 = tpu.memref_squeeze %get3A_542 : memref<1x352x128xf32, #tpu.memory_space<vmem>> -> memref<352x128xf32, #tpu.memory_space<vmem>>
        %get3A_544 = arith.index_cast %add3A_510 : i32 to index
        %get3A_545 = arith.constant 48 : index
        %get3A_546 = tpu.vector_load %get3A_543[%get3A_544, %get3A_545] {strides = array<i32>} : memref<352x128xf32, #tpu.memory_space<vmem>>, vector<1x16xf32>,
        %get3A_547 = vector.shape_cast %get3A_546 : vector<1x16xf32> to vector<16xf32>
        %mul3A_548 = arith.mulf %get3A_132, %get3A_547 : vector<16xf32>
        %add3A_549 = arith.addf %add3A_539, %mul3A_548 : vector<16xf32>
        %get3A_550 = arith.constant 0 : i32
        %get3A_551 = arith.constant 0 : i32
        %get3A_552 = tpu.memref_slice %arg9[%scan3A_24, %get3A_550, %get3A_551] : memref<2x352x128xf32, #tpu.memory_space<vmem>> -> memref<1x352x128xf32, #tpu.memory_space<vmem>>
        %get3A_553 = tpu.memref_squeeze %get3A_552 : memref<1x352x128xf32, #tpu.memory_space<vmem>> -> memref<352x128xf32, #tpu.memory_space<vmem>>
        %get3A_554 = arith.index_cast %add3A_510 : i32 to index
        %get3A_555 = arith.constant 64 : index
        %get3A_556 = tpu.vector_load %get3A_553[%get3A_554, %get3A_555] {strides = array<i32>} : memref<352x128xf32, #tpu.memory_space<vmem>>, vector<1x16xf32>,
        %get3A_557 = vector.shape_cast %get3A_556 : vector<1x16xf32> to vector<16xf32>
        %mul3A_558 = arith.mulf %get3A_140, %get3A_557 : vector<16xf32>
        %add3A_559 = arith.addf %add3A_549, %mul3A_558 : vector<16xf32>
        %get3A_560 = arith.constant 0 : i32
        %get3A_561 = arith.constant 0 : i32
        %get3A_562 = tpu.memref_slice %arg9[%scan3A_24, %get3A_560, %get3A_561] : memref<2x352x128xf32, #tpu.memory_space<vmem>> -> memref<1x352x128xf32, #tpu.memory_space<vmem>>
        %get3A_563 = tpu.memref_squeeze %get3A_562 : memref<1x352x128xf32, #tpu.memory_space<vmem>> -> memref<352x128xf32, #tpu.memory_space<vmem>>
        %get3A_564 = arith.index_cast %add3A_510 : i32 to index
        %get3A_565 = arith.constant 80 : index
        %get3A_566 = tpu.vector_load %get3A_563[%get3A_564, %get3A_565] {strides = array<i32>} : memref<352x128xf32, #tpu.memory_space<vmem>>, vector<1x16xf32>,
        %get3A_567 = vector.shape_cast %get3A_566 : vector<1x16xf32> to vector<16xf32>
        %mul3A_568 = arith.mulf %get3A_148, %get3A_567 : vector<16xf32>
        %add3A_569 = arith.addf %add3A_559, %mul3A_568 : vector<16xf32>
        %get3A_570 = arith.constant 0 : i32
        %get3A_571 = arith.constant 0 : i32
        %get3A_572 = tpu.memref_slice %arg9[%scan3A_24, %get3A_570, %get3A_571] : memref<2x352x128xf32, #tpu.memory_space<vmem>> -> memref<1x352x128xf32, #tpu.memory_space<vmem>>
        %get3A_573 = tpu.memref_squeeze %get3A_572 : memref<1x352x128xf32, #tpu.memory_space<vmem>> -> memref<352x128xf32, #tpu.memory_space<vmem>>
        %get3A_574 = arith.index_cast %add3A_510 : i32 to index
        %get3A_575 = arith.constant 96 : index
        %get3A_576 = tpu.vector_load %get3A_573[%get3A_574, %get3A_575] {strides = array<i32>} : memref<352x128xf32, #tpu.memory_space<vmem>>, vector<1x16xf32>,
        %get3A_577 = vector.shape_cast %get3A_576 : vector<1x16xf32> to vector<16xf32>
        %mul3A_578 = arith.mulf %get3A_156, %get3A_577 : vector<16xf32>
        %add3A_579 = arith.addf %add3A_569, %mul3A_578 : vector<16xf32>
        %get3A_580 = arith.constant 0 : i32
        %get3A_581 = arith.constant 0 : i32
        %get3A_582 = tpu.memref_slice %arg9[%scan3A_24, %get3A_580, %get3A_581] : memref<2x352x128xf32, #tpu.memory_space<vmem>> -> memref<1x352x128xf32, #tpu.memory_space<vmem>>
        %get3A_583 = tpu.memref_squeeze %get3A_582 : memref<1x352x128xf32, #tpu.memory_space<vmem>> -> memref<352x128xf32, #tpu.memory_space<vmem>>
        %get3A_584 = arith.index_cast %add3A_510 : i32 to index
        %get3A_585 = arith.constant 112 : index
        %get3A_586 = tpu.vector_load %get3A_583[%get3A_584, %get3A_585] {strides = array<i32>} : memref<352x128xf32, #tpu.memory_space<vmem>>, vector<1x16xf32>,
        %get3A_587 = vector.shape_cast %get3A_586 : vector<1x16xf32> to vector<16xf32>
        %mul3A_588 = arith.mulf %get3A_164, %get3A_587 : vector<16xf32>
        %add3A_589 = arith.addf %add3A_579, %mul3A_588 : vector<16xf32>
        %mul3A_590 = arith.constant 20 : i32
        %mul3A_591 = arith.muli %scan3A_101, %mul3A_590 : i32
        %add3A_592 = arith.constant 32 : i32
        %add3A_593 = arith.addi %add3A_592, %mul3A_591 : i32
        %add3A_594 = arith.constant 5 : i32
        %add3A_595 = arith.addi %add3A_593, %add3A_594 : i32
        %get3A_596 = arith.constant 0 : i32
        %get3A_597 = arith.constant 0 : i32
        %get3A_598 = tpu.memref_slice %arg9[%scan3A_24, %get3A_596, %get3A_597] : memref<2x352x128xf32, #tpu.memory_space<vmem>> -> memref<1x352x128xf32, #tpu.memory_space<vmem>>
        %get3A_599 = tpu.memref_squeeze %get3A_598 : memref<1x352x128xf32, #tpu.memory_space<vmem>> -> memref<352x128xf32, #tpu.memory_space<vmem>>
        %get3A_600 = arith.index_cast %add3A_595 : i32 to index
        %get3A_601 = arith.constant 0 : index
        %get3A_602 = tpu.vector_load %get3A_599[%get3A_600, %get3A_601] {strides = array<i32>} : memref<352x128xf32, #tpu.memory_space<vmem>>, vector<1x16xf32>,
        %get3A_603 = vector.shape_cast %get3A_602 : vector<1x16xf32> to vector<16xf32>
        %mul3A_604 = arith.mulf %get3A_108, %get3A_603 : vector<16xf32>
        %get3A_605 = arith.constant 0 : i32
        %get3A_606 = arith.constant 0 : i32
        %get3A_607 = tpu.memref_slice %arg9[%scan3A_24, %get3A_605, %get3A_606] : memref<2x352x128xf32, #tpu.memory_space<vmem>> -> memref<1x352x128xf32, #tpu.memory_space<vmem>>
        %get3A_608 = tpu.memref_squeeze %get3A_607 : memref<1x352x128xf32, #tpu.memory_space<vmem>> -> memref<352x128xf32, #tpu.memory_space<vmem>>
        %get3A_609 = arith.index_cast %add3A_595 : i32 to index
        %get3A_610 = arith.constant 16 : index
        %get3A_611 = tpu.vector_load %get3A_608[%get3A_609, %get3A_610] {strides = array<i32>} : memref<352x128xf32, #tpu.memory_space<vmem>>, vector<1x16xf32>,
        %get3A_612 = vector.shape_cast %get3A_611 : vector<1x16xf32> to vector<16xf32>
        %mul3A_613 = arith.mulf %get3A_116, %get3A_612 : vector<16xf32>
        %add3A_614 = arith.addf %mul3A_604, %mul3A_613 : vector<16xf32>
        %get3A_615 = arith.constant 0 : i32
        %get3A_616 = arith.constant 0 : i32
        %get3A_617 = tpu.memref_slice %arg9[%scan3A_24, %get3A_615, %get3A_616] : memref<2x352x128xf32, #tpu.memory_space<vmem>> -> memref<1x352x128xf32, #tpu.memory_space<vmem>>
        %get3A_618 = tpu.memref_squeeze %get3A_617 : memref<1x352x128xf32, #tpu.memory_space<vmem>> -> memref<352x128xf32, #tpu.memory_space<vmem>>
        %get3A_619 = arith.index_cast %add3A_595 : i32 to index
        %get3A_620 = arith.constant 32 : index
        %get3A_621 = tpu.vector_load %get3A_618[%get3A_619, %get3A_620] {strides = array<i32>} : memref<352x128xf32, #tpu.memory_space<vmem>>, vector<1x16xf32>,
        %get3A_622 = vector.shape_cast %get3A_621 : vector<1x16xf32> to vector<16xf32>
        %mul3A_623 = arith.mulf %get3A_124, %get3A_622 : vector<16xf32>
        %add3A_624 = arith.addf %add3A_614, %mul3A_623 : vector<16xf32>
        %get3A_625 = arith.constant 0 : i32
        %get3A_626 = arith.constant 0 : i32
        %get3A_627 = tpu.memref_slice %arg9[%scan3A_24, %get3A_625, %get3A_626] : memref<2x352x128xf32, #tpu.memory_space<vmem>> -> memref<1x352x128xf32, #tpu.memory_space<vmem>>
        %get3A_628 = tpu.memref_squeeze %get3A_627 : memref<1x352x128xf32, #tpu.memory_space<vmem>> -> memref<352x128xf32, #tpu.memory_space<vmem>>
        %get3A_629 = arith.index_cast %add3A_595 : i32 to index
        %get3A_630 = arith.constant 48 : index
        %get3A_631 = tpu.vector_load %get3A_628[%get3A_629, %get3A_630] {strides = array<i32>} : memref<352x128xf32, #tpu.memory_space<vmem>>, vector<1x16xf32>,
        %get3A_632 = vector.shape_cast %get3A_631 : vector<1x16xf32> to vector<16xf32>
        %mul3A_633 = arith.mulf %get3A_132, %get3A_632 : vector<16xf32>
        %add3A_634 = arith.addf %add3A_624, %mul3A_633 : vector<16xf32>
        %get3A_635 = arith.constant 0 : i32
        %get3A_636 = arith.constant 0 : i32
        %get3A_637 = tpu.memref_slice %arg9[%scan3A_24, %get3A_635, %get3A_636] : memref<2x352x128xf32, #tpu.memory_space<vmem>> -> memref<1x352x128xf32, #tpu.memory_space<vmem>>
        %get3A_638 = tpu.memref_squeeze %get3A_637 : memref<1x352x128xf32, #tpu.memory_space<vmem>> -> memref<352x128xf32, #tpu.memory_space<vmem>>
        %get3A_639 = arith.index_cast %add3A_595 : i32 to index
        %get3A_640 = arith.constant 64 : index
        %get3A_641 = tpu.vector_load %get3A_638[%get3A_639, %get3A_640] {strides = array<i32>} : memref<352x128xf32, #tpu.memory_space<vmem>>, vector<1x16xf32>,
        %get3A_642 = vector.shape_cast %get3A_641 : vector<1x16xf32> to vector<16xf32>
        %mul3A_643 = arith.mulf %get3A_140, %get3A_642 : vector<16xf32>
        %add3A_644 = arith.addf %add3A_634, %mul3A_643 : vector<16xf32>
        %get3A_645 = arith.constant 0 : i32
        %get3A_646 = arith.constant 0 : i32
        %get3A_647 = tpu.memref_slice %arg9[%scan3A_24, %get3A_645, %get3A_646] : memref<2x352x128xf32, #tpu.memory_space<vmem>> -> memref<1x352x128xf32, #tpu.memory_space<vmem>>
        %get3A_648 = tpu.memref_squeeze %get3A_647 : memref<1x352x128xf32, #tpu.memory_space<vmem>> -> memref<352x128xf32, #tpu.memory_space<vmem>>
        %get3A_649 = arith.index_cast %add3A_595 : i32 to index
        %get3A_650 = arith.constant 80 : index
        %get3A_651 = tpu.vector_load %get3A_648[%get3A_649, %get3A_650] {strides = array<i32>} : memref<352x128xf32, #tpu.memory_space<vmem>>, vector<1x16xf32>,
        %get3A_652 = vector.shape_cast %get3A_651 : vector<1x16xf32> to vector<16xf32>
        %mul3A_653 = arith.mulf %get3A_148, %get3A_652 : vector<16xf32>
        %add3A_654 = arith.addf %add3A_644, %mul3A_653 : vector<16xf32>
        %get3A_655 = arith.constant 0 : i32
        %get3A_656 = arith.constant 0 : i32
        %get3A_657 = tpu.memref_slice %arg9[%scan3A_24, %get3A_655, %get3A_656] : memref<2x352x128xf32, #tpu.memory_space<vmem>> -> memref<1x352x128xf32, #tpu.memory_space<vmem>>
        %get3A_658 = tpu.memref_squeeze %get3A_657 : memref<1x352x128xf32, #tpu.memory_space<vmem>> -> memref<352x128xf32, #tpu.memory_space<vmem>>
        %get3A_659 = arith.index_cast %add3A_595 : i32 to index
        %get3A_660 = arith.constant 96 : index
        %get3A_661 = tpu.vector_load %get3A_658[%get3A_659, %get3A_660] {strides = array<i32>} : memref<352x128xf32, #tpu.memory_space<vmem>>, vector<1x16xf32>,
        %get3A_662 = vector.shape_cast %get3A_661 : vector<1x16xf32> to vector<16xf32>
        %mul3A_663 = arith.mulf %get3A_156, %get3A_662 : vector<16xf32>
        %add3A_664 = arith.addf %add3A_654, %mul3A_663 : vector<16xf32>
        %get3A_665 = arith.constant 0 : i32
        %get3A_666 = arith.constant 0 : i32
        %get3A_667 = tpu.memref_slice %arg9[%scan3A_24, %get3A_665, %get3A_666] : memref<2x352x128xf32, #tpu.memory_space<vmem>> -> memref<1x352x128xf32, #tpu.memory_space<vmem>>
        %get3A_668 = tpu.memref_squeeze %get3A_667 : memref<1x352x128xf32, #tpu.memory_space<vmem>> -> memref<352x128xf32, #tpu.memory_space<vmem>>
        %get3A_669 = arith.index_cast %add3A_595 : i32 to index
        %get3A_670 = arith.constant 112 : index
        %get3A_671 = tpu.vector_load %get3A_668[%get3A_669, %get3A_670] {strides = array<i32>} : memref<352x128xf32, #tpu.memory_space<vmem>>, vector<1x16xf32>,
        %get3A_672 = vector.shape_cast %get3A_671 : vector<1x16xf32> to vector<16xf32>
        %mul3A_673 = arith.mulf %get3A_164, %get3A_672 : vector<16xf32>
        %add3A_674 = arith.addf %add3A_664, %mul3A_673 : vector<16xf32>
        %mul3A_675 = arith.constant 20 : i32
        %mul3A_676 = arith.muli %scan3A_101, %mul3A_675 : i32
        %add3A_677 = arith.constant 32 : i32
        %add3A_678 = arith.addi %add3A_677, %mul3A_676 : i32
        %add3A_679 = arith.constant 6 : i32
        %add3A_680 = arith.addi %add3A_678, %add3A_679 : i32
        %get3A_681 = arith.constant 0 : i32
        %get3A_682 = arith.constant 0 : i32
        %get3A_683 = tpu.memref_slice %arg9[%scan3A_24, %get3A_681, %get3A_682] : memref<2x352x128xf32, #tpu.memory_space<vmem>> -> memref<1x352x128xf32, #tpu.memory_space<vmem>>
        %get3A_684 = tpu.memref_squeeze %get3A_683 : memref<1x352x128xf32, #tpu.memory_space<vmem>> -> memref<352x128xf32, #tpu.memory_space<vmem>>
        %get3A_685 = arith.index_cast %add3A_680 : i32 to index
        %get3A_686 = arith.constant 0 : index
        %get3A_687 = tpu.vector_load %get3A_684[%get3A_685, %get3A_686] {strides = array<i32>} : memref<352x128xf32, #tpu.memory_space<vmem>>, vector<1x16xf32>,
        %get3A_688 = vector.shape_cast %get3A_687 : vector<1x16xf32> to vector<16xf32>
        %mul3A_689 = arith.mulf %get3A_108, %get3A_688 : vector<16xf32>
        %get3A_690 = arith.constant 0 : i32
        %get3A_691 = arith.constant 0 : i32
        %get3A_692 = tpu.memref_slice %arg9[%scan3A_24, %get3A_690, %get3A_691] : memref<2x352x128xf32, #tpu.memory_space<vmem>> -> memref<1x352x128xf32, #tpu.memory_space<vmem>>
        %get3A_693 = tpu.memref_squeeze %get3A_692 : memref<1x352x128xf32, #tpu.memory_space<vmem>> -> memref<352x128xf32, #tpu.memory_space<vmem>>
        %get3A_694 = arith.index_cast %add3A_680 : i32 to index
        %get3A_695 = arith.constant 16 : index
        %get3A_696 = tpu.vector_load %get3A_693[%get3A_694, %get3A_695] {strides = array<i32>} : memref<352x128xf32, #tpu.memory_space<vmem>>, vector<1x16xf32>,
        %get3A_697 = vector.shape_cast %get3A_696 : vector<1x16xf32> to vector<16xf32>
        %mul3A_698 = arith.mulf %get3A_116, %get3A_697 : vector<16xf32>
        %add3A_699 = arith.addf %mul3A_689, %mul3A_698 : vector<16xf32>
        %get3A_700 = arith.constant 0 : i32
        %get3A_701 = arith.constant 0 : i32
        %get3A_702 = tpu.memref_slice %arg9[%scan3A_24, %get3A_700, %get3A_701] : memref<2x352x128xf32, #tpu.memory_space<vmem>> -> memref<1x352x128xf32, #tpu.memory_space<vmem>>
        %get3A_703 = tpu.memref_squeeze %get3A_702 : memref<1x352x128xf32, #tpu.memory_space<vmem>> -> memref<352x128xf32, #tpu.memory_space<vmem>>
        %get3A_704 = arith.index_cast %add3A_680 : i32 to index
        %get3A_705 = arith.constant 32 : index
        %get3A_706 = tpu.vector_load %get3A_703[%get3A_704, %get3A_705] {strides = array<i32>} : memref<352x128xf32, #tpu.memory_space<vmem>>, vector<1x16xf32>,
        %get3A_707 = vector.shape_cast %get3A_706 : vector<1x16xf32> to vector<16xf32>
        %mul3A_708 = arith.mulf %get3A_124, %get3A_707 : vector<16xf32>
        %add3A_709 = arith.addf %add3A_699, %mul3A_708 : vector<16xf32>
        %get3A_710 = arith.constant 0 : i32
        %get3A_711 = arith.constant 0 : i32
        %get3A_712 = tpu.memref_slice %arg9[%scan3A_24, %get3A_710, %get3A_711] : memref<2x352x128xf32, #tpu.memory_space<vmem>> -> memref<1x352x128xf32, #tpu.memory_space<vmem>>
        %get3A_713 = tpu.memref_squeeze %get3A_712 : memref<1x352x128xf32, #tpu.memory_space<vmem>> -> memref<352x128xf32, #tpu.memory_space<vmem>>
        %get3A_714 = arith.index_cast %add3A_680 : i32 to index
        %get3A_715 = arith.constant 48 : index
        %get3A_716 = tpu.vector_load %get3A_713[%get3A_714, %get3A_715] {strides = array<i32>} : memref<352x128xf32, #tpu.memory_space<vmem>>, vector<1x16xf32>,
        %get3A_717 = vector.shape_cast %get3A_716 : vector<1x16xf32> to vector<16xf32>
        %mul3A_718 = arith.mulf %get3A_132, %get3A_717 : vector<16xf32>
        %add3A_719 = arith.addf %add3A_709, %mul3A_718 : vector<16xf32>
        %get3A_720 = arith.constant 0 : i32
        %get3A_721 = arith.constant 0 : i32
        %get3A_722 = tpu.memref_slice %arg9[%scan3A_24, %get3A_720, %get3A_721] : memref<2x352x128xf32, #tpu.memory_space<vmem>> -> memref<1x352x128xf32, #tpu.memory_space<vmem>>
        %get3A_723 = tpu.memref_squeeze %get3A_722 : memref<1x352x128xf32, #tpu.memory_space<vmem>> -> memref<352x128xf32, #tpu.memory_space<vmem>>
        %get3A_724 = arith.index_cast %add3A_680 : i32 to index
        %get3A_725 = arith.constant 64 : index
        %get3A_726 = tpu.vector_load %get3A_723[%get3A_724, %get3A_725] {strides = array<i32>} : memref<352x128xf32, #tpu.memory_space<vmem>>, vector<1x16xf32>,
        %get3A_727 = vector.shape_cast %get3A_726 : vector<1x16xf32> to vector<16xf32>
        %mul3A_728 = arith.mulf %get3A_140, %get3A_727 : vector<16xf32>
        %add3A_729 = arith.addf %add3A_719, %mul3A_728 : vector<16xf32>
        %get3A_730 = arith.constant 0 : i32
        %get3A_731 = arith.constant 0 : i32
        %get3A_732 = tpu.memref_slice %arg9[%scan3A_24, %get3A_730, %get3A_731] : memref<2x352x128xf32, #tpu.memory_space<vmem>> -> memref<1x352x128xf32, #tpu.memory_space<vmem>>
        %get3A_733 = tpu.memref_squeeze %get3A_732 : memref<1x352x128xf32, #tpu.memory_space<vmem>> -> memref<352x128xf32, #tpu.memory_space<vmem>>
        %get3A_734 = arith.index_cast %add3A_680 : i32 to index
        %get3A_735 = arith.constant 80 : index
        %get3A_736 = tpu.vector_load %get3A_733[%get3A_734, %get3A_735] {strides = array<i32>} : memref<352x128xf32, #tpu.memory_space<vmem>>, vector<1x16xf32>,
        %get3A_737 = vector.shape_cast %get3A_736 : vector<1x16xf32> to vector<16xf32>
        %mul3A_738 = arith.mulf %get3A_148, %get3A_737 : vector<16xf32>
        %add3A_739 = arith.addf %add3A_729, %mul3A_738 : vector<16xf32>
        %get3A_740 = arith.constant 0 : i32
        %get3A_741 = arith.constant 0 : i32
        %get3A_742 = tpu.memref_slice %arg9[%scan3A_24, %get3A_740, %get3A_741] : memref<2x352x128xf32, #tpu.memory_space<vmem>> -> memref<1x352x128xf32, #tpu.memory_space<vmem>>
        %get3A_743 = tpu.memref_squeeze %get3A_742 : memref<1x352x128xf32, #tpu.memory_space<vmem>> -> memref<352x128xf32, #tpu.memory_space<vmem>>
        %get3A_744 = arith.index_cast %add3A_680 : i32 to index
        %get3A_745 = arith.constant 96 : index
        %get3A_746 = tpu.vector_load %get3A_743[%get3A_744, %get3A_745] {strides = array<i32>} : memref<352x128xf32, #tpu.memory_space<vmem>>, vector<1x16xf32>,
        %get3A_747 = vector.shape_cast %get3A_746 : vector<1x16xf32> to vector<16xf32>
        %mul3A_748 = arith.mulf %get3A_156, %get3A_747 : vector<16xf32>
        %add3A_749 = arith.addf %add3A_739, %mul3A_748 : vector<16xf32>
        %get3A_750 = arith.constant 0 : i32
        %get3A_751 = arith.constant 0 : i32
        %get3A_752 = tpu.memref_slice %arg9[%scan3A_24, %get3A_750, %get3A_751] : memref<2x352x128xf32, #tpu.memory_space<vmem>> -> memref<1x352x128xf32, #tpu.memory_space<vmem>>
        %get3A_753 = tpu.memref_squeeze %get3A_752 : memref<1x352x128xf32, #tpu.memory_space<vmem>> -> memref<352x128xf32, #tpu.memory_space<vmem>>
        %get3A_754 = arith.index_cast %add3A_680 : i32 to index
        %get3A_755 = arith.constant 112 : index
        %get3A_756 = tpu.vector_load %get3A_753[%get3A_754, %get3A_755] {strides = array<i32>} : memref<352x128xf32, #tpu.memory_space<vmem>>, vector<1x16xf32>,
        %get3A_757 = vector.shape_cast %get3A_756 : vector<1x16xf32> to vector<16xf32>
        %mul3A_758 = arith.mulf %get3A_164, %get3A_757 : vector<16xf32>
        %add3A_759 = arith.addf %add3A_749, %mul3A_758 : vector<16xf32>
        %mul3A_760 = arith.constant 20 : i32
        %mul3A_761 = arith.muli %scan3A_101, %mul3A_760 : i32
        %add3A_762 = arith.constant 32 : i32
        %add3A_763 = arith.addi %add3A_762, %mul3A_761 : i32
        %add3A_764 = arith.constant 7 : i32
        %add3A_765 = arith.addi %add3A_763, %add3A_764 : i32
        %get3A_766 = arith.constant 0 : i32
        %get3A_767 = arith.constant 0 : i32
        %get3A_768 = tpu.memref_slice %arg9[%scan3A_24, %get3A_766, %get3A_767] : memref<2x352x128xf32, #tpu.memory_space<vmem>> -> memref<1x352x128xf32, #tpu.memory_space<vmem>>
        %get3A_769 = tpu.memref_squeeze %get3A_768 : memref<1x352x128xf32, #tpu.memory_space<vmem>> -> memref<352x128xf32, #tpu.memory_space<vmem>>
        %get3A_770 = arith.index_cast %add3A_765 : i32 to index
        %get3A_771 = arith.constant 0 : index
        %get3A_772 = tpu.vector_load %get3A_769[%get3A_770, %get3A_771] {strides = array<i32>} : memref<352x128xf32, #tpu.memory_space<vmem>>, vector<1x16xf32>,
        %get3A_773 = vector.shape_cast %get3A_772 : vector<1x16xf32> to vector<16xf32>
        %mul3A_774 = arith.mulf %get3A_108, %get3A_773 : vector<16xf32>
        %get3A_775 = arith.constant 0 : i32
        %get3A_776 = arith.constant 0 : i32
        %get3A_777 = tpu.memref_slice %arg9[%scan3A_24, %get3A_775, %get3A_776] : memref<2x352x128xf32, #tpu.memory_space<vmem>> -> memref<1x352x128xf32, #tpu.memory_space<vmem>>
        %get3A_778 = tpu.memref_squeeze %get3A_777 : memref<1x352x128xf32, #tpu.memory_space<vmem>> -> memref<352x128xf32, #tpu.memory_space<vmem>>
        %get3A_779 = arith.index_cast %add3A_765 : i32 to index
        %get3A_780 = arith.constant 16 : index
        %get3A_781 = tpu.vector_load %get3A_778[%get3A_779, %get3A_780] {strides = array<i32>} : memref<352x128xf32, #tpu.memory_space<vmem>>, vector<1x16xf32>,
        %get3A_782 = vector.shape_cast %get3A_781 : vector<1x16xf32> to vector<16xf32>
        %mul3A_783 = arith.mulf %get3A_116, %get3A_782 : vector<16xf32>
        %add3A_784 = arith.addf %mul3A_774, %mul3A_783 : vector<16xf32>
        %get3A_785 = arith.constant 0 : i32
        %get3A_786 = arith.constant 0 : i32
        %get3A_787 = tpu.memref_slice %arg9[%scan3A_24, %get3A_785, %get3A_786] : memref<2x352x128xf32, #tpu.memory_space<vmem>> -> memref<1x352x128xf32, #tpu.memory_space<vmem>>
        %get3A_788 = tpu.memref_squeeze %get3A_787 : memref<1x352x128xf32, #tpu.memory_space<vmem>> -> memref<352x128xf32, #tpu.memory_space<vmem>>
        %get3A_789 = arith.index_cast %add3A_765 : i32 to index
        %get3A_790 = arith.constant 32 : index
        %get3A_791 = tpu.vector_load %get3A_788[%get3A_789, %get3A_790] {strides = array<i32>} : memref<352x128xf32, #tpu.memory_space<vmem>>, vector<1x16xf32>,
        %get3A_792 = vector.shape_cast %get3A_791 : vector<1x16xf32> to vector<16xf32>
        %mul3A_793 = arith.mulf %get3A_124, %get3A_792 : vector<16xf32>
        %add3A_794 = arith.addf %add3A_784, %mul3A_793 : vector<16xf32>
        %get3A_795 = arith.constant 0 : i32
        %get3A_796 = arith.constant 0 : i32
        %get3A_797 = tpu.memref_slice %arg9[%scan3A_24, %get3A_795, %get3A_796] : memref<2x352x128xf32, #tpu.memory_space<vmem>> -> memref<1x352x128xf32, #tpu.memory_space<vmem>>
        %get3A_798 = tpu.memref_squeeze %get3A_797 : memref<1x352x128xf32, #tpu.memory_space<vmem>> -> memref<352x128xf32, #tpu.memory_space<vmem>>
        %get3A_799 = arith.index_cast %add3A_765 : i32 to index
        %get3A_800 = arith.constant 48 : index
        %get3A_801 = tpu.vector_load %get3A_798[%get3A_799, %get3A_800] {strides = array<i32>} : memref<352x128xf32, #tpu.memory_space<vmem>>, vector<1x16xf32>,
        %get3A_802 = vector.shape_cast %get3A_801 : vector<1x16xf32> to vector<16xf32>
        %mul3A_803 = arith.mulf %get3A_132, %get3A_802 : vector<16xf32>
        %add3A_804 = arith.addf %add3A_794, %mul3A_803 : vector<16xf32>
        %get3A_805 = arith.constant 0 : i32
        %get3A_806 = arith.constant 0 : i32
        %get3A_807 = tpu.memref_slice %arg9[%scan3A_24, %get3A_805, %get3A_806] : memref<2x352x128xf32, #tpu.memory_space<vmem>> -> memref<1x352x128xf32, #tpu.memory_space<vmem>>
        %get3A_808 = tpu.memref_squeeze %get3A_807 : memref<1x352x128xf32, #tpu.memory_space<vmem>> -> memref<352x128xf32, #tpu.memory_space<vmem>>
        %get3A_809 = arith.index_cast %add3A_765 : i32 to index
        %get3A_810 = arith.constant 64 : index
        %get3A_811 = tpu.vector_load %get3A_808[%get3A_809, %get3A_810] {strides = array<i32>} : memref<352x128xf32, #tpu.memory_space<vmem>>, vector<1x16xf32>,
        %get3A_812 = vector.shape_cast %get3A_811 : vector<1x16xf32> to vector<16xf32>
        %mul3A_813 = arith.mulf %get3A_140, %get3A_812 : vector<16xf32>
        %add3A_814 = arith.addf %add3A_804, %mul3A_813 : vector<16xf32>
        %get3A_815 = arith.constant 0 : i32
        %get3A_816 = arith.constant 0 : i32
        %get3A_817 = tpu.memref_slice %arg9[%scan3A_24, %get3A_815, %get3A_816] : memref<2x352x128xf32, #tpu.memory_space<vmem>> -> memref<1x352x128xf32, #tpu.memory_space<vmem>>
        %get3A_818 = tpu.memref_squeeze %get3A_817 : memref<1x352x128xf32, #tpu.memory_space<vmem>> -> memref<352x128xf32, #tpu.memory_space<vmem>>
        %get3A_819 = arith.index_cast %add3A_765 : i32 to index
        %get3A_820 = arith.constant 80 : index
        %get3A_821 = tpu.vector_load %get3A_818[%get3A_819, %get3A_820] {strides = array<i32>} : memref<352x128xf32, #tpu.memory_space<vmem>>, vector<1x16xf32>,
        %get3A_822 = vector.shape_cast %get3A_821 : vector<1x16xf32> to vector<16xf32>
        %mul3A_823 = arith.mulf %get3A_148, %get3A_822 : vector<16xf32>
        %add3A_824 = arith.addf %add3A_814, %mul3A_823 : vector<16xf32>
        %get3A_825 = arith.constant 0 : i32
        %get3A_826 = arith.constant 0 : i32
        %get3A_827 = tpu.memref_slice %arg9[%scan3A_24, %get3A_825, %get3A_826] : memref<2x352x128xf32, #tpu.memory_space<vmem>> -> memref<1x352x128xf32, #tpu.memory_space<vmem>>
        %get3A_828 = tpu.memref_squeeze %get3A_827 : memref<1x352x128xf32, #tpu.memory_space<vmem>> -> memref<352x128xf32, #tpu.memory_space<vmem>>
        %get3A_829 = arith.index_cast %add3A_765 : i32 to index
        %get3A_830 = arith.constant 96 : index
        %get3A_831 = tpu.vector_load %get3A_828[%get3A_829, %get3A_830] {strides = array<i32>} : memref<352x128xf32, #tpu.memory_space<vmem>>, vector<1x16xf32>,
        %get3A_832 = vector.shape_cast %get3A_831 : vector<1x16xf32> to vector<16xf32>
        %mul3A_833 = arith.mulf %get3A_156, %get3A_832 : vector<16xf32>
        %add3A_834 = arith.addf %add3A_824, %mul3A_833 : vector<16xf32>
        %get3A_835 = arith.constant 0 : i32
        %get3A_836 = arith.constant 0 : i32
        %get3A_837 = tpu.memref_slice %arg9[%scan3A_24, %get3A_835, %get3A_836] : memref<2x352x128xf32, #tpu.memory_space<vmem>> -> memref<1x352x128xf32, #tpu.memory_space<vmem>>
        %get3A_838 = tpu.memref_squeeze %get3A_837 : memref<1x352x128xf32, #tpu.memory_space<vmem>> -> memref<352x128xf32, #tpu.memory_space<vmem>>
        %get3A_839 = arith.index_cast %add3A_765 : i32 to index
        %get3A_840 = arith.constant 112 : index
        %get3A_841 = tpu.vector_load %get3A_838[%get3A_839, %get3A_840] {strides = array<i32>} : memref<352x128xf32, #tpu.memory_space<vmem>>, vector<1x16xf32>,
        %get3A_842 = vector.shape_cast %get3A_841 : vector<1x16xf32> to vector<16xf32>
        %mul3A_843 = arith.mulf %get3A_164, %get3A_842 : vector<16xf32>
        %add3A_844 = arith.addf %add3A_834, %mul3A_843 : vector<16xf32>
        %mul3A_845 = arith.constant 20 : i32
        %mul3A_846 = arith.muli %scan3A_101, %mul3A_845 : i32
        %add3A_847 = arith.constant 32 : i32
        %add3A_848 = arith.addi %add3A_847, %mul3A_846 : i32
        %add3A_849 = arith.constant 8 : i32
        %add3A_850 = arith.addi %add3A_848, %add3A_849 : i32
        %get3A_851 = arith.constant 0 : i32
        %get3A_852 = arith.constant 0 : i32
        %get3A_853 = tpu.memref_slice %arg9[%scan3A_24, %get3A_851, %get3A_852] : memref<2x352x128xf32, #tpu.memory_space<vmem>> -> memref<1x352x128xf32, #tpu.memory_space<vmem>>
        %get3A_854 = tpu.memref_squeeze %get3A_853 : memref<1x352x128xf32, #tpu.memory_space<vmem>> -> memref<352x128xf32, #tpu.memory_space<vmem>>
        %get3A_855 = arith.index_cast %add3A_850 : i32 to index
        %get3A_856 = arith.constant 0 : index
        %get3A_857 = tpu.vector_load %get3A_854[%get3A_855, %get3A_856] {strides = array<i32>} : memref<352x128xf32, #tpu.memory_space<vmem>>, vector<1x16xf32>,
        %get3A_858 = vector.shape_cast %get3A_857 : vector<1x16xf32> to vector<16xf32>
        %mul3A_859 = arith.mulf %get3A_108, %get3A_858 : vector<16xf32>
        %get3A_860 = arith.constant 0 : i32
        %get3A_861 = arith.constant 0 : i32
        %get3A_862 = tpu.memref_slice %arg9[%scan3A_24, %get3A_860, %get3A_861] : memref<2x352x128xf32, #tpu.memory_space<vmem>> -> memref<1x352x128xf32, #tpu.memory_space<vmem>>
        %get3A_863 = tpu.memref_squeeze %get3A_862 : memref<1x352x128xf32, #tpu.memory_space<vmem>> -> memref<352x128xf32, #tpu.memory_space<vmem>>
        %get3A_864 = arith.index_cast %add3A_850 : i32 to index
        %get3A_865 = arith.constant 16 : index
        %get3A_866 = tpu.vector_load %get3A_863[%get3A_864, %get3A_865] {strides = array<i32>} : memref<352x128xf32, #tpu.memory_space<vmem>>, vector<1x16xf32>,
        %get3A_867 = vector.shape_cast %get3A_866 : vector<1x16xf32> to vector<16xf32>
        %mul3A_868 = arith.mulf %get3A_116, %get3A_867 : vector<16xf32>
        %add3A_869 = arith.addf %mul3A_859, %mul3A_868 : vector<16xf32>
        %get3A_870 = arith.constant 0 : i32
        %get3A_871 = arith.constant 0 : i32
        %get3A_872 = tpu.memref_slice %arg9[%scan3A_24, %get3A_870, %get3A_871] : memref<2x352x128xf32, #tpu.memory_space<vmem>> -> memref<1x352x128xf32, #tpu.memory_space<vmem>>
        %get3A_873 = tpu.memref_squeeze %get3A_872 : memref<1x352x128xf32, #tpu.memory_space<vmem>> -> memref<352x128xf32, #tpu.memory_space<vmem>>
        %get3A_874 = arith.index_cast %add3A_850 : i32 to index
        %get3A_875 = arith.constant 32 : index
        %get3A_876 = tpu.vector_load %get3A_873[%get3A_874, %get3A_875] {strides = array<i32>} : memref<352x128xf32, #tpu.memory_space<vmem>>, vector<1x16xf32>,
        %get3A_877 = vector.shape_cast %get3A_876 : vector<1x16xf32> to vector<16xf32>
        %mul3A_878 = arith.mulf %get3A_124, %get3A_877 : vector<16xf32>
        %add3A_879 = arith.addf %add3A_869, %mul3A_878 : vector<16xf32>
        %get3A_880 = arith.constant 0 : i32
        %get3A_881 = arith.constant 0 : i32
        %get3A_882 = tpu.memref_slice %arg9[%scan3A_24, %get3A_880, %get3A_881] : memref<2x352x128xf32, #tpu.memory_space<vmem>> -> memref<1x352x128xf32, #tpu.memory_space<vmem>>
        %get3A_883 = tpu.memref_squeeze %get3A_882 : memref<1x352x128xf32, #tpu.memory_space<vmem>> -> memref<352x128xf32, #tpu.memory_space<vmem>>
        %get3A_884 = arith.index_cast %add3A_850 : i32 to index
        %get3A_885 = arith.constant 48 : index
        %get3A_886 = tpu.vector_load %get3A_883[%get3A_884, %get3A_885] {strides = array<i32>} : memref<352x128xf32, #tpu.memory_space<vmem>>, vector<1x16xf32>,
        %get3A_887 = vector.shape_cast %get3A_886 : vector<1x16xf32> to vector<16xf32>
        %mul3A_888 = arith.mulf %get3A_132, %get3A_887 : vector<16xf32>
        %add3A_889 = arith.addf %add3A_879, %mul3A_888 : vector<16xf32>
        %get3A_890 = arith.constant 0 : i32
        %get3A_891 = arith.constant 0 : i32
        %get3A_892 = tpu.memref_slice %arg9[%scan3A_24, %get3A_890, %get3A_891] : memref<2x352x128xf32, #tpu.memory_space<vmem>> -> memref<1x352x128xf32, #tpu.memory_space<vmem>>
        %get3A_893 = tpu.memref_squeeze %get3A_892 : memref<1x352x128xf32, #tpu.memory_space<vmem>> -> memref<352x128xf32, #tpu.memory_space<vmem>>
        %get3A_894 = arith.index_cast %add3A_850 : i32 to index
        %get3A_895 = arith.constant 64 : index
        %get3A_896 = tpu.vector_load %get3A_893[%get3A_894, %get3A_895] {strides = array<i32>} : memref<352x128xf32, #tpu.memory_space<vmem>>, vector<1x16xf32>,
        %get3A_897 = vector.shape_cast %get3A_896 : vector<1x16xf32> to vector<16xf32>
        %mul3A_898 = arith.mulf %get3A_140, %get3A_897 : vector<16xf32>
        %add3A_899 = arith.addf %add3A_889, %mul3A_898 : vector<16xf32>
        %get3A_900 = arith.constant 0 : i32
        %get3A_901 = arith.constant 0 : i32
        %get3A_902 = tpu.memref_slice %arg9[%scan3A_24, %get3A_900, %get3A_901] : memref<2x352x128xf32, #tpu.memory_space<vmem>> -> memref<1x352x128xf32, #tpu.memory_space<vmem>>
        %get3A_903 = tpu.memref_squeeze %get3A_902 : memref<1x352x128xf32, #tpu.memory_space<vmem>> -> memref<352x128xf32, #tpu.memory_space<vmem>>
        %get3A_904 = arith.index_cast %add3A_850 : i32 to index
        %get3A_905 = arith.constant 80 : index
        %get3A_906 = tpu.vector_load %get3A_903[%get3A_904, %get3A_905] {strides = array<i32>} : memref<352x128xf32, #tpu.memory_space<vmem>>, vector<1x16xf32>,
        %get3A_907 = vector.shape_cast %get3A_906 : vector<1x16xf32> to vector<16xf32>
        %mul3A_908 = arith.mulf %get3A_148, %get3A_907 : vector<16xf32>
        %add3A_909 = arith.addf %add3A_899, %mul3A_908 : vector<16xf32>
        %get3A_910 = arith.constant 0 : i32
        %get3A_911 = arith.constant 0 : i32
        %get3A_912 = tpu.memref_slice %arg9[%scan3A_24, %get3A_910, %get3A_911] : memref<2x352x128xf32, #tpu.memory_space<vmem>> -> memref<1x352x128xf32, #tpu.memory_space<vmem>>
        %get3A_913 = tpu.memref_squeeze %get3A_912 : memref<1x352x128xf32, #tpu.memory_space<vmem>> -> memref<352x128xf32, #tpu.memory_space<vmem>>
        %get3A_914 = arith.index_cast %add3A_850 : i32 to index
        %get3A_915 = arith.constant 96 : index
        %get3A_916 = tpu.vector_load %get3A_913[%get3A_914, %get3A_915] {strides = array<i32>} : memref<352x128xf32, #tpu.memory_space<vmem>>, vector<1x16xf32>,
        %get3A_917 = vector.shape_cast %get3A_916 : vector<1x16xf32> to vector<16xf32>
        %mul3A_918 = arith.mulf %get3A_156, %get3A_917 : vector<16xf32>
        %add3A_919 = arith.addf %add3A_909, %mul3A_918 : vector<16xf32>
        %get3A_920 = arith.constant 0 : i32
        %get3A_921 = arith.constant 0 : i32
        %get3A_922 = tpu.memref_slice %arg9[%scan3A_24, %get3A_920, %get3A_921] : memref<2x352x128xf32, #tpu.memory_space<vmem>> -> memref<1x352x128xf32, #tpu.memory_space<vmem>>
        %get3A_923 = tpu.memref_squeeze %get3A_922 : memref<1x352x128xf32, #tpu.memory_space<vmem>> -> memref<352x128xf32, #tpu.memory_space<vmem>>
        %get3A_924 = arith.index_cast %add3A_850 : i32 to index
        %get3A_925 = arith.constant 112 : index
        %get3A_926 = tpu.vector_load %get3A_923[%get3A_924, %get3A_925] {strides = array<i32>} : memref<352x128xf32, #tpu.memory_space<vmem>>, vector<1x16xf32>,
        %get3A_927 = vector.shape_cast %get3A_926 : vector<1x16xf32> to vector<16xf32>
        %mul3A_928 = arith.mulf %get3A_164, %get3A_927 : vector<16xf32>
        %add3A_929 = arith.addf %add3A_919, %mul3A_928 : vector<16xf32>
        %mul3A_930 = arith.constant 20 : i32
        %mul3A_931 = arith.muli %scan3A_101, %mul3A_930 : i32
        %add3A_932 = arith.constant 32 : i32
        %add3A_933 = arith.addi %add3A_932, %mul3A_931 : i32
        %add3A_934 = arith.constant 9 : i32
        %add3A_935 = arith.addi %add3A_933, %add3A_934 : i32
        %get3A_936 = arith.constant 0 : i32
        %get3A_937 = arith.constant 0 : i32
        %get3A_938 = tpu.memref_slice %arg9[%scan3A_24, %get3A_936, %get3A_937] : memref<2x352x128xf32, #tpu.memory_space<vmem>> -> memref<1x352x128xf32, #tpu.memory_space<vmem>>
        %get3A_939 = tpu.memref_squeeze %get3A_938 : memref<1x352x128xf32, #tpu.memory_space<vmem>> -> memref<352x128xf32, #tpu.memory_space<vmem>>
        %get3A_940 = arith.index_cast %add3A_935 : i32 to index
        %get3A_941 = arith.constant 0 : index
        %get3A_942 = tpu.vector_load %get3A_939[%get3A_940, %get3A_941] {strides = array<i32>} : memref<352x128xf32, #tpu.memory_space<vmem>>, vector<1x16xf32>,
        %get3A_943 = vector.shape_cast %get3A_942 : vector<1x16xf32> to vector<16xf32>
        %mul3A_944 = arith.mulf %get3A_108, %get3A_943 : vector<16xf32>
        %get3A_945 = arith.constant 0 : i32
        %get3A_946 = arith.constant 0 : i32
        %get3A_947 = tpu.memref_slice %arg9[%scan3A_24, %get3A_945, %get3A_946] : memref<2x352x128xf32, #tpu.memory_space<vmem>> -> memref<1x352x128xf32, #tpu.memory_space<vmem>>
        %get3A_948 = tpu.memref_squeeze %get3A_947 : memref<1x352x128xf32, #tpu.memory_space<vmem>> -> memref<352x128xf32, #tpu.memory_space<vmem>>
        %get3A_949 = arith.index_cast %add3A_935 : i32 to index
        %get3A_950 = arith.constant 16 : index
        %get3A_951 = tpu.vector_load %get3A_948[%get3A_949, %get3A_950] {strides = array<i32>} : memref<352x128xf32, #tpu.memory_space<vmem>>, vector<1x16xf32>,
        %get3A_952 = vector.shape_cast %get3A_951 : vector<1x16xf32> to vector<16xf32>
        %mul3A_953 = arith.mulf %get3A_116, %get3A_952 : vector<16xf32>
        %add3A_954 = arith.addf %mul3A_944, %mul3A_953 : vector<16xf32>
        %get3A_955 = arith.constant 0 : i32
        %get3A_956 = arith.constant 0 : i32
        %get3A_957 = tpu.memref_slice %arg9[%scan3A_24, %get3A_955, %get3A_956] : memref<2x352x128xf32, #tpu.memory_space<vmem>> -> memref<1x352x128xf32, #tpu.memory_space<vmem>>
        %get3A_958 = tpu.memref_squeeze %get3A_957 : memref<1x352x128xf32, #tpu.memory_space<vmem>> -> memref<352x128xf32, #tpu.memory_space<vmem>>
        %get3A_959 = arith.index_cast %add3A_935 : i32 to index
        %get3A_960 = arith.constant 32 : index
        %get3A_961 = tpu.vector_load %get3A_958[%get3A_959, %get3A_960] {strides = array<i32>} : memref<352x128xf32, #tpu.memory_space<vmem>>, vector<1x16xf32>,
        %get3A_962 = vector.shape_cast %get3A_961 : vector<1x16xf32> to vector<16xf32>
        %mul3A_963 = arith.mulf %get3A_124, %get3A_962 : vector<16xf32>
        %add3A_964 = arith.addf %add3A_954, %mul3A_963 : vector<16xf32>
        %get3A_965 = arith.constant 0 : i32
        %get3A_966 = arith.constant 0 : i32
        %get3A_967 = tpu.memref_slice %arg9[%scan3A_24, %get3A_965, %get3A_966] : memref<2x352x128xf32, #tpu.memory_space<vmem>> -> memref<1x352x128xf32, #tpu.memory_space<vmem>>
        %get3A_968 = tpu.memref_squeeze %get3A_967 : memref<1x352x128xf32, #tpu.memory_space<vmem>> -> memref<352x128xf32, #tpu.memory_space<vmem>>
        %get3A_969 = arith.index_cast %add3A_935 : i32 to index
        %get3A_970 = arith.constant 48 : index
        %get3A_971 = tpu.vector_load %get3A_968[%get3A_969, %get3A_970] {strides = array<i32>} : memref<352x128xf32, #tpu.memory_space<vmem>>, vector<1x16xf32>,
        %get3A_972 = vector.shape_cast %get3A_971 : vector<1x16xf32> to vector<16xf32>
        %mul3A_973 = arith.mulf %get3A_132, %get3A_972 : vector<16xf32>
        %add3A_974 = arith.addf %add3A_964, %mul3A_973 : vector<16xf32>
        %get3A_975 = arith.constant 0 : i32
        %get3A_976 = arith.constant 0 : i32
        %get3A_977 = tpu.memref_slice %arg9[%scan3A_24, %get3A_975, %get3A_976] : memref<2x352x128xf32, #tpu.memory_space<vmem>> -> memref<1x352x128xf32, #tpu.memory_space<vmem>>
        %get3A_978 = tpu.memref_squeeze %get3A_977 : memref<1x352x128xf32, #tpu.memory_space<vmem>> -> memref<352x128xf32, #tpu.memory_space<vmem>>
        %get3A_979 = arith.index_cast %add3A_935 : i32 to index
        %get3A_980 = arith.constant 64 : index
        %get3A_981 = tpu.vector_load %get3A_978[%get3A_979, %get3A_980] {strides = array<i32>} : memref<352x128xf32, #tpu.memory_space<vmem>>, vector<1x16xf32>,
        %get3A_982 = vector.shape_cast %get3A_981 : vector<1x16xf32> to vector<16xf32>
        %mul3A_983 = arith.mulf %get3A_140, %get3A_982 : vector<16xf32>
        %add3A_984 = arith.addf %add3A_974, %mul3A_983 : vector<16xf32>
        %get3A_985 = arith.constant 0 : i32
        %get3A_986 = arith.constant 0 : i32
        %get3A_987 = tpu.memref_slice %arg9[%scan3A_24, %get3A_985, %get3A_986] : memref<2x352x128xf32, #tpu.memory_space<vmem>> -> memref<1x352x128xf32, #tpu.memory_space<vmem>>
        %get3A_988 = tpu.memref_squeeze %get3A_987 : memref<1x352x128xf32, #tpu.memory_space<vmem>> -> memref<352x128xf32, #tpu.memory_space<vmem>>
        %get3A_989 = arith.index_cast %add3A_935 : i32 to index
        %get3A_990 = arith.constant 80 : index
        %get3A_991 = tpu.vector_load %get3A_988[%get3A_989, %get3A_990] {strides = array<i32>} : memref<352x128xf32, #tpu.memory_space<vmem>>, vector<1x16xf32>,
        %get3A_992 = vector.shape_cast %get3A_991 : vector<1x16xf32> to vector<16xf32>
        %mul3A_993 = arith.mulf %get3A_148, %get3A_992 : vector<16xf32>
        %add3A_994 = arith.addf %add3A_984, %mul3A_993 : vector<16xf32>
        %get3A_995 = arith.constant 0 : i32
        %get3A_996 = arith.constant 0 : i32
        %get3A_997 = tpu.memref_slice %arg9[%scan3A_24, %get3A_995, %get3A_996] : memref<2x352x128xf32, #tpu.memory_space<vmem>> -> memref<1x352x128xf32, #tpu.memory_space<vmem>>
        %get3A_998 = tpu.memref_squeeze %get3A_997 : memref<1x352x128xf32, #tpu.memory_space<vmem>> -> memref<352x128xf32, #tpu.memory_space<vmem>>
        %get3A_999 = arith.index_cast %add3A_935 : i32 to index
        %get3A_1000 = arith.constant 96 : index
        %get3A_1001 = tpu.vector_load %get3A_998[%get3A_999, %get3A_1000] {strides = array<i32>} : memref<352x128xf32, #tpu.memory_space<vmem>>, vector<1x16xf32>,
        %get3A_1002 = vector.shape_cast %get3A_1001 : vector<1x16xf32> to vector<16xf32>
        %mul3A_1003 = arith.mulf %get3A_156, %get3A_1002 : vector<16xf32>
        %add3A_1004 = arith.addf %add3A_994, %mul3A_1003 : vector<16xf32>
        %get3A_1005 = arith.constant 0 : i32
        %get3A_1006 = arith.constant 0 : i32
        %get3A_1007 = tpu.memref_slice %arg9[%scan3A_24, %get3A_1005, %get3A_1006] : memref<2x352x128xf32, #tpu.memory_space<vmem>> -> memref<1x352x128xf32, #tpu.memory_space<vmem>>
        %get3A_1008 = tpu.memref_squeeze %get3A_1007 : memref<1x352x128xf32, #tpu.memory_space<vmem>> -> memref<352x128xf32, #tpu.memory_space<vmem>>
        %get3A_1009 = arith.index_cast %add3A_935 : i32 to index
        %get3A_1010 = arith.constant 112 : index
        %get3A_1011 = tpu.vector_load %get3A_1008[%get3A_1009, %get3A_1010] {strides = array<i32>} : memref<352x128xf32, #tpu.memory_space<vmem>>, vector<1x16xf32>,
        %get3A_1012 = vector.shape_cast %get3A_1011 : vector<1x16xf32> to vector<16xf32>
        %mul3A_1013 = arith.mulf %get3A_164, %get3A_1012 : vector<16xf32>
        %add3A_1014 = arith.addf %add3A_1004, %mul3A_1013 : vector<16xf32>
        %mul3A_1015 = arith.constant 20 : i32
        %mul3A_1016 = arith.muli %scan3A_101, %mul3A_1015 : i32
        %add3A_1017 = arith.constant 32 : i32
        %add3A_1018 = arith.addi %add3A_1017, %mul3A_1016 : i32
        %add3A_1019 = arith.constant 10 : i32
        %add3A_1020 = arith.addi %add3A_1018, %add3A_1019 : i32
        %get3A_1021 = arith.constant 0 : i32
        %get3A_1022 = arith.constant 0 : i32
        %get3A_1023 = tpu.memref_slice %arg9[%scan3A_24, %get3A_1021, %get3A_1022] : memref<2x352x128xf32, #tpu.memory_space<vmem>> -> memref<1x352x128xf32, #tpu.memory_space<vmem>>
        %get3A_1024 = tpu.memref_squeeze %get3A_1023 : memref<1x352x128xf32, #tpu.memory_space<vmem>> -> memref<352x128xf32, #tpu.memory_space<vmem>>
        %get3A_1025 = arith.index_cast %add3A_1020 : i32 to index
        %get3A_1026 = arith.constant 0 : index
        %get3A_1027 = tpu.vector_load %get3A_1024[%get3A_1025, %get3A_1026] {strides = array<i32>} : memref<352x128xf32, #tpu.memory_space<vmem>>, vector<1x16xf32>,
        %get3A_1028 = vector.shape_cast %get3A_1027 : vector<1x16xf32> to vector<16xf32>
        %mul3A_1029 = arith.mulf %get3A_108, %get3A_1028 : vector<16xf32>
        %get3A_1030 = arith.constant 0 : i32
        %get3A_1031 = arith.constant 0 : i32
        %get3A_1032 = tpu.memref_slice %arg9[%scan3A_24, %get3A_1030, %get3A_1031] : memref<2x352x128xf32, #tpu.memory_space<vmem>> -> memref<1x352x128xf32, #tpu.memory_space<vmem>>
        %get3A_1033 = tpu.memref_squeeze %get3A_1032 : memref<1x352x128xf32, #tpu.memory_space<vmem>> -> memref<352x128xf32, #tpu.memory_space<vmem>>
        %get3A_1034 = arith.index_cast %add3A_1020 : i32 to index
        %get3A_1035 = arith.constant 16 : index
        %get3A_1036 = tpu.vector_load %get3A_1033[%get3A_1034, %get3A_1035] {strides = array<i32>} : memref<352x128xf32, #tpu.memory_space<vmem>>, vector<1x16xf32>,
        %get3A_1037 = vector.shape_cast %get3A_1036 : vector<1x16xf32> to vector<16xf32>
        %mul3A_1038 = arith.mulf %get3A_116, %get3A_1037 : vector<16xf32>
        %add3A_1039 = arith.addf %mul3A_1029, %mul3A_1038 : vector<16xf32>
        %get3A_1040 = arith.constant 0 : i32
        %get3A_1041 = arith.constant 0 : i32
        %get3A_1042 = tpu.memref_slice %arg9[%scan3A_24, %get3A_1040, %get3A_1041] : memref<2x352x128xf32, #tpu.memory_space<vmem>> -> memref<1x352x128xf32, #tpu.memory_space<vmem>>
        %get3A_1043 = tpu.memref_squeeze %get3A_1042 : memref<1x352x128xf32, #tpu.memory_space<vmem>> -> memref<352x128xf32, #tpu.memory_space<vmem>>
        %get3A_1044 = arith.index_cast %add3A_1020 : i32 to index
        %get3A_1045 = arith.constant 32 : index
        %get3A_1046 = tpu.vector_load %get3A_1043[%get3A_1044, %get3A_1045] {strides = array<i32>} : memref<352x128xf32, #tpu.memory_space<vmem>>, vector<1x16xf32>,
        %get3A_1047 = vector.shape_cast %get3A_1046 : vector<1x16xf32> to vector<16xf32>
        %mul3A_1048 = arith.mulf %get3A_124, %get3A_1047 : vector<16xf32>
        %add3A_1049 = arith.addf %add3A_1039, %mul3A_1048 : vector<16xf32>
        %get3A_1050 = arith.constant 0 : i32
        %get3A_1051 = arith.constant 0 : i32
        %get3A_1052 = tpu.memref_slice %arg9[%scan3A_24, %get3A_1050, %get3A_1051] : memref<2x352x128xf32, #tpu.memory_space<vmem>> -> memref<1x352x128xf32, #tpu.memory_space<vmem>>
        %get3A_1053 = tpu.memref_squeeze %get3A_1052 : memref<1x352x128xf32, #tpu.memory_space<vmem>> -> memref<352x128xf32, #tpu.memory_space<vmem>>
        %get3A_1054 = arith.index_cast %add3A_1020 : i32 to index
        %get3A_1055 = arith.constant 48 : index
        %get3A_1056 = tpu.vector_load %get3A_1053[%get3A_1054, %get3A_1055] {strides = array<i32>} : memref<352x128xf32, #tpu.memory_space<vmem>>, vector<1x16xf32>,
        %get3A_1057 = vector.shape_cast %get3A_1056 : vector<1x16xf32> to vector<16xf32>
        %mul3A_1058 = arith.mulf %get3A_132, %get3A_1057 : vector<16xf32>
        %add3A_1059 = arith.addf %add3A_1049, %mul3A_1058 : vector<16xf32>
        %get3A_1060 = arith.constant 0 : i32
        %get3A_1061 = arith.constant 0 : i32
        %get3A_1062 = tpu.memref_slice %arg9[%scan3A_24, %get3A_1060, %get3A_1061] : memref<2x352x128xf32, #tpu.memory_space<vmem>> -> memref<1x352x128xf32, #tpu.memory_space<vmem>>
        %get3A_1063 = tpu.memref_squeeze %get3A_1062 : memref<1x352x128xf32, #tpu.memory_space<vmem>> -> memref<352x128xf32, #tpu.memory_space<vmem>>
        %get3A_1064 = arith.index_cast %add3A_1020 : i32 to index
        %get3A_1065 = arith.constant 64 : index
        %get3A_1066 = tpu.vector_load %get3A_1063[%get3A_1064, %get3A_1065] {strides = array<i32>} : memref<352x128xf32, #tpu.memory_space<vmem>>, vector<1x16xf32>,
        %get3A_1067 = vector.shape_cast %get3A_1066 : vector<1x16xf32> to vector<16xf32>
        %mul3A_1068 = arith.mulf %get3A_140, %get3A_1067 : vector<16xf32>
        %add3A_1069 = arith.addf %add3A_1059, %mul3A_1068 : vector<16xf32>
        %get3A_1070 = arith.constant 0 : i32
        %get3A_1071 = arith.constant 0 : i32
        %get3A_1072 = tpu.memref_slice %arg9[%scan3A_24, %get3A_1070, %get3A_1071] : memref<2x352x128xf32, #tpu.memory_space<vmem>> -> memref<1x352x128xf32, #tpu.memory_space<vmem>>
        %get3A_1073 = tpu.memref_squeeze %get3A_1072 : memref<1x352x128xf32, #tpu.memory_space<vmem>> -> memref<352x128xf32, #tpu.memory_space<vmem>>
        %get3A_1074 = arith.index_cast %add3A_1020 : i32 to index
        %get3A_1075 = arith.constant 80 : index
        %get3A_1076 = tpu.vector_load %get3A_1073[%get3A_1074, %get3A_1075] {strides = array<i32>} : memref<352x128xf32, #tpu.memory_space<vmem>>, vector<1x16xf32>,
        %get3A_1077 = vector.shape_cast %get3A_1076 : vector<1x16xf32> to vector<16xf32>
        %mul3A_1078 = arith.mulf %get3A_148, %get3A_1077 : vector<16xf32>
        %add3A_1079 = arith.addf %add3A_1069, %mul3A_1078 : vector<16xf32>
        %get3A_1080 = arith.constant 0 : i32
        %get3A_1081 = arith.constant 0 : i32
        %get3A_1082 = tpu.memref_slice %arg9[%scan3A_24, %get3A_1080, %get3A_1081] : memref<2x352x128xf32, #tpu.memory_space<vmem>> -> memref<1x352x128xf32, #tpu.memory_space<vmem>>
        %get3A_1083 = tpu.memref_squeeze %get3A_1082 : memref<1x352x128xf32, #tpu.memory_space<vmem>> -> memref<352x128xf32, #tpu.memory_space<vmem>>
        %get3A_1084 = arith.index_cast %add3A_1020 : i32 to index
        %get3A_1085 = arith.constant 96 : index
        %get3A_1086 = tpu.vector_load %get3A_1083[%get3A_1084, %get3A_1085] {strides = array<i32>} : memref<352x128xf32, #tpu.memory_space<vmem>>, vector<1x16xf32>,
        %get3A_1087 = vector.shape_cast %get3A_1086 : vector<1x16xf32> to vector<16xf32>
        %mul3A_1088 = arith.mulf %get3A_156, %get3A_1087 : vector<16xf32>
        %add3A_1089 = arith.addf %add3A_1079, %mul3A_1088 : vector<16xf32>
        %get3A_1090 = arith.constant 0 : i32
        %get3A_1091 = arith.constant 0 : i32
        %get3A_1092 = tpu.memref_slice %arg9[%scan3A_24, %get3A_1090, %get3A_1091] : memref<2x352x128xf32, #tpu.memory_space<vmem>> -> memref<1x352x128xf32, #tpu.memory_space<vmem>>
        %get3A_1093 = tpu.memref_squeeze %get3A_1092 : memref<1x352x128xf32, #tpu.memory_space<vmem>> -> memref<352x128xf32, #tpu.memory_space<vmem>>
        %get3A_1094 = arith.index_cast %add3A_1020 : i32 to index
        %get3A_1095 = arith.constant 112 : index
        %get3A_1096 = tpu.vector_load %get3A_1093[%get3A_1094, %get3A_1095] {strides = array<i32>} : memref<352x128xf32, #tpu.memory_space<vmem>>, vector<1x16xf32>,
        %get3A_1097 = vector.shape_cast %get3A_1096 : vector<1x16xf32> to vector<16xf32>
        %mul3A_1098 = arith.mulf %get3A_164, %get3A_1097 : vector<16xf32>
        %add3A_1099 = arith.addf %add3A_1089, %mul3A_1098 : vector<16xf32>
        %mul3A_1100 = arith.constant 20 : i32
        %mul3A_1101 = arith.muli %scan3A_101, %mul3A_1100 : i32
        %add3A_1102 = arith.constant 32 : i32
        %add3A_1103 = arith.addi %add3A_1102, %mul3A_1101 : i32
        %add3A_1104 = arith.constant 11 : i32
        %add3A_1105 = arith.addi %add3A_1103, %add3A_1104 : i32
        %get3A_1106 = arith.constant 0 : i32
        %get3A_1107 = arith.constant 0 : i32
        %get3A_1108 = tpu.memref_slice %arg9[%scan3A_24, %get3A_1106, %get3A_1107] : memref<2x352x128xf32, #tpu.memory_space<vmem>> -> memref<1x352x128xf32, #tpu.memory_space<vmem>>
        %get3A_1109 = tpu.memref_squeeze %get3A_1108 : memref<1x352x128xf32, #tpu.memory_space<vmem>> -> memref<352x128xf32, #tpu.memory_space<vmem>>
        %get3A_1110 = arith.index_cast %add3A_1105 : i32 to index
        %get3A_1111 = arith.constant 0 : index
        %get3A_1112 = tpu.vector_load %get3A_1109[%get3A_1110, %get3A_1111] {strides = array<i32>} : memref<352x128xf32, #tpu.memory_space<vmem>>, vector<1x16xf32>,
        %get3A_1113 = vector.shape_cast %get3A_1112 : vector<1x16xf32> to vector<16xf32>
        %mul3A_1114 = arith.mulf %get3A_108, %get3A_1113 : vector<16xf32>
        %get3A_1115 = arith.constant 0 : i32
        %get3A_1116 = arith.constant 0 : i32
        %get3A_1117 = tpu.memref_slice %arg9[%scan3A_24, %get3A_1115, %get3A_1116] : memref<2x352x128xf32, #tpu.memory_space<vmem>> -> memref<1x352x128xf32, #tpu.memory_space<vmem>>
        %get3A_1118 = tpu.memref_squeeze %get3A_1117 : memref<1x352x128xf32, #tpu.memory_space<vmem>> -> memref<352x128xf32, #tpu.memory_space<vmem>>
        %get3A_1119 = arith.index_cast %add3A_1105 : i32 to index
        %get3A_1120 = arith.constant 16 : index
        %get3A_1121 = tpu.vector_load %get3A_1118[%get3A_1119, %get3A_1120] {strides = array<i32>} : memref<352x128xf32, #tpu.memory_space<vmem>>, vector<1x16xf32>,
        %get3A_1122 = vector.shape_cast %get3A_1121 : vector<1x16xf32> to vector<16xf32>
        %mul3A_1123 = arith.mulf %get3A_116, %get3A_1122 : vector<16xf32>
        %add3A_1124 = arith.addf %mul3A_1114, %mul3A_1123 : vector<16xf32>
        %get3A_1125 = arith.constant 0 : i32
        %get3A_1126 = arith.constant 0 : i32
        %get3A_1127 = tpu.memref_slice %arg9[%scan3A_24, %get3A_1125, %get3A_1126] : memref<2x352x128xf32, #tpu.memory_space<vmem>> -> memref<1x352x128xf32, #tpu.memory_space<vmem>>
        %get3A_1128 = tpu.memref_squeeze %get3A_1127 : memref<1x352x128xf32, #tpu.memory_space<vmem>> -> memref<352x128xf32, #tpu.memory_space<vmem>>
        %get3A_1129 = arith.index_cast %add3A_1105 : i32 to index
        %get3A_1130 = arith.constant 32 : index
        %get3A_1131 = tpu.vector_load %get3A_1128[%get3A_1129, %get3A_1130] {strides = array<i32>} : memref<352x128xf32, #tpu.memory_space<vmem>>, vector<1x16xf32>,
        %get3A_1132 = vector.shape_cast %get3A_1131 : vector<1x16xf32> to vector<16xf32>
        %mul3A_1133 = arith.mulf %get3A_124, %get3A_1132 : vector<16xf32>
        %add3A_1134 = arith.addf %add3A_1124, %mul3A_1133 : vector<16xf32>
        %get3A_1135 = arith.constant 0 : i32
        %get3A_1136 = arith.constant 0 : i32
        %get3A_1137 = tpu.memref_slice %arg9[%scan3A_24, %get3A_1135, %get3A_1136] : memref<2x352x128xf32, #tpu.memory_space<vmem>> -> memref<1x352x128xf32, #tpu.memory_space<vmem>>
        %get3A_1138 = tpu.memref_squeeze %get3A_1137 : memref<1x352x128xf32, #tpu.memory_space<vmem>> -> memref<352x128xf32, #tpu.memory_space<vmem>>
        %get3A_1139 = arith.index_cast %add3A_1105 : i32 to index
        %get3A_1140 = arith.constant 48 : index
        %get3A_1141 = tpu.vector_load %get3A_1138[%get3A_1139, %get3A_1140] {strides = array<i32>} : memref<352x128xf32, #tpu.memory_space<vmem>>, vector<1x16xf32>,
        %get3A_1142 = vector.shape_cast %get3A_1141 : vector<1x16xf32> to vector<16xf32>
        %mul3A_1143 = arith.mulf %get3A_132, %get3A_1142 : vector<16xf32>
        %add3A_1144 = arith.addf %add3A_1134, %mul3A_1143 : vector<16xf32>
        %get3A_1145 = arith.constant 0 : i32
        %get3A_1146 = arith.constant 0 : i32
        %get3A_1147 = tpu.memref_slice %arg9[%scan3A_24, %get3A_1145, %get3A_1146] : memref<2x352x128xf32, #tpu.memory_space<vmem>> -> memref<1x352x128xf32, #tpu.memory_space<vmem>>
        %get3A_1148 = tpu.memref_squeeze %get3A_1147 : memref<1x352x128xf32, #tpu.memory_space<vmem>> -> memref<352x128xf32, #tpu.memory_space<vmem>>
        %get3A_1149 = arith.index_cast %add3A_1105 : i32 to index
        %get3A_1150 = arith.constant 64 : index
        %get3A_1151 = tpu.vector_load %get3A_1148[%get3A_1149, %get3A_1150] {strides = array<i32>} : memref<352x128xf32, #tpu.memory_space<vmem>>, vector<1x16xf32>,
        %get3A_1152 = vector.shape_cast %get3A_1151 : vector<1x16xf32> to vector<16xf32>
        %mul3A_1153 = arith.mulf %get3A_140, %get3A_1152 : vector<16xf32>
        %add3A_1154 = arith.addf %add3A_1144, %mul3A_1153 : vector<16xf32>
        %get3A_1155 = arith.constant 0 : i32
        %get3A_1156 = arith.constant 0 : i32
        %get3A_1157 = tpu.memref_slice %arg9[%scan3A_24, %get3A_1155, %get3A_1156] : memref<2x352x128xf32, #tpu.memory_space<vmem>> -> memref<1x352x128xf32, #tpu.memory_space<vmem>>
        %get3A_1158 = tpu.memref_squeeze %get3A_1157 : memref<1x352x128xf32, #tpu.memory_space<vmem>> -> memref<352x128xf32, #tpu.memory_space<vmem>>
        %get3A_1159 = arith.index_cast %add3A_1105 : i32 to index
        %get3A_1160 = arith.constant 80 : index
        %get3A_1161 = tpu.vector_load %get3A_1158[%get3A_1159, %get3A_1160] {strides = array<i32>} : memref<352x128xf32, #tpu.memory_space<vmem>>, vector<1x16xf32>,
        %get3A_1162 = vector.shape_cast %get3A_1161 : vector<1x16xf32> to vector<16xf32>
        %mul3A_1163 = arith.mulf %get3A_148, %get3A_1162 : vector<16xf32>
        %add3A_1164 = arith.addf %add3A_1154, %mul3A_1163 : vector<16xf32>
        %get3A_1165 = arith.constant 0 : i32
        %get3A_1166 = arith.constant 0 : i32
        %get3A_1167 = tpu.memref_slice %arg9[%scan3A_24, %get3A_1165, %get3A_1166] : memref<2x352x128xf32, #tpu.memory_space<vmem>> -> memref<1x352x128xf32, #tpu.memory_space<vmem>>
        %get3A_1168 = tpu.memref_squeeze %get3A_1167 : memref<1x352x128xf32, #tpu.memory_space<vmem>> -> memref<352x128xf32, #tpu.memory_space<vmem>>
        %get3A_1169 = arith.index_cast %add3A_1105 : i32 to index
        %get3A_1170 = arith.constant 96 : index
        %get3A_1171 = tpu.vector_load %get3A_1168[%get3A_1169, %get3A_1170] {strides = array<i32>} : memref<352x128xf32, #tpu.memory_space<vmem>>, vector<1x16xf32>,
        %get3A_1172 = vector.shape_cast %get3A_1171 : vector<1x16xf32> to vector<16xf32>
        %mul3A_1173 = arith.mulf %get3A_156, %get3A_1172 : vector<16xf32>
        %add3A_1174 = arith.addf %add3A_1164, %mul3A_1173 : vector<16xf32>
        %get3A_1175 = arith.constant 0 : i32
        %get3A_1176 = arith.constant 0 : i32
        %get3A_1177 = tpu.memref_slice %arg9[%scan3A_24, %get3A_1175, %get3A_1176] : memref<2x352x128xf32, #tpu.memory_space<vmem>> -> memref<1x352x128xf32, #tpu.memory_space<vmem>>
        %get3A_1178 = tpu.memref_squeeze %get3A_1177 : memref<1x352x128xf32, #tpu.memory_space<vmem>> -> memref<352x128xf32, #tpu.memory_space<vmem>>
        %get3A_1179 = arith.index_cast %add3A_1105 : i32 to index
        %get3A_1180 = arith.constant 112 : index
        %get3A_1181 = tpu.vector_load %get3A_1178[%get3A_1179, %get3A_1180] {strides = array<i32>} : memref<352x128xf32, #tpu.memory_space<vmem>>, vector<1x16xf32>,
        %get3A_1182 = vector.shape_cast %get3A_1181 : vector<1x16xf32> to vector<16xf32>
        %mul3A_1183 = arith.mulf %get3A_164, %get3A_1182 : vector<16xf32>
        %add3A_1184 = arith.addf %add3A_1174, %mul3A_1183 : vector<16xf32>
        %mul3A_1185 = arith.constant 20 : i32
        %mul3A_1186 = arith.muli %scan3A_101, %mul3A_1185 : i32
        %add3A_1187 = arith.constant 32 : i32
        %add3A_1188 = arith.addi %add3A_1187, %mul3A_1186 : i32
        %add3A_1189 = arith.constant 12 : i32
        %add3A_1190 = arith.addi %add3A_1188, %add3A_1189 : i32
        %get3A_1191 = arith.constant 0 : i32
        %get3A_1192 = arith.constant 0 : i32
        %get3A_1193 = tpu.memref_slice %arg9[%scan3A_24, %get3A_1191, %get3A_1192] : memref<2x352x128xf32, #tpu.memory_space<vmem>> -> memref<1x352x128xf32, #tpu.memory_space<vmem>>
        %get3A_1194 = tpu.memref_squeeze %get3A_1193 : memref<1x352x128xf32, #tpu.memory_space<vmem>> -> memref<352x128xf32, #tpu.memory_space<vmem>>
        %get3A_1195 = arith.index_cast %add3A_1190 : i32 to index
        %get3A_1196 = arith.constant 0 : index
        %get3A_1197 = tpu.vector_load %get3A_1194[%get3A_1195, %get3A_1196] {strides = array<i32>} : memref<352x128xf32, #tpu.memory_space<vmem>>, vector<1x16xf32>,
        %get3A_1198 = vector.shape_cast %get3A_1197 : vector<1x16xf32> to vector<16xf32>
        %mul3A_1199 = arith.mulf %get3A_108, %get3A_1198 : vector<16xf32>
        %get3A_1200 = arith.constant 0 : i32
        %get3A_1201 = arith.constant 0 : i32
        %get3A_1202 = tpu.memref_slice %arg9[%scan3A_24, %get3A_1200, %get3A_1201] : memref<2x352x128xf32, #tpu.memory_space<vmem>> -> memref<1x352x128xf32, #tpu.memory_space<vmem>>
        %get3A_1203 = tpu.memref_squeeze %get3A_1202 : memref<1x352x128xf32, #tpu.memory_space<vmem>> -> memref<352x128xf32, #tpu.memory_space<vmem>>
        %get3A_1204 = arith.index_cast %add3A_1190 : i32 to index
        %get3A_1205 = arith.constant 16 : index
        %get3A_1206 = tpu.vector_load %get3A_1203[%get3A_1204, %get3A_1205] {strides = array<i32>} : memref<352x128xf32, #tpu.memory_space<vmem>>, vector<1x16xf32>,
        %get3A_1207 = vector.shape_cast %get3A_1206 : vector<1x16xf32> to vector<16xf32>
        %mul3A_1208 = arith.mulf %get3A_116, %get3A_1207 : vector<16xf32>
        %add3A_1209 = arith.addf %mul3A_1199, %mul3A_1208 : vector<16xf32>
        %get3A_1210 = arith.constant 0 : i32
        %get3A_1211 = arith.constant 0 : i32
        %get3A_1212 = tpu.memref_slice %arg9[%scan3A_24, %get3A_1210, %get3A_1211] : memref<2x352x128xf32, #tpu.memory_space<vmem>> -> memref<1x352x128xf32, #tpu.memory_space<vmem>>
        %get3A_1213 = tpu.memref_squeeze %get3A_1212 : memref<1x352x128xf32, #tpu.memory_space<vmem>> -> memref<352x128xf32, #tpu.memory_space<vmem>>
        %get3A_1214 = arith.index_cast %add3A_1190 : i32 to index
        %get3A_1215 = arith.constant 32 : index
        %get3A_1216 = tpu.vector_load %get3A_1213[%get3A_1214, %get3A_1215] {strides = array<i32>} : memref<352x128xf32, #tpu.memory_space<vmem>>, vector<1x16xf32>,
        %get3A_1217 = vector.shape_cast %get3A_1216 : vector<1x16xf32> to vector<16xf32>
        %mul3A_1218 = arith.mulf %get3A_124, %get3A_1217 : vector<16xf32>
        %add3A_1219 = arith.addf %add3A_1209, %mul3A_1218 : vector<16xf32>
        %get3A_1220 = arith.constant 0 : i32
        %get3A_1221 = arith.constant 0 : i32
        %get3A_1222 = tpu.memref_slice %arg9[%scan3A_24, %get3A_1220, %get3A_1221] : memref<2x352x128xf32, #tpu.memory_space<vmem>> -> memref<1x352x128xf32, #tpu.memory_space<vmem>>
        %get3A_1223 = tpu.memref_squeeze %get3A_1222 : memref<1x352x128xf32, #tpu.memory_space<vmem>> -> memref<352x128xf32, #tpu.memory_space<vmem>>
        %get3A_1224 = arith.index_cast %add3A_1190 : i32 to index
        %get3A_1225 = arith.constant 48 : index
        %get3A_1226 = tpu.vector_load %get3A_1223[%get3A_1224, %get3A_1225] {strides = array<i32>} : memref<352x128xf32, #tpu.memory_space<vmem>>, vector<1x16xf32>,
        %get3A_1227 = vector.shape_cast %get3A_1226 : vector<1x16xf32> to vector<16xf32>
        %mul3A_1228 = arith.mulf %get3A_132, %get3A_1227 : vector<16xf32>
        %add3A_1229 = arith.addf %add3A_1219, %mul3A_1228 : vector<16xf32>
        %get3A_1230 = arith.constant 0 : i32
        %get3A_1231 = arith.constant 0 : i32
        %get3A_1232 = tpu.memref_slice %arg9[%scan3A_24, %get3A_1230, %get3A_1231] : memref<2x352x128xf32, #tpu.memory_space<vmem>> -> memref<1x352x128xf32, #tpu.memory_space<vmem>>
        %get3A_1233 = tpu.memref_squeeze %get3A_1232 : memref<1x352x128xf32, #tpu.memory_space<vmem>> -> memref<352x128xf32, #tpu.memory_space<vmem>>
        %get3A_1234 = arith.index_cast %add3A_1190 : i32 to index
        %get3A_1235 = arith.constant 64 : index
        %get3A_1236 = tpu.vector_load %get3A_1233[%get3A_1234, %get3A_1235] {strides = array<i32>} : memref<352x128xf32, #tpu.memory_space<vmem>>, vector<1x16xf32>,
        %get3A_1237 = vector.shape_cast %get3A_1236 : vector<1x16xf32> to vector<16xf32>
        %mul3A_1238 = arith.mulf %get3A_140, %get3A_1237 : vector<16xf32>
        %add3A_1239 = arith.addf %add3A_1229, %mul3A_1238 : vector<16xf32>
        %get3A_1240 = arith.constant 0 : i32
        %get3A_1241 = arith.constant 0 : i32
        %get3A_1242 = tpu.memref_slice %arg9[%scan3A_24, %get3A_1240, %get3A_1241] : memref<2x352x128xf32, #tpu.memory_space<vmem>> -> memref<1x352x128xf32, #tpu.memory_space<vmem>>
        %get3A_1243 = tpu.memref_squeeze %get3A_1242 : memref<1x352x128xf32, #tpu.memory_space<vmem>> -> memref<352x128xf32, #tpu.memory_space<vmem>>
        %get3A_1244 = arith.index_cast %add3A_1190 : i32 to index
        %get3A_1245 = arith.constant 80 : index
        %get3A_1246 = tpu.vector_load %get3A_1243[%get3A_1244, %get3A_1245] {strides = array<i32>} : memref<352x128xf32, #tpu.memory_space<vmem>>, vector<1x16xf32>,
        %get3A_1247 = vector.shape_cast %get3A_1246 : vector<1x16xf32> to vector<16xf32>
        %mul3A_1248 = arith.mulf %get3A_148, %get3A_1247 : vector<16xf32>
        %add3A_1249 = arith.addf %add3A_1239, %mul3A_1248 : vector<16xf32>
        %get3A_1250 = arith.constant 0 : i32
        %get3A_1251 = arith.constant 0 : i32
        %get3A_1252 = tpu.memref_slice %arg9[%scan3A_24, %get3A_1250, %get3A_1251] : memref<2x352x128xf32, #tpu.memory_space<vmem>> -> memref<1x352x128xf32, #tpu.memory_space<vmem>>
        %get3A_1253 = tpu.memref_squeeze %get3A_1252 : memref<1x352x128xf32, #tpu.memory_space<vmem>> -> memref<352x128xf32, #tpu.memory_space<vmem>>
        %get3A_1254 = arith.index_cast %add3A_1190 : i32 to index
        %get3A_1255 = arith.constant 96 : index
        %get3A_1256 = tpu.vector_load %get3A_1253[%get3A_1254, %get3A_1255] {strides = array<i32>} : memref<352x128xf32, #tpu.memory_space<vmem>>, vector<1x16xf32>,
        %get3A_1257 = vector.shape_cast %get3A_1256 : vector<1x16xf32> to vector<16xf32>
        %mul3A_1258 = arith.mulf %get3A_156, %get3A_1257 : vector<16xf32>
        %add3A_1259 = arith.addf %add3A_1249, %mul3A_1258 : vector<16xf32>
        %get3A_1260 = arith.constant 0 : i32
        %get3A_1261 = arith.constant 0 : i32
        %get3A_1262 = tpu.memref_slice %arg9[%scan3A_24, %get3A_1260, %get3A_1261] : memref<2x352x128xf32, #tpu.memory_space<vmem>> -> memref<1x352x128xf32, #tpu.memory_space<vmem>>
        %get3A_1263 = tpu.memref_squeeze %get3A_1262 : memref<1x352x128xf32, #tpu.memory_space<vmem>> -> memref<352x128xf32, #tpu.memory_space<vmem>>
        %get3A_1264 = arith.index_cast %add3A_1190 : i32 to index
        %get3A_1265 = arith.constant 112 : index
        %get3A_1266 = tpu.vector_load %get3A_1263[%get3A_1264, %get3A_1265] {strides = array<i32>} : memref<352x128xf32, #tpu.memory_space<vmem>>, vector<1x16xf32>,
        %get3A_1267 = vector.shape_cast %get3A_1266 : vector<1x16xf32> to vector<16xf32>
        %mul3A_1268 = arith.mulf %get3A_164, %get3A_1267 : vector<16xf32>
        %add3A_1269 = arith.addf %add3A_1259, %mul3A_1268 : vector<16xf32>
        %mul3A_1270 = arith.constant 20 : i32
        %mul3A_1271 = arith.muli %scan3A_101, %mul3A_1270 : i32
        %add3A_1272 = arith.constant 32 : i32
        %add3A_1273 = arith.addi %add3A_1272, %mul3A_1271 : i32
        %add3A_1274 = arith.constant 13 : i32
        %add3A_1275 = arith.addi %add3A_1273, %add3A_1274 : i32
        %get3A_1276 = arith.constant 0 : i32
        %get3A_1277 = arith.constant 0 : i32
        %get3A_1278 = tpu.memref_slice %arg9[%scan3A_24, %get3A_1276, %get3A_1277] : memref<2x352x128xf32, #tpu.memory_space<vmem>> -> memref<1x352x128xf32, #tpu.memory_space<vmem>>
        %get3A_1279 = tpu.memref_squeeze %get3A_1278 : memref<1x352x128xf32, #tpu.memory_space<vmem>> -> memref<352x128xf32, #tpu.memory_space<vmem>>
        %get3A_1280 = arith.index_cast %add3A_1275 : i32 to index
        %get3A_1281 = arith.constant 0 : index
        %get3A_1282 = tpu.vector_load %get3A_1279[%get3A_1280, %get3A_1281] {strides = array<i32>} : memref<352x128xf32, #tpu.memory_space<vmem>>, vector<1x16xf32>,
        %get3A_1283 = vector.shape_cast %get3A_1282 : vector<1x16xf32> to vector<16xf32>
        %mul3A_1284 = arith.mulf %get3A_108, %get3A_1283 : vector<16xf32>
        %get3A_1285 = arith.constant 0 : i32
        %get3A_1286 = arith.constant 0 : i32
        %get3A_1287 = tpu.memref_slice %arg9[%scan3A_24, %get3A_1285, %get3A_1286] : memref<2x352x128xf32, #tpu.memory_space<vmem>> -> memref<1x352x128xf32, #tpu.memory_space<vmem>>
        %get3A_1288 = tpu.memref_squeeze %get3A_1287 : memref<1x352x128xf32, #tpu.memory_space<vmem>> -> memref<352x128xf32, #tpu.memory_space<vmem>>
        %get3A_1289 = arith.index_cast %add3A_1275 : i32 to index
        %get3A_1290 = arith.constant 16 : index
        %get3A_1291 = tpu.vector_load %get3A_1288[%get3A_1289, %get3A_1290] {strides = array<i32>} : memref<352x128xf32, #tpu.memory_space<vmem>>, vector<1x16xf32>,
        %get3A_1292 = vector.shape_cast %get3A_1291 : vector<1x16xf32> to vector<16xf32>
        %mul3A_1293 = arith.mulf %get3A_116, %get3A_1292 : vector<16xf32>
        %add3A_1294 = arith.addf %mul3A_1284, %mul3A_1293 : vector<16xf32>
        %get3A_1295 = arith.constant 0 : i32
        %get3A_1296 = arith.constant 0 : i32
        %get3A_1297 = tpu.memref_slice %arg9[%scan3A_24, %get3A_1295, %get3A_1296] : memref<2x352x128xf32, #tpu.memory_space<vmem>> -> memref<1x352x128xf32, #tpu.memory_space<vmem>>
        %get3A_1298 = tpu.memref_squeeze %get3A_1297 : memref<1x352x128xf32, #tpu.memory_space<vmem>> -> memref<352x128xf32, #tpu.memory_space<vmem>>
        %get3A_1299 = arith.index_cast %add3A_1275 : i32 to index
        %get3A_1300 = arith.constant 32 : index
        %get3A_1301 = tpu.vector_load %get3A_1298[%get3A_1299, %get3A_1300] {strides = array<i32>} : memref<352x128xf32, #tpu.memory_space<vmem>>, vector<1x16xf32>,
        %get3A_1302 = vector.shape_cast %get3A_1301 : vector<1x16xf32> to vector<16xf32>
        %mul3A_1303 = arith.mulf %get3A_124, %get3A_1302 : vector<16xf32>
        %add3A_1304 = arith.addf %add3A_1294, %mul3A_1303 : vector<16xf32>
        %get3A_1305 = arith.constant 0 : i32
        %get3A_1306 = arith.constant 0 : i32
        %get3A_1307 = tpu.memref_slice %arg9[%scan3A_24, %get3A_1305, %get3A_1306] : memref<2x352x128xf32, #tpu.memory_space<vmem>> -> memref<1x352x128xf32, #tpu.memory_space<vmem>>
        %get3A_1308 = tpu.memref_squeeze %get3A_1307 : memref<1x352x128xf32, #tpu.memory_space<vmem>> -> memref<352x128xf32, #tpu.memory_space<vmem>>
        %get3A_1309 = arith.index_cast %add3A_1275 : i32 to index
        %get3A_1310 = arith.constant 48 : index
        %get3A_1311 = tpu.vector_load %get3A_1308[%get3A_1309, %get3A_1310] {strides = array<i32>} : memref<352x128xf32, #tpu.memory_space<vmem>>, vector<1x16xf32>,
        %get3A_1312 = vector.shape_cast %get3A_1311 : vector<1x16xf32> to vector<16xf32>
        %mul3A_1313 = arith.mulf %get3A_132, %get3A_1312 : vector<16xf32>
        %add3A_1314 = arith.addf %add3A_1304, %mul3A_1313 : vector<16xf32>
        %get3A_1315 = arith.constant 0 : i32
        %get3A_1316 = arith.constant 0 : i32
        %get3A_1317 = tpu.memref_slice %arg9[%scan3A_24, %get3A_1315, %get3A_1316] : memref<2x352x128xf32, #tpu.memory_space<vmem>> -> memref<1x352x128xf32, #tpu.memory_space<vmem>>
        %get3A_1318 = tpu.memref_squeeze %get3A_1317 : memref<1x352x128xf32, #tpu.memory_space<vmem>> -> memref<352x128xf32, #tpu.memory_space<vmem>>
        %get3A_1319 = arith.index_cast %add3A_1275 : i32 to index
        %get3A_1320 = arith.constant 64 : index
        %get3A_1321 = tpu.vector_load %get3A_1318[%get3A_1319, %get3A_1320] {strides = array<i32>} : memref<352x128xf32, #tpu.memory_space<vmem>>, vector<1x16xf32>,
        %get3A_1322 = vector.shape_cast %get3A_1321 : vector<1x16xf32> to vector<16xf32>
        %mul3A_1323 = arith.mulf %get3A_140, %get3A_1322 : vector<16xf32>
        %add3A_1324 = arith.addf %add3A_1314, %mul3A_1323 : vector<16xf32>
        %get3A_1325 = arith.constant 0 : i32
        %get3A_1326 = arith.constant 0 : i32
        %get3A_1327 = tpu.memref_slice %arg9[%scan3A_24, %get3A_1325, %get3A_1326] : memref<2x352x128xf32, #tpu.memory_space<vmem>> -> memref<1x352x128xf32, #tpu.memory_space<vmem>>
        %get3A_1328 = tpu.memref_squeeze %get3A_1327 : memref<1x352x128xf32, #tpu.memory_space<vmem>> -> memref<352x128xf32, #tpu.memory_space<vmem>>
        %get3A_1329 = arith.index_cast %add3A_1275 : i32 to index
        %get3A_1330 = arith.constant 80 : index
        %get3A_1331 = tpu.vector_load %get3A_1328[%get3A_1329, %get3A_1330] {strides = array<i32>} : memref<352x128xf32, #tpu.memory_space<vmem>>, vector<1x16xf32>,
        %get3A_1332 = vector.shape_cast %get3A_1331 : vector<1x16xf32> to vector<16xf32>
        %mul3A_1333 = arith.mulf %get3A_148, %get3A_1332 : vector<16xf32>
        %add3A_1334 = arith.addf %add3A_1324, %mul3A_1333 : vector<16xf32>
        %get3A_1335 = arith.constant 0 : i32
        %get3A_1336 = arith.constant 0 : i32
        %get3A_1337 = tpu.memref_slice %arg9[%scan3A_24, %get3A_1335, %get3A_1336] : memref<2x352x128xf32, #tpu.memory_space<vmem>> -> memref<1x352x128xf32, #tpu.memory_space<vmem>>
        %get3A_1338 = tpu.memref_squeeze %get3A_1337 : memref<1x352x128xf32, #tpu.memory_space<vmem>> -> memref<352x128xf32, #tpu.memory_space<vmem>>
        %get3A_1339 = arith.index_cast %add3A_1275 : i32 to index
        %get3A_1340 = arith.constant 96 : index
        %get3A_1341 = tpu.vector_load %get3A_1338[%get3A_1339, %get3A_1340] {strides = array<i32>} : memref<352x128xf32, #tpu.memory_space<vmem>>, vector<1x16xf32>,
        %get3A_1342 = vector.shape_cast %get3A_1341 : vector<1x16xf32> to vector<16xf32>
        %mul3A_1343 = arith.mulf %get3A_156, %get3A_1342 : vector<16xf32>
        %add3A_1344 = arith.addf %add3A_1334, %mul3A_1343 : vector<16xf32>
        %get3A_1345 = arith.constant 0 : i32
        %get3A_1346 = arith.constant 0 : i32
        %get3A_1347 = tpu.memref_slice %arg9[%scan3A_24, %get3A_1345, %get3A_1346] : memref<2x352x128xf32, #tpu.memory_space<vmem>> -> memref<1x352x128xf32, #tpu.memory_space<vmem>>
        %get3A_1348 = tpu.memref_squeeze %get3A_1347 : memref<1x352x128xf32, #tpu.memory_space<vmem>> -> memref<352x128xf32, #tpu.memory_space<vmem>>
        %get3A_1349 = arith.index_cast %add3A_1275 : i32 to index
        %get3A_1350 = arith.constant 112 : index
        %get3A_1351 = tpu.vector_load %get3A_1348[%get3A_1349, %get3A_1350] {strides = array<i32>} : memref<352x128xf32, #tpu.memory_space<vmem>>, vector<1x16xf32>,
        %get3A_1352 = vector.shape_cast %get3A_1351 : vector<1x16xf32> to vector<16xf32>
        %mul3A_1353 = arith.mulf %get3A_164, %get3A_1352 : vector<16xf32>
        %add3A_1354 = arith.addf %add3A_1344, %mul3A_1353 : vector<16xf32>
        %mul3A_1355 = arith.constant 20 : i32
        %mul3A_1356 = arith.muli %scan3A_101, %mul3A_1355 : i32
        %add3A_1357 = arith.constant 32 : i32
        %add3A_1358 = arith.addi %add3A_1357, %mul3A_1356 : i32
        %add3A_1359 = arith.constant 14 : i32
        %add3A_1360 = arith.addi %add3A_1358, %add3A_1359 : i32
        %get3A_1361 = arith.constant 0 : i32
        %get3A_1362 = arith.constant 0 : i32
        %get3A_1363 = tpu.memref_slice %arg9[%scan3A_24, %get3A_1361, %get3A_1362] : memref<2x352x128xf32, #tpu.memory_space<vmem>> -> memref<1x352x128xf32, #tpu.memory_space<vmem>>
        %get3A_1364 = tpu.memref_squeeze %get3A_1363 : memref<1x352x128xf32, #tpu.memory_space<vmem>> -> memref<352x128xf32, #tpu.memory_space<vmem>>
        %get3A_1365 = arith.index_cast %add3A_1360 : i32 to index
        %get3A_1366 = arith.constant 0 : index
        %get3A_1367 = tpu.vector_load %get3A_1364[%get3A_1365, %get3A_1366] {strides = array<i32>} : memref<352x128xf32, #tpu.memory_space<vmem>>, vector<1x16xf32>,
        %get3A_1368 = vector.shape_cast %get3A_1367 : vector<1x16xf32> to vector<16xf32>
        %mul3A_1369 = arith.mulf %get3A_108, %get3A_1368 : vector<16xf32>
        %get3A_1370 = arith.constant 0 : i32
        %get3A_1371 = arith.constant 0 : i32
        %get3A_1372 = tpu.memref_slice %arg9[%scan3A_24, %get3A_1370, %get3A_1371] : memref<2x352x128xf32, #tpu.memory_space<vmem>> -> memref<1x352x128xf32, #tpu.memory_space<vmem>>
        %get3A_1373 = tpu.memref_squeeze %get3A_1372 : memref<1x352x128xf32, #tpu.memory_space<vmem>> -> memref<352x128xf32, #tpu.memory_space<vmem>>
        %get3A_1374 = arith.index_cast %add3A_1360 : i32 to index
        %get3A_1375 = arith.constant 16 : index
        %get3A_1376 = tpu.vector_load %get3A_1373[%get3A_1374, %get3A_1375] {strides = array<i32>} : memref<352x128xf32, #tpu.memory_space<vmem>>, vector<1x16xf32>,
        %get3A_1377 = vector.shape_cast %get3A_1376 : vector<1x16xf32> to vector<16xf32>
        %mul3A_1378 = arith.mulf %get3A_116, %get3A_1377 : vector<16xf32>
        %add3A_1379 = arith.addf %mul3A_1369, %mul3A_1378 : vector<16xf32>
        %get3A_1380 = arith.constant 0 : i32
        %get3A_1381 = arith.constant 0 : i32
        %get3A_1382 = tpu.memref_slice %arg9[%scan3A_24, %get3A_1380, %get3A_1381] : memref<2x352x128xf32, #tpu.memory_space<vmem>> -> memref<1x352x128xf32, #tpu.memory_space<vmem>>
        %get3A_1383 = tpu.memref_squeeze %get3A_1382 : memref<1x352x128xf32, #tpu.memory_space<vmem>> -> memref<352x128xf32, #tpu.memory_space<vmem>>
        %get3A_1384 = arith.index_cast %add3A_1360 : i32 to index
        %get3A_1385 = arith.constant 32 : index
        %get3A_1386 = tpu.vector_load %get3A_1383[%get3A_1384, %get3A_1385] {strides = array<i32>} : memref<352x128xf32, #tpu.memory_space<vmem>>, vector<1x16xf32>,
        %get3A_1387 = vector.shape_cast %get3A_1386 : vector<1x16xf32> to vector<16xf32>
        %mul3A_1388 = arith.mulf %get3A_124, %get3A_1387 : vector<16xf32>
        %add3A_1389 = arith.addf %add3A_1379, %mul3A_1388 : vector<16xf32>
        %get3A_1390 = arith.constant 0 : i32
        %get3A_1391 = arith.constant 0 : i32
        %get3A_1392 = tpu.memref_slice %arg9[%scan3A_24, %get3A_1390, %get3A_1391] : memref<2x352x128xf32, #tpu.memory_space<vmem>> -> memref<1x352x128xf32, #tpu.memory_space<vmem>>
        %get3A_1393 = tpu.memref_squeeze %get3A_1392 : memref<1x352x128xf32, #tpu.memory_space<vmem>> -> memref<352x128xf32, #tpu.memory_space<vmem>>
        %get3A_1394 = arith.index_cast %add3A_1360 : i32 to index
        %get3A_1395 = arith.constant 48 : index
        %get3A_1396 = tpu.vector_load %get3A_1393[%get3A_1394, %get3A_1395] {strides = array<i32>} : memref<352x128xf32, #tpu.memory_space<vmem>>, vector<1x16xf32>,
        %get3A_1397 = vector.shape_cast %get3A_1396 : vector<1x16xf32> to vector<16xf32>
        %mul3A_1398 = arith.mulf %get3A_132, %get3A_1397 : vector<16xf32>
        %add3A_1399 = arith.addf %add3A_1389, %mul3A_1398 : vector<16xf32>
        %get3A_1400 = arith.constant 0 : i32
        %get3A_1401 = arith.constant 0 : i32
        %get3A_1402 = tpu.memref_slice %arg9[%scan3A_24, %get3A_1400, %get3A_1401] : memref<2x352x128xf32, #tpu.memory_space<vmem>> -> memref<1x352x128xf32, #tpu.memory_space<vmem>>
        %get3A_1403 = tpu.memref_squeeze %get3A_1402 : memref<1x352x128xf32, #tpu.memory_space<vmem>> -> memref<352x128xf32, #tpu.memory_space<vmem>>
        %get3A_1404 = arith.index_cast %add3A_1360 : i32 to index
        %get3A_1405 = arith.constant 64 : index
        %get3A_1406 = tpu.vector_load %get3A_1403[%get3A_1404, %get3A_1405] {strides = array<i32>} : memref<352x128xf32, #tpu.memory_space<vmem>>, vector<1x16xf32>,
        %get3A_1407 = vector.shape_cast %get3A_1406 : vector<1x16xf32> to vector<16xf32>
        %mul3A_1408 = arith.mulf %get3A_140, %get3A_1407 : vector<16xf32>
        %add3A_1409 = arith.addf %add3A_1399, %mul3A_1408 : vector<16xf32>
        %get3A_1410 = arith.constant 0 : i32
        %get3A_1411 = arith.constant 0 : i32
        %get3A_1412 = tpu.memref_slice %arg9[%scan3A_24, %get3A_1410, %get3A_1411] : memref<2x352x128xf32, #tpu.memory_space<vmem>> -> memref<1x352x128xf32, #tpu.memory_space<vmem>>
        %get3A_1413 = tpu.memref_squeeze %get3A_1412 : memref<1x352x128xf32, #tpu.memory_space<vmem>> -> memref<352x128xf32, #tpu.memory_space<vmem>>
        %get3A_1414 = arith.index_cast %add3A_1360 : i32 to index
        %get3A_1415 = arith.constant 80 : index
        %get3A_1416 = tpu.vector_load %get3A_1413[%get3A_1414, %get3A_1415] {strides = array<i32>} : memref<352x128xf32, #tpu.memory_space<vmem>>, vector<1x16xf32>,
        %get3A_1417 = vector.shape_cast %get3A_1416 : vector<1x16xf32> to vector<16xf32>
        %mul3A_1418 = arith.mulf %get3A_148, %get3A_1417 : vector<16xf32>
        %add3A_1419 = arith.addf %add3A_1409, %mul3A_1418 : vector<16xf32>
        %get3A_1420 = arith.constant 0 : i32
        %get3A_1421 = arith.constant 0 : i32
        %get3A_1422 = tpu.memref_slice %arg9[%scan3A_24, %get3A_1420, %get3A_1421] : memref<2x352x128xf32, #tpu.memory_space<vmem>> -> memref<1x352x128xf32, #tpu.memory_space<vmem>>
        %get3A_1423 = tpu.memref_squeeze %get3A_1422 : memref<1x352x128xf32, #tpu.memory_space<vmem>> -> memref<352x128xf32, #tpu.memory_space<vmem>>
        %get3A_1424 = arith.index_cast %add3A_1360 : i32 to index
        %get3A_1425 = arith.constant 96 : index
        %get3A_1426 = tpu.vector_load %get3A_1423[%get3A_1424, %get3A_1425] {strides = array<i32>} : memref<352x128xf32, #tpu.memory_space<vmem>>, vector<1x16xf32>,
        %get3A_1427 = vector.shape_cast %get3A_1426 : vector<1x16xf32> to vector<16xf32>
        %mul3A_1428 = arith.mulf %get3A_156, %get3A_1427 : vector<16xf32>
        %add3A_1429 = arith.addf %add3A_1419, %mul3A_1428 : vector<16xf32>
        %get3A_1430 = arith.constant 0 : i32
        %get3A_1431 = arith.constant 0 : i32
        %get3A_1432 = tpu.memref_slice %arg9[%scan3A_24, %get3A_1430, %get3A_1431] : memref<2x352x128xf32, #tpu.memory_space<vmem>> -> memref<1x352x128xf32, #tpu.memory_space<vmem>>
        %get3A_1433 = tpu.memref_squeeze %get3A_1432 : memref<1x352x128xf32, #tpu.memory_space<vmem>> -> memref<352x128xf32, #tpu.memory_space<vmem>>
        %get3A_1434 = arith.index_cast %add3A_1360 : i32 to index
        %get3A_1435 = arith.constant 112 : index
        %get3A_1436 = tpu.vector_load %get3A_1433[%get3A_1434, %get3A_1435] {strides = array<i32>} : memref<352x128xf32, #tpu.memory_space<vmem>>, vector<1x16xf32>,
        %get3A_1437 = vector.shape_cast %get3A_1436 : vector<1x16xf32> to vector<16xf32>
        %mul3A_1438 = arith.mulf %get3A_164, %get3A_1437 : vector<16xf32>
        %add3A_1439 = arith.addf %add3A_1429, %mul3A_1438 : vector<16xf32>
        %mul3A_1440 = arith.constant 20 : i32
        %mul3A_1441 = arith.muli %scan3A_101, %mul3A_1440 : i32
        %add3A_1442 = arith.constant 32 : i32
        %add3A_1443 = arith.addi %add3A_1442, %mul3A_1441 : i32
        %add3A_1444 = arith.constant 15 : i32
        %add3A_1445 = arith.addi %add3A_1443, %add3A_1444 : i32
        %get3A_1446 = arith.constant 0 : i32
        %get3A_1447 = arith.constant 0 : i32
        %get3A_1448 = tpu.memref_slice %arg9[%scan3A_24, %get3A_1446, %get3A_1447] : memref<2x352x128xf32, #tpu.memory_space<vmem>> -> memref<1x352x128xf32, #tpu.memory_space<vmem>>
        %get3A_1449 = tpu.memref_squeeze %get3A_1448 : memref<1x352x128xf32, #tpu.memory_space<vmem>> -> memref<352x128xf32, #tpu.memory_space<vmem>>
        %get3A_1450 = arith.index_cast %add3A_1445 : i32 to index
        %get3A_1451 = arith.constant 0 : index
        %get3A_1452 = tpu.vector_load %get3A_1449[%get3A_1450, %get3A_1451] {strides = array<i32>} : memref<352x128xf32, #tpu.memory_space<vmem>>, vector<1x16xf32>,
        %get3A_1453 = vector.shape_cast %get3A_1452 : vector<1x16xf32> to vector<16xf32>
        %mul3A_1454 = arith.mulf %get3A_108, %get3A_1453 : vector<16xf32>
        %get3A_1455 = arith.constant 0 : i32
        %get3A_1456 = arith.constant 0 : i32
        %get3A_1457 = tpu.memref_slice %arg9[%scan3A_24, %get3A_1455, %get3A_1456] : memref<2x352x128xf32, #tpu.memory_space<vmem>> -> memref<1x352x128xf32, #tpu.memory_space<vmem>>
        %get3A_1458 = tpu.memref_squeeze %get3A_1457 : memref<1x352x128xf32, #tpu.memory_space<vmem>> -> memref<352x128xf32, #tpu.memory_space<vmem>>
        %get3A_1459 = arith.index_cast %add3A_1445 : i32 to index
        %get3A_1460 = arith.constant 16 : index
        %get3A_1461 = tpu.vector_load %get3A_1458[%get3A_1459, %get3A_1460] {strides = array<i32>} : memref<352x128xf32, #tpu.memory_space<vmem>>, vector<1x16xf32>,
        %get3A_1462 = vector.shape_cast %get3A_1461 : vector<1x16xf32> to vector<16xf32>
        %mul3A_1463 = arith.mulf %get3A_116, %get3A_1462 : vector<16xf32>
        %add3A_1464 = arith.addf %mul3A_1454, %mul3A_1463 : vector<16xf32>
        %get3A_1465 = arith.constant 0 : i32
        %get3A_1466 = arith.constant 0 : i32
        %get3A_1467 = tpu.memref_slice %arg9[%scan3A_24, %get3A_1465, %get3A_1466] : memref<2x352x128xf32, #tpu.memory_space<vmem>> -> memref<1x352x128xf32, #tpu.memory_space<vmem>>
        %get3A_1468 = tpu.memref_squeeze %get3A_1467 : memref<1x352x128xf32, #tpu.memory_space<vmem>> -> memref<352x128xf32, #tpu.memory_space<vmem>>
        %get3A_1469 = arith.index_cast %add3A_1445 : i32 to index
        %get3A_1470 = arith.constant 32 : index
        %get3A_1471 = tpu.vector_load %get3A_1468[%get3A_1469, %get3A_1470] {strides = array<i32>} : memref<352x128xf32, #tpu.memory_space<vmem>>, vector<1x16xf32>,
        %get3A_1472 = vector.shape_cast %get3A_1471 : vector<1x16xf32> to vector<16xf32>
        %mul3A_1473 = arith.mulf %get3A_124, %get3A_1472 : vector<16xf32>
        %add3A_1474 = arith.addf %add3A_1464, %mul3A_1473 : vector<16xf32>
        %get3A_1475 = arith.constant 0 : i32
        %get3A_1476 = arith.constant 0 : i32
        %get3A_1477 = tpu.memref_slice %arg9[%scan3A_24, %get3A_1475, %get3A_1476] : memref<2x352x128xf32, #tpu.memory_space<vmem>> -> memref<1x352x128xf32, #tpu.memory_space<vmem>>
        %get3A_1478 = tpu.memref_squeeze %get3A_1477 : memref<1x352x128xf32, #tpu.memory_space<vmem>> -> memref<352x128xf32, #tpu.memory_space<vmem>>
        %get3A_1479 = arith.index_cast %add3A_1445 : i32 to index
        %get3A_1480 = arith.constant 48 : index
        %get3A_1481 = tpu.vector_load %get3A_1478[%get3A_1479, %get3A_1480] {strides = array<i32>} : memref<352x128xf32, #tpu.memory_space<vmem>>, vector<1x16xf32>,
        %get3A_1482 = vector.shape_cast %get3A_1481 : vector<1x16xf32> to vector<16xf32>
        %mul3A_1483 = arith.mulf %get3A_132, %get3A_1482 : vector<16xf32>
        %add3A_1484 = arith.addf %add3A_1474, %mul3A_1483 : vector<16xf32>
        %get3A_1485 = arith.constant 0 : i32
        %get3A_1486 = arith.constant 0 : i32
        %get3A_1487 = tpu.memref_slice %arg9[%scan3A_24, %get3A_1485, %get3A_1486] : memref<2x352x128xf32, #tpu.memory_space<vmem>> -> memref<1x352x128xf32, #tpu.memory_space<vmem>>
        %get3A_1488 = tpu.memref_squeeze %get3A_1487 : memref<1x352x128xf32, #tpu.memory_space<vmem>> -> memref<352x128xf32, #tpu.memory_space<vmem>>
        %get3A_1489 = arith.index_cast %add3A_1445 : i32 to index
        %get3A_1490 = arith.constant 64 : index
        %get3A_1491 = tpu.vector_load %get3A_1488[%get3A_1489, %get3A_1490] {strides = array<i32>} : memref<352x128xf32, #tpu.memory_space<vmem>>, vector<1x16xf32>,
        %get3A_1492 = vector.shape_cast %get3A_1491 : vector<1x16xf32> to vector<16xf32>
        %mul3A_1493 = arith.mulf %get3A_140, %get3A_1492 : vector<16xf32>
        %add3A_1494 = arith.addf %add3A_1484, %mul3A_1493 : vector<16xf32>
        %get3A_1495 = arith.constant 0 : i32
        %get3A_1496 = arith.constant 0 : i32
        %get3A_1497 = tpu.memref_slice %arg9[%scan3A_24, %get3A_1495, %get3A_1496] : memref<2x352x128xf32, #tpu.memory_space<vmem>> -> memref<1x352x128xf32, #tpu.memory_space<vmem>>
        %get3A_1498 = tpu.memref_squeeze %get3A_1497 : memref<1x352x128xf32, #tpu.memory_space<vmem>> -> memref<352x128xf32, #tpu.memory_space<vmem>>
        %get3A_1499 = arith.index_cast %add3A_1445 : i32 to index
        %get3A_1500 = arith.constant 80 : index
        %get3A_1501 = tpu.vector_load %get3A_1498[%get3A_1499, %get3A_1500] {strides = array<i32>} : memref<352x128xf32, #tpu.memory_space<vmem>>, vector<1x16xf32>,
        %get3A_1502 = vector.shape_cast %get3A_1501 : vector<1x16xf32> to vector<16xf32>
        %mul3A_1503 = arith.mulf %get3A_148, %get3A_1502 : vector<16xf32>
        %add3A_1504 = arith.addf %add3A_1494, %mul3A_1503 : vector<16xf32>
        %get3A_1505 = arith.constant 0 : i32
        %get3A_1506 = arith.constant 0 : i32
        %get3A_1507 = tpu.memref_slice %arg9[%scan3A_24, %get3A_1505, %get3A_1506] : memref<2x352x128xf32, #tpu.memory_space<vmem>> -> memref<1x352x128xf32, #tpu.memory_space<vmem>>
        %get3A_1508 = tpu.memref_squeeze %get3A_1507 : memref<1x352x128xf32, #tpu.memory_space<vmem>> -> memref<352x128xf32, #tpu.memory_space<vmem>>
        %get3A_1509 = arith.index_cast %add3A_1445 : i32 to index
        %get3A_1510 = arith.constant 96 : index
        %get3A_1511 = tpu.vector_load %get3A_1508[%get3A_1509, %get3A_1510] {strides = array<i32>} : memref<352x128xf32, #tpu.memory_space<vmem>>, vector<1x16xf32>,
        %get3A_1512 = vector.shape_cast %get3A_1511 : vector<1x16xf32> to vector<16xf32>
        %mul3A_1513 = arith.mulf %get3A_156, %get3A_1512 : vector<16xf32>
        %add3A_1514 = arith.addf %add3A_1504, %mul3A_1513 : vector<16xf32>
        %get3A_1515 = arith.constant 0 : i32
        %get3A_1516 = arith.constant 0 : i32
        %get3A_1517 = tpu.memref_slice %arg9[%scan3A_24, %get3A_1515, %get3A_1516] : memref<2x352x128xf32, #tpu.memory_space<vmem>> -> memref<1x352x128xf32, #tpu.memory_space<vmem>>
        %get3A_1518 = tpu.memref_squeeze %get3A_1517 : memref<1x352x128xf32, #tpu.memory_space<vmem>> -> memref<352x128xf32, #tpu.memory_space<vmem>>
        %get3A_1519 = arith.index_cast %add3A_1445 : i32 to index
        %get3A_1520 = arith.constant 112 : index
        %get3A_1521 = tpu.vector_load %get3A_1518[%get3A_1519, %get3A_1520] {strides = array<i32>} : memref<352x128xf32, #tpu.memory_space<vmem>>, vector<1x16xf32>,
        %get3A_1522 = vector.shape_cast %get3A_1521 : vector<1x16xf32> to vector<16xf32>
        %mul3A_1523 = arith.mulf %get3A_164, %get3A_1522 : vector<16xf32>
        %add3A_1524 = arith.addf %add3A_1514, %mul3A_1523 : vector<16xf32>
        %and3A = arith.constant 8 : i32
        %and3A_1525 = vector.broadcast %and3A : i32 to vector<16xi32>
        %and3A_1526 = arith.andi %iota3A, %and3A_1525 : vector<16xi32>
        %eq3A = arith.constant 0 : i32
        %eq3A_1527 = vector.broadcast %eq3A : i32 to vector<16xi32>
        %eq3A_1528 = arith.cmpi eq, %and3A_1526, %eq3A_1527 : vector<16xi32>
        %xor3A = arith.constant 8 : i32
        %xor3A_1529 = vector.broadcast %xor3A : i32 to vector<16xi32>
        %xor3A_1530 = arith.xori %iota3A, %xor3A_1529 : vector<16xi32>
        %broadcast_in_dim3A_1531 = vector.shape_cast %xor3A_1530 : vector<16xi32> to vector<16x1xi32>
        %gather3A = vector.shape_cast %broadcast_in_dim3A_1531 : vector<16x1xi32> to vector<16xi32>
        %gather3A_1532 = tpu.dynamic_gather %add3A_249[%gather3A] in [0] : vector<16xf32>, vector<16xi32> -> vector<16xf32>
        %add3A_1533 = arith.addf %add3A_249, %gather3A_1532 : vector<16xf32>
        %xor3A_1534 = arith.constant 8 : i32
        %xor3A_1535 = vector.broadcast %xor3A_1534 : i32 to vector<16xi32>
        %xor3A_1536 = arith.xori %iota3A, %xor3A_1535 : vector<16xi32>
        %broadcast_in_dim3A_1537 = vector.shape_cast %xor3A_1536 : vector<16xi32> to vector<16x1xi32>
        %gather3A_1538 = vector.shape_cast %broadcast_in_dim3A_1537 : vector<16x1xi32> to vector<16xi32>
        %gather3A_1539 = tpu.dynamic_gather %add3A_929[%gather3A_1538] in [0] : vector<16xf32>, vector<16xi32> -> vector<16xf32>
        %add3A_1540 = arith.addf %add3A_929, %gather3A_1539 : vector<16xf32>
        %select_n3A = arith.select %eq3A_1528, %add3A_1533, %add3A_1540 : vector<16xi1>, vector<16xf32>
        %xor3A_1541 = arith.constant 8 : i32
        %xor3A_1542 = vector.broadcast %xor3A_1541 : i32 to vector<16xi32>
        %xor3A_1543 = arith.xori %iota3A, %xor3A_1542 : vector<16xi32>
        %broadcast_in_dim3A_1544 = vector.shape_cast %xor3A_1543 : vector<16xi32> to vector<16x1xi32>
        %gather3A_1545 = vector.shape_cast %broadcast_in_dim3A_1544 : vector<16x1xi32> to vector<16xi32>
        %gather3A_1546 = tpu.dynamic_gather %add3A_589[%gather3A_1545] in [0] : vector<16xf32>, vector<16xi32> -> vector<16xf32>
        %add3A_1547 = arith.addf %add3A_589, %gather3A_1546 : vector<16xf32>
        %xor3A_1548 = arith.constant 8 : i32
        %xor3A_1549 = vector.broadcast %xor3A_1548 : i32 to vector<16xi32>
        %xor3A_1550 = arith.xori %iota3A, %xor3A_1549 : vector<16xi32>
        %broadcast_in_dim3A_1551 = vector.shape_cast %xor3A_1550 : vector<16xi32> to vector<16x1xi32>
        %gather3A_1552 = vector.shape_cast %broadcast_in_dim3A_1551 : vector<16x1xi32> to vector<16xi32>
        %gather3A_1553 = tpu.dynamic_gather %add3A_1269[%gather3A_1552] in [0] : vector<16xf32>, vector<16xi32> -> vector<16xf32>
        %add3A_1554 = arith.addf %add3A_1269, %gather3A_1553 : vector<16xf32>
        %select_n3A_1555 = arith.select %eq3A_1528, %add3A_1547, %add3A_1554 : vector<16xi1>, vector<16xf32>
        %xor3A_1556 = arith.constant 8 : i32
        %xor3A_1557 = vector.broadcast %xor3A_1556 : i32 to vector<16xi32>
        %xor3A_1558 = arith.xori %iota3A, %xor3A_1557 : vector<16xi32>
        %broadcast_in_dim3A_1559 = vector.shape_cast %xor3A_1558 : vector<16xi32> to vector<16x1xi32>
        %gather3A_1560 = vector.shape_cast %broadcast_in_dim3A_1559 : vector<16x1xi32> to vector<16xi32>
        %gather3A_1561 = tpu.dynamic_gather %add3A_419[%gather3A_1560] in [0] : vector<16xf32>, vector<16xi32> -> vector<16xf32>
        %add3A_1562 = arith.addf %add3A_419, %gather3A_1561 : vector<16xf32>
        %xor3A_1563 = arith.constant 8 : i32
        %xor3A_1564 = vector.broadcast %xor3A_1563 : i32 to vector<16xi32>
        %xor3A_1565 = arith.xori %iota3A, %xor3A_1564 : vector<16xi32>
        %broadcast_in_dim3A_1566 = vector.shape_cast %xor3A_1565 : vector<16xi32> to vector<16x1xi32>
        %gather3A_1567 = vector.shape_cast %broadcast_in_dim3A_1566 : vector<16x1xi32> to vector<16xi32>
        %gather3A_1568 = tpu.dynamic_gather %add3A_1099[%gather3A_1567] in [0] : vector<16xf32>, vector<16xi32> -> vector<16xf32>
        %add3A_1569 = arith.addf %add3A_1099, %gather3A_1568 : vector<16xf32>
        %select_n3A_1570 = arith.select %eq3A_1528, %add3A_1562, %add3A_1569 : vector<16xi1>, vector<16xf32>
        %xor3A_1571 = arith.constant 8 : i32
        %xor3A_1572 = vector.broadcast %xor3A_1571 : i32 to vector<16xi32>
        %xor3A_1573 = arith.xori %iota3A, %xor3A_1572 : vector<16xi32>
        %broadcast_in_dim3A_1574 = vector.shape_cast %xor3A_1573 : vector<16xi32> to vector<16x1xi32>
        %gather3A_1575 = vector.shape_cast %broadcast_in_dim3A_1574 : vector<16x1xi32> to vector<16xi32>
        %gather3A_1576 = tpu.dynamic_gather %add3A_759[%gather3A_1575] in [0] : vector<16xf32>, vector<16xi32> -> vector<16xf32>
        %add3A_1577 = arith.addf %add3A_759, %gather3A_1576 : vector<16xf32>
        %xor3A_1578 = arith.constant 8 : i32
        %xor3A_1579 = vector.broadcast %xor3A_1578 : i32 to vector<16xi32>
        %xor3A_1580 = arith.xori %iota3A, %xor3A_1579 : vector<16xi32>
        %broadcast_in_dim3A_1581 = vector.shape_cast %xor3A_1580 : vector<16xi32> to vector<16x1xi32>
        %gather3A_1582 = vector.shape_cast %broadcast_in_dim3A_1581 : vector<16x1xi32> to vector<16xi32>
        %gather3A_1583 = tpu.dynamic_gather %add3A_1439[%gather3A_1582] in [0] : vector<16xf32>, vector<16xi32> -> vector<16xf32>
        %add3A_1584 = arith.addf %add3A_1439, %gather3A_1583 : vector<16xf32>
        %select_n3A_1585 = arith.select %eq3A_1528, %add3A_1577, %add3A_1584 : vector<16xi1>, vector<16xf32>
        %xor3A_1586 = arith.constant 8 : i32
        %xor3A_1587 = vector.broadcast %xor3A_1586 : i32 to vector<16xi32>
        %xor3A_1588 = arith.xori %iota3A, %xor3A_1587 : vector<16xi32>
        %broadcast_in_dim3A_1589 = vector.shape_cast %xor3A_1588 : vector<16xi32> to vector<16x1xi32>
        %gather3A_1590 = vector.shape_cast %broadcast_in_dim3A_1589 : vector<16x1xi32> to vector<16xi32>
        %gather3A_1591 = tpu.dynamic_gather %add3A_334[%gather3A_1590] in [0] : vector<16xf32>, vector<16xi32> -> vector<16xf32>
        %add3A_1592 = arith.addf %add3A_334, %gather3A_1591 : vector<16xf32>
        %xor3A_1593 = arith.constant 8 : i32
        %xor3A_1594 = vector.broadcast %xor3A_1593 : i32 to vector<16xi32>
        %xor3A_1595 = arith.xori %iota3A, %xor3A_1594 : vector<16xi32>
        %broadcast_in_dim3A_1596 = vector.shape_cast %xor3A_1595 : vector<16xi32> to vector<16x1xi32>
        %gather3A_1597 = vector.shape_cast %broadcast_in_dim3A_1596 : vector<16x1xi32> to vector<16xi32>
        %gather3A_1598 = tpu.dynamic_gather %add3A_1014[%gather3A_1597] in [0] : vector<16xf32>, vector<16xi32> -> vector<16xf32>
        %add3A_1599 = arith.addf %add3A_1014, %gather3A_1598 : vector<16xf32>
        %select_n3A_1600 = arith.select %eq3A_1528, %add3A_1592, %add3A_1599 : vector<16xi1>, vector<16xf32>
        %xor3A_1601 = arith.constant 8 : i32
        %xor3A_1602 = vector.broadcast %xor3A_1601 : i32 to vector<16xi32>
        %xor3A_1603 = arith.xori %iota3A, %xor3A_1602 : vector<16xi32>
        %broadcast_in_dim3A_1604 = vector.shape_cast %xor3A_1603 : vector<16xi32> to vector<16x1xi32>
        %gather3A_1605 = vector.shape_cast %broadcast_in_dim3A_1604 : vector<16x1xi32> to vector<16xi32>
        %gather3A_1606 = tpu.dynamic_gather %add3A_674[%gather3A_1605] in [0] : vector<16xf32>, vector<16xi32> -> vector<16xf32>
        %add3A_1607 = arith.addf %add3A_674, %gather3A_1606 : vector<16xf32>
        %xor3A_1608 = arith.constant 8 : i32
        %xor3A_1609 = vector.broadcast %xor3A_1608 : i32 to vector<16xi32>
        %xor3A_1610 = arith.xori %iota3A, %xor3A_1609 : vector<16xi32>
        %broadcast_in_dim3A_1611 = vector.shape_cast %xor3A_1610 : vector<16xi32> to vector<16x1xi32>
        %gather3A_1612 = vector.shape_cast %broadcast_in_dim3A_1611 : vector<16x1xi32> to vector<16xi32>
        %gather3A_1613 = tpu.dynamic_gather %add3A_1354[%gather3A_1612] in [0] : vector<16xf32>, vector<16xi32> -> vector<16xf32>
        %add3A_1614 = arith.addf %add3A_1354, %gather3A_1613 : vector<16xf32>
        %select_n3A_1615 = arith.select %eq3A_1528, %add3A_1607, %add3A_1614 : vector<16xi1>, vector<16xf32>
        %xor3A_1616 = arith.constant 8 : i32
        %xor3A_1617 = vector.broadcast %xor3A_1616 : i32 to vector<16xi32>
        %xor3A_1618 = arith.xori %iota3A, %xor3A_1617 : vector<16xi32>
        %broadcast_in_dim3A_1619 = vector.shape_cast %xor3A_1618 : vector<16xi32> to vector<16x1xi32>
        %gather3A_1620 = vector.shape_cast %broadcast_in_dim3A_1619 : vector<16x1xi32> to vector<16xi32>
        %gather3A_1621 = tpu.dynamic_gather %add3A_504[%gather3A_1620] in [0] : vector<16xf32>, vector<16xi32> -> vector<16xf32>
        %add3A_1622 = arith.addf %add3A_504, %gather3A_1621 : vector<16xf32>
        %xor3A_1623 = arith.constant 8 : i32
        %xor3A_1624 = vector.broadcast %xor3A_1623 : i32 to vector<16xi32>
        %xor3A_1625 = arith.xori %iota3A, %xor3A_1624 : vector<16xi32>
        %broadcast_in_dim3A_1626 = vector.shape_cast %xor3A_1625 : vector<16xi32> to vector<16x1xi32>
        %gather3A_1627 = vector.shape_cast %broadcast_in_dim3A_1626 : vector<16x1xi32> to vector<16xi32>
        %gather3A_1628 = tpu.dynamic_gather %add3A_1184[%gather3A_1627] in [0] : vector<16xf32>, vector<16xi32> -> vector<16xf32>
        %add3A_1629 = arith.addf %add3A_1184, %gather3A_1628 : vector<16xf32>
        %select_n3A_1630 = arith.select %eq3A_1528, %add3A_1622, %add3A_1629 : vector<16xi1>, vector<16xf32>
        %xor3A_1631 = arith.constant 8 : i32
        %xor3A_1632 = vector.broadcast %xor3A_1631 : i32 to vector<16xi32>
        %xor3A_1633 = arith.xori %iota3A, %xor3A_1632 : vector<16xi32>
        %broadcast_in_dim3A_1634 = vector.shape_cast %xor3A_1633 : vector<16xi32> to vector<16x1xi32>
        %gather3A_1635 = vector.shape_cast %broadcast_in_dim3A_1634 : vector<16x1xi32> to vector<16xi32>
        %gather3A_1636 = tpu.dynamic_gather %add3A_844[%gather3A_1635] in [0] : vector<16xf32>, vector<16xi32> -> vector<16xf32>
        %add3A_1637 = arith.addf %add3A_844, %gather3A_1636 : vector<16xf32>
        %xor3A_1638 = arith.constant 8 : i32
        %xor3A_1639 = vector.broadcast %xor3A_1638 : i32 to vector<16xi32>
        %xor3A_1640 = arith.xori %iota3A, %xor3A_1639 : vector<16xi32>
        %broadcast_in_dim3A_1641 = vector.shape_cast %xor3A_1640 : vector<16xi32> to vector<16x1xi32>
        %gather3A_1642 = vector.shape_cast %broadcast_in_dim3A_1641 : vector<16x1xi32> to vector<16xi32>
        %gather3A_1643 = tpu.dynamic_gather %add3A_1524[%gather3A_1642] in [0] : vector<16xf32>, vector<16xi32> -> vector<16xf32>
        %add3A_1644 = arith.addf %add3A_1524, %gather3A_1643 : vector<16xf32>
        %select_n3A_1645 = arith.select %eq3A_1528, %add3A_1637, %add3A_1644 : vector<16xi1>, vector<16xf32>
        %and3A_1646 = arith.constant 4 : i32
        %and3A_1647 = vector.broadcast %and3A_1646 : i32 to vector<16xi32>
        %and3A_1648 = arith.andi %iota3A, %and3A_1647 : vector<16xi32>
        %eq3A_1649 = arith.constant 0 : i32
        %eq3A_1650 = vector.broadcast %eq3A_1649 : i32 to vector<16xi32>
        %eq3A_1651 = arith.cmpi eq, %and3A_1648, %eq3A_1650 : vector<16xi32>
        %xor3A_1652 = arith.constant 4 : i32
        %xor3A_1653 = vector.broadcast %xor3A_1652 : i32 to vector<16xi32>
        %xor3A_1654 = arith.xori %iota3A, %xor3A_1653 : vector<16xi32>
        %broadcast_in_dim3A_1655 = vector.shape_cast %xor3A_1654 : vector<16xi32> to vector<16x1xi32>
        %gather3A_1656 = vector.shape_cast %broadcast_in_dim3A_1655 : vector<16x1xi32> to vector<16xi32>
        %gather3A_1657 = tpu.dynamic_gather %select_n3A[%gather3A_1656] in [0] : vector<16xf32>, vector<16xi32> -> vector<16xf32>
        %add3A_1658 = arith.addf %select_n3A, %gather3A_1657 : vector<16xf32>
        %xor3A_1659 = arith.constant 4 : i32
        %xor3A_1660 = vector.broadcast %xor3A_1659 : i32 to vector<16xi32>
        %xor3A_1661 = arith.xori %iota3A, %xor3A_1660 : vector<16xi32>
        %broadcast_in_dim3A_1662 = vector.shape_cast %xor3A_1661 : vector<16xi32> to vector<16x1xi32>
        %gather3A_1663 = vector.shape_cast %broadcast_in_dim3A_1662 : vector<16x1xi32> to vector<16xi32>
        %gather3A_1664 = tpu.dynamic_gather %select_n3A_1555[%gather3A_1663] in [0] : vector<16xf32>, vector<16xi32> -> vector<16xf32>
        %add3A_1665 = arith.addf %select_n3A_1555, %gather3A_1664 : vector<16xf32>
        %select_n3A_1666 = arith.select %eq3A_1651, %add3A_1658, %add3A_1665 : vector<16xi1>, vector<16xf32>
        %xor3A_1667 = arith.constant 4 : i32
        %xor3A_1668 = vector.broadcast %xor3A_1667 : i32 to vector<16xi32>
        %xor3A_1669 = arith.xori %iota3A, %xor3A_1668 : vector<16xi32>
        %broadcast_in_dim3A_1670 = vector.shape_cast %xor3A_1669 : vector<16xi32> to vector<16x1xi32>
        %gather3A_1671 = vector.shape_cast %broadcast_in_dim3A_1670 : vector<16x1xi32> to vector<16xi32>
        %gather3A_1672 = tpu.dynamic_gather %select_n3A_1570[%gather3A_1671] in [0] : vector<16xf32>, vector<16xi32> -> vector<16xf32>
        %add3A_1673 = arith.addf %select_n3A_1570, %gather3A_1672 : vector<16xf32>
        %xor3A_1674 = arith.constant 4 : i32
        %xor3A_1675 = vector.broadcast %xor3A_1674 : i32 to vector<16xi32>
        %xor3A_1676 = arith.xori %iota3A, %xor3A_1675 : vector<16xi32>
        %broadcast_in_dim3A_1677 = vector.shape_cast %xor3A_1676 : vector<16xi32> to vector<16x1xi32>
        %gather3A_1678 = vector.shape_cast %broadcast_in_dim3A_1677 : vector<16x1xi32> to vector<16xi32>
        %gather3A_1679 = tpu.dynamic_gather %select_n3A_1585[%gather3A_1678] in [0] : vector<16xf32>, vector<16xi32> -> vector<16xf32>
        %add3A_1680 = arith.addf %select_n3A_1585, %gather3A_1679 : vector<16xf32>
        %select_n3A_1681 = arith.select %eq3A_1651, %add3A_1673, %add3A_1680 : vector<16xi1>, vector<16xf32>
        %xor3A_1682 = arith.constant 4 : i32
        %xor3A_1683 = vector.broadcast %xor3A_1682 : i32 to vector<16xi32>
        %xor3A_1684 = arith.xori %iota3A, %xor3A_1683 : vector<16xi32>
        %broadcast_in_dim3A_1685 = vector.shape_cast %xor3A_1684 : vector<16xi32> to vector<16x1xi32>
        %gather3A_1686 = vector.shape_cast %broadcast_in_dim3A_1685 : vector<16x1xi32> to vector<16xi32>
        %gather3A_1687 = tpu.dynamic_gather %select_n3A_1600[%gather3A_1686] in [0] : vector<16xf32>, vector<16xi32> -> vector<16xf32>
        %add3A_1688 = arith.addf %select_n3A_1600, %gather3A_1687 : vector<16xf32>
        %xor3A_1689 = arith.constant 4 : i32
        %xor3A_1690 = vector.broadcast %xor3A_1689 : i32 to vector<16xi32>
        %xor3A_1691 = arith.xori %iota3A, %xor3A_1690 : vector<16xi32>
        %broadcast_in_dim3A_1692 = vector.shape_cast %xor3A_1691 : vector<16xi32> to vector<16x1xi32>
        %gather3A_1693 = vector.shape_cast %broadcast_in_dim3A_1692 : vector<16x1xi32> to vector<16xi32>
        %gather3A_1694 = tpu.dynamic_gather %select_n3A_1615[%gather3A_1693] in [0] : vector<16xf32>, vector<16xi32> -> vector<16xf32>
        %add3A_1695 = arith.addf %select_n3A_1615, %gather3A_1694 : vector<16xf32>
        %select_n3A_1696 = arith.select %eq3A_1651, %add3A_1688, %add3A_1695 : vector<16xi1>, vector<16xf32>
        %xor3A_1697 = arith.constant 4 : i32
        %xor3A_1698 = vector.broadcast %xor3A_1697 : i32 to vector<16xi32>
        %xor3A_1699 = arith.xori %iota3A, %xor3A_1698 : vector<16xi32>
        %broadcast_in_dim3A_1700 = vector.shape_cast %xor3A_1699 : vector<16xi32> to vector<16x1xi32>
        %gather3A_1701 = vector.shape_cast %broadcast_in_dim3A_1700 : vector<16x1xi32> to vector<16xi32>
        %gather3A_1702 = tpu.dynamic_gather %select_n3A_1630[%gather3A_1701] in [0] : vector<16xf32>, vector<16xi32> -> vector<16xf32>
        %add3A_1703 = arith.addf %select_n3A_1630, %gather3A_1702 : vector<16xf32>
        %xor3A_1704 = arith.constant 4 : i32
        %xor3A_1705 = vector.broadcast %xor3A_1704 : i32 to vector<16xi32>
        %xor3A_1706 = arith.xori %iota3A, %xor3A_1705 : vector<16xi32>
        %broadcast_in_dim3A_1707 = vector.shape_cast %xor3A_1706 : vector<16xi32> to vector<16x1xi32>
        %gather3A_1708 = vector.shape_cast %broadcast_in_dim3A_1707 : vector<16x1xi32> to vector<16xi32>
        %gather3A_1709 = tpu.dynamic_gather %select_n3A_1645[%gather3A_1708] in [0] : vector<16xf32>, vector<16xi32> -> vector<16xf32>
        %add3A_1710 = arith.addf %select_n3A_1645, %gather3A_1709 : vector<16xf32>
        %select_n3A_1711 = arith.select %eq3A_1651, %add3A_1703, %add3A_1710 : vector<16xi1>, vector<16xf32>
        %and3A_1712 = arith.constant 2 : i32
        %and3A_1713 = vector.broadcast %and3A_1712 : i32 to vector<16xi32>
        %and3A_1714 = arith.andi %iota3A, %and3A_1713 : vector<16xi32>
        %eq3A_1715 = arith.constant 0 : i32
        %eq3A_1716 = vector.broadcast %eq3A_1715 : i32 to vector<16xi32>
        %eq3A_1717 = arith.cmpi eq, %and3A_1714, %eq3A_1716 : vector<16xi32>
        %xor3A_1718 = arith.constant 2 : i32
        %xor3A_1719 = vector.broadcast %xor3A_1718 : i32 to vector<16xi32>
        %xor3A_1720 = arith.xori %iota3A, %xor3A_1719 : vector<16xi32>
        %broadcast_in_dim3A_1721 = vector.shape_cast %xor3A_1720 : vector<16xi32> to vector<16x1xi32>
        %gather3A_1722 = vector.shape_cast %broadcast_in_dim3A_1721 : vector<16x1xi32> to vector<16xi32>
        %gather3A_1723 = tpu.dynamic_gather %select_n3A_1666[%gather3A_1722] in [0] : vector<16xf32>, vector<16xi32> -> vector<16xf32>
        %add3A_1724 = arith.addf %select_n3A_1666, %gather3A_1723 : vector<16xf32>
        %xor3A_1725 = arith.constant 2 : i32
        %xor3A_1726 = vector.broadcast %xor3A_1725 : i32 to vector<16xi32>
        %xor3A_1727 = arith.xori %iota3A, %xor3A_1726 : vector<16xi32>
        %broadcast_in_dim3A_1728 = vector.shape_cast %xor3A_1727 : vector<16xi32> to vector<16x1xi32>
        %gather3A_1729 = vector.shape_cast %broadcast_in_dim3A_1728 : vector<16x1xi32> to vector<16xi32>
        %gather3A_1730 = tpu.dynamic_gather %select_n3A_1681[%gather3A_1729] in [0] : vector<16xf32>, vector<16xi32> -> vector<16xf32>
        %add3A_1731 = arith.addf %select_n3A_1681, %gather3A_1730 : vector<16xf32>
        %select_n3A_1732 = arith.select %eq3A_1717, %add3A_1724, %add3A_1731 : vector<16xi1>, vector<16xf32>
        %xor3A_1733 = arith.constant 2 : i32
        %xor3A_1734 = vector.broadcast %xor3A_1733 : i32 to vector<16xi32>
        %xor3A_1735 = arith.xori %iota3A, %xor3A_1734 : vector<16xi32>
        %broadcast_in_dim3A_1736 = vector.shape_cast %xor3A_1735 : vector<16xi32> to vector<16x1xi32>
        %gather3A_1737 = vector.shape_cast %broadcast_in_dim3A_1736 : vector<16x1xi32> to vector<16xi32>
        %gather3A_1738 = tpu.dynamic_gather %select_n3A_1696[%gather3A_1737] in [0] : vector<16xf32>, vector<16xi32> -> vector<16xf32>
        %add3A_1739 = arith.addf %select_n3A_1696, %gather3A_1738 : vector<16xf32>
        %xor3A_1740 = arith.constant 2 : i32
        %xor3A_1741 = vector.broadcast %xor3A_1740 : i32 to vector<16xi32>
        %xor3A_1742 = arith.xori %iota3A, %xor3A_1741 : vector<16xi32>
        %broadcast_in_dim3A_1743 = vector.shape_cast %xor3A_1742 : vector<16xi32> to vector<16x1xi32>
        %gather3A_1744 = vector.shape_cast %broadcast_in_dim3A_1743 : vector<16x1xi32> to vector<16xi32>
        %gather3A_1745 = tpu.dynamic_gather %select_n3A_1711[%gather3A_1744] in [0] : vector<16xf32>, vector<16xi32> -> vector<16xf32>
        %add3A_1746 = arith.addf %select_n3A_1711, %gather3A_1745 : vector<16xf32>
        %select_n3A_1747 = arith.select %eq3A_1717, %add3A_1739, %add3A_1746 : vector<16xi1>, vector<16xf32>
        %and3A_1748 = arith.constant 1 : i32
        %and3A_1749 = vector.broadcast %and3A_1748 : i32 to vector<16xi32>
        %and3A_1750 = arith.andi %iota3A, %and3A_1749 : vector<16xi32>
        %eq3A_1751 = arith.constant 0 : i32
        %eq3A_1752 = vector.broadcast %eq3A_1751 : i32 to vector<16xi32>
        %eq3A_1753 = arith.cmpi eq, %and3A_1750, %eq3A_1752 : vector<16xi32>
        %xor3A_1754 = arith.constant 1 : i32
        %xor3A_1755 = vector.broadcast %xor3A_1754 : i32 to vector<16xi32>
        %xor3A_1756 = arith.xori %iota3A, %xor3A_1755 : vector<16xi32>
        %broadcast_in_dim3A_1757 = vector.shape_cast %xor3A_1756 : vector<16xi32> to vector<16x1xi32>
        %gather3A_1758 = vector.shape_cast %broadcast_in_dim3A_1757 : vector<16x1xi32> to vector<16xi32>
        %gather3A_1759 = tpu.dynamic_gather %select_n3A_1732[%gather3A_1758] in [0] : vector<16xf32>, vector<16xi32> -> vector<16xf32>
        %add3A_1760 = arith.addf %select_n3A_1732, %gather3A_1759 : vector<16xf32>
        %xor3A_1761 = arith.constant 1 : i32
        %xor3A_1762 = vector.broadcast %xor3A_1761 : i32 to vector<16xi32>
        %xor3A_1763 = arith.xori %iota3A, %xor3A_1762 : vector<16xi32>
        %broadcast_in_dim3A_1764 = vector.shape_cast %xor3A_1763 : vector<16xi32> to vector<16x1xi32>
        %gather3A_1765 = vector.shape_cast %broadcast_in_dim3A_1764 : vector<16x1xi32> to vector<16xi32>
        %gather3A_1766 = tpu.dynamic_gather %select_n3A_1747[%gather3A_1765] in [0] : vector<16xf32>, vector<16xi32> -> vector<16xf32>
        %add3A_1767 = arith.addf %select_n3A_1747, %gather3A_1766 : vector<16xf32>
        %select_n3A_1768 = arith.select %eq3A_1753, %add3A_1760, %add3A_1767 : vector<16xi1>, vector<16xf32>
        %mul3A_1769 = arith.constant 16 : i32
        %mul3A_1770 = arith.muli %scan3A_101, %mul3A_1769 : i32
        %swap3A = arith.index_cast %mul3A_1770 : i32 to index
        %swap3A_1771 = tpu.vector_load %arg10[%swap3A] {strides = array<i32>} : memref<256xf32, #tpu.memory_space<vmem>>, vector<16xf32>,
        %swap3A_1772 = vector.shape_cast %swap3A_1771 : vector<16xf32> to vector<16xf32>
        %swap3A_1773 = vector.shape_cast %select_n3A_1768 : vector<16xf32> to vector<16xf32>
        tpu.vector_store %arg10[%swap3A], %swap3A_1773 {strides = array<i32>} : memref<256xf32, #tpu.memory_space<vmem>>, vector<16xf32>,
        %add3A_1774 = arith.constant 16 : i32
        %add3A_1775 = arith.addi %add3A_1774, %scan3A_101 : i32
        %get3A_1776 = arith.constant 0 : i32
        %get3A_1777 = arith.constant 0 : i32
        %get3A_1778 = tpu.memref_slice %arg9[%scan3A_24, %get3A_1776, %get3A_1777] : memref<2x352x128xf32, #tpu.memory_space<vmem>> -> memref<1x352x128xf32, #tpu.memory_space<vmem>>
        %get3A_1779 = tpu.memref_squeeze %get3A_1778 : memref<1x352x128xf32, #tpu.memory_space<vmem>> -> memref<352x128xf32, #tpu.memory_space<vmem>>
        %get3A_1780 = arith.index_cast %add3A_1775 : i32 to index
        %get3A_1781 = arith.constant 0 : index
        %get3A_1782 = tpu.vector_load %get3A_1779[%get3A_1780, %get3A_1781] {strides = array<i32>} : memref<352x128xf32, #tpu.memory_space<vmem>>, vector<1x16xf32>,
        %get3A_1783 = vector.shape_cast %get3A_1782 : vector<1x16xf32> to vector<16xf32>
        %mul3A_1784 = arith.mulf %get3A_108, %get3A_1783 : vector<16xf32>
        %get3A_1785 = arith.constant 0 : i32
        %get3A_1786 = arith.constant 0 : i32
        %get3A_1787 = tpu.memref_slice %arg9[%scan3A_24, %get3A_1785, %get3A_1786] : memref<2x352x128xf32, #tpu.memory_space<vmem>> -> memref<1x352x128xf32, #tpu.memory_space<vmem>>
        %get3A_1788 = tpu.memref_squeeze %get3A_1787 : memref<1x352x128xf32, #tpu.memory_space<vmem>> -> memref<352x128xf32, #tpu.memory_space<vmem>>
        %get3A_1789 = arith.index_cast %add3A_1775 : i32 to index
        %get3A_1790 = arith.constant 16 : index
        %get3A_1791 = tpu.vector_load %get3A_1788[%get3A_1789, %get3A_1790] {strides = array<i32>} : memref<352x128xf32, #tpu.memory_space<vmem>>, vector<1x16xf32>,
        %get3A_1792 = vector.shape_cast %get3A_1791 : vector<1x16xf32> to vector<16xf32>
        %mul3A_1793 = arith.mulf %get3A_116, %get3A_1792 : vector<16xf32>
        %add3A_1794 = arith.addf %mul3A_1784, %mul3A_1793 : vector<16xf32>
        %get3A_1795 = arith.constant 0 : i32
        %get3A_1796 = arith.constant 0 : i32
        %get3A_1797 = tpu.memref_slice %arg9[%scan3A_24, %get3A_1795, %get3A_1796] : memref<2x352x128xf32, #tpu.memory_space<vmem>> -> memref<1x352x128xf32, #tpu.memory_space<vmem>>
        %get3A_1798 = tpu.memref_squeeze %get3A_1797 : memref<1x352x128xf32, #tpu.memory_space<vmem>> -> memref<352x128xf32, #tpu.memory_space<vmem>>
        %get3A_1799 = arith.index_cast %add3A_1775 : i32 to index
        %get3A_1800 = arith.constant 32 : index
        %get3A_1801 = tpu.vector_load %get3A_1798[%get3A_1799, %get3A_1800] {strides = array<i32>} : memref<352x128xf32, #tpu.memory_space<vmem>>, vector<1x16xf32>,
        %get3A_1802 = vector.shape_cast %get3A_1801 : vector<1x16xf32> to vector<16xf32>
        %mul3A_1803 = arith.mulf %get3A_124, %get3A_1802 : vector<16xf32>
        %add3A_1804 = arith.addf %add3A_1794, %mul3A_1803 : vector<16xf32>
        %get3A_1805 = arith.constant 0 : i32
        %get3A_1806 = arith.constant 0 : i32
        %get3A_1807 = tpu.memref_slice %arg9[%scan3A_24, %get3A_1805, %get3A_1806] : memref<2x352x128xf32, #tpu.memory_space<vmem>> -> memref<1x352x128xf32, #tpu.memory_space<vmem>>
        %get3A_1808 = tpu.memref_squeeze %get3A_1807 : memref<1x352x128xf32, #tpu.memory_space<vmem>> -> memref<352x128xf32, #tpu.memory_space<vmem>>
        %get3A_1809 = arith.index_cast %add3A_1775 : i32 to index
        %get3A_1810 = arith.constant 48 : index
        %get3A_1811 = tpu.vector_load %get3A_1808[%get3A_1809, %get3A_1810] {strides = array<i32>} : memref<352x128xf32, #tpu.memory_space<vmem>>, vector<1x16xf32>,
        %get3A_1812 = vector.shape_cast %get3A_1811 : vector<1x16xf32> to vector<16xf32>
        %mul3A_1813 = arith.mulf %get3A_132, %get3A_1812 : vector<16xf32>
        %add3A_1814 = arith.addf %add3A_1804, %mul3A_1813 : vector<16xf32>
        %get3A_1815 = arith.constant 0 : i32
        %get3A_1816 = arith.constant 0 : i32
        %get3A_1817 = tpu.memref_slice %arg9[%scan3A_24, %get3A_1815, %get3A_1816] : memref<2x352x128xf32, #tpu.memory_space<vmem>> -> memref<1x352x128xf32, #tpu.memory_space<vmem>>
        %get3A_1818 = tpu.memref_squeeze %get3A_1817 : memref<1x352x128xf32, #tpu.memory_space<vmem>> -> memref<352x128xf32, #tpu.memory_space<vmem>>
        %get3A_1819 = arith.index_cast %add3A_1775 : i32 to index
        %get3A_1820 = arith.constant 64 : index
        %get3A_1821 = tpu.vector_load %get3A_1818[%get3A_1819, %get3A_1820] {strides = array<i32>} : memref<352x128xf32, #tpu.memory_space<vmem>>, vector<1x16xf32>,
        %get3A_1822 = vector.shape_cast %get3A_1821 : vector<1x16xf32> to vector<16xf32>
        %mul3A_1823 = arith.mulf %get3A_140, %get3A_1822 : vector<16xf32>
        %add3A_1824 = arith.addf %add3A_1814, %mul3A_1823 : vector<16xf32>
        %get3A_1825 = arith.constant 0 : i32
        %get3A_1826 = arith.constant 0 : i32
        %get3A_1827 = tpu.memref_slice %arg9[%scan3A_24, %get3A_1825, %get3A_1826] : memref<2x352x128xf32, #tpu.memory_space<vmem>> -> memref<1x352x128xf32, #tpu.memory_space<vmem>>
        %get3A_1828 = tpu.memref_squeeze %get3A_1827 : memref<1x352x128xf32, #tpu.memory_space<vmem>> -> memref<352x128xf32, #tpu.memory_space<vmem>>
        %get3A_1829 = arith.index_cast %add3A_1775 : i32 to index
        %get3A_1830 = arith.constant 80 : index
        %get3A_1831 = tpu.vector_load %get3A_1828[%get3A_1829, %get3A_1830] {strides = array<i32>} : memref<352x128xf32, #tpu.memory_space<vmem>>, vector<1x16xf32>,
        %get3A_1832 = vector.shape_cast %get3A_1831 : vector<1x16xf32> to vector<16xf32>
        %mul3A_1833 = arith.mulf %get3A_148, %get3A_1832 : vector<16xf32>
        %add3A_1834 = arith.addf %add3A_1824, %mul3A_1833 : vector<16xf32>
        %get3A_1835 = arith.constant 0 : i32
        %get3A_1836 = arith.constant 0 : i32
        %get3A_1837 = tpu.memref_slice %arg9[%scan3A_24, %get3A_1835, %get3A_1836] : memref<2x352x128xf32, #tpu.memory_space<vmem>> -> memref<1x352x128xf32, #tpu.memory_space<vmem>>
        %get3A_1838 = tpu.memref_squeeze %get3A_1837 : memref<1x352x128xf32, #tpu.memory_space<vmem>> -> memref<352x128xf32, #tpu.memory_space<vmem>>
        %get3A_1839 = arith.index_cast %add3A_1775 : i32 to index
        %get3A_1840 = arith.constant 96 : index
        %get3A_1841 = tpu.vector_load %get3A_1838[%get3A_1839, %get3A_1840] {strides = array<i32>} : memref<352x128xf32, #tpu.memory_space<vmem>>, vector<1x16xf32>,
        %get3A_1842 = vector.shape_cast %get3A_1841 : vector<1x16xf32> to vector<16xf32>
        %mul3A_1843 = arith.mulf %get3A_156, %get3A_1842 : vector<16xf32>
        %add3A_1844 = arith.addf %add3A_1834, %mul3A_1843 : vector<16xf32>
        %get3A_1845 = arith.constant 0 : i32
        %get3A_1846 = arith.constant 0 : i32
        %get3A_1847 = tpu.memref_slice %arg9[%scan3A_24, %get3A_1845, %get3A_1846] : memref<2x352x128xf32, #tpu.memory_space<vmem>> -> memref<1x352x128xf32, #tpu.memory_space<vmem>>
        %get3A_1848 = tpu.memref_squeeze %get3A_1847 : memref<1x352x128xf32, #tpu.memory_space<vmem>> -> memref<352x128xf32, #tpu.memory_space<vmem>>
        %get3A_1849 = arith.index_cast %add3A_1775 : i32 to index
        %get3A_1850 = arith.constant 112 : index
        %get3A_1851 = tpu.vector_load %get3A_1848[%get3A_1849, %get3A_1850] {strides = array<i32>} : memref<352x128xf32, #tpu.memory_space<vmem>>, vector<1x16xf32>,
        %get3A_1852 = vector.shape_cast %get3A_1851 : vector<1x16xf32> to vector<16xf32>
        %mul3A_1853 = arith.mulf %get3A_164, %get3A_1852 : vector<16xf32>
        %add3A_1854 = arith.addf %add3A_1844, %mul3A_1853 : vector<16xf32>
        %mul3A_1855 = arith.constant 20 : i32
        %mul3A_1856 = arith.muli %scan3A_101, %mul3A_1855 : i32
        %add3A_1857 = arith.constant 32 : i32
        %add3A_1858 = arith.addi %add3A_1857, %mul3A_1856 : i32
        %add3A_1859 = arith.constant 16 : i32
        %add3A_1860 = arith.addi %add3A_1858, %add3A_1859 : i32
        %get3A_1861 = arith.constant 0 : i32
        %get3A_1862 = arith.constant 0 : i32
        %get3A_1863 = tpu.memref_slice %arg9[%scan3A_24, %get3A_1861, %get3A_1862] : memref<2x352x128xf32, #tpu.memory_space<vmem>> -> memref<1x352x128xf32, #tpu.memory_space<vmem>>
        %get3A_1864 = tpu.memref_squeeze %get3A_1863 : memref<1x352x128xf32, #tpu.memory_space<vmem>> -> memref<352x128xf32, #tpu.memory_space<vmem>>
        %get3A_1865 = arith.index_cast %add3A_1860 : i32 to index
        %get3A_1866 = arith.constant 0 : index
        %get3A_1867 = tpu.vector_load %get3A_1864[%get3A_1865, %get3A_1866] {strides = array<i32>} : memref<352x128xf32, #tpu.memory_space<vmem>>, vector<1x16xf32>,
        %get3A_1868 = vector.shape_cast %get3A_1867 : vector<1x16xf32> to vector<16xf32>
        %mul3A_1869 = arith.mulf %get3A_108, %get3A_1868 : vector<16xf32>
        %get3A_1870 = arith.constant 0 : i32
        %get3A_1871 = arith.constant 0 : i32
        %get3A_1872 = tpu.memref_slice %arg9[%scan3A_24, %get3A_1870, %get3A_1871] : memref<2x352x128xf32, #tpu.memory_space<vmem>> -> memref<1x352x128xf32, #tpu.memory_space<vmem>>
        %get3A_1873 = tpu.memref_squeeze %get3A_1872 : memref<1x352x128xf32, #tpu.memory_space<vmem>> -> memref<352x128xf32, #tpu.memory_space<vmem>>
        %get3A_1874 = arith.index_cast %add3A_1860 : i32 to index
        %get3A_1875 = arith.constant 16 : index
        %get3A_1876 = tpu.vector_load %get3A_1873[%get3A_1874, %get3A_1875] {strides = array<i32>} : memref<352x128xf32, #tpu.memory_space<vmem>>, vector<1x16xf32>,
        %get3A_1877 = vector.shape_cast %get3A_1876 : vector<1x16xf32> to vector<16xf32>
        %mul3A_1878 = arith.mulf %get3A_116, %get3A_1877 : vector<16xf32>
        %add3A_1879 = arith.addf %mul3A_1869, %mul3A_1878 : vector<16xf32>
        %get3A_1880 = arith.constant 0 : i32
        %get3A_1881 = arith.constant 0 : i32
        %get3A_1882 = tpu.memref_slice %arg9[%scan3A_24, %get3A_1880, %get3A_1881] : memref<2x352x128xf32, #tpu.memory_space<vmem>> -> memref<1x352x128xf32, #tpu.memory_space<vmem>>
        %get3A_1883 = tpu.memref_squeeze %get3A_1882 : memref<1x352x128xf32, #tpu.memory_space<vmem>> -> memref<352x128xf32, #tpu.memory_space<vmem>>
        %get3A_1884 = arith.index_cast %add3A_1860 : i32 to index
        %get3A_1885 = arith.constant 32 : index
        %get3A_1886 = tpu.vector_load %get3A_1883[%get3A_1884, %get3A_1885] {strides = array<i32>} : memref<352x128xf32, #tpu.memory_space<vmem>>, vector<1x16xf32>,
        %get3A_1887 = vector.shape_cast %get3A_1886 : vector<1x16xf32> to vector<16xf32>
        %mul3A_1888 = arith.mulf %get3A_124, %get3A_1887 : vector<16xf32>
        %add3A_1889 = arith.addf %add3A_1879, %mul3A_1888 : vector<16xf32>
        %get3A_1890 = arith.constant 0 : i32
        %get3A_1891 = arith.constant 0 : i32
        %get3A_1892 = tpu.memref_slice %arg9[%scan3A_24, %get3A_1890, %get3A_1891] : memref<2x352x128xf32, #tpu.memory_space<vmem>> -> memref<1x352x128xf32, #tpu.memory_space<vmem>>
        %get3A_1893 = tpu.memref_squeeze %get3A_1892 : memref<1x352x128xf32, #tpu.memory_space<vmem>> -> memref<352x128xf32, #tpu.memory_space<vmem>>
        %get3A_1894 = arith.index_cast %add3A_1860 : i32 to index
        %get3A_1895 = arith.constant 48 : index
        %get3A_1896 = tpu.vector_load %get3A_1893[%get3A_1894, %get3A_1895] {strides = array<i32>} : memref<352x128xf32, #tpu.memory_space<vmem>>, vector<1x16xf32>,
        %get3A_1897 = vector.shape_cast %get3A_1896 : vector<1x16xf32> to vector<16xf32>
        %mul3A_1898 = arith.mulf %get3A_132, %get3A_1897 : vector<16xf32>
        %add3A_1899 = arith.addf %add3A_1889, %mul3A_1898 : vector<16xf32>
        %get3A_1900 = arith.constant 0 : i32
        %get3A_1901 = arith.constant 0 : i32
        %get3A_1902 = tpu.memref_slice %arg9[%scan3A_24, %get3A_1900, %get3A_1901] : memref<2x352x128xf32, #tpu.memory_space<vmem>> -> memref<1x352x128xf32, #tpu.memory_space<vmem>>
        %get3A_1903 = tpu.memref_squeeze %get3A_1902 : memref<1x352x128xf32, #tpu.memory_space<vmem>> -> memref<352x128xf32, #tpu.memory_space<vmem>>
        %get3A_1904 = arith.index_cast %add3A_1860 : i32 to index
        %get3A_1905 = arith.constant 64 : index
        %get3A_1906 = tpu.vector_load %get3A_1903[%get3A_1904, %get3A_1905] {strides = array<i32>} : memref<352x128xf32, #tpu.memory_space<vmem>>, vector<1x16xf32>,
        %get3A_1907 = vector.shape_cast %get3A_1906 : vector<1x16xf32> to vector<16xf32>
        %mul3A_1908 = arith.mulf %get3A_140, %get3A_1907 : vector<16xf32>
        %add3A_1909 = arith.addf %add3A_1899, %mul3A_1908 : vector<16xf32>
        %get3A_1910 = arith.constant 0 : i32
        %get3A_1911 = arith.constant 0 : i32
        %get3A_1912 = tpu.memref_slice %arg9[%scan3A_24, %get3A_1910, %get3A_1911] : memref<2x352x128xf32, #tpu.memory_space<vmem>> -> memref<1x352x128xf32, #tpu.memory_space<vmem>>
        %get3A_1913 = tpu.memref_squeeze %get3A_1912 : memref<1x352x128xf32, #tpu.memory_space<vmem>> -> memref<352x128xf32, #tpu.memory_space<vmem>>
        %get3A_1914 = arith.index_cast %add3A_1860 : i32 to index
        %get3A_1915 = arith.constant 80 : index
        %get3A_1916 = tpu.vector_load %get3A_1913[%get3A_1914, %get3A_1915] {strides = array<i32>} : memref<352x128xf32, #tpu.memory_space<vmem>>, vector<1x16xf32>,
        %get3A_1917 = vector.shape_cast %get3A_1916 : vector<1x16xf32> to vector<16xf32>
        %mul3A_1918 = arith.mulf %get3A_148, %get3A_1917 : vector<16xf32>
        %add3A_1919 = arith.addf %add3A_1909, %mul3A_1918 : vector<16xf32>
        %get3A_1920 = arith.constant 0 : i32
        %get3A_1921 = arith.constant 0 : i32
        %get3A_1922 = tpu.memref_slice %arg9[%scan3A_24, %get3A_1920, %get3A_1921] : memref<2x352x128xf32, #tpu.memory_space<vmem>> -> memref<1x352x128xf32, #tpu.memory_space<vmem>>
        %get3A_1923 = tpu.memref_squeeze %get3A_1922 : memref<1x352x128xf32, #tpu.memory_space<vmem>> -> memref<352x128xf32, #tpu.memory_space<vmem>>
        %get3A_1924 = arith.index_cast %add3A_1860 : i32 to index
        %get3A_1925 = arith.constant 96 : index
        %get3A_1926 = tpu.vector_load %get3A_1923[%get3A_1924, %get3A_1925] {strides = array<i32>} : memref<352x128xf32, #tpu.memory_space<vmem>>, vector<1x16xf32>,
        %get3A_1927 = vector.shape_cast %get3A_1926 : vector<1x16xf32> to vector<16xf32>
        %mul3A_1928 = arith.mulf %get3A_156, %get3A_1927 : vector<16xf32>
        %add3A_1929 = arith.addf %add3A_1919, %mul3A_1928 : vector<16xf32>
        %get3A_1930 = arith.constant 0 : i32
        %get3A_1931 = arith.constant 0 : i32
        %get3A_1932 = tpu.memref_slice %arg9[%scan3A_24, %get3A_1930, %get3A_1931] : memref<2x352x128xf32, #tpu.memory_space<vmem>> -> memref<1x352x128xf32, #tpu.memory_space<vmem>>
        %get3A_1933 = tpu.memref_squeeze %get3A_1932 : memref<1x352x128xf32, #tpu.memory_space<vmem>> -> memref<352x128xf32, #tpu.memory_space<vmem>>
        %get3A_1934 = arith.index_cast %add3A_1860 : i32 to index
        %get3A_1935 = arith.constant 112 : index
        %get3A_1936 = tpu.vector_load %get3A_1933[%get3A_1934, %get3A_1935] {strides = array<i32>} : memref<352x128xf32, #tpu.memory_space<vmem>>, vector<1x16xf32>,
        %get3A_1937 = vector.shape_cast %get3A_1936 : vector<1x16xf32> to vector<16xf32>
        %mul3A_1938 = arith.mulf %get3A_164, %get3A_1937 : vector<16xf32>
        %add3A_1939 = arith.addf %add3A_1929, %mul3A_1938 : vector<16xf32>
        %mul3A_1940 = arith.constant 20 : i32
        %mul3A_1941 = arith.muli %scan3A_101, %mul3A_1940 : i32
        %add3A_1942 = arith.constant 32 : i32
        %add3A_1943 = arith.addi %add3A_1942, %mul3A_1941 : i32
        %add3A_1944 = arith.constant 17 : i32
        %add3A_1945 = arith.addi %add3A_1943, %add3A_1944 : i32
        %get3A_1946 = arith.constant 0 : i32
        %get3A_1947 = arith.constant 0 : i32
        %get3A_1948 = tpu.memref_slice %arg9[%scan3A_24, %get3A_1946, %get3A_1947] : memref<2x352x128xf32, #tpu.memory_space<vmem>> -> memref<1x352x128xf32, #tpu.memory_space<vmem>>
        %get3A_1949 = tpu.memref_squeeze %get3A_1948 : memref<1x352x128xf32, #tpu.memory_space<vmem>> -> memref<352x128xf32, #tpu.memory_space<vmem>>
        %get3A_1950 = arith.index_cast %add3A_1945 : i32 to index
        %get3A_1951 = arith.constant 0 : index
        %get3A_1952 = tpu.vector_load %get3A_1949[%get3A_1950, %get3A_1951] {strides = array<i32>} : memref<352x128xf32, #tpu.memory_space<vmem>>, vector<1x16xf32>,
        %get3A_1953 = vector.shape_cast %get3A_1952 : vector<1x16xf32> to vector<16xf32>
        %mul3A_1954 = arith.mulf %get3A_108, %get3A_1953 : vector<16xf32>
        %get3A_1955 = arith.constant 0 : i32
        %get3A_1956 = arith.constant 0 : i32
        %get3A_1957 = tpu.memref_slice %arg9[%scan3A_24, %get3A_1955, %get3A_1956] : memref<2x352x128xf32, #tpu.memory_space<vmem>> -> memref<1x352x128xf32, #tpu.memory_space<vmem>>
        %get3A_1958 = tpu.memref_squeeze %get3A_1957 : memref<1x352x128xf32, #tpu.memory_space<vmem>> -> memref<352x128xf32, #tpu.memory_space<vmem>>
        %get3A_1959 = arith.index_cast %add3A_1945 : i32 to index
        %get3A_1960 = arith.constant 16 : index
        %get3A_1961 = tpu.vector_load %get3A_1958[%get3A_1959, %get3A_1960] {strides = array<i32>} : memref<352x128xf32, #tpu.memory_space<vmem>>, vector<1x16xf32>,
        %get3A_1962 = vector.shape_cast %get3A_1961 : vector<1x16xf32> to vector<16xf32>
        %mul3A_1963 = arith.mulf %get3A_116, %get3A_1962 : vector<16xf32>
        %add3A_1964 = arith.addf %mul3A_1954, %mul3A_1963 : vector<16xf32>
        %get3A_1965 = arith.constant 0 : i32
        %get3A_1966 = arith.constant 0 : i32
        %get3A_1967 = tpu.memref_slice %arg9[%scan3A_24, %get3A_1965, %get3A_1966] : memref<2x352x128xf32, #tpu.memory_space<vmem>> -> memref<1x352x128xf32, #tpu.memory_space<vmem>>
        %get3A_1968 = tpu.memref_squeeze %get3A_1967 : memref<1x352x128xf32, #tpu.memory_space<vmem>> -> memref<352x128xf32, #tpu.memory_space<vmem>>
        %get3A_1969 = arith.index_cast %add3A_1945 : i32 to index
        %get3A_1970 = arith.constant 32 : index
        %get3A_1971 = tpu.vector_load %get3A_1968[%get3A_1969, %get3A_1970] {strides = array<i32>} : memref<352x128xf32, #tpu.memory_space<vmem>>, vector<1x16xf32>,
        %get3A_1972 = vector.shape_cast %get3A_1971 : vector<1x16xf32> to vector<16xf32>
        %mul3A_1973 = arith.mulf %get3A_124, %get3A_1972 : vector<16xf32>
        %add3A_1974 = arith.addf %add3A_1964, %mul3A_1973 : vector<16xf32>
        %get3A_1975 = arith.constant 0 : i32
        %get3A_1976 = arith.constant 0 : i32
        %get3A_1977 = tpu.memref_slice %arg9[%scan3A_24, %get3A_1975, %get3A_1976] : memref<2x352x128xf32, #tpu.memory_space<vmem>> -> memref<1x352x128xf32, #tpu.memory_space<vmem>>
        %get3A_1978 = tpu.memref_squeeze %get3A_1977 : memref<1x352x128xf32, #tpu.memory_space<vmem>> -> memref<352x128xf32, #tpu.memory_space<vmem>>
        %get3A_1979 = arith.index_cast %add3A_1945 : i32 to index
        %get3A_1980 = arith.constant 48 : index
        %get3A_1981 = tpu.vector_load %get3A_1978[%get3A_1979, %get3A_1980] {strides = array<i32>} : memref<352x128xf32, #tpu.memory_space<vmem>>, vector<1x16xf32>,
        %get3A_1982 = vector.shape_cast %get3A_1981 : vector<1x16xf32> to vector<16xf32>
        %mul3A_1983 = arith.mulf %get3A_132, %get3A_1982 : vector<16xf32>
        %add3A_1984 = arith.addf %add3A_1974, %mul3A_1983 : vector<16xf32>
        %get3A_1985 = arith.constant 0 : i32
        %get3A_1986 = arith.constant 0 : i32
        %get3A_1987 = tpu.memref_slice %arg9[%scan3A_24, %get3A_1985, %get3A_1986] : memref<2x352x128xf32, #tpu.memory_space<vmem>> -> memref<1x352x128xf32, #tpu.memory_space<vmem>>
        %get3A_1988 = tpu.memref_squeeze %get3A_1987 : memref<1x352x128xf32, #tpu.memory_space<vmem>> -> memref<352x128xf32, #tpu.memory_space<vmem>>
        %get3A_1989 = arith.index_cast %add3A_1945 : i32 to index
        %get3A_1990 = arith.constant 64 : index
        %get3A_1991 = tpu.vector_load %get3A_1988[%get3A_1989, %get3A_1990] {strides = array<i32>} : memref<352x128xf32, #tpu.memory_space<vmem>>, vector<1x16xf32>,
        %get3A_1992 = vector.shape_cast %get3A_1991 : vector<1x16xf32> to vector<16xf32>
        %mul3A_1993 = arith.mulf %get3A_140, %get3A_1992 : vector<16xf32>
        %add3A_1994 = arith.addf %add3A_1984, %mul3A_1993 : vector<16xf32>
        %get3A_1995 = arith.constant 0 : i32
        %get3A_1996 = arith.constant 0 : i32
        %get3A_1997 = tpu.memref_slice %arg9[%scan3A_24, %get3A_1995, %get3A_1996] : memref<2x352x128xf32, #tpu.memory_space<vmem>> -> memref<1x352x128xf32, #tpu.memory_space<vmem>>
        %get3A_1998 = tpu.memref_squeeze %get3A_1997 : memref<1x352x128xf32, #tpu.memory_space<vmem>> -> memref<352x128xf32, #tpu.memory_space<vmem>>
        %get3A_1999 = arith.index_cast %add3A_1945 : i32 to index
        %get3A_2000 = arith.constant 80 : index
        %get3A_2001 = tpu.vector_load %get3A_1998[%get3A_1999, %get3A_2000] {strides = array<i32>} : memref<352x128xf32, #tpu.memory_space<vmem>>, vector<1x16xf32>,
        %get3A_2002 = vector.shape_cast %get3A_2001 : vector<1x16xf32> to vector<16xf32>
        %mul3A_2003 = arith.mulf %get3A_148, %get3A_2002 : vector<16xf32>
        %add3A_2004 = arith.addf %add3A_1994, %mul3A_2003 : vector<16xf32>
        %get3A_2005 = arith.constant 0 : i32
        %get3A_2006 = arith.constant 0 : i32
        %get3A_2007 = tpu.memref_slice %arg9[%scan3A_24, %get3A_2005, %get3A_2006] : memref<2x352x128xf32, #tpu.memory_space<vmem>> -> memref<1x352x128xf32, #tpu.memory_space<vmem>>
        %get3A_2008 = tpu.memref_squeeze %get3A_2007 : memref<1x352x128xf32, #tpu.memory_space<vmem>> -> memref<352x128xf32, #tpu.memory_space<vmem>>
        %get3A_2009 = arith.index_cast %add3A_1945 : i32 to index
        %get3A_2010 = arith.constant 96 : index
        %get3A_2011 = tpu.vector_load %get3A_2008[%get3A_2009, %get3A_2010] {strides = array<i32>} : memref<352x128xf32, #tpu.memory_space<vmem>>, vector<1x16xf32>,
        %get3A_2012 = vector.shape_cast %get3A_2011 : vector<1x16xf32> to vector<16xf32>
        %mul3A_2013 = arith.mulf %get3A_156, %get3A_2012 : vector<16xf32>
        %add3A_2014 = arith.addf %add3A_2004, %mul3A_2013 : vector<16xf32>
        %get3A_2015 = arith.constant 0 : i32
        %get3A_2016 = arith.constant 0 : i32
        %get3A_2017 = tpu.memref_slice %arg9[%scan3A_24, %get3A_2015, %get3A_2016] : memref<2x352x128xf32, #tpu.memory_space<vmem>> -> memref<1x352x128xf32, #tpu.memory_space<vmem>>
        %get3A_2018 = tpu.memref_squeeze %get3A_2017 : memref<1x352x128xf32, #tpu.memory_space<vmem>> -> memref<352x128xf32, #tpu.memory_space<vmem>>
        %get3A_2019 = arith.index_cast %add3A_1945 : i32 to index
        %get3A_2020 = arith.constant 112 : index
        %get3A_2021 = tpu.vector_load %get3A_2018[%get3A_2019, %get3A_2020] {strides = array<i32>} : memref<352x128xf32, #tpu.memory_space<vmem>>, vector<1x16xf32>,
        %get3A_2022 = vector.shape_cast %get3A_2021 : vector<1x16xf32> to vector<16xf32>
        %mul3A_2023 = arith.mulf %get3A_164, %get3A_2022 : vector<16xf32>
        %add3A_2024 = arith.addf %add3A_2014, %mul3A_2023 : vector<16xf32>
        %mul3A_2025 = arith.constant 20 : i32
        %mul3A_2026 = arith.muli %scan3A_101, %mul3A_2025 : i32
        %add3A_2027 = arith.constant 32 : i32
        %add3A_2028 = arith.addi %add3A_2027, %mul3A_2026 : i32
        %add3A_2029 = arith.constant 18 : i32
        %add3A_2030 = arith.addi %add3A_2028, %add3A_2029 : i32
        %get3A_2031 = arith.constant 0 : i32
        %get3A_2032 = arith.constant 0 : i32
        %get3A_2033 = tpu.memref_slice %arg9[%scan3A_24, %get3A_2031, %get3A_2032] : memref<2x352x128xf32, #tpu.memory_space<vmem>> -> memref<1x352x128xf32, #tpu.memory_space<vmem>>
        %get3A_2034 = tpu.memref_squeeze %get3A_2033 : memref<1x352x128xf32, #tpu.memory_space<vmem>> -> memref<352x128xf32, #tpu.memory_space<vmem>>
        %get3A_2035 = arith.index_cast %add3A_2030 : i32 to index
        %get3A_2036 = arith.constant 0 : index
        %get3A_2037 = tpu.vector_load %get3A_2034[%get3A_2035, %get3A_2036] {strides = array<i32>} : memref<352x128xf32, #tpu.memory_space<vmem>>, vector<1x16xf32>,
        %get3A_2038 = vector.shape_cast %get3A_2037 : vector<1x16xf32> to vector<16xf32>
        %mul3A_2039 = arith.mulf %get3A_108, %get3A_2038 : vector<16xf32>
        %get3A_2040 = arith.constant 0 : i32
        %get3A_2041 = arith.constant 0 : i32
        %get3A_2042 = tpu.memref_slice %arg9[%scan3A_24, %get3A_2040, %get3A_2041] : memref<2x352x128xf32, #tpu.memory_space<vmem>> -> memref<1x352x128xf32, #tpu.memory_space<vmem>>
        %get3A_2043 = tpu.memref_squeeze %get3A_2042 : memref<1x352x128xf32, #tpu.memory_space<vmem>> -> memref<352x128xf32, #tpu.memory_space<vmem>>
        %get3A_2044 = arith.index_cast %add3A_2030 : i32 to index
        %get3A_2045 = arith.constant 16 : index
        %get3A_2046 = tpu.vector_load %get3A_2043[%get3A_2044, %get3A_2045] {strides = array<i32>} : memref<352x128xf32, #tpu.memory_space<vmem>>, vector<1x16xf32>,
        %get3A_2047 = vector.shape_cast %get3A_2046 : vector<1x16xf32> to vector<16xf32>
        %mul3A_2048 = arith.mulf %get3A_116, %get3A_2047 : vector<16xf32>
        %add3A_2049 = arith.addf %mul3A_2039, %mul3A_2048 : vector<16xf32>
        %get3A_2050 = arith.constant 0 : i32
        %get3A_2051 = arith.constant 0 : i32
        %get3A_2052 = tpu.memref_slice %arg9[%scan3A_24, %get3A_2050, %get3A_2051] : memref<2x352x128xf32, #tpu.memory_space<vmem>> -> memref<1x352x128xf32, #tpu.memory_space<vmem>>
        %get3A_2053 = tpu.memref_squeeze %get3A_2052 : memref<1x352x128xf32, #tpu.memory_space<vmem>> -> memref<352x128xf32, #tpu.memory_space<vmem>>
        %get3A_2054 = arith.index_cast %add3A_2030 : i32 to index
        %get3A_2055 = arith.constant 32 : index
        %get3A_2056 = tpu.vector_load %get3A_2053[%get3A_2054, %get3A_2055] {strides = array<i32>} : memref<352x128xf32, #tpu.memory_space<vmem>>, vector<1x16xf32>,
        %get3A_2057 = vector.shape_cast %get3A_2056 : vector<1x16xf32> to vector<16xf32>
        %mul3A_2058 = arith.mulf %get3A_124, %get3A_2057 : vector<16xf32>
        %add3A_2059 = arith.addf %add3A_2049, %mul3A_2058 : vector<16xf32>
        %get3A_2060 = arith.constant 0 : i32
        %get3A_2061 = arith.constant 0 : i32
        %get3A_2062 = tpu.memref_slice %arg9[%scan3A_24, %get3A_2060, %get3A_2061] : memref<2x352x128xf32, #tpu.memory_space<vmem>> -> memref<1x352x128xf32, #tpu.memory_space<vmem>>
        %get3A_2063 = tpu.memref_squeeze %get3A_2062 : memref<1x352x128xf32, #tpu.memory_space<vmem>> -> memref<352x128xf32, #tpu.memory_space<vmem>>
        %get3A_2064 = arith.index_cast %add3A_2030 : i32 to index
        %get3A_2065 = arith.constant 48 : index
        %get3A_2066 = tpu.vector_load %get3A_2063[%get3A_2064, %get3A_2065] {strides = array<i32>} : memref<352x128xf32, #tpu.memory_space<vmem>>, vector<1x16xf32>,
        %get3A_2067 = vector.shape_cast %get3A_2066 : vector<1x16xf32> to vector<16xf32>
        %mul3A_2068 = arith.mulf %get3A_132, %get3A_2067 : vector<16xf32>
        %add3A_2069 = arith.addf %add3A_2059, %mul3A_2068 : vector<16xf32>
        %get3A_2070 = arith.constant 0 : i32
        %get3A_2071 = arith.constant 0 : i32
        %get3A_2072 = tpu.memref_slice %arg9[%scan3A_24, %get3A_2070, %get3A_2071] : memref<2x352x128xf32, #tpu.memory_space<vmem>> -> memref<1x352x128xf32, #tpu.memory_space<vmem>>
        %get3A_2073 = tpu.memref_squeeze %get3A_2072 : memref<1x352x128xf32, #tpu.memory_space<vmem>> -> memref<352x128xf32, #tpu.memory_space<vmem>>
        %get3A_2074 = arith.index_cast %add3A_2030 : i32 to index
        %get3A_2075 = arith.constant 64 : index
        %get3A_2076 = tpu.vector_load %get3A_2073[%get3A_2074, %get3A_2075] {strides = array<i32>} : memref<352x128xf32, #tpu.memory_space<vmem>>, vector<1x16xf32>,
        %get3A_2077 = vector.shape_cast %get3A_2076 : vector<1x16xf32> to vector<16xf32>
        %mul3A_2078 = arith.mulf %get3A_140, %get3A_2077 : vector<16xf32>
        %add3A_2079 = arith.addf %add3A_2069, %mul3A_2078 : vector<16xf32>
        %get3A_2080 = arith.constant 0 : i32
        %get3A_2081 = arith.constant 0 : i32
        %get3A_2082 = tpu.memref_slice %arg9[%scan3A_24, %get3A_2080, %get3A_2081] : memref<2x352x128xf32, #tpu.memory_space<vmem>> -> memref<1x352x128xf32, #tpu.memory_space<vmem>>
        %get3A_2083 = tpu.memref_squeeze %get3A_2082 : memref<1x352x128xf32, #tpu.memory_space<vmem>> -> memref<352x128xf32, #tpu.memory_space<vmem>>
        %get3A_2084 = arith.index_cast %add3A_2030 : i32 to index
        %get3A_2085 = arith.constant 80 : index
        %get3A_2086 = tpu.vector_load %get3A_2083[%get3A_2084, %get3A_2085] {strides = array<i32>} : memref<352x128xf32, #tpu.memory_space<vmem>>, vector<1x16xf32>,
        %get3A_2087 = vector.shape_cast %get3A_2086 : vector<1x16xf32> to vector<16xf32>
        %mul3A_2088 = arith.mulf %get3A_148, %get3A_2087 : vector<16xf32>
        %add3A_2089 = arith.addf %add3A_2079, %mul3A_2088 : vector<16xf32>
        %get3A_2090 = arith.constant 0 : i32
        %get3A_2091 = arith.constant 0 : i32
        %get3A_2092 = tpu.memref_slice %arg9[%scan3A_24, %get3A_2090, %get3A_2091] : memref<2x352x128xf32, #tpu.memory_space<vmem>> -> memref<1x352x128xf32, #tpu.memory_space<vmem>>
        %get3A_2093 = tpu.memref_squeeze %get3A_2092 : memref<1x352x128xf32, #tpu.memory_space<vmem>> -> memref<352x128xf32, #tpu.memory_space<vmem>>
        %get3A_2094 = arith.index_cast %add3A_2030 : i32 to index
        %get3A_2095 = arith.constant 96 : index
        %get3A_2096 = tpu.vector_load %get3A_2093[%get3A_2094, %get3A_2095] {strides = array<i32>} : memref<352x128xf32, #tpu.memory_space<vmem>>, vector<1x16xf32>,
        %get3A_2097 = vector.shape_cast %get3A_2096 : vector<1x16xf32> to vector<16xf32>
        %mul3A_2098 = arith.mulf %get3A_156, %get3A_2097 : vector<16xf32>
        %add3A_2099 = arith.addf %add3A_2089, %mul3A_2098 : vector<16xf32>
        %get3A_2100 = arith.constant 0 : i32
        %get3A_2101 = arith.constant 0 : i32
        %get3A_2102 = tpu.memref_slice %arg9[%scan3A_24, %get3A_2100, %get3A_2101] : memref<2x352x128xf32, #tpu.memory_space<vmem>> -> memref<1x352x128xf32, #tpu.memory_space<vmem>>
        %get3A_2103 = tpu.memref_squeeze %get3A_2102 : memref<1x352x128xf32, #tpu.memory_space<vmem>> -> memref<352x128xf32, #tpu.memory_space<vmem>>
        %get3A_2104 = arith.index_cast %add3A_2030 : i32 to index
        %get3A_2105 = arith.constant 112 : index
        %get3A_2106 = tpu.vector_load %get3A_2103[%get3A_2104, %get3A_2105] {strides = array<i32>} : memref<352x128xf32, #tpu.memory_space<vmem>>, vector<1x16xf32>,
        %get3A_2107 = vector.shape_cast %get3A_2106 : vector<1x16xf32> to vector<16xf32>
        %mul3A_2108 = arith.mulf %get3A_164, %get3A_2107 : vector<16xf32>
        %add3A_2109 = arith.addf %add3A_2099, %mul3A_2108 : vector<16xf32>
        %mul3A_2110 = arith.constant 20 : i32
        %mul3A_2111 = arith.muli %scan3A_101, %mul3A_2110 : i32
        %add3A_2112 = arith.constant 32 : i32
        %add3A_2113 = arith.addi %add3A_2112, %mul3A_2111 : i32
        %add3A_2114 = arith.constant 19 : i32
        %add3A_2115 = arith.addi %add3A_2113, %add3A_2114 : i32
        %get3A_2116 = arith.constant 0 : i32
        %get3A_2117 = arith.constant 0 : i32
        %get3A_2118 = tpu.memref_slice %arg9[%scan3A_24, %get3A_2116, %get3A_2117] : memref<2x352x128xf32, #tpu.memory_space<vmem>> -> memref<1x352x128xf32, #tpu.memory_space<vmem>>
        %get3A_2119 = tpu.memref_squeeze %get3A_2118 : memref<1x352x128xf32, #tpu.memory_space<vmem>> -> memref<352x128xf32, #tpu.memory_space<vmem>>
        %get3A_2120 = arith.index_cast %add3A_2115 : i32 to index
        %get3A_2121 = arith.constant 0 : index
        %get3A_2122 = tpu.vector_load %get3A_2119[%get3A_2120, %get3A_2121] {strides = array<i32>} : memref<352x128xf32, #tpu.memory_space<vmem>>, vector<1x16xf32>,
        %get3A_2123 = vector.shape_cast %get3A_2122 : vector<1x16xf32> to vector<16xf32>
        %mul3A_2124 = arith.mulf %get3A_108, %get3A_2123 : vector<16xf32>
        %get3A_2125 = arith.constant 0 : i32
        %get3A_2126 = arith.constant 0 : i32
        %get3A_2127 = tpu.memref_slice %arg9[%scan3A_24, %get3A_2125, %get3A_2126] : memref<2x352x128xf32, #tpu.memory_space<vmem>> -> memref<1x352x128xf32, #tpu.memory_space<vmem>>
        %get3A_2128 = tpu.memref_squeeze %get3A_2127 : memref<1x352x128xf32, #tpu.memory_space<vmem>> -> memref<352x128xf32, #tpu.memory_space<vmem>>
        %get3A_2129 = arith.index_cast %add3A_2115 : i32 to index
        %get3A_2130 = arith.constant 16 : index
        %get3A_2131 = tpu.vector_load %get3A_2128[%get3A_2129, %get3A_2130] {strides = array<i32>} : memref<352x128xf32, #tpu.memory_space<vmem>>, vector<1x16xf32>,
        %get3A_2132 = vector.shape_cast %get3A_2131 : vector<1x16xf32> to vector<16xf32>
        %mul3A_2133 = arith.mulf %get3A_116, %get3A_2132 : vector<16xf32>
        %add3A_2134 = arith.addf %mul3A_2124, %mul3A_2133 : vector<16xf32>
        %get3A_2135 = arith.constant 0 : i32
        %get3A_2136 = arith.constant 0 : i32
        %get3A_2137 = tpu.memref_slice %arg9[%scan3A_24, %get3A_2135, %get3A_2136] : memref<2x352x128xf32, #tpu.memory_space<vmem>> -> memref<1x352x128xf32, #tpu.memory_space<vmem>>
        %get3A_2138 = tpu.memref_squeeze %get3A_2137 : memref<1x352x128xf32, #tpu.memory_space<vmem>> -> memref<352x128xf32, #tpu.memory_space<vmem>>
        %get3A_2139 = arith.index_cast %add3A_2115 : i32 to index
        %get3A_2140 = arith.constant 32 : index
        %get3A_2141 = tpu.vector_load %get3A_2138[%get3A_2139, %get3A_2140] {strides = array<i32>} : memref<352x128xf32, #tpu.memory_space<vmem>>, vector<1x16xf32>,
        %get3A_2142 = vector.shape_cast %get3A_2141 : vector<1x16xf32> to vector<16xf32>
        %mul3A_2143 = arith.mulf %get3A_124, %get3A_2142 : vector<16xf32>
        %add3A_2144 = arith.addf %add3A_2134, %mul3A_2143 : vector<16xf32>
        %get3A_2145 = arith.constant 0 : i32
        %get3A_2146 = arith.constant 0 : i32
        %get3A_2147 = tpu.memref_slice %arg9[%scan3A_24, %get3A_2145, %get3A_2146] : memref<2x352x128xf32, #tpu.memory_space<vmem>> -> memref<1x352x128xf32, #tpu.memory_space<vmem>>
        %get3A_2148 = tpu.memref_squeeze %get3A_2147 : memref<1x352x128xf32, #tpu.memory_space<vmem>> -> memref<352x128xf32, #tpu.memory_space<vmem>>
        %get3A_2149 = arith.index_cast %add3A_2115 : i32 to index
        %get3A_2150 = arith.constant 48 : index
        %get3A_2151 = tpu.vector_load %get3A_2148[%get3A_2149, %get3A_2150] {strides = array<i32>} : memref<352x128xf32, #tpu.memory_space<vmem>>, vector<1x16xf32>,
        %get3A_2152 = vector.shape_cast %get3A_2151 : vector<1x16xf32> to vector<16xf32>
        %mul3A_2153 = arith.mulf %get3A_132, %get3A_2152 : vector<16xf32>
        %add3A_2154 = arith.addf %add3A_2144, %mul3A_2153 : vector<16xf32>
        %get3A_2155 = arith.constant 0 : i32
        %get3A_2156 = arith.constant 0 : i32
        %get3A_2157 = tpu.memref_slice %arg9[%scan3A_24, %get3A_2155, %get3A_2156] : memref<2x352x128xf32, #tpu.memory_space<vmem>> -> memref<1x352x128xf32, #tpu.memory_space<vmem>>
        %get3A_2158 = tpu.memref_squeeze %get3A_2157 : memref<1x352x128xf32, #tpu.memory_space<vmem>> -> memref<352x128xf32, #tpu.memory_space<vmem>>
        %get3A_2159 = arith.index_cast %add3A_2115 : i32 to index
        %get3A_2160 = arith.constant 64 : index
        %get3A_2161 = tpu.vector_load %get3A_2158[%get3A_2159, %get3A_2160] {strides = array<i32>} : memref<352x128xf32, #tpu.memory_space<vmem>>, vector<1x16xf32>,
        %get3A_2162 = vector.shape_cast %get3A_2161 : vector<1x16xf32> to vector<16xf32>
        %mul3A_2163 = arith.mulf %get3A_140, %get3A_2162 : vector<16xf32>
        %add3A_2164 = arith.addf %add3A_2154, %mul3A_2163 : vector<16xf32>
        %get3A_2165 = arith.constant 0 : i32
        %get3A_2166 = arith.constant 0 : i32
        %get3A_2167 = tpu.memref_slice %arg9[%scan3A_24, %get3A_2165, %get3A_2166] : memref<2x352x128xf32, #tpu.memory_space<vmem>> -> memref<1x352x128xf32, #tpu.memory_space<vmem>>
        %get3A_2168 = tpu.memref_squeeze %get3A_2167 : memref<1x352x128xf32, #tpu.memory_space<vmem>> -> memref<352x128xf32, #tpu.memory_space<vmem>>
        %get3A_2169 = arith.index_cast %add3A_2115 : i32 to index
        %get3A_2170 = arith.constant 80 : index
        %get3A_2171 = tpu.vector_load %get3A_2168[%get3A_2169, %get3A_2170] {strides = array<i32>} : memref<352x128xf32, #tpu.memory_space<vmem>>, vector<1x16xf32>,
        %get3A_2172 = vector.shape_cast %get3A_2171 : vector<1x16xf32> to vector<16xf32>
        %mul3A_2173 = arith.mulf %get3A_148, %get3A_2172 : vector<16xf32>
        %add3A_2174 = arith.addf %add3A_2164, %mul3A_2173 : vector<16xf32>
        %get3A_2175 = arith.constant 0 : i32
        %get3A_2176 = arith.constant 0 : i32
        %get3A_2177 = tpu.memref_slice %arg9[%scan3A_24, %get3A_2175, %get3A_2176] : memref<2x352x128xf32, #tpu.memory_space<vmem>> -> memref<1x352x128xf32, #tpu.memory_space<vmem>>
        %get3A_2178 = tpu.memref_squeeze %get3A_2177 : memref<1x352x128xf32, #tpu.memory_space<vmem>> -> memref<352x128xf32, #tpu.memory_space<vmem>>
        %get3A_2179 = arith.index_cast %add3A_2115 : i32 to index
        %get3A_2180 = arith.constant 96 : index
        %get3A_2181 = tpu.vector_load %get3A_2178[%get3A_2179, %get3A_2180] {strides = array<i32>} : memref<352x128xf32, #tpu.memory_space<vmem>>, vector<1x16xf32>,
        %get3A_2182 = vector.shape_cast %get3A_2181 : vector<1x16xf32> to vector<16xf32>
        %mul3A_2183 = arith.mulf %get3A_156, %get3A_2182 : vector<16xf32>
        %add3A_2184 = arith.addf %add3A_2174, %mul3A_2183 : vector<16xf32>
        %get3A_2185 = arith.constant 0 : i32
        %get3A_2186 = arith.constant 0 : i32
        %get3A_2187 = tpu.memref_slice %arg9[%scan3A_24, %get3A_2185, %get3A_2186] : memref<2x352x128xf32, #tpu.memory_space<vmem>> -> memref<1x352x128xf32, #tpu.memory_space<vmem>>
        %get3A_2188 = tpu.memref_squeeze %get3A_2187 : memref<1x352x128xf32, #tpu.memory_space<vmem>> -> memref<352x128xf32, #tpu.memory_space<vmem>>
        %get3A_2189 = arith.index_cast %add3A_2115 : i32 to index
        %get3A_2190 = arith.constant 112 : index
        %get3A_2191 = tpu.vector_load %get3A_2188[%get3A_2189, %get3A_2190] {strides = array<i32>} : memref<352x128xf32, #tpu.memory_space<vmem>>, vector<1x16xf32>,
        %get3A_2192 = vector.shape_cast %get3A_2191 : vector<1x16xf32> to vector<16xf32>
        %mul3A_2193 = arith.mulf %get3A_164, %get3A_2192 : vector<16xf32>
        %add3A_2194 = arith.addf %add3A_2184, %mul3A_2193 : vector<16xf32>
        %xor3A_2195 = arith.constant 8 : i32
        %xor3A_2196 = vector.broadcast %xor3A_2195 : i32 to vector<16xi32>
        %xor3A_2197 = arith.xori %iota3A, %xor3A_2196 : vector<16xi32>
        %broadcast_in_dim3A_2198 = vector.shape_cast %xor3A_2197 : vector<16xi32> to vector<16x1xi32>
        %gather3A_2199 = vector.shape_cast %broadcast_in_dim3A_2198 : vector<16x1xi32> to vector<16xi32>
        %gather3A_2200 = tpu.dynamic_gather %add3A_1854[%gather3A_2199] in [0] : vector<16xf32>, vector<16xi32> -> vector<16xf32>
        %add3A_2201 = arith.addf %add3A_1854, %gather3A_2200 : vector<16xf32>
        %xor3A_2202 = arith.constant 8 : i32
        %xor3A_2203 = vector.broadcast %xor3A_2202 : i32 to vector<16xi32>
        %xor3A_2204 = arith.xori %iota3A, %xor3A_2203 : vector<16xi32>
        %broadcast_in_dim3A_2205 = vector.shape_cast %xor3A_2204 : vector<16xi32> to vector<16x1xi32>
        %gather3A_2206 = vector.shape_cast %broadcast_in_dim3A_2205 : vector<16x1xi32> to vector<16xi32>
        %gather3A_2207 = tpu.dynamic_gather %add3A_2194[%gather3A_2206] in [0] : vector<16xf32>, vector<16xi32> -> vector<16xf32>
        %add3A_2208 = arith.addf %add3A_2194, %gather3A_2207 : vector<16xf32>
        %xor3A_2209 = arith.constant 8 : i32
        %xor3A_2210 = vector.broadcast %xor3A_2209 : i32 to vector<16xi32>
        %xor3A_2211 = arith.xori %iota3A, %xor3A_2210 : vector<16xi32>
        %broadcast_in_dim3A_2212 = vector.shape_cast %xor3A_2211 : vector<16xi32> to vector<16x1xi32>
        %gather3A_2213 = vector.shape_cast %broadcast_in_dim3A_2212 : vector<16x1xi32> to vector<16xi32>
        %gather3A_2214 = tpu.dynamic_gather %add3A_2024[%gather3A_2213] in [0] : vector<16xf32>, vector<16xi32> -> vector<16xf32>
        %add3A_2215 = arith.addf %add3A_2024, %gather3A_2214 : vector<16xf32>
        %xor3A_2216 = arith.constant 8 : i32
        %xor3A_2217 = vector.broadcast %xor3A_2216 : i32 to vector<16xi32>
        %xor3A_2218 = arith.xori %iota3A, %xor3A_2217 : vector<16xi32>
        %broadcast_in_dim3A_2219 = vector.shape_cast %xor3A_2218 : vector<16xi32> to vector<16x1xi32>
        %gather3A_2220 = vector.shape_cast %broadcast_in_dim3A_2219 : vector<16x1xi32> to vector<16xi32>
        %gather3A_2221 = tpu.dynamic_gather %broadcast_in_dim3A_3[%gather3A_2220] in [0] : vector<16xf32>, vector<16xi32> -> vector<16xf32>
        %add3A_2222 = arith.addf %broadcast_in_dim3A_3, %gather3A_2221 : vector<16xf32>
        %xor3A_2223 = arith.constant 8 : i32
        %xor3A_2224 = vector.broadcast %xor3A_2223 : i32 to vector<16xi32>
        %xor3A_2225 = arith.xori %iota3A, %xor3A_2224 : vector<16xi32>
        %broadcast_in_dim3A_2226 = vector.shape_cast %xor3A_2225 : vector<16xi32> to vector<16x1xi32>
        %gather3A_2227 = vector.shape_cast %broadcast_in_dim3A_2226 : vector<16x1xi32> to vector<16xi32>
        %gather3A_2228 = tpu.dynamic_gather %add3A_1939[%gather3A_2227] in [0] : vector<16xf32>, vector<16xi32> -> vector<16xf32>
        %add3A_2229 = arith.addf %add3A_1939, %gather3A_2228 : vector<16xf32>
        %xor3A_2230 = arith.constant 8 : i32
        %xor3A_2231 = vector.broadcast %xor3A_2230 : i32 to vector<16xi32>
        %xor3A_2232 = arith.xori %iota3A, %xor3A_2231 : vector<16xi32>
        %broadcast_in_dim3A_2233 = vector.shape_cast %xor3A_2232 : vector<16xi32> to vector<16x1xi32>
        %gather3A_2234 = vector.shape_cast %broadcast_in_dim3A_2233 : vector<16x1xi32> to vector<16xi32>
        %gather3A_2235 = tpu.dynamic_gather %broadcast_in_dim3A_3[%gather3A_2234] in [0] : vector<16xf32>, vector<16xi32> -> vector<16xf32>
        %add3A_2236 = arith.addf %broadcast_in_dim3A_3, %gather3A_2235 : vector<16xf32>
        %xor3A_2237 = arith.constant 8 : i32
        %xor3A_2238 = vector.broadcast %xor3A_2237 : i32 to vector<16xi32>
        %xor3A_2239 = arith.xori %iota3A, %xor3A_2238 : vector<16xi32>
        %broadcast_in_dim3A_2240 = vector.shape_cast %xor3A_2239 : vector<16xi32> to vector<16x1xi32>
        %gather3A_2241 = vector.shape_cast %broadcast_in_dim3A_2240 : vector<16x1xi32> to vector<16xi32>
        %gather3A_2242 = tpu.dynamic_gather %add3A_2109[%gather3A_2241] in [0] : vector<16xf32>, vector<16xi32> -> vector<16xf32>
        %add3A_2243 = arith.addf %add3A_2109, %gather3A_2242 : vector<16xf32>
        %xor3A_2244 = arith.constant 8 : i32
        %xor3A_2245 = vector.broadcast %xor3A_2244 : i32 to vector<16xi32>
        %xor3A_2246 = arith.xori %iota3A, %xor3A_2245 : vector<16xi32>
        %broadcast_in_dim3A_2247 = vector.shape_cast %xor3A_2246 : vector<16xi32> to vector<16x1xi32>
        %gather3A_2248 = vector.shape_cast %broadcast_in_dim3A_2247 : vector<16x1xi32> to vector<16xi32>
        %gather3A_2249 = tpu.dynamic_gather %broadcast_in_dim3A_3[%gather3A_2248] in [0] : vector<16xf32>, vector<16xi32> -> vector<16xf32>
        %add3A_2250 = arith.addf %broadcast_in_dim3A_3, %gather3A_2249 : vector<16xf32>
        %and3A_2251 = arith.constant 4 : i32
        %and3A_2252 = vector.broadcast %and3A_2251 : i32 to vector<16xi32>
        %and3A_2253 = arith.andi %iota3A, %and3A_2252 : vector<16xi32>
        %eq3A_2254 = arith.constant 0 : i32
        %eq3A_2255 = vector.broadcast %eq3A_2254 : i32 to vector<16xi32>
        %eq3A_2256 = arith.cmpi eq, %and3A_2253, %eq3A_2255 : vector<16xi32>
        %xor3A_2257 = arith.constant 4 : i32
        %xor3A_2258 = vector.broadcast %xor3A_2257 : i32 to vector<16xi32>
        %xor3A_2259 = arith.xori %iota3A, %xor3A_2258 : vector<16xi32>
        %broadcast_in_dim3A_2260 = vector.shape_cast %xor3A_2259 : vector<16xi32> to vector<16x1xi32>
        %gather3A_2261 = vector.shape_cast %broadcast_in_dim3A_2260 : vector<16x1xi32> to vector<16xi32>
        %gather3A_2262 = tpu.dynamic_gather %add3A_2201[%gather3A_2261] in [0] : vector<16xf32>, vector<16xi32> -> vector<16xf32>
        %add3A_2263 = arith.addf %add3A_2201, %gather3A_2262 : vector<16xf32>
        %xor3A_2264 = arith.constant 4 : i32
        %xor3A_2265 = vector.broadcast %xor3A_2264 : i32 to vector<16xi32>
        %xor3A_2266 = arith.xori %iota3A, %xor3A_2265 : vector<16xi32>
        %broadcast_in_dim3A_2267 = vector.shape_cast %xor3A_2266 : vector<16xi32> to vector<16x1xi32>
        %gather3A_2268 = vector.shape_cast %broadcast_in_dim3A_2267 : vector<16x1xi32> to vector<16xi32>
        %gather3A_2269 = tpu.dynamic_gather %add3A_2208[%gather3A_2268] in [0] : vector<16xf32>, vector<16xi32> -> vector<16xf32>
        %add3A_2270 = arith.addf %add3A_2208, %gather3A_2269 : vector<16xf32>
        %select_n3A_2271 = arith.select %eq3A_2256, %add3A_2263, %add3A_2270 : vector<16xi1>, vector<16xf32>
        %xor3A_2272 = arith.constant 4 : i32
        %xor3A_2273 = vector.broadcast %xor3A_2272 : i32 to vector<16xi32>
        %xor3A_2274 = arith.xori %iota3A, %xor3A_2273 : vector<16xi32>
        %broadcast_in_dim3A_2275 = vector.shape_cast %xor3A_2274 : vector<16xi32> to vector<16x1xi32>
        %gather3A_2276 = vector.shape_cast %broadcast_in_dim3A_2275 : vector<16x1xi32> to vector<16xi32>
        %gather3A_2277 = tpu.dynamic_gather %add3A_2215[%gather3A_2276] in [0] : vector<16xf32>, vector<16xi32> -> vector<16xf32>
        %add3A_2278 = arith.addf %add3A_2215, %gather3A_2277 : vector<16xf32>
        %xor3A_2279 = arith.constant 4 : i32
        %xor3A_2280 = vector.broadcast %xor3A_2279 : i32 to vector<16xi32>
        %xor3A_2281 = arith.xori %iota3A, %xor3A_2280 : vector<16xi32>
        %broadcast_in_dim3A_2282 = vector.shape_cast %xor3A_2281 : vector<16xi32> to vector<16x1xi32>
        %gather3A_2283 = vector.shape_cast %broadcast_in_dim3A_2282 : vector<16x1xi32> to vector<16xi32>
        %gather3A_2284 = tpu.dynamic_gather %add3A_2222[%gather3A_2283] in [0] : vector<16xf32>, vector<16xi32> -> vector<16xf32>
        %add3A_2285 = arith.addf %add3A_2222, %gather3A_2284 : vector<16xf32>
        %select_n3A_2286 = arith.select %eq3A_2256, %add3A_2278, %add3A_2285 : vector<16xi1>, vector<16xf32>
        %xor3A_2287 = arith.constant 4 : i32
        %xor3A_2288 = vector.broadcast %xor3A_2287 : i32 to vector<16xi32>
        %xor3A_2289 = arith.xori %iota3A, %xor3A_2288 : vector<16xi32>
        %broadcast_in_dim3A_2290 = vector.shape_cast %xor3A_2289 : vector<16xi32> to vector<16x1xi32>
        %gather3A_2291 = vector.shape_cast %broadcast_in_dim3A_2290 : vector<16x1xi32> to vector<16xi32>
        %gather3A_2292 = tpu.dynamic_gather %add3A_2229[%gather3A_2291] in [0] : vector<16xf32>, vector<16xi32> -> vector<16xf32>
        %add3A_2293 = arith.addf %add3A_2229, %gather3A_2292 : vector<16xf32>
        %xor3A_2294 = arith.constant 4 : i32
        %xor3A_2295 = vector.broadcast %xor3A_2294 : i32 to vector<16xi32>
        %xor3A_2296 = arith.xori %iota3A, %xor3A_2295 : vector<16xi32>
        %broadcast_in_dim3A_2297 = vector.shape_cast %xor3A_2296 : vector<16xi32> to vector<16x1xi32>
        %gather3A_2298 = vector.shape_cast %broadcast_in_dim3A_2297 : vector<16x1xi32> to vector<16xi32>
        %gather3A_2299 = tpu.dynamic_gather %add3A_2236[%gather3A_2298] in [0] : vector<16xf32>, vector<16xi32> -> vector<16xf32>
        %add3A_2300 = arith.addf %add3A_2236, %gather3A_2299 : vector<16xf32>
        %select_n3A_2301 = arith.select %eq3A_2256, %add3A_2293, %add3A_2300 : vector<16xi1>, vector<16xf32>
        %xor3A_2302 = arith.constant 4 : i32
        %xor3A_2303 = vector.broadcast %xor3A_2302 : i32 to vector<16xi32>
        %xor3A_2304 = arith.xori %iota3A, %xor3A_2303 : vector<16xi32>
        %broadcast_in_dim3A_2305 = vector.shape_cast %xor3A_2304 : vector<16xi32> to vector<16x1xi32>
        %gather3A_2306 = vector.shape_cast %broadcast_in_dim3A_2305 : vector<16x1xi32> to vector<16xi32>
        %gather3A_2307 = tpu.dynamic_gather %add3A_2243[%gather3A_2306] in [0] : vector<16xf32>, vector<16xi32> -> vector<16xf32>
        %add3A_2308 = arith.addf %add3A_2243, %gather3A_2307 : vector<16xf32>
        %xor3A_2309 = arith.constant 4 : i32
        %xor3A_2310 = vector.broadcast %xor3A_2309 : i32 to vector<16xi32>
        %xor3A_2311 = arith.xori %iota3A, %xor3A_2310 : vector<16xi32>
        %broadcast_in_dim3A_2312 = vector.shape_cast %xor3A_2311 : vector<16xi32> to vector<16x1xi32>
        %gather3A_2313 = vector.shape_cast %broadcast_in_dim3A_2312 : vector<16x1xi32> to vector<16xi32>
        %gather3A_2314 = tpu.dynamic_gather %add3A_2250[%gather3A_2313] in [0] : vector<16xf32>, vector<16xi32> -> vector<16xf32>
        %add3A_2315 = arith.addf %add3A_2250, %gather3A_2314 : vector<16xf32>
        %select_n3A_2316 = arith.select %eq3A_2256, %add3A_2308, %add3A_2315 : vector<16xi1>, vector<16xf32>
        %and3A_2317 = arith.constant 2 : i32
        %and3A_2318 = vector.broadcast %and3A_2317 : i32 to vector<16xi32>
        %and3A_2319 = arith.andi %iota3A, %and3A_2318 : vector<16xi32>
        %eq3A_2320 = arith.constant 0 : i32
        %eq3A_2321 = vector.broadcast %eq3A_2320 : i32 to vector<16xi32>
        %eq3A_2322 = arith.cmpi eq, %and3A_2319, %eq3A_2321 : vector<16xi32>
        %xor3A_2323 = arith.constant 2 : i32
        %xor3A_2324 = vector.broadcast %xor3A_2323 : i32 to vector<16xi32>
        %xor3A_2325 = arith.xori %iota3A, %xor3A_2324 : vector<16xi32>
        %broadcast_in_dim3A_2326 = vector.shape_cast %xor3A_2325 : vector<16xi32> to vector<16x1xi32>
        %gather3A_2327 = vector.shape_cast %broadcast_in_dim3A_2326 : vector<16x1xi32> to vector<16xi32>
        %gather3A_2328 = tpu.dynamic_gather %select_n3A_2271[%gather3A_2327] in [0] : vector<16xf32>, vector<16xi32> -> vector<16xf32>
        %add3A_2329 = arith.addf %select_n3A_2271, %gather3A_2328 : vector<16xf32>
        %xor3A_2330 = arith.constant 2 : i32
        %xor3A_2331 = vector.broadcast %xor3A_2330 : i32 to vector<16xi32>
        %xor3A_2332 = arith.xori %iota3A, %xor3A_2331 : vector<16xi32>
        %broadcast_in_dim3A_2333 = vector.shape_cast %xor3A_2332 : vector<16xi32> to vector<16x1xi32>
        %gather3A_2334 = vector.shape_cast %broadcast_in_dim3A_2333 : vector<16x1xi32> to vector<16xi32>
        %gather3A_2335 = tpu.dynamic_gather %select_n3A_2286[%gather3A_2334] in [0] : vector<16xf32>, vector<16xi32> -> vector<16xf32>
        %add3A_2336 = arith.addf %select_n3A_2286, %gather3A_2335 : vector<16xf32>
        %select_n3A_2337 = arith.select %eq3A_2322, %add3A_2329, %add3A_2336 : vector<16xi1>, vector<16xf32>
        %xor3A_2338 = arith.constant 2 : i32
        %xor3A_2339 = vector.broadcast %xor3A_2338 : i32 to vector<16xi32>
        %xor3A_2340 = arith.xori %iota3A, %xor3A_2339 : vector<16xi32>
        %broadcast_in_dim3A_2341 = vector.shape_cast %xor3A_2340 : vector<16xi32> to vector<16x1xi32>
        %gather3A_2342 = vector.shape_cast %broadcast_in_dim3A_2341 : vector<16x1xi32> to vector<16xi32>
        %gather3A_2343 = tpu.dynamic_gather %select_n3A_2301[%gather3A_2342] in [0] : vector<16xf32>, vector<16xi32> -> vector<16xf32>
        %add3A_2344 = arith.addf %select_n3A_2301, %gather3A_2343 : vector<16xf32>
        %xor3A_2345 = arith.constant 2 : i32
        %xor3A_2346 = vector.broadcast %xor3A_2345 : i32 to vector<16xi32>
        %xor3A_2347 = arith.xori %iota3A, %xor3A_2346 : vector<16xi32>
        %broadcast_in_dim3A_2348 = vector.shape_cast %xor3A_2347 : vector<16xi32> to vector<16x1xi32>
        %gather3A_2349 = vector.shape_cast %broadcast_in_dim3A_2348 : vector<16x1xi32> to vector<16xi32>
        %gather3A_2350 = tpu.dynamic_gather %select_n3A_2316[%gather3A_2349] in [0] : vector<16xf32>, vector<16xi32> -> vector<16xf32>
        %add3A_2351 = arith.addf %select_n3A_2316, %gather3A_2350 : vector<16xf32>
        %select_n3A_2352 = arith.select %eq3A_2322, %add3A_2344, %add3A_2351 : vector<16xi1>, vector<16xf32>
        %and3A_2353 = arith.constant 1 : i32
        %and3A_2354 = vector.broadcast %and3A_2353 : i32 to vector<16xi32>
        %and3A_2355 = arith.andi %iota3A, %and3A_2354 : vector<16xi32>
        %eq3A_2356 = arith.constant 0 : i32
        %eq3A_2357 = vector.broadcast %eq3A_2356 : i32 to vector<16xi32>
        %eq3A_2358 = arith.cmpi eq, %and3A_2355, %eq3A_2357 : vector<16xi32>
        %xor3A_2359 = arith.constant 1 : i32
        %xor3A_2360 = vector.broadcast %xor3A_2359 : i32 to vector<16xi32>
        %xor3A_2361 = arith.xori %iota3A, %xor3A_2360 : vector<16xi32>
        %broadcast_in_dim3A_2362 = vector.shape_cast %xor3A_2361 : vector<16xi32> to vector<16x1xi32>
        %gather3A_2363 = vector.shape_cast %broadcast_in_dim3A_2362 : vector<16x1xi32> to vector<16xi32>
        %gather3A_2364 = tpu.dynamic_gather %select_n3A_2337[%gather3A_2363] in [0] : vector<16xf32>, vector<16xi32> -> vector<16xf32>
        %add3A_2365 = arith.addf %select_n3A_2337, %gather3A_2364 : vector<16xf32>
        %xor3A_2366 = arith.constant 1 : i32
        %xor3A_2367 = vector.broadcast %xor3A_2366 : i32 to vector<16xi32>
        %xor3A_2368 = arith.xori %iota3A, %xor3A_2367 : vector<16xi32>
        %broadcast_in_dim3A_2369 = vector.shape_cast %xor3A_2368 : vector<16xi32> to vector<16x1xi32>
        %gather3A_2370 = vector.shape_cast %broadcast_in_dim3A_2369 : vector<16x1xi32> to vector<16xi32>
        %gather3A_2371 = tpu.dynamic_gather %select_n3A_2352[%gather3A_2370] in [0] : vector<16xf32>, vector<16xi32> -> vector<16xf32>
        %add3A_2372 = arith.addf %select_n3A_2352, %gather3A_2371 : vector<16xf32>
        %select_n3A_2373 = arith.select %eq3A_2358, %add3A_2365, %add3A_2372 : vector<16xi1>, vector<16xf32>
        %mul3A_2374 = arith.constant 16 : i32
        %mul3A_2375 = arith.muli %scan3A_101, %mul3A_2374 : i32
        %swap3A_2376 = arith.index_cast %mul3A_2375 : i32 to index
        %swap3A_2377 = tpu.vector_load %arg11[%swap3A_2376] {strides = array<i32>} : memref<256xf32, #tpu.memory_space<vmem>>, vector<16xf32>,
        %swap3A_2378 = vector.shape_cast %swap3A_2377 : vector<16xf32> to vector<16xf32>
        %swap3A_2379 = vector.shape_cast %select_n3A_2373 : vector<16xf32> to vector<16xf32>
        tpu.vector_store %arg11[%swap3A_2376], %swap3A_2379 {strides = array<i32>} : memref<256xf32, #tpu.memory_space<vmem>>, vector<16xf32>,
      }
      %scan3A_67 = arith.constant 16 : i32
      %mul3A_68 = arith.constant 16 : i32
      %mul3A_69 = arith.muli %add3A_61, %mul3A_68 : i32
      "tpu.region"() ({
        %run_scoped3A_101 = tpu.sem_alloc : memref<!tpu.dma_semaphore, #tpu.memory_space<semaphore_mem>>
        %dma_start3A_102 = tpu.memref_slice %arg6[%mul3A_69] : memref<262144xf32, #tpu.memory_space<hbm>> -> memref<256xf32, #tpu.memory_space<hbm>>
        %dma_start3A_103 = tpu.memref_slice %arg6[%mul3A_69] : memref<262144xf32, #tpu.memory_space<hbm>> -> memref<256xf32, #tpu.memory_space<hbm>>
        tpu.enqueue_dma source(%arg10 : memref<256xf32, #tpu.memory_space<vmem>>) target(%dma_start3A_103 : memref<256xf32, #tpu.memory_space<hbm>>) target_semaphore(%run_scoped3A_101 : memref<!tpu.dma_semaphore, #tpu.memory_space<semaphore_mem>>)
        %dma_wait3A_104 = tpu.memref_slice %arg6[%mul3A_69] : memref<262144xf32, #tpu.memory_space<hbm>> -> memref<256xf32, #tpu.memory_space<hbm>>
        %dma_wait3A_105 = tpu.memref_slice %arg6[%mul3A_69] : memref<262144xf32, #tpu.memory_space<hbm>> -> memref<256xf32, #tpu.memory_space<hbm>>
        tpu.wait_dma2 semaphore(%run_scoped3A_101 : memref<!tpu.dma_semaphore, #tpu.memory_space<semaphore_mem>>) src(%arg10 : memref<256xf32, #tpu.memory_space<vmem>>) dst(%dma_wait3A_105 : memref<256xf32, #tpu.memory_space<hbm>>)
        tpu.yield
      }) : () -> ()
      %mul3A_70 = arith.constant 16 : i32
      %mul3A_71 = arith.muli %add3A_61, %mul3A_70 : i32
      "tpu.region"() ({
        %run_scoped3A_101 = tpu.sem_alloc : memref<!tpu.dma_semaphore, #tpu.memory_space<semaphore_mem>>
        %dma_start3A_102 = tpu.memref_slice %arg7[%mul3A_71] : memref<262144xf32, #tpu.memory_space<hbm>> -> memref<256xf32, #tpu.memory_space<hbm>>
        %dma_start3A_103 = tpu.memref_slice %arg7[%mul3A_71] : memref<262144xf32, #tpu.memory_space<hbm>> -> memref<256xf32, #tpu.memory_space<hbm>>
        tpu.enqueue_dma source(%arg11 : memref<256xf32, #tpu.memory_space<vmem>>) target(%dma_start3A_103 : memref<256xf32, #tpu.memory_space<hbm>>) target_semaphore(%run_scoped3A_101 : memref<!tpu.dma_semaphore, #tpu.memory_space<semaphore_mem>>)
        %dma_wait3A_104 = tpu.memref_slice %arg7[%mul3A_71] : memref<262144xf32, #tpu.memory_space<hbm>> -> memref<256xf32, #tpu.memory_space<hbm>>
        %dma_wait3A_105 = tpu.memref_slice %arg7[%mul3A_71] : memref<262144xf32, #tpu.memory_space<hbm>> -> memref<256xf32, #tpu.memory_space<hbm>>
        tpu.wait_dma2 semaphore(%run_scoped3A_101 : memref<!tpu.dma_semaphore, #tpu.memory_space<semaphore_mem>>) src(%arg11 : memref<256xf32, #tpu.memory_space<vmem>>) dst(%dma_wait3A_105 : memref<256xf32, #tpu.memory_space<hbm>>)
        tpu.yield
      }) : () -> ()
      %add3A_72 = arith.constant 2 : i32
      %add3A_73 = arith.addi %mul3A_32, %add3A_72 : i32
      %lt3A = arith.constant 32 : i32
      %lt3A_74 = arith.cmpi slt, %add3A_73, %lt3A : i32
      %convert_element_type3A = arith.extui %lt3A_74 : i1 to i32
      %cond3A = arith.constant 0 : i32
      %cond3A_75 = arith.cmpi ne, %convert_element_type3A, %cond3A : i32
      scf.if %cond3A_75 {
        %add3A_101 = arith.constant 2 : i32
        %add3A_102 = arith.addi %mul3A_32, %add3A_101 : i32
        %mul3A_103 = arith.constant 16 : i32
        %mul3A_104 = arith.muli %add3A_102, %mul3A_103 : i32
        %add3A_105 = arith.addi %mul3A_2, %mul3A_104 : i32
        "tpu.region"() ({
          %run_scoped3A_118 = tpu.sem_alloc : memref<!tpu.dma_semaphore, #tpu.memory_space<semaphore_mem>>
          %dma_start3A_119 = arith.constant 0 : i32
          %dma_start3A_120 = tpu.memref_slice %arg8[%scan3A_23, %dma_start3A_119] : memref<2x352xi32, #tpu.memory_space<vmem>> -> memref<1x352xi32, #tpu.memory_space<vmem>>
          %dma_start3A_121 = tpu.memref_squeeze %dma_start3A_120 : memref<1x352xi32, #tpu.memory_space<vmem>> -> memref<352xi32, #tpu.memory_space<vmem>>
          %dma_start3A_122 = arith.constant 0 : i32
          %dma_start3A_123 = tpu.memref_slice %dma_start3A_121[%dma_start3A_122] : memref<352xi32, #tpu.memory_space<vmem>> -> memref<16xi32, #tpu.memory_space<vmem>>
          %dma_start3A_124 = tpu.memref_slice %arg2[%add3A_105] : memref<16384xi32, #tpu.memory_space<hbm>> -> memref<16xi32, #tpu.memory_space<hbm>>
          %dma_start3A_125 = arith.constant 0 : i32
          %dma_start3A_126 = tpu.memref_slice %arg8[%scan3A_23, %dma_start3A_125] : memref<2x352xi32, #tpu.memory_space<vmem>> -> memref<1x352xi32, #tpu.memory_space<vmem>>
          %dma_start3A_127 = tpu.memref_squeeze %dma_start3A_126 : memref<1x352xi32, #tpu.memory_space<vmem>> -> memref<352xi32, #tpu.memory_space<vmem>>
          %dma_start3A_128 = arith.constant 0 : i32
          %dma_start3A_129 = tpu.memref_slice %dma_start3A_127[%dma_start3A_128] : memref<352xi32, #tpu.memory_space<vmem>> -> memref<16xi32, #tpu.memory_space<vmem>>
          %dma_start3A_130 = tpu.memref_slice %arg2[%add3A_105] : memref<16384xi32, #tpu.memory_space<hbm>> -> memref<16xi32, #tpu.memory_space<hbm>>
          tpu.enqueue_dma source(%dma_start3A_130 : memref<16xi32, #tpu.memory_space<hbm>>) target(%dma_start3A_129 : memref<16xi32, #tpu.memory_space<vmem>>) target_semaphore(%run_scoped3A_118 : memref<!tpu.dma_semaphore, #tpu.memory_space<semaphore_mem>>)
          %dma_wait3A_131 = arith.constant 0 : i32
          %dma_wait3A_132 = tpu.memref_slice %arg8[%scan3A_23, %dma_wait3A_131] : memref<2x352xi32, #tpu.memory_space<vmem>> -> memref<1x352xi32, #tpu.memory_space<vmem>>
          %dma_wait3A_133 = tpu.memref_squeeze %dma_wait3A_132 : memref<1x352xi32, #tpu.memory_space<vmem>> -> memref<352xi32, #tpu.memory_space<vmem>>
          %dma_wait3A_134 = arith.constant 0 : i32
          %dma_wait3A_135 = tpu.memref_slice %dma_wait3A_133[%dma_wait3A_134] : memref<352xi32, #tpu.memory_space<vmem>> -> memref<16xi32, #tpu.memory_space<vmem>>
          %dma_wait3A_136 = tpu.memref_slice %arg2[%add3A_105] : memref<16384xi32, #tpu.memory_space<hbm>> -> memref<16xi32, #tpu.memory_space<hbm>>
          %dma_wait3A_137 = arith.constant 0 : i32
          %dma_wait3A_138 = tpu.memref_slice %arg8[%scan3A_23, %dma_wait3A_137] : memref<2x352xi32, #tpu.memory_space<vmem>> -> memref<1x352xi32, #tpu.memory_space<vmem>>
          %dma_wait3A_139 = tpu.memref_squeeze %dma_wait3A_138 : memref<1x352xi32, #tpu.memory_space<vmem>> -> memref<352xi32, #tpu.memory_space<vmem>>
          %dma_wait3A_140 = arith.constant 0 : i32
          %dma_wait3A_141 = tpu.memref_slice %dma_wait3A_139[%dma_wait3A_140] : memref<352xi32, #tpu.memory_space<vmem>> -> memref<16xi32, #tpu.memory_space<vmem>>
          %dma_wait3A_142 = tpu.memref_slice %arg2[%add3A_105] : memref<16384xi32, #tpu.memory_space<hbm>> -> memref<16xi32, #tpu.memory_space<hbm>>
          tpu.wait_dma2 semaphore(%run_scoped3A_118 : memref<!tpu.dma_semaphore, #tpu.memory_space<semaphore_mem>>) src(%dma_wait3A_142 : memref<16xi32, #tpu.memory_space<hbm>>) dst(%dma_wait3A_141 : memref<16xi32, #tpu.memory_space<vmem>>)
          tpu.yield
        }) : () -> ()
        "tpu.region"() ({
          %run_scoped3A_118 = tpu.sem_alloc : memref<!tpu.dma_semaphore, #tpu.memory_space<semaphore_mem>>
          %dma_start3A_119 = arith.constant 0 : i32
          %dma_start3A_120 = tpu.memref_slice %arg8[%scan3A_23, %dma_start3A_119] : memref<2x352xi32, #tpu.memory_space<vmem>> -> memref<1x352xi32, #tpu.memory_space<vmem>>
          %dma_start3A_121 = tpu.memref_squeeze %dma_start3A_120 : memref<1x352xi32, #tpu.memory_space<vmem>> -> memref<352xi32, #tpu.memory_space<vmem>>
          %dma_start3A_122 = arith.constant 16 : i32
          %dma_start3A_123 = tpu.memref_slice %dma_start3A_121[%dma_start3A_122] : memref<352xi32, #tpu.memory_space<vmem>> -> memref<16xi32, #tpu.memory_space<vmem>>
          %dma_start3A_124 = tpu.memref_slice %arg3[%add3A_105] : memref<16384xi32, #tpu.memory_space<hbm>> -> memref<16xi32, #tpu.memory_space<hbm>>
          %dma_start3A_125 = arith.constant 0 : i32
          %dma_start3A_126 = tpu.memref_slice %arg8[%scan3A_23, %dma_start3A_125] : memref<2x352xi32, #tpu.memory_space<vmem>> -> memref<1x352xi32, #tpu.memory_space<vmem>>
          %dma_start3A_127 = tpu.memref_squeeze %dma_start3A_126 : memref<1x352xi32, #tpu.memory_space<vmem>> -> memref<352xi32, #tpu.memory_space<vmem>>
          %dma_start3A_128 = arith.constant 16 : i32
          %dma_start3A_129 = tpu.memref_slice %dma_start3A_127[%dma_start3A_128] : memref<352xi32, #tpu.memory_space<vmem>> -> memref<16xi32, #tpu.memory_space<vmem>>
          %dma_start3A_130 = tpu.memref_slice %arg3[%add3A_105] : memref<16384xi32, #tpu.memory_space<hbm>> -> memref<16xi32, #tpu.memory_space<hbm>>
          tpu.enqueue_dma source(%dma_start3A_130 : memref<16xi32, #tpu.memory_space<hbm>>) target(%dma_start3A_129 : memref<16xi32, #tpu.memory_space<vmem>>) target_semaphore(%run_scoped3A_118 : memref<!tpu.dma_semaphore, #tpu.memory_space<semaphore_mem>>)
          %dma_wait3A_131 = arith.constant 0 : i32
          %dma_wait3A_132 = tpu.memref_slice %arg8[%scan3A_23, %dma_wait3A_131] : memref<2x352xi32, #tpu.memory_space<vmem>> -> memref<1x352xi32, #tpu.memory_space<vmem>>
          %dma_wait3A_133 = tpu.memref_squeeze %dma_wait3A_132 : memref<1x352xi32, #tpu.memory_space<vmem>> -> memref<352xi32, #tpu.memory_space<vmem>>
          %dma_wait3A_134 = arith.constant 16 : i32
          %dma_wait3A_135 = tpu.memref_slice %dma_wait3A_133[%dma_wait3A_134] : memref<352xi32, #tpu.memory_space<vmem>> -> memref<16xi32, #tpu.memory_space<vmem>>
          %dma_wait3A_136 = tpu.memref_slice %arg3[%add3A_105] : memref<16384xi32, #tpu.memory_space<hbm>> -> memref<16xi32, #tpu.memory_space<hbm>>
          %dma_wait3A_137 = arith.constant 0 : i32
          %dma_wait3A_138 = tpu.memref_slice %arg8[%scan3A_23, %dma_wait3A_137] : memref<2x352xi32, #tpu.memory_space<vmem>> -> memref<1x352xi32, #tpu.memory_space<vmem>>
          %dma_wait3A_139 = tpu.memref_squeeze %dma_wait3A_138 : memref<1x352xi32, #tpu.memory_space<vmem>> -> memref<352xi32, #tpu.memory_space<vmem>>
          %dma_wait3A_140 = arith.constant 16 : i32
          %dma_wait3A_141 = tpu.memref_slice %dma_wait3A_139[%dma_wait3A_140] : memref<352xi32, #tpu.memory_space<vmem>> -> memref<16xi32, #tpu.memory_space<vmem>>
          %dma_wait3A_142 = tpu.memref_slice %arg3[%add3A_105] : memref<16384xi32, #tpu.memory_space<hbm>> -> memref<16xi32, #tpu.memory_space<hbm>>
          tpu.wait_dma2 semaphore(%run_scoped3A_118 : memref<!tpu.dma_semaphore, #tpu.memory_space<semaphore_mem>>) src(%dma_wait3A_142 : memref<16xi32, #tpu.memory_space<hbm>>) dst(%dma_wait3A_141 : memref<16xi32, #tpu.memory_space<vmem>>)
          tpu.yield
        }) : () -> ()
        %mul3A_106 = arith.constant 20 : i32
        %mul3A_107 = arith.muli %add3A_105, %mul3A_106 : i32
        "tpu.region"() ({
          %run_scoped3A_118 = tpu.sem_alloc : memref<!tpu.dma_semaphore, #tpu.memory_space<semaphore_mem>>
          %dma_start3A_119 = arith.constant 0 : i32
          %dma_start3A_120 = tpu.memref_slice %arg8[%scan3A_23, %dma_start3A_119] : memref<2x352xi32, #tpu.memory_space<vmem>> -> memref<1x352xi32, #tpu.memory_space<vmem>>
          %dma_start3A_121 = tpu.memref_squeeze %dma_start3A_120 : memref<1x352xi32, #tpu.memory_space<vmem>> -> memref<352xi32, #tpu.memory_space<vmem>>
          %dma_start3A_122 = arith.constant 32 : i32
          %dma_start3A_123 = tpu.memref_slice %dma_start3A_121[%dma_start3A_122] : memref<352xi32, #tpu.memory_space<vmem>> -> memref<320xi32, #tpu.memory_space<vmem>>
          %dma_start3A_124 = tpu.memref_slice %arg4[%mul3A_107] : memref<327680xi32, #tpu.memory_space<hbm>> -> memref<320xi32, #tpu.memory_space<hbm>>
          %dma_start3A_125 = arith.constant 0 : i32
          %dma_start3A_126 = tpu.memref_slice %arg8[%scan3A_23, %dma_start3A_125] : memref<2x352xi32, #tpu.memory_space<vmem>> -> memref<1x352xi32, #tpu.memory_space<vmem>>
          %dma_start3A_127 = tpu.memref_squeeze %dma_start3A_126 : memref<1x352xi32, #tpu.memory_space<vmem>> -> memref<352xi32, #tpu.memory_space<vmem>>
          %dma_start3A_128 = arith.constant 32 : i32
          %dma_start3A_129 = tpu.memref_slice %dma_start3A_127[%dma_start3A_128] : memref<352xi32, #tpu.memory_space<vmem>> -> memref<320xi32, #tpu.memory_space<vmem>>
          %dma_start3A_130 = tpu.memref_slice %arg4[%mul3A_107] : memref<327680xi32, #tpu.memory_space<hbm>> -> memref<320xi32, #tpu.memory_space<hbm>>
          tpu.enqueue_dma source(%dma_start3A_130 : memref<320xi32, #tpu.memory_space<hbm>>) target(%dma_start3A_129 : memref<320xi32, #tpu.memory_space<vmem>>) target_semaphore(%run_scoped3A_118 : memref<!tpu.dma_semaphore, #tpu.memory_space<semaphore_mem>>)
          %dma_wait3A_131 = arith.constant 0 : i32
          %dma_wait3A_132 = tpu.memref_slice %arg8[%scan3A_23, %dma_wait3A_131] : memref<2x352xi32, #tpu.memory_space<vmem>> -> memref<1x352xi32, #tpu.memory_space<vmem>>
          %dma_wait3A_133 = tpu.memref_squeeze %dma_wait3A_132 : memref<1x352xi32, #tpu.memory_space<vmem>> -> memref<352xi32, #tpu.memory_space<vmem>>
          %dma_wait3A_134 = arith.constant 32 : i32
          %dma_wait3A_135 = tpu.memref_slice %dma_wait3A_133[%dma_wait3A_134] : memref<352xi32, #tpu.memory_space<vmem>> -> memref<320xi32, #tpu.memory_space<vmem>>
          %dma_wait3A_136 = tpu.memref_slice %arg4[%mul3A_107] : memref<327680xi32, #tpu.memory_space<hbm>> -> memref<320xi32, #tpu.memory_space<hbm>>
          %dma_wait3A_137 = arith.constant 0 : i32
          %dma_wait3A_138 = tpu.memref_slice %arg8[%scan3A_23, %dma_wait3A_137] : memref<2x352xi32, #tpu.memory_space<vmem>> -> memref<1x352xi32, #tpu.memory_space<vmem>>
          %dma_wait3A_139 = tpu.memref_squeeze %dma_wait3A_138 : memref<1x352xi32, #tpu.memory_space<vmem>> -> memref<352xi32, #tpu.memory_space<vmem>>
          %dma_wait3A_140 = arith.constant 32 : i32
          %dma_wait3A_141 = tpu.memref_slice %dma_wait3A_139[%dma_wait3A_140] : memref<352xi32, #tpu.memory_space<vmem>> -> memref<320xi32, #tpu.memory_space<vmem>>
          %dma_wait3A_142 = tpu.memref_slice %arg4[%mul3A_107] : memref<327680xi32, #tpu.memory_space<hbm>> -> memref<320xi32, #tpu.memory_space<hbm>>
          tpu.wait_dma2 semaphore(%run_scoped3A_118 : memref<!tpu.dma_semaphore, #tpu.memory_space<semaphore_mem>>) src(%dma_wait3A_142 : memref<320xi32, #tpu.memory_space<hbm>>) dst(%dma_wait3A_141 : memref<320xi32, #tpu.memory_space<vmem>>)
          tpu.yield
        }) : () -> ()
        %dma_start3A_108 = arith.constant 0 : i32
        %dma_start3A_109 = arith.constant 0 : i32
        %dma_start3A_110 = tpu.memref_slice %arg9[%scan3A_24, %dma_start3A_108, %dma_start3A_109] : memref<2x352x128xf32, #tpu.memory_space<vmem>> -> memref<1x352x128xf32, #tpu.memory_space<vmem>>
        %dma_start3A_111 = tpu.memref_squeeze %dma_start3A_110 : memref<1x352x128xf32, #tpu.memory_space<vmem>> -> memref<352x128xf32, #tpu.memory_space<vmem>>
        %dma_start3A_112 = arith.constant 0 : i32
        %dma_start3A_113 = tpu.memref_slice %arg8[%scan3A_23, %dma_start3A_112] : memref<2x352xi32, #tpu.memory_space<vmem>> -> memref<1x352xi32, #tpu.memory_space<vmem>>
        %dma_start3A_114 = tpu.memref_squeeze %dma_start3A_113 : memref<1x352xi32, #tpu.memory_space<vmem>> -> memref<352xi32, #tpu.memory_space<vmem>>
        %dma_start3A_115 = arith.constant 0 : i32
        %dma_start3A_116 = arith.constant 0 : i32
        %dma_start3A_117 = tpu.memref_slice %arg5[%dma_start3A_115, %dma_start3A_116] : memref<2000000x128xf32, #tpu.memory_space<hbm>> -> memref<2000000x128xf32, #tpu.memory_space<hbm>>
        tpu.enqueue_indirect_dma source(%dma_start3A_117 : memref<2000000x128xf32, #tpu.memory_space<hbm>>) target(%dma_start3A_111 : memref<352x128xf32, #tpu.memory_space<vmem>>) offsets(%dma_start3A_114 : memref<352xi32, #tpu.memory_space<vmem>>) semaphore(%arg12 : memref<!tpu.dma_semaphore, #tpu.memory_space<semaphore_mem>>)
      } else {
      }
      %add3A_76 = arith.constant 1 : i32
      %add3A_77 = arith.addi %mul3A_32, %add3A_76 : i32
      %dma_wait3A_78 = arith.constant 0 : i32
      %dma_wait3A_79 = arith.constant 0 : i32
      %dma_wait3A_80 = tpu.memref_slice %arg9[%scan3A_22, %dma_wait3A_78, %dma_wait3A_79] : memref<2x352x128xf32, #tpu.memory_space<vmem>> -> memref<1x352x128xf32, #tpu.memory_space<vmem>>
      %dma_wait3A_81 = tpu.memref_squeeze %dma_wait3A_80 : memref<1x352x128xf32, #tpu.memory_space<vmem>> -> memref<352x128xf32, #tpu.memory_space<vmem>>
      %dma_wait3A_82 = arith.constant 0 : i32
      %dma_wait3A_83 = tpu.memref_slice %arg8[%scan3A_21, %dma_wait3A_82] : memref<2x352xi32, #tpu.memory_space<vmem>> -> memref<1x352xi32, #tpu.memory_space<vmem>>
      %dma_wait3A_84 = tpu.memref_squeeze %dma_wait3A_83 : memref<1x352xi32, #tpu.memory_space<vmem>> -> memref<352xi32, #tpu.memory_space<vmem>>
      %dma_wait3A_85 = arith.constant 0 : i32
      %dma_wait3A_86 = arith.constant 0 : i32
      %dma_wait3A_87 = tpu.memref_slice %arg5[%dma_wait3A_85, %dma_wait3A_86] : memref<2000000x128xf32, #tpu.memory_space<hbm>> -> memref<2000000x128xf32, #tpu.memory_space<hbm>>
      tpu.wait_indirect_dma semaphore(%arg13 : memref<!tpu.dma_semaphore, #tpu.memory_space<semaphore_mem>>) src(%dma_wait3A_87 : memref<2000000x128xf32, #tpu.memory_space<hbm>>) dst(%dma_wait3A_81 : memref<352x128xf32, #tpu.memory_space<vmem>>)
      %mul3A_88 = arith.constant 16 : i32
      %mul3A_89 = arith.muli %add3A_77, %mul3A_88 : i32
      %add3A_90 = arith.addi %mul3A_2, %mul3A_89 : i32
      %scan3A_91 = arith.constant 0 : i32
      %scan3A_92 = arith.constant 0 : i32
      %scan3A_93 = arith.constant 16 : i32
      %scan3A_94 = arith.addi %scan3A_92, %scan3A_93 : i32
      %scan3A_95 = arith.constant 1 : i32
      scf.for %scan3A_101 = %scan3A_92 to %scan3A_94 step %scan3A_95  : i32 {
        %get3A = arith.constant 0 : i32
        %get3A_102 = arith.constant 0 : i32
        %get3A_103 = tpu.memref_slice %arg9[%scan3A_22, %get3A, %get3A_102] : memref<2x352x128xf32, #tpu.memory_space<vmem>> -> memref<1x352x128xf32, #tpu.memory_space<vmem>>
        %get3A_104 = tpu.memref_squeeze %get3A_103 : memref<1x352x128xf32, #tpu.memory_space<vmem>> -> memref<352x128xf32, #tpu.memory_space<vmem>>
        %get3A_105 = arith.index_cast %scan3A_101 : i32 to index
        %get3A_106 = arith.constant 0 : index
        %get3A_107 = tpu.vector_load %get3A_104[%get3A_105, %get3A_106] {strides = array<i32>} : memref<352x128xf32, #tpu.memory_space<vmem>>, vector<1x16xf32>,
        %get3A_108 = vector.shape_cast %get3A_107 : vector<1x16xf32> to vector<16xf32>
        %get3A_109 = arith.constant 0 : i32
        %get3A_110 = arith.constant 0 : i32
        %get3A_111 = tpu.memref_slice %arg9[%scan3A_22, %get3A_109, %get3A_110] : memref<2x352x128xf32, #tpu.memory_space<vmem>> -> memref<1x352x128xf32, #tpu.memory_space<vmem>>
        %get3A_112 = tpu.memref_squeeze %get3A_111 : memref<1x352x128xf32, #tpu.memory_space<vmem>> -> memref<352x128xf32, #tpu.memory_space<vmem>>
        %get3A_113 = arith.index_cast %scan3A_101 : i32 to index
        %get3A_114 = arith.constant 16 : index
        %get3A_115 = tpu.vector_load %get3A_112[%get3A_113, %get3A_114] {strides = array<i32>} : memref<352x128xf32, #tpu.memory_space<vmem>>, vector<1x16xf32>,
        %get3A_116 = vector.shape_cast %get3A_115 : vector<1x16xf32> to vector<16xf32>
        %get3A_117 = arith.constant 0 : i32
        %get3A_118 = arith.constant 0 : i32
        %get3A_119 = tpu.memref_slice %arg9[%scan3A_22, %get3A_117, %get3A_118] : memref<2x352x128xf32, #tpu.memory_space<vmem>> -> memref<1x352x128xf32, #tpu.memory_space<vmem>>
        %get3A_120 = tpu.memref_squeeze %get3A_119 : memref<1x352x128xf32, #tpu.memory_space<vmem>> -> memref<352x128xf32, #tpu.memory_space<vmem>>
        %get3A_121 = arith.index_cast %scan3A_101 : i32 to index
        %get3A_122 = arith.constant 32 : index
        %get3A_123 = tpu.vector_load %get3A_120[%get3A_121, %get3A_122] {strides = array<i32>} : memref<352x128xf32, #tpu.memory_space<vmem>>, vector<1x16xf32>,
        %get3A_124 = vector.shape_cast %get3A_123 : vector<1x16xf32> to vector<16xf32>
        %get3A_125 = arith.constant 0 : i32
        %get3A_126 = arith.constant 0 : i32
        %get3A_127 = tpu.memref_slice %arg9[%scan3A_22, %get3A_125, %get3A_126] : memref<2x352x128xf32, #tpu.memory_space<vmem>> -> memref<1x352x128xf32, #tpu.memory_space<vmem>>
        %get3A_128 = tpu.memref_squeeze %get3A_127 : memref<1x352x128xf32, #tpu.memory_space<vmem>> -> memref<352x128xf32, #tpu.memory_space<vmem>>
        %get3A_129 = arith.index_cast %scan3A_101 : i32 to index
        %get3A_130 = arith.constant 48 : index
        %get3A_131 = tpu.vector_load %get3A_128[%get3A_129, %get3A_130] {strides = array<i32>} : memref<352x128xf32, #tpu.memory_space<vmem>>, vector<1x16xf32>,
        %get3A_132 = vector.shape_cast %get3A_131 : vector<1x16xf32> to vector<16xf32>
        %get3A_133 = arith.constant 0 : i32
        %get3A_134 = arith.constant 0 : i32
        %get3A_135 = tpu.memref_slice %arg9[%scan3A_22, %get3A_133, %get3A_134] : memref<2x352x128xf32, #tpu.memory_space<vmem>> -> memref<1x352x128xf32, #tpu.memory_space<vmem>>
        %get3A_136 = tpu.memref_squeeze %get3A_135 : memref<1x352x128xf32, #tpu.memory_space<vmem>> -> memref<352x128xf32, #tpu.memory_space<vmem>>
        %get3A_137 = arith.index_cast %scan3A_101 : i32 to index
        %get3A_138 = arith.constant 64 : index
        %get3A_139 = tpu.vector_load %get3A_136[%get3A_137, %get3A_138] {strides = array<i32>} : memref<352x128xf32, #tpu.memory_space<vmem>>, vector<1x16xf32>,
        %get3A_140 = vector.shape_cast %get3A_139 : vector<1x16xf32> to vector<16xf32>
        %get3A_141 = arith.constant 0 : i32
        %get3A_142 = arith.constant 0 : i32
        %get3A_143 = tpu.memref_slice %arg9[%scan3A_22, %get3A_141, %get3A_142] : memref<2x352x128xf32, #tpu.memory_space<vmem>> -> memref<1x352x128xf32, #tpu.memory_space<vmem>>
        %get3A_144 = tpu.memref_squeeze %get3A_143 : memref<1x352x128xf32, #tpu.memory_space<vmem>> -> memref<352x128xf32, #tpu.memory_space<vmem>>
        %get3A_145 = arith.index_cast %scan3A_101 : i32 to index
        %get3A_146 = arith.constant 80 : index
        %get3A_147 = tpu.vector_load %get3A_144[%get3A_145, %get3A_146] {strides = array<i32>} : memref<352x128xf32, #tpu.memory_space<vmem>>, vector<1x16xf32>,
        %get3A_148 = vector.shape_cast %get3A_147 : vector<1x16xf32> to vector<16xf32>
        %get3A_149 = arith.constant 0 : i32
        %get3A_150 = arith.constant 0 : i32
        %get3A_151 = tpu.memref_slice %arg9[%scan3A_22, %get3A_149, %get3A_150] : memref<2x352x128xf32, #tpu.memory_space<vmem>> -> memref<1x352x128xf32, #tpu.memory_space<vmem>>
        %get3A_152 = tpu.memref_squeeze %get3A_151 : memref<1x352x128xf32, #tpu.memory_space<vmem>> -> memref<352x128xf32, #tpu.memory_space<vmem>>
        %get3A_153 = arith.index_cast %scan3A_101 : i32 to index
        %get3A_154 = arith.constant 96 : index
        %get3A_155 = tpu.vector_load %get3A_152[%get3A_153, %get3A_154] {strides = array<i32>} : memref<352x128xf32, #tpu.memory_space<vmem>>, vector<1x16xf32>,
        %get3A_156 = vector.shape_cast %get3A_155 : vector<1x16xf32> to vector<16xf32>
        %get3A_157 = arith.constant 0 : i32
        %get3A_158 = arith.constant 0 : i32
        %get3A_159 = tpu.memref_slice %arg9[%scan3A_22, %get3A_157, %get3A_158] : memref<2x352x128xf32, #tpu.memory_space<vmem>> -> memref<1x352x128xf32, #tpu.memory_space<vmem>>
        %get3A_160 = tpu.memref_squeeze %get3A_159 : memref<1x352x128xf32, #tpu.memory_space<vmem>> -> memref<352x128xf32, #tpu.memory_space<vmem>>
        %get3A_161 = arith.index_cast %scan3A_101 : i32 to index
        %get3A_162 = arith.constant 112 : index
        %get3A_163 = tpu.vector_load %get3A_160[%get3A_161, %get3A_162] {strides = array<i32>} : memref<352x128xf32, #tpu.memory_space<vmem>>, vector<1x16xf32>,
        %get3A_164 = vector.shape_cast %get3A_163 : vector<1x16xf32> to vector<16xf32>
        %mul3A_165 = arith.constant 20 : i32
        %mul3A_166 = arith.muli %scan3A_101, %mul3A_165 : i32
        %add3A_167 = arith.constant 32 : i32
        %add3A_168 = arith.addi %add3A_167, %mul3A_166 : i32
        %add3A_169 = arith.constant 0 : i32
        %add3A_170 = arith.addi %add3A_168, %add3A_169 : i32
        %get3A_171 = arith.constant 0 : i32
        %get3A_172 = arith.constant 0 : i32
        %get3A_173 = tpu.memref_slice %arg9[%scan3A_22, %get3A_171, %get3A_172] : memref<2x352x128xf32, #tpu.memory_space<vmem>> -> memref<1x352x128xf32, #tpu.memory_space<vmem>>
        %get3A_174 = tpu.memref_squeeze %get3A_173 : memref<1x352x128xf32, #tpu.memory_space<vmem>> -> memref<352x128xf32, #tpu.memory_space<vmem>>
        %get3A_175 = arith.index_cast %add3A_170 : i32 to index
        %get3A_176 = arith.constant 0 : index
        %get3A_177 = tpu.vector_load %get3A_174[%get3A_175, %get3A_176] {strides = array<i32>} : memref<352x128xf32, #tpu.memory_space<vmem>>, vector<1x16xf32>,
        %get3A_178 = vector.shape_cast %get3A_177 : vector<1x16xf32> to vector<16xf32>
        %mul3A_179 = arith.mulf %get3A_108, %get3A_178 : vector<16xf32>
        %get3A_180 = arith.constant 0 : i32
        %get3A_181 = arith.constant 0 : i32
        %get3A_182 = tpu.memref_slice %arg9[%scan3A_22, %get3A_180, %get3A_181] : memref<2x352x128xf32, #tpu.memory_space<vmem>> -> memref<1x352x128xf32, #tpu.memory_space<vmem>>
        %get3A_183 = tpu.memref_squeeze %get3A_182 : memref<1x352x128xf32, #tpu.memory_space<vmem>> -> memref<352x128xf32, #tpu.memory_space<vmem>>
        %get3A_184 = arith.index_cast %add3A_170 : i32 to index
        %get3A_185 = arith.constant 16 : index
        %get3A_186 = tpu.vector_load %get3A_183[%get3A_184, %get3A_185] {strides = array<i32>} : memref<352x128xf32, #tpu.memory_space<vmem>>, vector<1x16xf32>,
        %get3A_187 = vector.shape_cast %get3A_186 : vector<1x16xf32> to vector<16xf32>
        %mul3A_188 = arith.mulf %get3A_116, %get3A_187 : vector<16xf32>
        %add3A_189 = arith.addf %mul3A_179, %mul3A_188 : vector<16xf32>
        %get3A_190 = arith.constant 0 : i32
        %get3A_191 = arith.constant 0 : i32
        %get3A_192 = tpu.memref_slice %arg9[%scan3A_22, %get3A_190, %get3A_191] : memref<2x352x128xf32, #tpu.memory_space<vmem>> -> memref<1x352x128xf32, #tpu.memory_space<vmem>>
        %get3A_193 = tpu.memref_squeeze %get3A_192 : memref<1x352x128xf32, #tpu.memory_space<vmem>> -> memref<352x128xf32, #tpu.memory_space<vmem>>
        %get3A_194 = arith.index_cast %add3A_170 : i32 to index
        %get3A_195 = arith.constant 32 : index
        %get3A_196 = tpu.vector_load %get3A_193[%get3A_194, %get3A_195] {strides = array<i32>} : memref<352x128xf32, #tpu.memory_space<vmem>>, vector<1x16xf32>,
        %get3A_197 = vector.shape_cast %get3A_196 : vector<1x16xf32> to vector<16xf32>
        %mul3A_198 = arith.mulf %get3A_124, %get3A_197 : vector<16xf32>
        %add3A_199 = arith.addf %add3A_189, %mul3A_198 : vector<16xf32>
        %get3A_200 = arith.constant 0 : i32
        %get3A_201 = arith.constant 0 : i32
        %get3A_202 = tpu.memref_slice %arg9[%scan3A_22, %get3A_200, %get3A_201] : memref<2x352x128xf32, #tpu.memory_space<vmem>> -> memref<1x352x128xf32, #tpu.memory_space<vmem>>
        %get3A_203 = tpu.memref_squeeze %get3A_202 : memref<1x352x128xf32, #tpu.memory_space<vmem>> -> memref<352x128xf32, #tpu.memory_space<vmem>>
        %get3A_204 = arith.index_cast %add3A_170 : i32 to index
        %get3A_205 = arith.constant 48 : index
        %get3A_206 = tpu.vector_load %get3A_203[%get3A_204, %get3A_205] {strides = array<i32>} : memref<352x128xf32, #tpu.memory_space<vmem>>, vector<1x16xf32>,
        %get3A_207 = vector.shape_cast %get3A_206 : vector<1x16xf32> to vector<16xf32>
        %mul3A_208 = arith.mulf %get3A_132, %get3A_207 : vector<16xf32>
        %add3A_209 = arith.addf %add3A_199, %mul3A_208 : vector<16xf32>
        %get3A_210 = arith.constant 0 : i32
        %get3A_211 = arith.constant 0 : i32
        %get3A_212 = tpu.memref_slice %arg9[%scan3A_22, %get3A_210, %get3A_211] : memref<2x352x128xf32, #tpu.memory_space<vmem>> -> memref<1x352x128xf32, #tpu.memory_space<vmem>>
        %get3A_213 = tpu.memref_squeeze %get3A_212 : memref<1x352x128xf32, #tpu.memory_space<vmem>> -> memref<352x128xf32, #tpu.memory_space<vmem>>
        %get3A_214 = arith.index_cast %add3A_170 : i32 to index
        %get3A_215 = arith.constant 64 : index
        %get3A_216 = tpu.vector_load %get3A_213[%get3A_214, %get3A_215] {strides = array<i32>} : memref<352x128xf32, #tpu.memory_space<vmem>>, vector<1x16xf32>,
        %get3A_217 = vector.shape_cast %get3A_216 : vector<1x16xf32> to vector<16xf32>
        %mul3A_218 = arith.mulf %get3A_140, %get3A_217 : vector<16xf32>
        %add3A_219 = arith.addf %add3A_209, %mul3A_218 : vector<16xf32>
        %get3A_220 = arith.constant 0 : i32
        %get3A_221 = arith.constant 0 : i32
        %get3A_222 = tpu.memref_slice %arg9[%scan3A_22, %get3A_220, %get3A_221] : memref<2x352x128xf32, #tpu.memory_space<vmem>> -> memref<1x352x128xf32, #tpu.memory_space<vmem>>
        %get3A_223 = tpu.memref_squeeze %get3A_222 : memref<1x352x128xf32, #tpu.memory_space<vmem>> -> memref<352x128xf32, #tpu.memory_space<vmem>>
        %get3A_224 = arith.index_cast %add3A_170 : i32 to index
        %get3A_225 = arith.constant 80 : index
        %get3A_226 = tpu.vector_load %get3A_223[%get3A_224, %get3A_225] {strides = array<i32>} : memref<352x128xf32, #tpu.memory_space<vmem>>, vector<1x16xf32>,
        %get3A_227 = vector.shape_cast %get3A_226 : vector<1x16xf32> to vector<16xf32>
        %mul3A_228 = arith.mulf %get3A_148, %get3A_227 : vector<16xf32>
        %add3A_229 = arith.addf %add3A_219, %mul3A_228 : vector<16xf32>
        %get3A_230 = arith.constant 0 : i32
        %get3A_231 = arith.constant 0 : i32
        %get3A_232 = tpu.memref_slice %arg9[%scan3A_22, %get3A_230, %get3A_231] : memref<2x352x128xf32, #tpu.memory_space<vmem>> -> memref<1x352x128xf32, #tpu.memory_space<vmem>>
        %get3A_233 = tpu.memref_squeeze %get3A_232 : memref<1x352x128xf32, #tpu.memory_space<vmem>> -> memref<352x128xf32, #tpu.memory_space<vmem>>
        %get3A_234 = arith.index_cast %add3A_170 : i32 to index
        %get3A_235 = arith.constant 96 : index
        %get3A_236 = tpu.vector_load %get3A_233[%get3A_234, %get3A_235] {strides = array<i32>} : memref<352x128xf32, #tpu.memory_space<vmem>>, vector<1x16xf32>,
        %get3A_237 = vector.shape_cast %get3A_236 : vector<1x16xf32> to vector<16xf32>
        %mul3A_238 = arith.mulf %get3A_156, %get3A_237 : vector<16xf32>
        %add3A_239 = arith.addf %add3A_229, %mul3A_238 : vector<16xf32>
        %get3A_240 = arith.constant 0 : i32
        %get3A_241 = arith.constant 0 : i32
        %get3A_242 = tpu.memref_slice %arg9[%scan3A_22, %get3A_240, %get3A_241] : memref<2x352x128xf32, #tpu.memory_space<vmem>> -> memref<1x352x128xf32, #tpu.memory_space<vmem>>
        %get3A_243 = tpu.memref_squeeze %get3A_242 : memref<1x352x128xf32, #tpu.memory_space<vmem>> -> memref<352x128xf32, #tpu.memory_space<vmem>>
        %get3A_244 = arith.index_cast %add3A_170 : i32 to index
        %get3A_245 = arith.constant 112 : index
        %get3A_246 = tpu.vector_load %get3A_243[%get3A_244, %get3A_245] {strides = array<i32>} : memref<352x128xf32, #tpu.memory_space<vmem>>, vector<1x16xf32>,
        %get3A_247 = vector.shape_cast %get3A_246 : vector<1x16xf32> to vector<16xf32>
        %mul3A_248 = arith.mulf %get3A_164, %get3A_247 : vector<16xf32>
        %add3A_249 = arith.addf %add3A_239, %mul3A_248 : vector<16xf32>
        %mul3A_250 = arith.constant 20 : i32
        %mul3A_251 = arith.muli %scan3A_101, %mul3A_250 : i32
        %add3A_252 = arith.constant 32 : i32
        %add3A_253 = arith.addi %add3A_252, %mul3A_251 : i32
        %add3A_254 = arith.constant 1 : i32
        %add3A_255 = arith.addi %add3A_253, %add3A_254 : i32
        %get3A_256 = arith.constant 0 : i32
        %get3A_257 = arith.constant 0 : i32
        %get3A_258 = tpu.memref_slice %arg9[%scan3A_22, %get3A_256, %get3A_257] : memref<2x352x128xf32, #tpu.memory_space<vmem>> -> memref<1x352x128xf32, #tpu.memory_space<vmem>>
        %get3A_259 = tpu.memref_squeeze %get3A_258 : memref<1x352x128xf32, #tpu.memory_space<vmem>> -> memref<352x128xf32, #tpu.memory_space<vmem>>
        %get3A_260 = arith.index_cast %add3A_255 : i32 to index
        %get3A_261 = arith.constant 0 : index
        %get3A_262 = tpu.vector_load %get3A_259[%get3A_260, %get3A_261] {strides = array<i32>} : memref<352x128xf32, #tpu.memory_space<vmem>>, vector<1x16xf32>,
        %get3A_263 = vector.shape_cast %get3A_262 : vector<1x16xf32> to vector<16xf32>
        %mul3A_264 = arith.mulf %get3A_108, %get3A_263 : vector<16xf32>
        %get3A_265 = arith.constant 0 : i32
        %get3A_266 = arith.constant 0 : i32
        %get3A_267 = tpu.memref_slice %arg9[%scan3A_22, %get3A_265, %get3A_266] : memref<2x352x128xf32, #tpu.memory_space<vmem>> -> memref<1x352x128xf32, #tpu.memory_space<vmem>>
        %get3A_268 = tpu.memref_squeeze %get3A_267 : memref<1x352x128xf32, #tpu.memory_space<vmem>> -> memref<352x128xf32, #tpu.memory_space<vmem>>
        %get3A_269 = arith.index_cast %add3A_255 : i32 to index
        %get3A_270 = arith.constant 16 : index
        %get3A_271 = tpu.vector_load %get3A_268[%get3A_269, %get3A_270] {strides = array<i32>} : memref<352x128xf32, #tpu.memory_space<vmem>>, vector<1x16xf32>,
        %get3A_272 = vector.shape_cast %get3A_271 : vector<1x16xf32> to vector<16xf32>
        %mul3A_273 = arith.mulf %get3A_116, %get3A_272 : vector<16xf32>
        %add3A_274 = arith.addf %mul3A_264, %mul3A_273 : vector<16xf32>
        %get3A_275 = arith.constant 0 : i32
        %get3A_276 = arith.constant 0 : i32
        %get3A_277 = tpu.memref_slice %arg9[%scan3A_22, %get3A_275, %get3A_276] : memref<2x352x128xf32, #tpu.memory_space<vmem>> -> memref<1x352x128xf32, #tpu.memory_space<vmem>>
        %get3A_278 = tpu.memref_squeeze %get3A_277 : memref<1x352x128xf32, #tpu.memory_space<vmem>> -> memref<352x128xf32, #tpu.memory_space<vmem>>
        %get3A_279 = arith.index_cast %add3A_255 : i32 to index
        %get3A_280 = arith.constant 32 : index
        %get3A_281 = tpu.vector_load %get3A_278[%get3A_279, %get3A_280] {strides = array<i32>} : memref<352x128xf32, #tpu.memory_space<vmem>>, vector<1x16xf32>,
        %get3A_282 = vector.shape_cast %get3A_281 : vector<1x16xf32> to vector<16xf32>
        %mul3A_283 = arith.mulf %get3A_124, %get3A_282 : vector<16xf32>
        %add3A_284 = arith.addf %add3A_274, %mul3A_283 : vector<16xf32>
        %get3A_285 = arith.constant 0 : i32
        %get3A_286 = arith.constant 0 : i32
        %get3A_287 = tpu.memref_slice %arg9[%scan3A_22, %get3A_285, %get3A_286] : memref<2x352x128xf32, #tpu.memory_space<vmem>> -> memref<1x352x128xf32, #tpu.memory_space<vmem>>
        %get3A_288 = tpu.memref_squeeze %get3A_287 : memref<1x352x128xf32, #tpu.memory_space<vmem>> -> memref<352x128xf32, #tpu.memory_space<vmem>>
        %get3A_289 = arith.index_cast %add3A_255 : i32 to index
        %get3A_290 = arith.constant 48 : index
        %get3A_291 = tpu.vector_load %get3A_288[%get3A_289, %get3A_290] {strides = array<i32>} : memref<352x128xf32, #tpu.memory_space<vmem>>, vector<1x16xf32>,
        %get3A_292 = vector.shape_cast %get3A_291 : vector<1x16xf32> to vector<16xf32>
        %mul3A_293 = arith.mulf %get3A_132, %get3A_292 : vector<16xf32>
        %add3A_294 = arith.addf %add3A_284, %mul3A_293 : vector<16xf32>
        %get3A_295 = arith.constant 0 : i32
        %get3A_296 = arith.constant 0 : i32
        %get3A_297 = tpu.memref_slice %arg9[%scan3A_22, %get3A_295, %get3A_296] : memref<2x352x128xf32, #tpu.memory_space<vmem>> -> memref<1x352x128xf32, #tpu.memory_space<vmem>>
        %get3A_298 = tpu.memref_squeeze %get3A_297 : memref<1x352x128xf32, #tpu.memory_space<vmem>> -> memref<352x128xf32, #tpu.memory_space<vmem>>
        %get3A_299 = arith.index_cast %add3A_255 : i32 to index
        %get3A_300 = arith.constant 64 : index
        %get3A_301 = tpu.vector_load %get3A_298[%get3A_299, %get3A_300] {strides = array<i32>} : memref<352x128xf32, #tpu.memory_space<vmem>>, vector<1x16xf32>,
        %get3A_302 = vector.shape_cast %get3A_301 : vector<1x16xf32> to vector<16xf32>
        %mul3A_303 = arith.mulf %get3A_140, %get3A_302 : vector<16xf32>
        %add3A_304 = arith.addf %add3A_294, %mul3A_303 : vector<16xf32>
        %get3A_305 = arith.constant 0 : i32
        %get3A_306 = arith.constant 0 : i32
        %get3A_307 = tpu.memref_slice %arg9[%scan3A_22, %get3A_305, %get3A_306] : memref<2x352x128xf32, #tpu.memory_space<vmem>> -> memref<1x352x128xf32, #tpu.memory_space<vmem>>
        %get3A_308 = tpu.memref_squeeze %get3A_307 : memref<1x352x128xf32, #tpu.memory_space<vmem>> -> memref<352x128xf32, #tpu.memory_space<vmem>>
        %get3A_309 = arith.index_cast %add3A_255 : i32 to index
        %get3A_310 = arith.constant 80 : index
        %get3A_311 = tpu.vector_load %get3A_308[%get3A_309, %get3A_310] {strides = array<i32>} : memref<352x128xf32, #tpu.memory_space<vmem>>, vector<1x16xf32>,
        %get3A_312 = vector.shape_cast %get3A_311 : vector<1x16xf32> to vector<16xf32>
        %mul3A_313 = arith.mulf %get3A_148, %get3A_312 : vector<16xf32>
        %add3A_314 = arith.addf %add3A_304, %mul3A_313 : vector<16xf32>
        %get3A_315 = arith.constant 0 : i32
        %get3A_316 = arith.constant 0 : i32
        %get3A_317 = tpu.memref_slice %arg9[%scan3A_22, %get3A_315, %get3A_316] : memref<2x352x128xf32, #tpu.memory_space<vmem>> -> memref<1x352x128xf32, #tpu.memory_space<vmem>>
        %get3A_318 = tpu.memref_squeeze %get3A_317 : memref<1x352x128xf32, #tpu.memory_space<vmem>> -> memref<352x128xf32, #tpu.memory_space<vmem>>
        %get3A_319 = arith.index_cast %add3A_255 : i32 to index
        %get3A_320 = arith.constant 96 : index
        %get3A_321 = tpu.vector_load %get3A_318[%get3A_319, %get3A_320] {strides = array<i32>} : memref<352x128xf32, #tpu.memory_space<vmem>>, vector<1x16xf32>,
        %get3A_322 = vector.shape_cast %get3A_321 : vector<1x16xf32> to vector<16xf32>
        %mul3A_323 = arith.mulf %get3A_156, %get3A_322 : vector<16xf32>
        %add3A_324 = arith.addf %add3A_314, %mul3A_323 : vector<16xf32>
        %get3A_325 = arith.constant 0 : i32
        %get3A_326 = arith.constant 0 : i32
        %get3A_327 = tpu.memref_slice %arg9[%scan3A_22, %get3A_325, %get3A_326] : memref<2x352x128xf32, #tpu.memory_space<vmem>> -> memref<1x352x128xf32, #tpu.memory_space<vmem>>
        %get3A_328 = tpu.memref_squeeze %get3A_327 : memref<1x352x128xf32, #tpu.memory_space<vmem>> -> memref<352x128xf32, #tpu.memory_space<vmem>>
        %get3A_329 = arith.index_cast %add3A_255 : i32 to index
        %get3A_330 = arith.constant 112 : index
        %get3A_331 = tpu.vector_load %get3A_328[%get3A_329, %get3A_330] {strides = array<i32>} : memref<352x128xf32, #tpu.memory_space<vmem>>, vector<1x16xf32>,
        %get3A_332 = vector.shape_cast %get3A_331 : vector<1x16xf32> to vector<16xf32>
        %mul3A_333 = arith.mulf %get3A_164, %get3A_332 : vector<16xf32>
        %add3A_334 = arith.addf %add3A_324, %mul3A_333 : vector<16xf32>
        %mul3A_335 = arith.constant 20 : i32
        %mul3A_336 = arith.muli %scan3A_101, %mul3A_335 : i32
        %add3A_337 = arith.constant 32 : i32
        %add3A_338 = arith.addi %add3A_337, %mul3A_336 : i32
        %add3A_339 = arith.constant 2 : i32
        %add3A_340 = arith.addi %add3A_338, %add3A_339 : i32
        %get3A_341 = arith.constant 0 : i32
        %get3A_342 = arith.constant 0 : i32
        %get3A_343 = tpu.memref_slice %arg9[%scan3A_22, %get3A_341, %get3A_342] : memref<2x352x128xf32, #tpu.memory_space<vmem>> -> memref<1x352x128xf32, #tpu.memory_space<vmem>>
        %get3A_344 = tpu.memref_squeeze %get3A_343 : memref<1x352x128xf32, #tpu.memory_space<vmem>> -> memref<352x128xf32, #tpu.memory_space<vmem>>
        %get3A_345 = arith.index_cast %add3A_340 : i32 to index
        %get3A_346 = arith.constant 0 : index
        %get3A_347 = tpu.vector_load %get3A_344[%get3A_345, %get3A_346] {strides = array<i32>} : memref<352x128xf32, #tpu.memory_space<vmem>>, vector<1x16xf32>,
        %get3A_348 = vector.shape_cast %get3A_347 : vector<1x16xf32> to vector<16xf32>
        %mul3A_349 = arith.mulf %get3A_108, %get3A_348 : vector<16xf32>
        %get3A_350 = arith.constant 0 : i32
        %get3A_351 = arith.constant 0 : i32
        %get3A_352 = tpu.memref_slice %arg9[%scan3A_22, %get3A_350, %get3A_351] : memref<2x352x128xf32, #tpu.memory_space<vmem>> -> memref<1x352x128xf32, #tpu.memory_space<vmem>>
        %get3A_353 = tpu.memref_squeeze %get3A_352 : memref<1x352x128xf32, #tpu.memory_space<vmem>> -> memref<352x128xf32, #tpu.memory_space<vmem>>
        %get3A_354 = arith.index_cast %add3A_340 : i32 to index
        %get3A_355 = arith.constant 16 : index
        %get3A_356 = tpu.vector_load %get3A_353[%get3A_354, %get3A_355] {strides = array<i32>} : memref<352x128xf32, #tpu.memory_space<vmem>>, vector<1x16xf32>,
        %get3A_357 = vector.shape_cast %get3A_356 : vector<1x16xf32> to vector<16xf32>
        %mul3A_358 = arith.mulf %get3A_116, %get3A_357 : vector<16xf32>
        %add3A_359 = arith.addf %mul3A_349, %mul3A_358 : vector<16xf32>
        %get3A_360 = arith.constant 0 : i32
        %get3A_361 = arith.constant 0 : i32
        %get3A_362 = tpu.memref_slice %arg9[%scan3A_22, %get3A_360, %get3A_361] : memref<2x352x128xf32, #tpu.memory_space<vmem>> -> memref<1x352x128xf32, #tpu.memory_space<vmem>>
        %get3A_363 = tpu.memref_squeeze %get3A_362 : memref<1x352x128xf32, #tpu.memory_space<vmem>> -> memref<352x128xf32, #tpu.memory_space<vmem>>
        %get3A_364 = arith.index_cast %add3A_340 : i32 to index
        %get3A_365 = arith.constant 32 : index
        %get3A_366 = tpu.vector_load %get3A_363[%get3A_364, %get3A_365] {strides = array<i32>} : memref<352x128xf32, #tpu.memory_space<vmem>>, vector<1x16xf32>,
        %get3A_367 = vector.shape_cast %get3A_366 : vector<1x16xf32> to vector<16xf32>
        %mul3A_368 = arith.mulf %get3A_124, %get3A_367 : vector<16xf32>
        %add3A_369 = arith.addf %add3A_359, %mul3A_368 : vector<16xf32>
        %get3A_370 = arith.constant 0 : i32
        %get3A_371 = arith.constant 0 : i32
        %get3A_372 = tpu.memref_slice %arg9[%scan3A_22, %get3A_370, %get3A_371] : memref<2x352x128xf32, #tpu.memory_space<vmem>> -> memref<1x352x128xf32, #tpu.memory_space<vmem>>
        %get3A_373 = tpu.memref_squeeze %get3A_372 : memref<1x352x128xf32, #tpu.memory_space<vmem>> -> memref<352x128xf32, #tpu.memory_space<vmem>>
        %get3A_374 = arith.index_cast %add3A_340 : i32 to index
        %get3A_375 = arith.constant 48 : index
        %get3A_376 = tpu.vector_load %get3A_373[%get3A_374, %get3A_375] {strides = array<i32>} : memref<352x128xf32, #tpu.memory_space<vmem>>, vector<1x16xf32>,
        %get3A_377 = vector.shape_cast %get3A_376 : vector<1x16xf32> to vector<16xf32>
        %mul3A_378 = arith.mulf %get3A_132, %get3A_377 : vector<16xf32>
        %add3A_379 = arith.addf %add3A_369, %mul3A_378 : vector<16xf32>
        %get3A_380 = arith.constant 0 : i32
        %get3A_381 = arith.constant 0 : i32
        %get3A_382 = tpu.memref_slice %arg9[%scan3A_22, %get3A_380, %get3A_381] : memref<2x352x128xf32, #tpu.memory_space<vmem>> -> memref<1x352x128xf32, #tpu.memory_space<vmem>>
        %get3A_383 = tpu.memref_squeeze %get3A_382 : memref<1x352x128xf32, #tpu.memory_space<vmem>> -> memref<352x128xf32, #tpu.memory_space<vmem>>
        %get3A_384 = arith.index_cast %add3A_340 : i32 to index
        %get3A_385 = arith.constant 64 : index
        %get3A_386 = tpu.vector_load %get3A_383[%get3A_384, %get3A_385] {strides = array<i32>} : memref<352x128xf32, #tpu.memory_space<vmem>>, vector<1x16xf32>,
        %get3A_387 = vector.shape_cast %get3A_386 : vector<1x16xf32> to vector<16xf32>
        %mul3A_388 = arith.mulf %get3A_140, %get3A_387 : vector<16xf32>
        %add3A_389 = arith.addf %add3A_379, %mul3A_388 : vector<16xf32>
        %get3A_390 = arith.constant 0 : i32
        %get3A_391 = arith.constant 0 : i32
        %get3A_392 = tpu.memref_slice %arg9[%scan3A_22, %get3A_390, %get3A_391] : memref<2x352x128xf32, #tpu.memory_space<vmem>> -> memref<1x352x128xf32, #tpu.memory_space<vmem>>
        %get3A_393 = tpu.memref_squeeze %get3A_392 : memref<1x352x128xf32, #tpu.memory_space<vmem>> -> memref<352x128xf32, #tpu.memory_space<vmem>>
        %get3A_394 = arith.index_cast %add3A_340 : i32 to index
        %get3A_395 = arith.constant 80 : index
        %get3A_396 = tpu.vector_load %get3A_393[%get3A_394, %get3A_395] {strides = array<i32>} : memref<352x128xf32, #tpu.memory_space<vmem>>, vector<1x16xf32>,
        %get3A_397 = vector.shape_cast %get3A_396 : vector<1x16xf32> to vector<16xf32>
        %mul3A_398 = arith.mulf %get3A_148, %get3A_397 : vector<16xf32>
        %add3A_399 = arith.addf %add3A_389, %mul3A_398 : vector<16xf32>
        %get3A_400 = arith.constant 0 : i32
        %get3A_401 = arith.constant 0 : i32
        %get3A_402 = tpu.memref_slice %arg9[%scan3A_22, %get3A_400, %get3A_401] : memref<2x352x128xf32, #tpu.memory_space<vmem>> -> memref<1x352x128xf32, #tpu.memory_space<vmem>>
        %get3A_403 = tpu.memref_squeeze %get3A_402 : memref<1x352x128xf32, #tpu.memory_space<vmem>> -> memref<352x128xf32, #tpu.memory_space<vmem>>
        %get3A_404 = arith.index_cast %add3A_340 : i32 to index
        %get3A_405 = arith.constant 96 : index
        %get3A_406 = tpu.vector_load %get3A_403[%get3A_404, %get3A_405] {strides = array<i32>} : memref<352x128xf32, #tpu.memory_space<vmem>>, vector<1x16xf32>,
        %get3A_407 = vector.shape_cast %get3A_406 : vector<1x16xf32> to vector<16xf32>
        %mul3A_408 = arith.mulf %get3A_156, %get3A_407 : vector<16xf32>
        %add3A_409 = arith.addf %add3A_399, %mul3A_408 : vector<16xf32>
        %get3A_410 = arith.constant 0 : i32
        %get3A_411 = arith.constant 0 : i32
        %get3A_412 = tpu.memref_slice %arg9[%scan3A_22, %get3A_410, %get3A_411] : memref<2x352x128xf32, #tpu.memory_space<vmem>> -> memref<1x352x128xf32, #tpu.memory_space<vmem>>
        %get3A_413 = tpu.memref_squeeze %get3A_412 : memref<1x352x128xf32, #tpu.memory_space<vmem>> -> memref<352x128xf32, #tpu.memory_space<vmem>>
        %get3A_414 = arith.index_cast %add3A_340 : i32 to index
        %get3A_415 = arith.constant 112 : index
        %get3A_416 = tpu.vector_load %get3A_413[%get3A_414, %get3A_415] {strides = array<i32>} : memref<352x128xf32, #tpu.memory_space<vmem>>, vector<1x16xf32>,
        %get3A_417 = vector.shape_cast %get3A_416 : vector<1x16xf32> to vector<16xf32>
        %mul3A_418 = arith.mulf %get3A_164, %get3A_417 : vector<16xf32>
        %add3A_419 = arith.addf %add3A_409, %mul3A_418 : vector<16xf32>
        %mul3A_420 = arith.constant 20 : i32
        %mul3A_421 = arith.muli %scan3A_101, %mul3A_420 : i32
        %add3A_422 = arith.constant 32 : i32
        %add3A_423 = arith.addi %add3A_422, %mul3A_421 : i32
        %add3A_424 = arith.constant 3 : i32
        %add3A_425 = arith.addi %add3A_423, %add3A_424 : i32
        %get3A_426 = arith.constant 0 : i32
        %get3A_427 = arith.constant 0 : i32
        %get3A_428 = tpu.memref_slice %arg9[%scan3A_22, %get3A_426, %get3A_427] : memref<2x352x128xf32, #tpu.memory_space<vmem>> -> memref<1x352x128xf32, #tpu.memory_space<vmem>>
        %get3A_429 = tpu.memref_squeeze %get3A_428 : memref<1x352x128xf32, #tpu.memory_space<vmem>> -> memref<352x128xf32, #tpu.memory_space<vmem>>
        %get3A_430 = arith.index_cast %add3A_425 : i32 to index
        %get3A_431 = arith.constant 0 : index
        %get3A_432 = tpu.vector_load %get3A_429[%get3A_430, %get3A_431] {strides = array<i32>} : memref<352x128xf32, #tpu.memory_space<vmem>>, vector<1x16xf32>,
        %get3A_433 = vector.shape_cast %get3A_432 : vector<1x16xf32> to vector<16xf32>
        %mul3A_434 = arith.mulf %get3A_108, %get3A_433 : vector<16xf32>
        %get3A_435 = arith.constant 0 : i32
        %get3A_436 = arith.constant 0 : i32
        %get3A_437 = tpu.memref_slice %arg9[%scan3A_22, %get3A_435, %get3A_436] : memref<2x352x128xf32, #tpu.memory_space<vmem>> -> memref<1x352x128xf32, #tpu.memory_space<vmem>>
        %get3A_438 = tpu.memref_squeeze %get3A_437 : memref<1x352x128xf32, #tpu.memory_space<vmem>> -> memref<352x128xf32, #tpu.memory_space<vmem>>
        %get3A_439 = arith.index_cast %add3A_425 : i32 to index
        %get3A_440 = arith.constant 16 : index
        %get3A_441 = tpu.vector_load %get3A_438[%get3A_439, %get3A_440] {strides = array<i32>} : memref<352x128xf32, #tpu.memory_space<vmem>>, vector<1x16xf32>,
        %get3A_442 = vector.shape_cast %get3A_441 : vector<1x16xf32> to vector<16xf32>
        %mul3A_443 = arith.mulf %get3A_116, %get3A_442 : vector<16xf32>
        %add3A_444 = arith.addf %mul3A_434, %mul3A_443 : vector<16xf32>
        %get3A_445 = arith.constant 0 : i32
        %get3A_446 = arith.constant 0 : i32
        %get3A_447 = tpu.memref_slice %arg9[%scan3A_22, %get3A_445, %get3A_446] : memref<2x352x128xf32, #tpu.memory_space<vmem>> -> memref<1x352x128xf32, #tpu.memory_space<vmem>>
        %get3A_448 = tpu.memref_squeeze %get3A_447 : memref<1x352x128xf32, #tpu.memory_space<vmem>> -> memref<352x128xf32, #tpu.memory_space<vmem>>
        %get3A_449 = arith.index_cast %add3A_425 : i32 to index
        %get3A_450 = arith.constant 32 : index
        %get3A_451 = tpu.vector_load %get3A_448[%get3A_449, %get3A_450] {strides = array<i32>} : memref<352x128xf32, #tpu.memory_space<vmem>>, vector<1x16xf32>,
        %get3A_452 = vector.shape_cast %get3A_451 : vector<1x16xf32> to vector<16xf32>
        %mul3A_453 = arith.mulf %get3A_124, %get3A_452 : vector<16xf32>
        %add3A_454 = arith.addf %add3A_444, %mul3A_453 : vector<16xf32>
        %get3A_455 = arith.constant 0 : i32
        %get3A_456 = arith.constant 0 : i32
        %get3A_457 = tpu.memref_slice %arg9[%scan3A_22, %get3A_455, %get3A_456] : memref<2x352x128xf32, #tpu.memory_space<vmem>> -> memref<1x352x128xf32, #tpu.memory_space<vmem>>
        %get3A_458 = tpu.memref_squeeze %get3A_457 : memref<1x352x128xf32, #tpu.memory_space<vmem>> -> memref<352x128xf32, #tpu.memory_space<vmem>>
        %get3A_459 = arith.index_cast %add3A_425 : i32 to index
        %get3A_460 = arith.constant 48 : index
        %get3A_461 = tpu.vector_load %get3A_458[%get3A_459, %get3A_460] {strides = array<i32>} : memref<352x128xf32, #tpu.memory_space<vmem>>, vector<1x16xf32>,
        %get3A_462 = vector.shape_cast %get3A_461 : vector<1x16xf32> to vector<16xf32>
        %mul3A_463 = arith.mulf %get3A_132, %get3A_462 : vector<16xf32>
        %add3A_464 = arith.addf %add3A_454, %mul3A_463 : vector<16xf32>
        %get3A_465 = arith.constant 0 : i32
        %get3A_466 = arith.constant 0 : i32
        %get3A_467 = tpu.memref_slice %arg9[%scan3A_22, %get3A_465, %get3A_466] : memref<2x352x128xf32, #tpu.memory_space<vmem>> -> memref<1x352x128xf32, #tpu.memory_space<vmem>>
        %get3A_468 = tpu.memref_squeeze %get3A_467 : memref<1x352x128xf32, #tpu.memory_space<vmem>> -> memref<352x128xf32, #tpu.memory_space<vmem>>
        %get3A_469 = arith.index_cast %add3A_425 : i32 to index
        %get3A_470 = arith.constant 64 : index
        %get3A_471 = tpu.vector_load %get3A_468[%get3A_469, %get3A_470] {strides = array<i32>} : memref<352x128xf32, #tpu.memory_space<vmem>>, vector<1x16xf32>,
        %get3A_472 = vector.shape_cast %get3A_471 : vector<1x16xf32> to vector<16xf32>
        %mul3A_473 = arith.mulf %get3A_140, %get3A_472 : vector<16xf32>
        %add3A_474 = arith.addf %add3A_464, %mul3A_473 : vector<16xf32>
        %get3A_475 = arith.constant 0 : i32
        %get3A_476 = arith.constant 0 : i32
        %get3A_477 = tpu.memref_slice %arg9[%scan3A_22, %get3A_475, %get3A_476] : memref<2x352x128xf32, #tpu.memory_space<vmem>> -> memref<1x352x128xf32, #tpu.memory_space<vmem>>
        %get3A_478 = tpu.memref_squeeze %get3A_477 : memref<1x352x128xf32, #tpu.memory_space<vmem>> -> memref<352x128xf32, #tpu.memory_space<vmem>>
        %get3A_479 = arith.index_cast %add3A_425 : i32 to index
        %get3A_480 = arith.constant 80 : index
        %get3A_481 = tpu.vector_load %get3A_478[%get3A_479, %get3A_480] {strides = array<i32>} : memref<352x128xf32, #tpu.memory_space<vmem>>, vector<1x16xf32>,
        %get3A_482 = vector.shape_cast %get3A_481 : vector<1x16xf32> to vector<16xf32>
        %mul3A_483 = arith.mulf %get3A_148, %get3A_482 : vector<16xf32>
        %add3A_484 = arith.addf %add3A_474, %mul3A_483 : vector<16xf32>
        %get3A_485 = arith.constant 0 : i32
        %get3A_486 = arith.constant 0 : i32
        %get3A_487 = tpu.memref_slice %arg9[%scan3A_22, %get3A_485, %get3A_486] : memref<2x352x128xf32, #tpu.memory_space<vmem>> -> memref<1x352x128xf32, #tpu.memory_space<vmem>>
        %get3A_488 = tpu.memref_squeeze %get3A_487 : memref<1x352x128xf32, #tpu.memory_space<vmem>> -> memref<352x128xf32, #tpu.memory_space<vmem>>
        %get3A_489 = arith.index_cast %add3A_425 : i32 to index
        %get3A_490 = arith.constant 96 : index
        %get3A_491 = tpu.vector_load %get3A_488[%get3A_489, %get3A_490] {strides = array<i32>} : memref<352x128xf32, #tpu.memory_space<vmem>>, vector<1x16xf32>,
        %get3A_492 = vector.shape_cast %get3A_491 : vector<1x16xf32> to vector<16xf32>
        %mul3A_493 = arith.mulf %get3A_156, %get3A_492 : vector<16xf32>
        %add3A_494 = arith.addf %add3A_484, %mul3A_493 : vector<16xf32>
        %get3A_495 = arith.constant 0 : i32
        %get3A_496 = arith.constant 0 : i32
        %get3A_497 = tpu.memref_slice %arg9[%scan3A_22, %get3A_495, %get3A_496] : memref<2x352x128xf32, #tpu.memory_space<vmem>> -> memref<1x352x128xf32, #tpu.memory_space<vmem>>
        %get3A_498 = tpu.memref_squeeze %get3A_497 : memref<1x352x128xf32, #tpu.memory_space<vmem>> -> memref<352x128xf32, #tpu.memory_space<vmem>>
        %get3A_499 = arith.index_cast %add3A_425 : i32 to index
        %get3A_500 = arith.constant 112 : index
        %get3A_501 = tpu.vector_load %get3A_498[%get3A_499, %get3A_500] {strides = array<i32>} : memref<352x128xf32, #tpu.memory_space<vmem>>, vector<1x16xf32>,
        %get3A_502 = vector.shape_cast %get3A_501 : vector<1x16xf32> to vector<16xf32>
        %mul3A_503 = arith.mulf %get3A_164, %get3A_502 : vector<16xf32>
        %add3A_504 = arith.addf %add3A_494, %mul3A_503 : vector<16xf32>
        %mul3A_505 = arith.constant 20 : i32
        %mul3A_506 = arith.muli %scan3A_101, %mul3A_505 : i32
        %add3A_507 = arith.constant 32 : i32
        %add3A_508 = arith.addi %add3A_507, %mul3A_506 : i32
        %add3A_509 = arith.constant 4 : i32
        %add3A_510 = arith.addi %add3A_508, %add3A_509 : i32
        %get3A_511 = arith.constant 0 : i32
        %get3A_512 = arith.constant 0 : i32
        %get3A_513 = tpu.memref_slice %arg9[%scan3A_22, %get3A_511, %get3A_512] : memref<2x352x128xf32, #tpu.memory_space<vmem>> -> memref<1x352x128xf32, #tpu.memory_space<vmem>>
        %get3A_514 = tpu.memref_squeeze %get3A_513 : memref<1x352x128xf32, #tpu.memory_space<vmem>> -> memref<352x128xf32, #tpu.memory_space<vmem>>
        %get3A_515 = arith.index_cast %add3A_510 : i32 to index
        %get3A_516 = arith.constant 0 : index
        %get3A_517 = tpu.vector_load %get3A_514[%get3A_515, %get3A_516] {strides = array<i32>} : memref<352x128xf32, #tpu.memory_space<vmem>>, vector<1x16xf32>,
        %get3A_518 = vector.shape_cast %get3A_517 : vector<1x16xf32> to vector<16xf32>
        %mul3A_519 = arith.mulf %get3A_108, %get3A_518 : vector<16xf32>
        %get3A_520 = arith.constant 0 : i32
        %get3A_521 = arith.constant 0 : i32
        %get3A_522 = tpu.memref_slice %arg9[%scan3A_22, %get3A_520, %get3A_521] : memref<2x352x128xf32, #tpu.memory_space<vmem>> -> memref<1x352x128xf32, #tpu.memory_space<vmem>>
        %get3A_523 = tpu.memref_squeeze %get3A_522 : memref<1x352x128xf32, #tpu.memory_space<vmem>> -> memref<352x128xf32, #tpu.memory_space<vmem>>
        %get3A_524 = arith.index_cast %add3A_510 : i32 to index
        %get3A_525 = arith.constant 16 : index
        %get3A_526 = tpu.vector_load %get3A_523[%get3A_524, %get3A_525] {strides = array<i32>} : memref<352x128xf32, #tpu.memory_space<vmem>>, vector<1x16xf32>,
        %get3A_527 = vector.shape_cast %get3A_526 : vector<1x16xf32> to vector<16xf32>
        %mul3A_528 = arith.mulf %get3A_116, %get3A_527 : vector<16xf32>
        %add3A_529 = arith.addf %mul3A_519, %mul3A_528 : vector<16xf32>
        %get3A_530 = arith.constant 0 : i32
        %get3A_531 = arith.constant 0 : i32
        %get3A_532 = tpu.memref_slice %arg9[%scan3A_22, %get3A_530, %get3A_531] : memref<2x352x128xf32, #tpu.memory_space<vmem>> -> memref<1x352x128xf32, #tpu.memory_space<vmem>>
        %get3A_533 = tpu.memref_squeeze %get3A_532 : memref<1x352x128xf32, #tpu.memory_space<vmem>> -> memref<352x128xf32, #tpu.memory_space<vmem>>
        %get3A_534 = arith.index_cast %add3A_510 : i32 to index
        %get3A_535 = arith.constant 32 : index
        %get3A_536 = tpu.vector_load %get3A_533[%get3A_534, %get3A_535] {strides = array<i32>} : memref<352x128xf32, #tpu.memory_space<vmem>>, vector<1x16xf32>,
        %get3A_537 = vector.shape_cast %get3A_536 : vector<1x16xf32> to vector<16xf32>
        %mul3A_538 = arith.mulf %get3A_124, %get3A_537 : vector<16xf32>
        %add3A_539 = arith.addf %add3A_529, %mul3A_538 : vector<16xf32>
        %get3A_540 = arith.constant 0 : i32
        %get3A_541 = arith.constant 0 : i32
        %get3A_542 = tpu.memref_slice %arg9[%scan3A_22, %get3A_540, %get3A_541] : memref<2x352x128xf32, #tpu.memory_space<vmem>> -> memref<1x352x128xf32, #tpu.memory_space<vmem>>
        %get3A_543 = tpu.memref_squeeze %get3A_542 : memref<1x352x128xf32, #tpu.memory_space<vmem>> -> memref<352x128xf32, #tpu.memory_space<vmem>>
        %get3A_544 = arith.index_cast %add3A_510 : i32 to index
        %get3A_545 = arith.constant 48 : index
        %get3A_546 = tpu.vector_load %get3A_543[%get3A_544, %get3A_545] {strides = array<i32>} : memref<352x128xf32, #tpu.memory_space<vmem>>, vector<1x16xf32>,
        %get3A_547 = vector.shape_cast %get3A_546 : vector<1x16xf32> to vector<16xf32>
        %mul3A_548 = arith.mulf %get3A_132, %get3A_547 : vector<16xf32>
        %add3A_549 = arith.addf %add3A_539, %mul3A_548 : vector<16xf32>
        %get3A_550 = arith.constant 0 : i32
        %get3A_551 = arith.constant 0 : i32
        %get3A_552 = tpu.memref_slice %arg9[%scan3A_22, %get3A_550, %get3A_551] : memref<2x352x128xf32, #tpu.memory_space<vmem>> -> memref<1x352x128xf32, #tpu.memory_space<vmem>>
        %get3A_553 = tpu.memref_squeeze %get3A_552 : memref<1x352x128xf32, #tpu.memory_space<vmem>> -> memref<352x128xf32, #tpu.memory_space<vmem>>
        %get3A_554 = arith.index_cast %add3A_510 : i32 to index
        %get3A_555 = arith.constant 64 : index
        %get3A_556 = tpu.vector_load %get3A_553[%get3A_554, %get3A_555] {strides = array<i32>} : memref<352x128xf32, #tpu.memory_space<vmem>>, vector<1x16xf32>,
        %get3A_557 = vector.shape_cast %get3A_556 : vector<1x16xf32> to vector<16xf32>
        %mul3A_558 = arith.mulf %get3A_140, %get3A_557 : vector<16xf32>
        %add3A_559 = arith.addf %add3A_549, %mul3A_558 : vector<16xf32>
        %get3A_560 = arith.constant 0 : i32
        %get3A_561 = arith.constant 0 : i32
        %get3A_562 = tpu.memref_slice %arg9[%scan3A_22, %get3A_560, %get3A_561] : memref<2x352x128xf32, #tpu.memory_space<vmem>> -> memref<1x352x128xf32, #tpu.memory_space<vmem>>
        %get3A_563 = tpu.memref_squeeze %get3A_562 : memref<1x352x128xf32, #tpu.memory_space<vmem>> -> memref<352x128xf32, #tpu.memory_space<vmem>>
        %get3A_564 = arith.index_cast %add3A_510 : i32 to index
        %get3A_565 = arith.constant 80 : index
        %get3A_566 = tpu.vector_load %get3A_563[%get3A_564, %get3A_565] {strides = array<i32>} : memref<352x128xf32, #tpu.memory_space<vmem>>, vector<1x16xf32>,
        %get3A_567 = vector.shape_cast %get3A_566 : vector<1x16xf32> to vector<16xf32>
        %mul3A_568 = arith.mulf %get3A_148, %get3A_567 : vector<16xf32>
        %add3A_569 = arith.addf %add3A_559, %mul3A_568 : vector<16xf32>
        %get3A_570 = arith.constant 0 : i32
        %get3A_571 = arith.constant 0 : i32
        %get3A_572 = tpu.memref_slice %arg9[%scan3A_22, %get3A_570, %get3A_571] : memref<2x352x128xf32, #tpu.memory_space<vmem>> -> memref<1x352x128xf32, #tpu.memory_space<vmem>>
        %get3A_573 = tpu.memref_squeeze %get3A_572 : memref<1x352x128xf32, #tpu.memory_space<vmem>> -> memref<352x128xf32, #tpu.memory_space<vmem>>
        %get3A_574 = arith.index_cast %add3A_510 : i32 to index
        %get3A_575 = arith.constant 96 : index
        %get3A_576 = tpu.vector_load %get3A_573[%get3A_574, %get3A_575] {strides = array<i32>} : memref<352x128xf32, #tpu.memory_space<vmem>>, vector<1x16xf32>,
        %get3A_577 = vector.shape_cast %get3A_576 : vector<1x16xf32> to vector<16xf32>
        %mul3A_578 = arith.mulf %get3A_156, %get3A_577 : vector<16xf32>
        %add3A_579 = arith.addf %add3A_569, %mul3A_578 : vector<16xf32>
        %get3A_580 = arith.constant 0 : i32
        %get3A_581 = arith.constant 0 : i32
        %get3A_582 = tpu.memref_slice %arg9[%scan3A_22, %get3A_580, %get3A_581] : memref<2x352x128xf32, #tpu.memory_space<vmem>> -> memref<1x352x128xf32, #tpu.memory_space<vmem>>
        %get3A_583 = tpu.memref_squeeze %get3A_582 : memref<1x352x128xf32, #tpu.memory_space<vmem>> -> memref<352x128xf32, #tpu.memory_space<vmem>>
        %get3A_584 = arith.index_cast %add3A_510 : i32 to index
        %get3A_585 = arith.constant 112 : index
        %get3A_586 = tpu.vector_load %get3A_583[%get3A_584, %get3A_585] {strides = array<i32>} : memref<352x128xf32, #tpu.memory_space<vmem>>, vector<1x16xf32>,
        %get3A_587 = vector.shape_cast %get3A_586 : vector<1x16xf32> to vector<16xf32>
        %mul3A_588 = arith.mulf %get3A_164, %get3A_587 : vector<16xf32>
        %add3A_589 = arith.addf %add3A_579, %mul3A_588 : vector<16xf32>
        %mul3A_590 = arith.constant 20 : i32
        %mul3A_591 = arith.muli %scan3A_101, %mul3A_590 : i32
        %add3A_592 = arith.constant 32 : i32
        %add3A_593 = arith.addi %add3A_592, %mul3A_591 : i32
        %add3A_594 = arith.constant 5 : i32
        %add3A_595 = arith.addi %add3A_593, %add3A_594 : i32
        %get3A_596 = arith.constant 0 : i32
        %get3A_597 = arith.constant 0 : i32
        %get3A_598 = tpu.memref_slice %arg9[%scan3A_22, %get3A_596, %get3A_597] : memref<2x352x128xf32, #tpu.memory_space<vmem>> -> memref<1x352x128xf32, #tpu.memory_space<vmem>>
        %get3A_599 = tpu.memref_squeeze %get3A_598 : memref<1x352x128xf32, #tpu.memory_space<vmem>> -> memref<352x128xf32, #tpu.memory_space<vmem>>
        %get3A_600 = arith.index_cast %add3A_595 : i32 to index
        %get3A_601 = arith.constant 0 : index
        %get3A_602 = tpu.vector_load %get3A_599[%get3A_600, %get3A_601] {strides = array<i32>} : memref<352x128xf32, #tpu.memory_space<vmem>>, vector<1x16xf32>,
        %get3A_603 = vector.shape_cast %get3A_602 : vector<1x16xf32> to vector<16xf32>
        %mul3A_604 = arith.mulf %get3A_108, %get3A_603 : vector<16xf32>
        %get3A_605 = arith.constant 0 : i32
        %get3A_606 = arith.constant 0 : i32
        %get3A_607 = tpu.memref_slice %arg9[%scan3A_22, %get3A_605, %get3A_606] : memref<2x352x128xf32, #tpu.memory_space<vmem>> -> memref<1x352x128xf32, #tpu.memory_space<vmem>>
        %get3A_608 = tpu.memref_squeeze %get3A_607 : memref<1x352x128xf32, #tpu.memory_space<vmem>> -> memref<352x128xf32, #tpu.memory_space<vmem>>
        %get3A_609 = arith.index_cast %add3A_595 : i32 to index
        %get3A_610 = arith.constant 16 : index
        %get3A_611 = tpu.vector_load %get3A_608[%get3A_609, %get3A_610] {strides = array<i32>} : memref<352x128xf32, #tpu.memory_space<vmem>>, vector<1x16xf32>,
        %get3A_612 = vector.shape_cast %get3A_611 : vector<1x16xf32> to vector<16xf32>
        %mul3A_613 = arith.mulf %get3A_116, %get3A_612 : vector<16xf32>
        %add3A_614 = arith.addf %mul3A_604, %mul3A_613 : vector<16xf32>
        %get3A_615 = arith.constant 0 : i32
        %get3A_616 = arith.constant 0 : i32
        %get3A_617 = tpu.memref_slice %arg9[%scan3A_22, %get3A_615, %get3A_616] : memref<2x352x128xf32, #tpu.memory_space<vmem>> -> memref<1x352x128xf32, #tpu.memory_space<vmem>>
        %get3A_618 = tpu.memref_squeeze %get3A_617 : memref<1x352x128xf32, #tpu.memory_space<vmem>> -> memref<352x128xf32, #tpu.memory_space<vmem>>
        %get3A_619 = arith.index_cast %add3A_595 : i32 to index
        %get3A_620 = arith.constant 32 : index
        %get3A_621 = tpu.vector_load %get3A_618[%get3A_619, %get3A_620] {strides = array<i32>} : memref<352x128xf32, #tpu.memory_space<vmem>>, vector<1x16xf32>,
        %get3A_622 = vector.shape_cast %get3A_621 : vector<1x16xf32> to vector<16xf32>
        %mul3A_623 = arith.mulf %get3A_124, %get3A_622 : vector<16xf32>
        %add3A_624 = arith.addf %add3A_614, %mul3A_623 : vector<16xf32>
        %get3A_625 = arith.constant 0 : i32
        %get3A_626 = arith.constant 0 : i32
        %get3A_627 = tpu.memref_slice %arg9[%scan3A_22, %get3A_625, %get3A_626] : memref<2x352x128xf32, #tpu.memory_space<vmem>> -> memref<1x352x128xf32, #tpu.memory_space<vmem>>
        %get3A_628 = tpu.memref_squeeze %get3A_627 : memref<1x352x128xf32, #tpu.memory_space<vmem>> -> memref<352x128xf32, #tpu.memory_space<vmem>>
        %get3A_629 = arith.index_cast %add3A_595 : i32 to index
        %get3A_630 = arith.constant 48 : index
        %get3A_631 = tpu.vector_load %get3A_628[%get3A_629, %get3A_630] {strides = array<i32>} : memref<352x128xf32, #tpu.memory_space<vmem>>, vector<1x16xf32>,
        %get3A_632 = vector.shape_cast %get3A_631 : vector<1x16xf32> to vector<16xf32>
        %mul3A_633 = arith.mulf %get3A_132, %get3A_632 : vector<16xf32>
        %add3A_634 = arith.addf %add3A_624, %mul3A_633 : vector<16xf32>
        %get3A_635 = arith.constant 0 : i32
        %get3A_636 = arith.constant 0 : i32
        %get3A_637 = tpu.memref_slice %arg9[%scan3A_22, %get3A_635, %get3A_636] : memref<2x352x128xf32, #tpu.memory_space<vmem>> -> memref<1x352x128xf32, #tpu.memory_space<vmem>>
        %get3A_638 = tpu.memref_squeeze %get3A_637 : memref<1x352x128xf32, #tpu.memory_space<vmem>> -> memref<352x128xf32, #tpu.memory_space<vmem>>
        %get3A_639 = arith.index_cast %add3A_595 : i32 to index
        %get3A_640 = arith.constant 64 : index
        %get3A_641 = tpu.vector_load %get3A_638[%get3A_639, %get3A_640] {strides = array<i32>} : memref<352x128xf32, #tpu.memory_space<vmem>>, vector<1x16xf32>,
        %get3A_642 = vector.shape_cast %get3A_641 : vector<1x16xf32> to vector<16xf32>
        %mul3A_643 = arith.mulf %get3A_140, %get3A_642 : vector<16xf32>
        %add3A_644 = arith.addf %add3A_634, %mul3A_643 : vector<16xf32>
        %get3A_645 = arith.constant 0 : i32
        %get3A_646 = arith.constant 0 : i32
        %get3A_647 = tpu.memref_slice %arg9[%scan3A_22, %get3A_645, %get3A_646] : memref<2x352x128xf32, #tpu.memory_space<vmem>> -> memref<1x352x128xf32, #tpu.memory_space<vmem>>
        %get3A_648 = tpu.memref_squeeze %get3A_647 : memref<1x352x128xf32, #tpu.memory_space<vmem>> -> memref<352x128xf32, #tpu.memory_space<vmem>>
        %get3A_649 = arith.index_cast %add3A_595 : i32 to index
        %get3A_650 = arith.constant 80 : index
        %get3A_651 = tpu.vector_load %get3A_648[%get3A_649, %get3A_650] {strides = array<i32>} : memref<352x128xf32, #tpu.memory_space<vmem>>, vector<1x16xf32>,
        %get3A_652 = vector.shape_cast %get3A_651 : vector<1x16xf32> to vector<16xf32>
        %mul3A_653 = arith.mulf %get3A_148, %get3A_652 : vector<16xf32>
        %add3A_654 = arith.addf %add3A_644, %mul3A_653 : vector<16xf32>
        %get3A_655 = arith.constant 0 : i32
        %get3A_656 = arith.constant 0 : i32
        %get3A_657 = tpu.memref_slice %arg9[%scan3A_22, %get3A_655, %get3A_656] : memref<2x352x128xf32, #tpu.memory_space<vmem>> -> memref<1x352x128xf32, #tpu.memory_space<vmem>>
        %get3A_658 = tpu.memref_squeeze %get3A_657 : memref<1x352x128xf32, #tpu.memory_space<vmem>> -> memref<352x128xf32, #tpu.memory_space<vmem>>
        %get3A_659 = arith.index_cast %add3A_595 : i32 to index
        %get3A_660 = arith.constant 96 : index
        %get3A_661 = tpu.vector_load %get3A_658[%get3A_659, %get3A_660] {strides = array<i32>} : memref<352x128xf32, #tpu.memory_space<vmem>>, vector<1x16xf32>,
        %get3A_662 = vector.shape_cast %get3A_661 : vector<1x16xf32> to vector<16xf32>
        %mul3A_663 = arith.mulf %get3A_156, %get3A_662 : vector<16xf32>
        %add3A_664 = arith.addf %add3A_654, %mul3A_663 : vector<16xf32>
        %get3A_665 = arith.constant 0 : i32
        %get3A_666 = arith.constant 0 : i32
        %get3A_667 = tpu.memref_slice %arg9[%scan3A_22, %get3A_665, %get3A_666] : memref<2x352x128xf32, #tpu.memory_space<vmem>> -> memref<1x352x128xf32, #tpu.memory_space<vmem>>
        %get3A_668 = tpu.memref_squeeze %get3A_667 : memref<1x352x128xf32, #tpu.memory_space<vmem>> -> memref<352x128xf32, #tpu.memory_space<vmem>>
        %get3A_669 = arith.index_cast %add3A_595 : i32 to index
        %get3A_670 = arith.constant 112 : index
        %get3A_671 = tpu.vector_load %get3A_668[%get3A_669, %get3A_670] {strides = array<i32>} : memref<352x128xf32, #tpu.memory_space<vmem>>, vector<1x16xf32>,
        %get3A_672 = vector.shape_cast %get3A_671 : vector<1x16xf32> to vector<16xf32>
        %mul3A_673 = arith.mulf %get3A_164, %get3A_672 : vector<16xf32>
        %add3A_674 = arith.addf %add3A_664, %mul3A_673 : vector<16xf32>
        %mul3A_675 = arith.constant 20 : i32
        %mul3A_676 = arith.muli %scan3A_101, %mul3A_675 : i32
        %add3A_677 = arith.constant 32 : i32
        %add3A_678 = arith.addi %add3A_677, %mul3A_676 : i32
        %add3A_679 = arith.constant 6 : i32
        %add3A_680 = arith.addi %add3A_678, %add3A_679 : i32
        %get3A_681 = arith.constant 0 : i32
        %get3A_682 = arith.constant 0 : i32
        %get3A_683 = tpu.memref_slice %arg9[%scan3A_22, %get3A_681, %get3A_682] : memref<2x352x128xf32, #tpu.memory_space<vmem>> -> memref<1x352x128xf32, #tpu.memory_space<vmem>>
        %get3A_684 = tpu.memref_squeeze %get3A_683 : memref<1x352x128xf32, #tpu.memory_space<vmem>> -> memref<352x128xf32, #tpu.memory_space<vmem>>
        %get3A_685 = arith.index_cast %add3A_680 : i32 to index
        %get3A_686 = arith.constant 0 : index
        %get3A_687 = tpu.vector_load %get3A_684[%get3A_685, %get3A_686] {strides = array<i32>} : memref<352x128xf32, #tpu.memory_space<vmem>>, vector<1x16xf32>,
        %get3A_688 = vector.shape_cast %get3A_687 : vector<1x16xf32> to vector<16xf32>
        %mul3A_689 = arith.mulf %get3A_108, %get3A_688 : vector<16xf32>
        %get3A_690 = arith.constant 0 : i32
        %get3A_691 = arith.constant 0 : i32
        %get3A_692 = tpu.memref_slice %arg9[%scan3A_22, %get3A_690, %get3A_691] : memref<2x352x128xf32, #tpu.memory_space<vmem>> -> memref<1x352x128xf32, #tpu.memory_space<vmem>>
        %get3A_693 = tpu.memref_squeeze %get3A_692 : memref<1x352x128xf32, #tpu.memory_space<vmem>> -> memref<352x128xf32, #tpu.memory_space<vmem>>
        %get3A_694 = arith.index_cast %add3A_680 : i32 to index
        %get3A_695 = arith.constant 16 : index
        %get3A_696 = tpu.vector_load %get3A_693[%get3A_694, %get3A_695] {strides = array<i32>} : memref<352x128xf32, #tpu.memory_space<vmem>>, vector<1x16xf32>,
        %get3A_697 = vector.shape_cast %get3A_696 : vector<1x16xf32> to vector<16xf32>
        %mul3A_698 = arith.mulf %get3A_116, %get3A_697 : vector<16xf32>
        %add3A_699 = arith.addf %mul3A_689, %mul3A_698 : vector<16xf32>
        %get3A_700 = arith.constant 0 : i32
        %get3A_701 = arith.constant 0 : i32
        %get3A_702 = tpu.memref_slice %arg9[%scan3A_22, %get3A_700, %get3A_701] : memref<2x352x128xf32, #tpu.memory_space<vmem>> -> memref<1x352x128xf32, #tpu.memory_space<vmem>>
        %get3A_703 = tpu.memref_squeeze %get3A_702 : memref<1x352x128xf32, #tpu.memory_space<vmem>> -> memref<352x128xf32, #tpu.memory_space<vmem>>
        %get3A_704 = arith.index_cast %add3A_680 : i32 to index
        %get3A_705 = arith.constant 32 : index
        %get3A_706 = tpu.vector_load %get3A_703[%get3A_704, %get3A_705] {strides = array<i32>} : memref<352x128xf32, #tpu.memory_space<vmem>>, vector<1x16xf32>,
        %get3A_707 = vector.shape_cast %get3A_706 : vector<1x16xf32> to vector<16xf32>
        %mul3A_708 = arith.mulf %get3A_124, %get3A_707 : vector<16xf32>
        %add3A_709 = arith.addf %add3A_699, %mul3A_708 : vector<16xf32>
        %get3A_710 = arith.constant 0 : i32
        %get3A_711 = arith.constant 0 : i32
        %get3A_712 = tpu.memref_slice %arg9[%scan3A_22, %get3A_710, %get3A_711] : memref<2x352x128xf32, #tpu.memory_space<vmem>> -> memref<1x352x128xf32, #tpu.memory_space<vmem>>
        %get3A_713 = tpu.memref_squeeze %get3A_712 : memref<1x352x128xf32, #tpu.memory_space<vmem>> -> memref<352x128xf32, #tpu.memory_space<vmem>>
        %get3A_714 = arith.index_cast %add3A_680 : i32 to index
        %get3A_715 = arith.constant 48 : index
        %get3A_716 = tpu.vector_load %get3A_713[%get3A_714, %get3A_715] {strides = array<i32>} : memref<352x128xf32, #tpu.memory_space<vmem>>, vector<1x16xf32>,
        %get3A_717 = vector.shape_cast %get3A_716 : vector<1x16xf32> to vector<16xf32>
        %mul3A_718 = arith.mulf %get3A_132, %get3A_717 : vector<16xf32>
        %add3A_719 = arith.addf %add3A_709, %mul3A_718 : vector<16xf32>
        %get3A_720 = arith.constant 0 : i32
        %get3A_721 = arith.constant 0 : i32
        %get3A_722 = tpu.memref_slice %arg9[%scan3A_22, %get3A_720, %get3A_721] : memref<2x352x128xf32, #tpu.memory_space<vmem>> -> memref<1x352x128xf32, #tpu.memory_space<vmem>>
        %get3A_723 = tpu.memref_squeeze %get3A_722 : memref<1x352x128xf32, #tpu.memory_space<vmem>> -> memref<352x128xf32, #tpu.memory_space<vmem>>
        %get3A_724 = arith.index_cast %add3A_680 : i32 to index
        %get3A_725 = arith.constant 64 : index
        %get3A_726 = tpu.vector_load %get3A_723[%get3A_724, %get3A_725] {strides = array<i32>} : memref<352x128xf32, #tpu.memory_space<vmem>>, vector<1x16xf32>,
        %get3A_727 = vector.shape_cast %get3A_726 : vector<1x16xf32> to vector<16xf32>
        %mul3A_728 = arith.mulf %get3A_140, %get3A_727 : vector<16xf32>
        %add3A_729 = arith.addf %add3A_719, %mul3A_728 : vector<16xf32>
        %get3A_730 = arith.constant 0 : i32
        %get3A_731 = arith.constant 0 : i32
        %get3A_732 = tpu.memref_slice %arg9[%scan3A_22, %get3A_730, %get3A_731] : memref<2x352x128xf32, #tpu.memory_space<vmem>> -> memref<1x352x128xf32, #tpu.memory_space<vmem>>
        %get3A_733 = tpu.memref_squeeze %get3A_732 : memref<1x352x128xf32, #tpu.memory_space<vmem>> -> memref<352x128xf32, #tpu.memory_space<vmem>>
        %get3A_734 = arith.index_cast %add3A_680 : i32 to index
        %get3A_735 = arith.constant 80 : index
        %get3A_736 = tpu.vector_load %get3A_733[%get3A_734, %get3A_735] {strides = array<i32>} : memref<352x128xf32, #tpu.memory_space<vmem>>, vector<1x16xf32>,
        %get3A_737 = vector.shape_cast %get3A_736 : vector<1x16xf32> to vector<16xf32>
        %mul3A_738 = arith.mulf %get3A_148, %get3A_737 : vector<16xf32>
        %add3A_739 = arith.addf %add3A_729, %mul3A_738 : vector<16xf32>
        %get3A_740 = arith.constant 0 : i32
        %get3A_741 = arith.constant 0 : i32
        %get3A_742 = tpu.memref_slice %arg9[%scan3A_22, %get3A_740, %get3A_741] : memref<2x352x128xf32, #tpu.memory_space<vmem>> -> memref<1x352x128xf32, #tpu.memory_space<vmem>>
        %get3A_743 = tpu.memref_squeeze %get3A_742 : memref<1x352x128xf32, #tpu.memory_space<vmem>> -> memref<352x128xf32, #tpu.memory_space<vmem>>
        %get3A_744 = arith.index_cast %add3A_680 : i32 to index
        %get3A_745 = arith.constant 96 : index
        %get3A_746 = tpu.vector_load %get3A_743[%get3A_744, %get3A_745] {strides = array<i32>} : memref<352x128xf32, #tpu.memory_space<vmem>>, vector<1x16xf32>,
        %get3A_747 = vector.shape_cast %get3A_746 : vector<1x16xf32> to vector<16xf32>
        %mul3A_748 = arith.mulf %get3A_156, %get3A_747 : vector<16xf32>
        %add3A_749 = arith.addf %add3A_739, %mul3A_748 : vector<16xf32>
        %get3A_750 = arith.constant 0 : i32
        %get3A_751 = arith.constant 0 : i32
        %get3A_752 = tpu.memref_slice %arg9[%scan3A_22, %get3A_750, %get3A_751] : memref<2x352x128xf32, #tpu.memory_space<vmem>> -> memref<1x352x128xf32, #tpu.memory_space<vmem>>
        %get3A_753 = tpu.memref_squeeze %get3A_752 : memref<1x352x128xf32, #tpu.memory_space<vmem>> -> memref<352x128xf32, #tpu.memory_space<vmem>>
        %get3A_754 = arith.index_cast %add3A_680 : i32 to index
        %get3A_755 = arith.constant 112 : index
        %get3A_756 = tpu.vector_load %get3A_753[%get3A_754, %get3A_755] {strides = array<i32>} : memref<352x128xf32, #tpu.memory_space<vmem>>, vector<1x16xf32>,
        %get3A_757 = vector.shape_cast %get3A_756 : vector<1x16xf32> to vector<16xf32>
        %mul3A_758 = arith.mulf %get3A_164, %get3A_757 : vector<16xf32>
        %add3A_759 = arith.addf %add3A_749, %mul3A_758 : vector<16xf32>
        %mul3A_760 = arith.constant 20 : i32
        %mul3A_761 = arith.muli %scan3A_101, %mul3A_760 : i32
        %add3A_762 = arith.constant 32 : i32
        %add3A_763 = arith.addi %add3A_762, %mul3A_761 : i32
        %add3A_764 = arith.constant 7 : i32
        %add3A_765 = arith.addi %add3A_763, %add3A_764 : i32
        %get3A_766 = arith.constant 0 : i32
        %get3A_767 = arith.constant 0 : i32
        %get3A_768 = tpu.memref_slice %arg9[%scan3A_22, %get3A_766, %get3A_767] : memref<2x352x128xf32, #tpu.memory_space<vmem>> -> memref<1x352x128xf32, #tpu.memory_space<vmem>>
        %get3A_769 = tpu.memref_squeeze %get3A_768 : memref<1x352x128xf32, #tpu.memory_space<vmem>> -> memref<352x128xf32, #tpu.memory_space<vmem>>
        %get3A_770 = arith.index_cast %add3A_765 : i32 to index
        %get3A_771 = arith.constant 0 : index
        %get3A_772 = tpu.vector_load %get3A_769[%get3A_770, %get3A_771] {strides = array<i32>} : memref<352x128xf32, #tpu.memory_space<vmem>>, vector<1x16xf32>,
        %get3A_773 = vector.shape_cast %get3A_772 : vector<1x16xf32> to vector<16xf32>
        %mul3A_774 = arith.mulf %get3A_108, %get3A_773 : vector<16xf32>
        %get3A_775 = arith.constant 0 : i32
        %get3A_776 = arith.constant 0 : i32
        %get3A_777 = tpu.memref_slice %arg9[%scan3A_22, %get3A_775, %get3A_776] : memref<2x352x128xf32, #tpu.memory_space<vmem>> -> memref<1x352x128xf32, #tpu.memory_space<vmem>>
        %get3A_778 = tpu.memref_squeeze %get3A_777 : memref<1x352x128xf32, #tpu.memory_space<vmem>> -> memref<352x128xf32, #tpu.memory_space<vmem>>
        %get3A_779 = arith.index_cast %add3A_765 : i32 to index
        %get3A_780 = arith.constant 16 : index
        %get3A_781 = tpu.vector_load %get3A_778[%get3A_779, %get3A_780] {strides = array<i32>} : memref<352x128xf32, #tpu.memory_space<vmem>>, vector<1x16xf32>,
        %get3A_782 = vector.shape_cast %get3A_781 : vector<1x16xf32> to vector<16xf32>
        %mul3A_783 = arith.mulf %get3A_116, %get3A_782 : vector<16xf32>
        %add3A_784 = arith.addf %mul3A_774, %mul3A_783 : vector<16xf32>
        %get3A_785 = arith.constant 0 : i32
        %get3A_786 = arith.constant 0 : i32
        %get3A_787 = tpu.memref_slice %arg9[%scan3A_22, %get3A_785, %get3A_786] : memref<2x352x128xf32, #tpu.memory_space<vmem>> -> memref<1x352x128xf32, #tpu.memory_space<vmem>>
        %get3A_788 = tpu.memref_squeeze %get3A_787 : memref<1x352x128xf32, #tpu.memory_space<vmem>> -> memref<352x128xf32, #tpu.memory_space<vmem>>
        %get3A_789 = arith.index_cast %add3A_765 : i32 to index
        %get3A_790 = arith.constant 32 : index
        %get3A_791 = tpu.vector_load %get3A_788[%get3A_789, %get3A_790] {strides = array<i32>} : memref<352x128xf32, #tpu.memory_space<vmem>>, vector<1x16xf32>,
        %get3A_792 = vector.shape_cast %get3A_791 : vector<1x16xf32> to vector<16xf32>
        %mul3A_793 = arith.mulf %get3A_124, %get3A_792 : vector<16xf32>
        %add3A_794 = arith.addf %add3A_784, %mul3A_793 : vector<16xf32>
        %get3A_795 = arith.constant 0 : i32
        %get3A_796 = arith.constant 0 : i32
        %get3A_797 = tpu.memref_slice %arg9[%scan3A_22, %get3A_795, %get3A_796] : memref<2x352x128xf32, #tpu.memory_space<vmem>> -> memref<1x352x128xf32, #tpu.memory_space<vmem>>
        %get3A_798 = tpu.memref_squeeze %get3A_797 : memref<1x352x128xf32, #tpu.memory_space<vmem>> -> memref<352x128xf32, #tpu.memory_space<vmem>>
        %get3A_799 = arith.index_cast %add3A_765 : i32 to index
        %get3A_800 = arith.constant 48 : index
        %get3A_801 = tpu.vector_load %get3A_798[%get3A_799, %get3A_800] {strides = array<i32>} : memref<352x128xf32, #tpu.memory_space<vmem>>, vector<1x16xf32>,
        %get3A_802 = vector.shape_cast %get3A_801 : vector<1x16xf32> to vector<16xf32>
        %mul3A_803 = arith.mulf %get3A_132, %get3A_802 : vector<16xf32>
        %add3A_804 = arith.addf %add3A_794, %mul3A_803 : vector<16xf32>
        %get3A_805 = arith.constant 0 : i32
        %get3A_806 = arith.constant 0 : i32
        %get3A_807 = tpu.memref_slice %arg9[%scan3A_22, %get3A_805, %get3A_806] : memref<2x352x128xf32, #tpu.memory_space<vmem>> -> memref<1x352x128xf32, #tpu.memory_space<vmem>>
        %get3A_808 = tpu.memref_squeeze %get3A_807 : memref<1x352x128xf32, #tpu.memory_space<vmem>> -> memref<352x128xf32, #tpu.memory_space<vmem>>
        %get3A_809 = arith.index_cast %add3A_765 : i32 to index
        %get3A_810 = arith.constant 64 : index
        %get3A_811 = tpu.vector_load %get3A_808[%get3A_809, %get3A_810] {strides = array<i32>} : memref<352x128xf32, #tpu.memory_space<vmem>>, vector<1x16xf32>,
        %get3A_812 = vector.shape_cast %get3A_811 : vector<1x16xf32> to vector<16xf32>
        %mul3A_813 = arith.mulf %get3A_140, %get3A_812 : vector<16xf32>
        %add3A_814 = arith.addf %add3A_804, %mul3A_813 : vector<16xf32>
        %get3A_815 = arith.constant 0 : i32
        %get3A_816 = arith.constant 0 : i32
        %get3A_817 = tpu.memref_slice %arg9[%scan3A_22, %get3A_815, %get3A_816] : memref<2x352x128xf32, #tpu.memory_space<vmem>> -> memref<1x352x128xf32, #tpu.memory_space<vmem>>
        %get3A_818 = tpu.memref_squeeze %get3A_817 : memref<1x352x128xf32, #tpu.memory_space<vmem>> -> memref<352x128xf32, #tpu.memory_space<vmem>>
        %get3A_819 = arith.index_cast %add3A_765 : i32 to index
        %get3A_820 = arith.constant 80 : index
        %get3A_821 = tpu.vector_load %get3A_818[%get3A_819, %get3A_820] {strides = array<i32>} : memref<352x128xf32, #tpu.memory_space<vmem>>, vector<1x16xf32>,
        %get3A_822 = vector.shape_cast %get3A_821 : vector<1x16xf32> to vector<16xf32>
        %mul3A_823 = arith.mulf %get3A_148, %get3A_822 : vector<16xf32>
        %add3A_824 = arith.addf %add3A_814, %mul3A_823 : vector<16xf32>
        %get3A_825 = arith.constant 0 : i32
        %get3A_826 = arith.constant 0 : i32
        %get3A_827 = tpu.memref_slice %arg9[%scan3A_22, %get3A_825, %get3A_826] : memref<2x352x128xf32, #tpu.memory_space<vmem>> -> memref<1x352x128xf32, #tpu.memory_space<vmem>>
        %get3A_828 = tpu.memref_squeeze %get3A_827 : memref<1x352x128xf32, #tpu.memory_space<vmem>> -> memref<352x128xf32, #tpu.memory_space<vmem>>
        %get3A_829 = arith.index_cast %add3A_765 : i32 to index
        %get3A_830 = arith.constant 96 : index
        %get3A_831 = tpu.vector_load %get3A_828[%get3A_829, %get3A_830] {strides = array<i32>} : memref<352x128xf32, #tpu.memory_space<vmem>>, vector<1x16xf32>,
        %get3A_832 = vector.shape_cast %get3A_831 : vector<1x16xf32> to vector<16xf32>
        %mul3A_833 = arith.mulf %get3A_156, %get3A_832 : vector<16xf32>
        %add3A_834 = arith.addf %add3A_824, %mul3A_833 : vector<16xf32>
        %get3A_835 = arith.constant 0 : i32
        %get3A_836 = arith.constant 0 : i32
        %get3A_837 = tpu.memref_slice %arg9[%scan3A_22, %get3A_835, %get3A_836] : memref<2x352x128xf32, #tpu.memory_space<vmem>> -> memref<1x352x128xf32, #tpu.memory_space<vmem>>
        %get3A_838 = tpu.memref_squeeze %get3A_837 : memref<1x352x128xf32, #tpu.memory_space<vmem>> -> memref<352x128xf32, #tpu.memory_space<vmem>>
        %get3A_839 = arith.index_cast %add3A_765 : i32 to index
        %get3A_840 = arith.constant 112 : index
        %get3A_841 = tpu.vector_load %get3A_838[%get3A_839, %get3A_840] {strides = array<i32>} : memref<352x128xf32, #tpu.memory_space<vmem>>, vector<1x16xf32>,
        %get3A_842 = vector.shape_cast %get3A_841 : vector<1x16xf32> to vector<16xf32>
        %mul3A_843 = arith.mulf %get3A_164, %get3A_842 : vector<16xf32>
        %add3A_844 = arith.addf %add3A_834, %mul3A_843 : vector<16xf32>
        %mul3A_845 = arith.constant 20 : i32
        %mul3A_846 = arith.muli %scan3A_101, %mul3A_845 : i32
        %add3A_847 = arith.constant 32 : i32
        %add3A_848 = arith.addi %add3A_847, %mul3A_846 : i32
        %add3A_849 = arith.constant 8 : i32
        %add3A_850 = arith.addi %add3A_848, %add3A_849 : i32
        %get3A_851 = arith.constant 0 : i32
        %get3A_852 = arith.constant 0 : i32
        %get3A_853 = tpu.memref_slice %arg9[%scan3A_22, %get3A_851, %get3A_852] : memref<2x352x128xf32, #tpu.memory_space<vmem>> -> memref<1x352x128xf32, #tpu.memory_space<vmem>>
        %get3A_854 = tpu.memref_squeeze %get3A_853 : memref<1x352x128xf32, #tpu.memory_space<vmem>> -> memref<352x128xf32, #tpu.memory_space<vmem>>
        %get3A_855 = arith.index_cast %add3A_850 : i32 to index
        %get3A_856 = arith.constant 0 : index
        %get3A_857 = tpu.vector_load %get3A_854[%get3A_855, %get3A_856] {strides = array<i32>} : memref<352x128xf32, #tpu.memory_space<vmem>>, vector<1x16xf32>,
        %get3A_858 = vector.shape_cast %get3A_857 : vector<1x16xf32> to vector<16xf32>
        %mul3A_859 = arith.mulf %get3A_108, %get3A_858 : vector<16xf32>
        %get3A_860 = arith.constant 0 : i32
        %get3A_861 = arith.constant 0 : i32
        %get3A_862 = tpu.memref_slice %arg9[%scan3A_22, %get3A_860, %get3A_861] : memref<2x352x128xf32, #tpu.memory_space<vmem>> -> memref<1x352x128xf32, #tpu.memory_space<vmem>>
        %get3A_863 = tpu.memref_squeeze %get3A_862 : memref<1x352x128xf32, #tpu.memory_space<vmem>> -> memref<352x128xf32, #tpu.memory_space<vmem>>
        %get3A_864 = arith.index_cast %add3A_850 : i32 to index
        %get3A_865 = arith.constant 16 : index
        %get3A_866 = tpu.vector_load %get3A_863[%get3A_864, %get3A_865] {strides = array<i32>} : memref<352x128xf32, #tpu.memory_space<vmem>>, vector<1x16xf32>,
        %get3A_867 = vector.shape_cast %get3A_866 : vector<1x16xf32> to vector<16xf32>
        %mul3A_868 = arith.mulf %get3A_116, %get3A_867 : vector<16xf32>
        %add3A_869 = arith.addf %mul3A_859, %mul3A_868 : vector<16xf32>
        %get3A_870 = arith.constant 0 : i32
        %get3A_871 = arith.constant 0 : i32
        %get3A_872 = tpu.memref_slice %arg9[%scan3A_22, %get3A_870, %get3A_871] : memref<2x352x128xf32, #tpu.memory_space<vmem>> -> memref<1x352x128xf32, #tpu.memory_space<vmem>>
        %get3A_873 = tpu.memref_squeeze %get3A_872 : memref<1x352x128xf32, #tpu.memory_space<vmem>> -> memref<352x128xf32, #tpu.memory_space<vmem>>
        %get3A_874 = arith.index_cast %add3A_850 : i32 to index
        %get3A_875 = arith.constant 32 : index
        %get3A_876 = tpu.vector_load %get3A_873[%get3A_874, %get3A_875] {strides = array<i32>} : memref<352x128xf32, #tpu.memory_space<vmem>>, vector<1x16xf32>,
        %get3A_877 = vector.shape_cast %get3A_876 : vector<1x16xf32> to vector<16xf32>
        %mul3A_878 = arith.mulf %get3A_124, %get3A_877 : vector<16xf32>
        %add3A_879 = arith.addf %add3A_869, %mul3A_878 : vector<16xf32>
        %get3A_880 = arith.constant 0 : i32
        %get3A_881 = arith.constant 0 : i32
        %get3A_882 = tpu.memref_slice %arg9[%scan3A_22, %get3A_880, %get3A_881] : memref<2x352x128xf32, #tpu.memory_space<vmem>> -> memref<1x352x128xf32, #tpu.memory_space<vmem>>
        %get3A_883 = tpu.memref_squeeze %get3A_882 : memref<1x352x128xf32, #tpu.memory_space<vmem>> -> memref<352x128xf32, #tpu.memory_space<vmem>>
        %get3A_884 = arith.index_cast %add3A_850 : i32 to index
        %get3A_885 = arith.constant 48 : index
        %get3A_886 = tpu.vector_load %get3A_883[%get3A_884, %get3A_885] {strides = array<i32>} : memref<352x128xf32, #tpu.memory_space<vmem>>, vector<1x16xf32>,
        %get3A_887 = vector.shape_cast %get3A_886 : vector<1x16xf32> to vector<16xf32>
        %mul3A_888 = arith.mulf %get3A_132, %get3A_887 : vector<16xf32>
        %add3A_889 = arith.addf %add3A_879, %mul3A_888 : vector<16xf32>
        %get3A_890 = arith.constant 0 : i32
        %get3A_891 = arith.constant 0 : i32
        %get3A_892 = tpu.memref_slice %arg9[%scan3A_22, %get3A_890, %get3A_891] : memref<2x352x128xf32, #tpu.memory_space<vmem>> -> memref<1x352x128xf32, #tpu.memory_space<vmem>>
        %get3A_893 = tpu.memref_squeeze %get3A_892 : memref<1x352x128xf32, #tpu.memory_space<vmem>> -> memref<352x128xf32, #tpu.memory_space<vmem>>
        %get3A_894 = arith.index_cast %add3A_850 : i32 to index
        %get3A_895 = arith.constant 64 : index
        %get3A_896 = tpu.vector_load %get3A_893[%get3A_894, %get3A_895] {strides = array<i32>} : memref<352x128xf32, #tpu.memory_space<vmem>>, vector<1x16xf32>,
        %get3A_897 = vector.shape_cast %get3A_896 : vector<1x16xf32> to vector<16xf32>
        %mul3A_898 = arith.mulf %get3A_140, %get3A_897 : vector<16xf32>
        %add3A_899 = arith.addf %add3A_889, %mul3A_898 : vector<16xf32>
        %get3A_900 = arith.constant 0 : i32
        %get3A_901 = arith.constant 0 : i32
        %get3A_902 = tpu.memref_slice %arg9[%scan3A_22, %get3A_900, %get3A_901] : memref<2x352x128xf32, #tpu.memory_space<vmem>> -> memref<1x352x128xf32, #tpu.memory_space<vmem>>
        %get3A_903 = tpu.memref_squeeze %get3A_902 : memref<1x352x128xf32, #tpu.memory_space<vmem>> -> memref<352x128xf32, #tpu.memory_space<vmem>>
        %get3A_904 = arith.index_cast %add3A_850 : i32 to index
        %get3A_905 = arith.constant 80 : index
        %get3A_906 = tpu.vector_load %get3A_903[%get3A_904, %get3A_905] {strides = array<i32>} : memref<352x128xf32, #tpu.memory_space<vmem>>, vector<1x16xf32>,
        %get3A_907 = vector.shape_cast %get3A_906 : vector<1x16xf32> to vector<16xf32>
        %mul3A_908 = arith.mulf %get3A_148, %get3A_907 : vector<16xf32>
        %add3A_909 = arith.addf %add3A_899, %mul3A_908 : vector<16xf32>
        %get3A_910 = arith.constant 0 : i32
        %get3A_911 = arith.constant 0 : i32
        %get3A_912 = tpu.memref_slice %arg9[%scan3A_22, %get3A_910, %get3A_911] : memref<2x352x128xf32, #tpu.memory_space<vmem>> -> memref<1x352x128xf32, #tpu.memory_space<vmem>>
        %get3A_913 = tpu.memref_squeeze %get3A_912 : memref<1x352x128xf32, #tpu.memory_space<vmem>> -> memref<352x128xf32, #tpu.memory_space<vmem>>
        %get3A_914 = arith.index_cast %add3A_850 : i32 to index
        %get3A_915 = arith.constant 96 : index
        %get3A_916 = tpu.vector_load %get3A_913[%get3A_914, %get3A_915] {strides = array<i32>} : memref<352x128xf32, #tpu.memory_space<vmem>>, vector<1x16xf32>,
        %get3A_917 = vector.shape_cast %get3A_916 : vector<1x16xf32> to vector<16xf32>
        %mul3A_918 = arith.mulf %get3A_156, %get3A_917 : vector<16xf32>
        %add3A_919 = arith.addf %add3A_909, %mul3A_918 : vector<16xf32>
        %get3A_920 = arith.constant 0 : i32
        %get3A_921 = arith.constant 0 : i32
        %get3A_922 = tpu.memref_slice %arg9[%scan3A_22, %get3A_920, %get3A_921] : memref<2x352x128xf32, #tpu.memory_space<vmem>> -> memref<1x352x128xf32, #tpu.memory_space<vmem>>
        %get3A_923 = tpu.memref_squeeze %get3A_922 : memref<1x352x128xf32, #tpu.memory_space<vmem>> -> memref<352x128xf32, #tpu.memory_space<vmem>>
        %get3A_924 = arith.index_cast %add3A_850 : i32 to index
        %get3A_925 = arith.constant 112 : index
        %get3A_926 = tpu.vector_load %get3A_923[%get3A_924, %get3A_925] {strides = array<i32>} : memref<352x128xf32, #tpu.memory_space<vmem>>, vector<1x16xf32>,
        %get3A_927 = vector.shape_cast %get3A_926 : vector<1x16xf32> to vector<16xf32>
        %mul3A_928 = arith.mulf %get3A_164, %get3A_927 : vector<16xf32>
        %add3A_929 = arith.addf %add3A_919, %mul3A_928 : vector<16xf32>
        %mul3A_930 = arith.constant 20 : i32
        %mul3A_931 = arith.muli %scan3A_101, %mul3A_930 : i32
        %add3A_932 = arith.constant 32 : i32
        %add3A_933 = arith.addi %add3A_932, %mul3A_931 : i32
        %add3A_934 = arith.constant 9 : i32
        %add3A_935 = arith.addi %add3A_933, %add3A_934 : i32
        %get3A_936 = arith.constant 0 : i32
        %get3A_937 = arith.constant 0 : i32
        %get3A_938 = tpu.memref_slice %arg9[%scan3A_22, %get3A_936, %get3A_937] : memref<2x352x128xf32, #tpu.memory_space<vmem>> -> memref<1x352x128xf32, #tpu.memory_space<vmem>>
        %get3A_939 = tpu.memref_squeeze %get3A_938 : memref<1x352x128xf32, #tpu.memory_space<vmem>> -> memref<352x128xf32, #tpu.memory_space<vmem>>
        %get3A_940 = arith.index_cast %add3A_935 : i32 to index
        %get3A_941 = arith.constant 0 : index
        %get3A_942 = tpu.vector_load %get3A_939[%get3A_940, %get3A_941] {strides = array<i32>} : memref<352x128xf32, #tpu.memory_space<vmem>>, vector<1x16xf32>,
        %get3A_943 = vector.shape_cast %get3A_942 : vector<1x16xf32> to vector<16xf32>
        %mul3A_944 = arith.mulf %get3A_108, %get3A_943 : vector<16xf32>
        %get3A_945 = arith.constant 0 : i32
        %get3A_946 = arith.constant 0 : i32
        %get3A_947 = tpu.memref_slice %arg9[%scan3A_22, %get3A_945, %get3A_946] : memref<2x352x128xf32, #tpu.memory_space<vmem>> -> memref<1x352x128xf32, #tpu.memory_space<vmem>>
        %get3A_948 = tpu.memref_squeeze %get3A_947 : memref<1x352x128xf32, #tpu.memory_space<vmem>> -> memref<352x128xf32, #tpu.memory_space<vmem>>
        %get3A_949 = arith.index_cast %add3A_935 : i32 to index
        %get3A_950 = arith.constant 16 : index
        %get3A_951 = tpu.vector_load %get3A_948[%get3A_949, %get3A_950] {strides = array<i32>} : memref<352x128xf32, #tpu.memory_space<vmem>>, vector<1x16xf32>,
        %get3A_952 = vector.shape_cast %get3A_951 : vector<1x16xf32> to vector<16xf32>
        %mul3A_953 = arith.mulf %get3A_116, %get3A_952 : vector<16xf32>
        %add3A_954 = arith.addf %mul3A_944, %mul3A_953 : vector<16xf32>
        %get3A_955 = arith.constant 0 : i32
        %get3A_956 = arith.constant 0 : i32
        %get3A_957 = tpu.memref_slice %arg9[%scan3A_22, %get3A_955, %get3A_956] : memref<2x352x128xf32, #tpu.memory_space<vmem>> -> memref<1x352x128xf32, #tpu.memory_space<vmem>>
        %get3A_958 = tpu.memref_squeeze %get3A_957 : memref<1x352x128xf32, #tpu.memory_space<vmem>> -> memref<352x128xf32, #tpu.memory_space<vmem>>
        %get3A_959 = arith.index_cast %add3A_935 : i32 to index
        %get3A_960 = arith.constant 32 : index
        %get3A_961 = tpu.vector_load %get3A_958[%get3A_959, %get3A_960] {strides = array<i32>} : memref<352x128xf32, #tpu.memory_space<vmem>>, vector<1x16xf32>,
        %get3A_962 = vector.shape_cast %get3A_961 : vector<1x16xf32> to vector<16xf32>
        %mul3A_963 = arith.mulf %get3A_124, %get3A_962 : vector<16xf32>
        %add3A_964 = arith.addf %add3A_954, %mul3A_963 : vector<16xf32>
        %get3A_965 = arith.constant 0 : i32
        %get3A_966 = arith.constant 0 : i32
        %get3A_967 = tpu.memref_slice %arg9[%scan3A_22, %get3A_965, %get3A_966] : memref<2x352x128xf32, #tpu.memory_space<vmem>> -> memref<1x352x128xf32, #tpu.memory_space<vmem>>
        %get3A_968 = tpu.memref_squeeze %get3A_967 : memref<1x352x128xf32, #tpu.memory_space<vmem>> -> memref<352x128xf32, #tpu.memory_space<vmem>>
        %get3A_969 = arith.index_cast %add3A_935 : i32 to index
        %get3A_970 = arith.constant 48 : index
        %get3A_971 = tpu.vector_load %get3A_968[%get3A_969, %get3A_970] {strides = array<i32>} : memref<352x128xf32, #tpu.memory_space<vmem>>, vector<1x16xf32>,
        %get3A_972 = vector.shape_cast %get3A_971 : vector<1x16xf32> to vector<16xf32>
        %mul3A_973 = arith.mulf %get3A_132, %get3A_972 : vector<16xf32>
        %add3A_974 = arith.addf %add3A_964, %mul3A_973 : vector<16xf32>
        %get3A_975 = arith.constant 0 : i32
        %get3A_976 = arith.constant 0 : i32
        %get3A_977 = tpu.memref_slice %arg9[%scan3A_22, %get3A_975, %get3A_976] : memref<2x352x128xf32, #tpu.memory_space<vmem>> -> memref<1x352x128xf32, #tpu.memory_space<vmem>>
        %get3A_978 = tpu.memref_squeeze %get3A_977 : memref<1x352x128xf32, #tpu.memory_space<vmem>> -> memref<352x128xf32, #tpu.memory_space<vmem>>
        %get3A_979 = arith.index_cast %add3A_935 : i32 to index
        %get3A_980 = arith.constant 64 : index
        %get3A_981 = tpu.vector_load %get3A_978[%get3A_979, %get3A_980] {strides = array<i32>} : memref<352x128xf32, #tpu.memory_space<vmem>>, vector<1x16xf32>,
        %get3A_982 = vector.shape_cast %get3A_981 : vector<1x16xf32> to vector<16xf32>
        %mul3A_983 = arith.mulf %get3A_140, %get3A_982 : vector<16xf32>
        %add3A_984 = arith.addf %add3A_974, %mul3A_983 : vector<16xf32>
        %get3A_985 = arith.constant 0 : i32
        %get3A_986 = arith.constant 0 : i32
        %get3A_987 = tpu.memref_slice %arg9[%scan3A_22, %get3A_985, %get3A_986] : memref<2x352x128xf32, #tpu.memory_space<vmem>> -> memref<1x352x128xf32, #tpu.memory_space<vmem>>
        %get3A_988 = tpu.memref_squeeze %get3A_987 : memref<1x352x128xf32, #tpu.memory_space<vmem>> -> memref<352x128xf32, #tpu.memory_space<vmem>>
        %get3A_989 = arith.index_cast %add3A_935 : i32 to index
        %get3A_990 = arith.constant 80 : index
        %get3A_991 = tpu.vector_load %get3A_988[%get3A_989, %get3A_990] {strides = array<i32>} : memref<352x128xf32, #tpu.memory_space<vmem>>, vector<1x16xf32>,
        %get3A_992 = vector.shape_cast %get3A_991 : vector<1x16xf32> to vector<16xf32>
        %mul3A_993 = arith.mulf %get3A_148, %get3A_992 : vector<16xf32>
        %add3A_994 = arith.addf %add3A_984, %mul3A_993 : vector<16xf32>
        %get3A_995 = arith.constant 0 : i32
        %get3A_996 = arith.constant 0 : i32
        %get3A_997 = tpu.memref_slice %arg9[%scan3A_22, %get3A_995, %get3A_996] : memref<2x352x128xf32, #tpu.memory_space<vmem>> -> memref<1x352x128xf32, #tpu.memory_space<vmem>>
        %get3A_998 = tpu.memref_squeeze %get3A_997 : memref<1x352x128xf32, #tpu.memory_space<vmem>> -> memref<352x128xf32, #tpu.memory_space<vmem>>
        %get3A_999 = arith.index_cast %add3A_935 : i32 to index
        %get3A_1000 = arith.constant 96 : index
        %get3A_1001 = tpu.vector_load %get3A_998[%get3A_999, %get3A_1000] {strides = array<i32>} : memref<352x128xf32, #tpu.memory_space<vmem>>, vector<1x16xf32>,
        %get3A_1002 = vector.shape_cast %get3A_1001 : vector<1x16xf32> to vector<16xf32>
        %mul3A_1003 = arith.mulf %get3A_156, %get3A_1002 : vector<16xf32>
        %add3A_1004 = arith.addf %add3A_994, %mul3A_1003 : vector<16xf32>
        %get3A_1005 = arith.constant 0 : i32
        %get3A_1006 = arith.constant 0 : i32
        %get3A_1007 = tpu.memref_slice %arg9[%scan3A_22, %get3A_1005, %get3A_1006] : memref<2x352x128xf32, #tpu.memory_space<vmem>> -> memref<1x352x128xf32, #tpu.memory_space<vmem>>
        %get3A_1008 = tpu.memref_squeeze %get3A_1007 : memref<1x352x128xf32, #tpu.memory_space<vmem>> -> memref<352x128xf32, #tpu.memory_space<vmem>>
        %get3A_1009 = arith.index_cast %add3A_935 : i32 to index
        %get3A_1010 = arith.constant 112 : index
        %get3A_1011 = tpu.vector_load %get3A_1008[%get3A_1009, %get3A_1010] {strides = array<i32>} : memref<352x128xf32, #tpu.memory_space<vmem>>, vector<1x16xf32>,
        %get3A_1012 = vector.shape_cast %get3A_1011 : vector<1x16xf32> to vector<16xf32>
        %mul3A_1013 = arith.mulf %get3A_164, %get3A_1012 : vector<16xf32>
        %add3A_1014 = arith.addf %add3A_1004, %mul3A_1013 : vector<16xf32>
        %mul3A_1015 = arith.constant 20 : i32
        %mul3A_1016 = arith.muli %scan3A_101, %mul3A_1015 : i32
        %add3A_1017 = arith.constant 32 : i32
        %add3A_1018 = arith.addi %add3A_1017, %mul3A_1016 : i32
        %add3A_1019 = arith.constant 10 : i32
        %add3A_1020 = arith.addi %add3A_1018, %add3A_1019 : i32
        %get3A_1021 = arith.constant 0 : i32
        %get3A_1022 = arith.constant 0 : i32
        %get3A_1023 = tpu.memref_slice %arg9[%scan3A_22, %get3A_1021, %get3A_1022] : memref<2x352x128xf32, #tpu.memory_space<vmem>> -> memref<1x352x128xf32, #tpu.memory_space<vmem>>
        %get3A_1024 = tpu.memref_squeeze %get3A_1023 : memref<1x352x128xf32, #tpu.memory_space<vmem>> -> memref<352x128xf32, #tpu.memory_space<vmem>>
        %get3A_1025 = arith.index_cast %add3A_1020 : i32 to index
        %get3A_1026 = arith.constant 0 : index
        %get3A_1027 = tpu.vector_load %get3A_1024[%get3A_1025, %get3A_1026] {strides = array<i32>} : memref<352x128xf32, #tpu.memory_space<vmem>>, vector<1x16xf32>,
        %get3A_1028 = vector.shape_cast %get3A_1027 : vector<1x16xf32> to vector<16xf32>
        %mul3A_1029 = arith.mulf %get3A_108, %get3A_1028 : vector<16xf32>
        %get3A_1030 = arith.constant 0 : i32
        %get3A_1031 = arith.constant 0 : i32
        %get3A_1032 = tpu.memref_slice %arg9[%scan3A_22, %get3A_1030, %get3A_1031] : memref<2x352x128xf32, #tpu.memory_space<vmem>> -> memref<1x352x128xf32, #tpu.memory_space<vmem>>
        %get3A_1033 = tpu.memref_squeeze %get3A_1032 : memref<1x352x128xf32, #tpu.memory_space<vmem>> -> memref<352x128xf32, #tpu.memory_space<vmem>>
        %get3A_1034 = arith.index_cast %add3A_1020 : i32 to index
        %get3A_1035 = arith.constant 16 : index
        %get3A_1036 = tpu.vector_load %get3A_1033[%get3A_1034, %get3A_1035] {strides = array<i32>} : memref<352x128xf32, #tpu.memory_space<vmem>>, vector<1x16xf32>,
        %get3A_1037 = vector.shape_cast %get3A_1036 : vector<1x16xf32> to vector<16xf32>
        %mul3A_1038 = arith.mulf %get3A_116, %get3A_1037 : vector<16xf32>
        %add3A_1039 = arith.addf %mul3A_1029, %mul3A_1038 : vector<16xf32>
        %get3A_1040 = arith.constant 0 : i32
        %get3A_1041 = arith.constant 0 : i32
        %get3A_1042 = tpu.memref_slice %arg9[%scan3A_22, %get3A_1040, %get3A_1041] : memref<2x352x128xf32, #tpu.memory_space<vmem>> -> memref<1x352x128xf32, #tpu.memory_space<vmem>>
        %get3A_1043 = tpu.memref_squeeze %get3A_1042 : memref<1x352x128xf32, #tpu.memory_space<vmem>> -> memref<352x128xf32, #tpu.memory_space<vmem>>
        %get3A_1044 = arith.index_cast %add3A_1020 : i32 to index
        %get3A_1045 = arith.constant 32 : index
        %get3A_1046 = tpu.vector_load %get3A_1043[%get3A_1044, %get3A_1045] {strides = array<i32>} : memref<352x128xf32, #tpu.memory_space<vmem>>, vector<1x16xf32>,
        %get3A_1047 = vector.shape_cast %get3A_1046 : vector<1x16xf32> to vector<16xf32>
        %mul3A_1048 = arith.mulf %get3A_124, %get3A_1047 : vector<16xf32>
        %add3A_1049 = arith.addf %add3A_1039, %mul3A_1048 : vector<16xf32>
        %get3A_1050 = arith.constant 0 : i32
        %get3A_1051 = arith.constant 0 : i32
        %get3A_1052 = tpu.memref_slice %arg9[%scan3A_22, %get3A_1050, %get3A_1051] : memref<2x352x128xf32, #tpu.memory_space<vmem>> -> memref<1x352x128xf32, #tpu.memory_space<vmem>>
        %get3A_1053 = tpu.memref_squeeze %get3A_1052 : memref<1x352x128xf32, #tpu.memory_space<vmem>> -> memref<352x128xf32, #tpu.memory_space<vmem>>
        %get3A_1054 = arith.index_cast %add3A_1020 : i32 to index
        %get3A_1055 = arith.constant 48 : index
        %get3A_1056 = tpu.vector_load %get3A_1053[%get3A_1054, %get3A_1055] {strides = array<i32>} : memref<352x128xf32, #tpu.memory_space<vmem>>, vector<1x16xf32>,
        %get3A_1057 = vector.shape_cast %get3A_1056 : vector<1x16xf32> to vector<16xf32>
        %mul3A_1058 = arith.mulf %get3A_132, %get3A_1057 : vector<16xf32>
        %add3A_1059 = arith.addf %add3A_1049, %mul3A_1058 : vector<16xf32>
        %get3A_1060 = arith.constant 0 : i32
        %get3A_1061 = arith.constant 0 : i32
        %get3A_1062 = tpu.memref_slice %arg9[%scan3A_22, %get3A_1060, %get3A_1061] : memref<2x352x128xf32, #tpu.memory_space<vmem>> -> memref<1x352x128xf32, #tpu.memory_space<vmem>>
        %get3A_1063 = tpu.memref_squeeze %get3A_1062 : memref<1x352x128xf32, #tpu.memory_space<vmem>> -> memref<352x128xf32, #tpu.memory_space<vmem>>
        %get3A_1064 = arith.index_cast %add3A_1020 : i32 to index
        %get3A_1065 = arith.constant 64 : index
        %get3A_1066 = tpu.vector_load %get3A_1063[%get3A_1064, %get3A_1065] {strides = array<i32>} : memref<352x128xf32, #tpu.memory_space<vmem>>, vector<1x16xf32>,
        %get3A_1067 = vector.shape_cast %get3A_1066 : vector<1x16xf32> to vector<16xf32>
        %mul3A_1068 = arith.mulf %get3A_140, %get3A_1067 : vector<16xf32>
        %add3A_1069 = arith.addf %add3A_1059, %mul3A_1068 : vector<16xf32>
        %get3A_1070 = arith.constant 0 : i32
        %get3A_1071 = arith.constant 0 : i32
        %get3A_1072 = tpu.memref_slice %arg9[%scan3A_22, %get3A_1070, %get3A_1071] : memref<2x352x128xf32, #tpu.memory_space<vmem>> -> memref<1x352x128xf32, #tpu.memory_space<vmem>>
        %get3A_1073 = tpu.memref_squeeze %get3A_1072 : memref<1x352x128xf32, #tpu.memory_space<vmem>> -> memref<352x128xf32, #tpu.memory_space<vmem>>
        %get3A_1074 = arith.index_cast %add3A_1020 : i32 to index
        %get3A_1075 = arith.constant 80 : index
        %get3A_1076 = tpu.vector_load %get3A_1073[%get3A_1074, %get3A_1075] {strides = array<i32>} : memref<352x128xf32, #tpu.memory_space<vmem>>, vector<1x16xf32>,
        %get3A_1077 = vector.shape_cast %get3A_1076 : vector<1x16xf32> to vector<16xf32>
        %mul3A_1078 = arith.mulf %get3A_148, %get3A_1077 : vector<16xf32>
        %add3A_1079 = arith.addf %add3A_1069, %mul3A_1078 : vector<16xf32>
        %get3A_1080 = arith.constant 0 : i32
        %get3A_1081 = arith.constant 0 : i32
        %get3A_1082 = tpu.memref_slice %arg9[%scan3A_22, %get3A_1080, %get3A_1081] : memref<2x352x128xf32, #tpu.memory_space<vmem>> -> memref<1x352x128xf32, #tpu.memory_space<vmem>>
        %get3A_1083 = tpu.memref_squeeze %get3A_1082 : memref<1x352x128xf32, #tpu.memory_space<vmem>> -> memref<352x128xf32, #tpu.memory_space<vmem>>
        %get3A_1084 = arith.index_cast %add3A_1020 : i32 to index
        %get3A_1085 = arith.constant 96 : index
        %get3A_1086 = tpu.vector_load %get3A_1083[%get3A_1084, %get3A_1085] {strides = array<i32>} : memref<352x128xf32, #tpu.memory_space<vmem>>, vector<1x16xf32>,
        %get3A_1087 = vector.shape_cast %get3A_1086 : vector<1x16xf32> to vector<16xf32>
        %mul3A_1088 = arith.mulf %get3A_156, %get3A_1087 : vector<16xf32>
        %add3A_1089 = arith.addf %add3A_1079, %mul3A_1088 : vector<16xf32>
        %get3A_1090 = arith.constant 0 : i32
        %get3A_1091 = arith.constant 0 : i32
        %get3A_1092 = tpu.memref_slice %arg9[%scan3A_22, %get3A_1090, %get3A_1091] : memref<2x352x128xf32, #tpu.memory_space<vmem>> -> memref<1x352x128xf32, #tpu.memory_space<vmem>>
        %get3A_1093 = tpu.memref_squeeze %get3A_1092 : memref<1x352x128xf32, #tpu.memory_space<vmem>> -> memref<352x128xf32, #tpu.memory_space<vmem>>
        %get3A_1094 = arith.index_cast %add3A_1020 : i32 to index
        %get3A_1095 = arith.constant 112 : index
        %get3A_1096 = tpu.vector_load %get3A_1093[%get3A_1094, %get3A_1095] {strides = array<i32>} : memref<352x128xf32, #tpu.memory_space<vmem>>, vector<1x16xf32>,
        %get3A_1097 = vector.shape_cast %get3A_1096 : vector<1x16xf32> to vector<16xf32>
        %mul3A_1098 = arith.mulf %get3A_164, %get3A_1097 : vector<16xf32>
        %add3A_1099 = arith.addf %add3A_1089, %mul3A_1098 : vector<16xf32>
        %mul3A_1100 = arith.constant 20 : i32
        %mul3A_1101 = arith.muli %scan3A_101, %mul3A_1100 : i32
        %add3A_1102 = arith.constant 32 : i32
        %add3A_1103 = arith.addi %add3A_1102, %mul3A_1101 : i32
        %add3A_1104 = arith.constant 11 : i32
        %add3A_1105 = arith.addi %add3A_1103, %add3A_1104 : i32
        %get3A_1106 = arith.constant 0 : i32
        %get3A_1107 = arith.constant 0 : i32
        %get3A_1108 = tpu.memref_slice %arg9[%scan3A_22, %get3A_1106, %get3A_1107] : memref<2x352x128xf32, #tpu.memory_space<vmem>> -> memref<1x352x128xf32, #tpu.memory_space<vmem>>
        %get3A_1109 = tpu.memref_squeeze %get3A_1108 : memref<1x352x128xf32, #tpu.memory_space<vmem>> -> memref<352x128xf32, #tpu.memory_space<vmem>>
        %get3A_1110 = arith.index_cast %add3A_1105 : i32 to index
        %get3A_1111 = arith.constant 0 : index
        %get3A_1112 = tpu.vector_load %get3A_1109[%get3A_1110, %get3A_1111] {strides = array<i32>} : memref<352x128xf32, #tpu.memory_space<vmem>>, vector<1x16xf32>,
        %get3A_1113 = vector.shape_cast %get3A_1112 : vector<1x16xf32> to vector<16xf32>
        %mul3A_1114 = arith.mulf %get3A_108, %get3A_1113 : vector<16xf32>
        %get3A_1115 = arith.constant 0 : i32
        %get3A_1116 = arith.constant 0 : i32
        %get3A_1117 = tpu.memref_slice %arg9[%scan3A_22, %get3A_1115, %get3A_1116] : memref<2x352x128xf32, #tpu.memory_space<vmem>> -> memref<1x352x128xf32, #tpu.memory_space<vmem>>
        %get3A_1118 = tpu.memref_squeeze %get3A_1117 : memref<1x352x128xf32, #tpu.memory_space<vmem>> -> memref<352x128xf32, #tpu.memory_space<vmem>>
        %get3A_1119 = arith.index_cast %add3A_1105 : i32 to index
        %get3A_1120 = arith.constant 16 : index
        %get3A_1121 = tpu.vector_load %get3A_1118[%get3A_1119, %get3A_1120] {strides = array<i32>} : memref<352x128xf32, #tpu.memory_space<vmem>>, vector<1x16xf32>,
        %get3A_1122 = vector.shape_cast %get3A_1121 : vector<1x16xf32> to vector<16xf32>
        %mul3A_1123 = arith.mulf %get3A_116, %get3A_1122 : vector<16xf32>
        %add3A_1124 = arith.addf %mul3A_1114, %mul3A_1123 : vector<16xf32>
        %get3A_1125 = arith.constant 0 : i32
        %get3A_1126 = arith.constant 0 : i32
        %get3A_1127 = tpu.memref_slice %arg9[%scan3A_22, %get3A_1125, %get3A_1126] : memref<2x352x128xf32, #tpu.memory_space<vmem>> -> memref<1x352x128xf32, #tpu.memory_space<vmem>>
        %get3A_1128 = tpu.memref_squeeze %get3A_1127 : memref<1x352x128xf32, #tpu.memory_space<vmem>> -> memref<352x128xf32, #tpu.memory_space<vmem>>
        %get3A_1129 = arith.index_cast %add3A_1105 : i32 to index
        %get3A_1130 = arith.constant 32 : index
        %get3A_1131 = tpu.vector_load %get3A_1128[%get3A_1129, %get3A_1130] {strides = array<i32>} : memref<352x128xf32, #tpu.memory_space<vmem>>, vector<1x16xf32>,
        %get3A_1132 = vector.shape_cast %get3A_1131 : vector<1x16xf32> to vector<16xf32>
        %mul3A_1133 = arith.mulf %get3A_124, %get3A_1132 : vector<16xf32>
        %add3A_1134 = arith.addf %add3A_1124, %mul3A_1133 : vector<16xf32>
        %get3A_1135 = arith.constant 0 : i32
        %get3A_1136 = arith.constant 0 : i32
        %get3A_1137 = tpu.memref_slice %arg9[%scan3A_22, %get3A_1135, %get3A_1136] : memref<2x352x128xf32, #tpu.memory_space<vmem>> -> memref<1x352x128xf32, #tpu.memory_space<vmem>>
        %get3A_1138 = tpu.memref_squeeze %get3A_1137 : memref<1x352x128xf32, #tpu.memory_space<vmem>> -> memref<352x128xf32, #tpu.memory_space<vmem>>
        %get3A_1139 = arith.index_cast %add3A_1105 : i32 to index
        %get3A_1140 = arith.constant 48 : index
        %get3A_1141 = tpu.vector_load %get3A_1138[%get3A_1139, %get3A_1140] {strides = array<i32>} : memref<352x128xf32, #tpu.memory_space<vmem>>, vector<1x16xf32>,
        %get3A_1142 = vector.shape_cast %get3A_1141 : vector<1x16xf32> to vector<16xf32>
        %mul3A_1143 = arith.mulf %get3A_132, %get3A_1142 : vector<16xf32>
        %add3A_1144 = arith.addf %add3A_1134, %mul3A_1143 : vector<16xf32>
        %get3A_1145 = arith.constant 0 : i32
        %get3A_1146 = arith.constant 0 : i32
        %get3A_1147 = tpu.memref_slice %arg9[%scan3A_22, %get3A_1145, %get3A_1146] : memref<2x352x128xf32, #tpu.memory_space<vmem>> -> memref<1x352x128xf32, #tpu.memory_space<vmem>>
        %get3A_1148 = tpu.memref_squeeze %get3A_1147 : memref<1x352x128xf32, #tpu.memory_space<vmem>> -> memref<352x128xf32, #tpu.memory_space<vmem>>
        %get3A_1149 = arith.index_cast %add3A_1105 : i32 to index
        %get3A_1150 = arith.constant 64 : index
        %get3A_1151 = tpu.vector_load %get3A_1148[%get3A_1149, %get3A_1150] {strides = array<i32>} : memref<352x128xf32, #tpu.memory_space<vmem>>, vector<1x16xf32>,
        %get3A_1152 = vector.shape_cast %get3A_1151 : vector<1x16xf32> to vector<16xf32>
        %mul3A_1153 = arith.mulf %get3A_140, %get3A_1152 : vector<16xf32>
        %add3A_1154 = arith.addf %add3A_1144, %mul3A_1153 : vector<16xf32>
        %get3A_1155 = arith.constant 0 : i32
        %get3A_1156 = arith.constant 0 : i32
        %get3A_1157 = tpu.memref_slice %arg9[%scan3A_22, %get3A_1155, %get3A_1156] : memref<2x352x128xf32, #tpu.memory_space<vmem>> -> memref<1x352x128xf32, #tpu.memory_space<vmem>>
        %get3A_1158 = tpu.memref_squeeze %get3A_1157 : memref<1x352x128xf32, #tpu.memory_space<vmem>> -> memref<352x128xf32, #tpu.memory_space<vmem>>
        %get3A_1159 = arith.index_cast %add3A_1105 : i32 to index
        %get3A_1160 = arith.constant 80 : index
        %get3A_1161 = tpu.vector_load %get3A_1158[%get3A_1159, %get3A_1160] {strides = array<i32>} : memref<352x128xf32, #tpu.memory_space<vmem>>, vector<1x16xf32>,
        %get3A_1162 = vector.shape_cast %get3A_1161 : vector<1x16xf32> to vector<16xf32>
        %mul3A_1163 = arith.mulf %get3A_148, %get3A_1162 : vector<16xf32>
        %add3A_1164 = arith.addf %add3A_1154, %mul3A_1163 : vector<16xf32>
        %get3A_1165 = arith.constant 0 : i32
        %get3A_1166 = arith.constant 0 : i32
        %get3A_1167 = tpu.memref_slice %arg9[%scan3A_22, %get3A_1165, %get3A_1166] : memref<2x352x128xf32, #tpu.memory_space<vmem>> -> memref<1x352x128xf32, #tpu.memory_space<vmem>>
        %get3A_1168 = tpu.memref_squeeze %get3A_1167 : memref<1x352x128xf32, #tpu.memory_space<vmem>> -> memref<352x128xf32, #tpu.memory_space<vmem>>
        %get3A_1169 = arith.index_cast %add3A_1105 : i32 to index
        %get3A_1170 = arith.constant 96 : index
        %get3A_1171 = tpu.vector_load %get3A_1168[%get3A_1169, %get3A_1170] {strides = array<i32>} : memref<352x128xf32, #tpu.memory_space<vmem>>, vector<1x16xf32>,
        %get3A_1172 = vector.shape_cast %get3A_1171 : vector<1x16xf32> to vector<16xf32>
        %mul3A_1173 = arith.mulf %get3A_156, %get3A_1172 : vector<16xf32>
        %add3A_1174 = arith.addf %add3A_1164, %mul3A_1173 : vector<16xf32>
        %get3A_1175 = arith.constant 0 : i32
        %get3A_1176 = arith.constant 0 : i32
        %get3A_1177 = tpu.memref_slice %arg9[%scan3A_22, %get3A_1175, %get3A_1176] : memref<2x352x128xf32, #tpu.memory_space<vmem>> -> memref<1x352x128xf32, #tpu.memory_space<vmem>>
        %get3A_1178 = tpu.memref_squeeze %get3A_1177 : memref<1x352x128xf32, #tpu.memory_space<vmem>> -> memref<352x128xf32, #tpu.memory_space<vmem>>
        %get3A_1179 = arith.index_cast %add3A_1105 : i32 to index
        %get3A_1180 = arith.constant 112 : index
        %get3A_1181 = tpu.vector_load %get3A_1178[%get3A_1179, %get3A_1180] {strides = array<i32>} : memref<352x128xf32, #tpu.memory_space<vmem>>, vector<1x16xf32>,
        %get3A_1182 = vector.shape_cast %get3A_1181 : vector<1x16xf32> to vector<16xf32>
        %mul3A_1183 = arith.mulf %get3A_164, %get3A_1182 : vector<16xf32>
        %add3A_1184 = arith.addf %add3A_1174, %mul3A_1183 : vector<16xf32>
        %mul3A_1185 = arith.constant 20 : i32
        %mul3A_1186 = arith.muli %scan3A_101, %mul3A_1185 : i32
        %add3A_1187 = arith.constant 32 : i32
        %add3A_1188 = arith.addi %add3A_1187, %mul3A_1186 : i32
        %add3A_1189 = arith.constant 12 : i32
        %add3A_1190 = arith.addi %add3A_1188, %add3A_1189 : i32
        %get3A_1191 = arith.constant 0 : i32
        %get3A_1192 = arith.constant 0 : i32
        %get3A_1193 = tpu.memref_slice %arg9[%scan3A_22, %get3A_1191, %get3A_1192] : memref<2x352x128xf32, #tpu.memory_space<vmem>> -> memref<1x352x128xf32, #tpu.memory_space<vmem>>
        %get3A_1194 = tpu.memref_squeeze %get3A_1193 : memref<1x352x128xf32, #tpu.memory_space<vmem>> -> memref<352x128xf32, #tpu.memory_space<vmem>>
        %get3A_1195 = arith.index_cast %add3A_1190 : i32 to index
        %get3A_1196 = arith.constant 0 : index
        %get3A_1197 = tpu.vector_load %get3A_1194[%get3A_1195, %get3A_1196] {strides = array<i32>} : memref<352x128xf32, #tpu.memory_space<vmem>>, vector<1x16xf32>,
        %get3A_1198 = vector.shape_cast %get3A_1197 : vector<1x16xf32> to vector<16xf32>
        %mul3A_1199 = arith.mulf %get3A_108, %get3A_1198 : vector<16xf32>
        %get3A_1200 = arith.constant 0 : i32
        %get3A_1201 = arith.constant 0 : i32
        %get3A_1202 = tpu.memref_slice %arg9[%scan3A_22, %get3A_1200, %get3A_1201] : memref<2x352x128xf32, #tpu.memory_space<vmem>> -> memref<1x352x128xf32, #tpu.memory_space<vmem>>
        %get3A_1203 = tpu.memref_squeeze %get3A_1202 : memref<1x352x128xf32, #tpu.memory_space<vmem>> -> memref<352x128xf32, #tpu.memory_space<vmem>>
        %get3A_1204 = arith.index_cast %add3A_1190 : i32 to index
        %get3A_1205 = arith.constant 16 : index
        %get3A_1206 = tpu.vector_load %get3A_1203[%get3A_1204, %get3A_1205] {strides = array<i32>} : memref<352x128xf32, #tpu.memory_space<vmem>>, vector<1x16xf32>,
        %get3A_1207 = vector.shape_cast %get3A_1206 : vector<1x16xf32> to vector<16xf32>
        %mul3A_1208 = arith.mulf %get3A_116, %get3A_1207 : vector<16xf32>
        %add3A_1209 = arith.addf %mul3A_1199, %mul3A_1208 : vector<16xf32>
        %get3A_1210 = arith.constant 0 : i32
        %get3A_1211 = arith.constant 0 : i32
        %get3A_1212 = tpu.memref_slice %arg9[%scan3A_22, %get3A_1210, %get3A_1211] : memref<2x352x128xf32, #tpu.memory_space<vmem>> -> memref<1x352x128xf32, #tpu.memory_space<vmem>>
        %get3A_1213 = tpu.memref_squeeze %get3A_1212 : memref<1x352x128xf32, #tpu.memory_space<vmem>> -> memref<352x128xf32, #tpu.memory_space<vmem>>
        %get3A_1214 = arith.index_cast %add3A_1190 : i32 to index
        %get3A_1215 = arith.constant 32 : index
        %get3A_1216 = tpu.vector_load %get3A_1213[%get3A_1214, %get3A_1215] {strides = array<i32>} : memref<352x128xf32, #tpu.memory_space<vmem>>, vector<1x16xf32>,
        %get3A_1217 = vector.shape_cast %get3A_1216 : vector<1x16xf32> to vector<16xf32>
        %mul3A_1218 = arith.mulf %get3A_124, %get3A_1217 : vector<16xf32>
        %add3A_1219 = arith.addf %add3A_1209, %mul3A_1218 : vector<16xf32>
        %get3A_1220 = arith.constant 0 : i32
        %get3A_1221 = arith.constant 0 : i32
        %get3A_1222 = tpu.memref_slice %arg9[%scan3A_22, %get3A_1220, %get3A_1221] : memref<2x352x128xf32, #tpu.memory_space<vmem>> -> memref<1x352x128xf32, #tpu.memory_space<vmem>>
        %get3A_1223 = tpu.memref_squeeze %get3A_1222 : memref<1x352x128xf32, #tpu.memory_space<vmem>> -> memref<352x128xf32, #tpu.memory_space<vmem>>
        %get3A_1224 = arith.index_cast %add3A_1190 : i32 to index
        %get3A_1225 = arith.constant 48 : index
        %get3A_1226 = tpu.vector_load %get3A_1223[%get3A_1224, %get3A_1225] {strides = array<i32>} : memref<352x128xf32, #tpu.memory_space<vmem>>, vector<1x16xf32>,
        %get3A_1227 = vector.shape_cast %get3A_1226 : vector<1x16xf32> to vector<16xf32>
        %mul3A_1228 = arith.mulf %get3A_132, %get3A_1227 : vector<16xf32>
        %add3A_1229 = arith.addf %add3A_1219, %mul3A_1228 : vector<16xf32>
        %get3A_1230 = arith.constant 0 : i32
        %get3A_1231 = arith.constant 0 : i32
        %get3A_1232 = tpu.memref_slice %arg9[%scan3A_22, %get3A_1230, %get3A_1231] : memref<2x352x128xf32, #tpu.memory_space<vmem>> -> memref<1x352x128xf32, #tpu.memory_space<vmem>>
        %get3A_1233 = tpu.memref_squeeze %get3A_1232 : memref<1x352x128xf32, #tpu.memory_space<vmem>> -> memref<352x128xf32, #tpu.memory_space<vmem>>
        %get3A_1234 = arith.index_cast %add3A_1190 : i32 to index
        %get3A_1235 = arith.constant 64 : index
        %get3A_1236 = tpu.vector_load %get3A_1233[%get3A_1234, %get3A_1235] {strides = array<i32>} : memref<352x128xf32, #tpu.memory_space<vmem>>, vector<1x16xf32>,
        %get3A_1237 = vector.shape_cast %get3A_1236 : vector<1x16xf32> to vector<16xf32>
        %mul3A_1238 = arith.mulf %get3A_140, %get3A_1237 : vector<16xf32>
        %add3A_1239 = arith.addf %add3A_1229, %mul3A_1238 : vector<16xf32>
        %get3A_1240 = arith.constant 0 : i32
        %get3A_1241 = arith.constant 0 : i32
        %get3A_1242 = tpu.memref_slice %arg9[%scan3A_22, %get3A_1240, %get3A_1241] : memref<2x352x128xf32, #tpu.memory_space<vmem>> -> memref<1x352x128xf32, #tpu.memory_space<vmem>>
        %get3A_1243 = tpu.memref_squeeze %get3A_1242 : memref<1x352x128xf32, #tpu.memory_space<vmem>> -> memref<352x128xf32, #tpu.memory_space<vmem>>
        %get3A_1244 = arith.index_cast %add3A_1190 : i32 to index
        %get3A_1245 = arith.constant 80 : index
        %get3A_1246 = tpu.vector_load %get3A_1243[%get3A_1244, %get3A_1245] {strides = array<i32>} : memref<352x128xf32, #tpu.memory_space<vmem>>, vector<1x16xf32>,
        %get3A_1247 = vector.shape_cast %get3A_1246 : vector<1x16xf32> to vector<16xf32>
        %mul3A_1248 = arith.mulf %get3A_148, %get3A_1247 : vector<16xf32>
        %add3A_1249 = arith.addf %add3A_1239, %mul3A_1248 : vector<16xf32>
        %get3A_1250 = arith.constant 0 : i32
        %get3A_1251 = arith.constant 0 : i32
        %get3A_1252 = tpu.memref_slice %arg9[%scan3A_22, %get3A_1250, %get3A_1251] : memref<2x352x128xf32, #tpu.memory_space<vmem>> -> memref<1x352x128xf32, #tpu.memory_space<vmem>>
        %get3A_1253 = tpu.memref_squeeze %get3A_1252 : memref<1x352x128xf32, #tpu.memory_space<vmem>> -> memref<352x128xf32, #tpu.memory_space<vmem>>
        %get3A_1254 = arith.index_cast %add3A_1190 : i32 to index
        %get3A_1255 = arith.constant 96 : index
        %get3A_1256 = tpu.vector_load %get3A_1253[%get3A_1254, %get3A_1255] {strides = array<i32>} : memref<352x128xf32, #tpu.memory_space<vmem>>, vector<1x16xf32>,
        %get3A_1257 = vector.shape_cast %get3A_1256 : vector<1x16xf32> to vector<16xf32>
        %mul3A_1258 = arith.mulf %get3A_156, %get3A_1257 : vector<16xf32>
        %add3A_1259 = arith.addf %add3A_1249, %mul3A_1258 : vector<16xf32>
        %get3A_1260 = arith.constant 0 : i32
        %get3A_1261 = arith.constant 0 : i32
        %get3A_1262 = tpu.memref_slice %arg9[%scan3A_22, %get3A_1260, %get3A_1261] : memref<2x352x128xf32, #tpu.memory_space<vmem>> -> memref<1x352x128xf32, #tpu.memory_space<vmem>>
        %get3A_1263 = tpu.memref_squeeze %get3A_1262 : memref<1x352x128xf32, #tpu.memory_space<vmem>> -> memref<352x128xf32, #tpu.memory_space<vmem>>
        %get3A_1264 = arith.index_cast %add3A_1190 : i32 to index
        %get3A_1265 = arith.constant 112 : index
        %get3A_1266 = tpu.vector_load %get3A_1263[%get3A_1264, %get3A_1265] {strides = array<i32>} : memref<352x128xf32, #tpu.memory_space<vmem>>, vector<1x16xf32>,
        %get3A_1267 = vector.shape_cast %get3A_1266 : vector<1x16xf32> to vector<16xf32>
        %mul3A_1268 = arith.mulf %get3A_164, %get3A_1267 : vector<16xf32>
        %add3A_1269 = arith.addf %add3A_1259, %mul3A_1268 : vector<16xf32>
        %mul3A_1270 = arith.constant 20 : i32
        %mul3A_1271 = arith.muli %scan3A_101, %mul3A_1270 : i32
        %add3A_1272 = arith.constant 32 : i32
        %add3A_1273 = arith.addi %add3A_1272, %mul3A_1271 : i32
        %add3A_1274 = arith.constant 13 : i32
        %add3A_1275 = arith.addi %add3A_1273, %add3A_1274 : i32
        %get3A_1276 = arith.constant 0 : i32
        %get3A_1277 = arith.constant 0 : i32
        %get3A_1278 = tpu.memref_slice %arg9[%scan3A_22, %get3A_1276, %get3A_1277] : memref<2x352x128xf32, #tpu.memory_space<vmem>> -> memref<1x352x128xf32, #tpu.memory_space<vmem>>
        %get3A_1279 = tpu.memref_squeeze %get3A_1278 : memref<1x352x128xf32, #tpu.memory_space<vmem>> -> memref<352x128xf32, #tpu.memory_space<vmem>>
        %get3A_1280 = arith.index_cast %add3A_1275 : i32 to index
        %get3A_1281 = arith.constant 0 : index
        %get3A_1282 = tpu.vector_load %get3A_1279[%get3A_1280, %get3A_1281] {strides = array<i32>} : memref<352x128xf32, #tpu.memory_space<vmem>>, vector<1x16xf32>,
        %get3A_1283 = vector.shape_cast %get3A_1282 : vector<1x16xf32> to vector<16xf32>
        %mul3A_1284 = arith.mulf %get3A_108, %get3A_1283 : vector<16xf32>
        %get3A_1285 = arith.constant 0 : i32
        %get3A_1286 = arith.constant 0 : i32
        %get3A_1287 = tpu.memref_slice %arg9[%scan3A_22, %get3A_1285, %get3A_1286] : memref<2x352x128xf32, #tpu.memory_space<vmem>> -> memref<1x352x128xf32, #tpu.memory_space<vmem>>
        %get3A_1288 = tpu.memref_squeeze %get3A_1287 : memref<1x352x128xf32, #tpu.memory_space<vmem>> -> memref<352x128xf32, #tpu.memory_space<vmem>>
        %get3A_1289 = arith.index_cast %add3A_1275 : i32 to index
        %get3A_1290 = arith.constant 16 : index
        %get3A_1291 = tpu.vector_load %get3A_1288[%get3A_1289, %get3A_1290] {strides = array<i32>} : memref<352x128xf32, #tpu.memory_space<vmem>>, vector<1x16xf32>,
        %get3A_1292 = vector.shape_cast %get3A_1291 : vector<1x16xf32> to vector<16xf32>
        %mul3A_1293 = arith.mulf %get3A_116, %get3A_1292 : vector<16xf32>
        %add3A_1294 = arith.addf %mul3A_1284, %mul3A_1293 : vector<16xf32>
        %get3A_1295 = arith.constant 0 : i32
        %get3A_1296 = arith.constant 0 : i32
        %get3A_1297 = tpu.memref_slice %arg9[%scan3A_22, %get3A_1295, %get3A_1296] : memref<2x352x128xf32, #tpu.memory_space<vmem>> -> memref<1x352x128xf32, #tpu.memory_space<vmem>>
        %get3A_1298 = tpu.memref_squeeze %get3A_1297 : memref<1x352x128xf32, #tpu.memory_space<vmem>> -> memref<352x128xf32, #tpu.memory_space<vmem>>
        %get3A_1299 = arith.index_cast %add3A_1275 : i32 to index
        %get3A_1300 = arith.constant 32 : index
        %get3A_1301 = tpu.vector_load %get3A_1298[%get3A_1299, %get3A_1300] {strides = array<i32>} : memref<352x128xf32, #tpu.memory_space<vmem>>, vector<1x16xf32>,
        %get3A_1302 = vector.shape_cast %get3A_1301 : vector<1x16xf32> to vector<16xf32>
        %mul3A_1303 = arith.mulf %get3A_124, %get3A_1302 : vector<16xf32>
        %add3A_1304 = arith.addf %add3A_1294, %mul3A_1303 : vector<16xf32>
        %get3A_1305 = arith.constant 0 : i32
        %get3A_1306 = arith.constant 0 : i32
        %get3A_1307 = tpu.memref_slice %arg9[%scan3A_22, %get3A_1305, %get3A_1306] : memref<2x352x128xf32, #tpu.memory_space<vmem>> -> memref<1x352x128xf32, #tpu.memory_space<vmem>>
        %get3A_1308 = tpu.memref_squeeze %get3A_1307 : memref<1x352x128xf32, #tpu.memory_space<vmem>> -> memref<352x128xf32, #tpu.memory_space<vmem>>
        %get3A_1309 = arith.index_cast %add3A_1275 : i32 to index
        %get3A_1310 = arith.constant 48 : index
        %get3A_1311 = tpu.vector_load %get3A_1308[%get3A_1309, %get3A_1310] {strides = array<i32>} : memref<352x128xf32, #tpu.memory_space<vmem>>, vector<1x16xf32>,
        %get3A_1312 = vector.shape_cast %get3A_1311 : vector<1x16xf32> to vector<16xf32>
        %mul3A_1313 = arith.mulf %get3A_132, %get3A_1312 : vector<16xf32>
        %add3A_1314 = arith.addf %add3A_1304, %mul3A_1313 : vector<16xf32>
        %get3A_1315 = arith.constant 0 : i32
        %get3A_1316 = arith.constant 0 : i32
        %get3A_1317 = tpu.memref_slice %arg9[%scan3A_22, %get3A_1315, %get3A_1316] : memref<2x352x128xf32, #tpu.memory_space<vmem>> -> memref<1x352x128xf32, #tpu.memory_space<vmem>>
        %get3A_1318 = tpu.memref_squeeze %get3A_1317 : memref<1x352x128xf32, #tpu.memory_space<vmem>> -> memref<352x128xf32, #tpu.memory_space<vmem>>
        %get3A_1319 = arith.index_cast %add3A_1275 : i32 to index
        %get3A_1320 = arith.constant 64 : index
        %get3A_1321 = tpu.vector_load %get3A_1318[%get3A_1319, %get3A_1320] {strides = array<i32>} : memref<352x128xf32, #tpu.memory_space<vmem>>, vector<1x16xf32>,
        %get3A_1322 = vector.shape_cast %get3A_1321 : vector<1x16xf32> to vector<16xf32>
        %mul3A_1323 = arith.mulf %get3A_140, %get3A_1322 : vector<16xf32>
        %add3A_1324 = arith.addf %add3A_1314, %mul3A_1323 : vector<16xf32>
        %get3A_1325 = arith.constant 0 : i32
        %get3A_1326 = arith.constant 0 : i32
        %get3A_1327 = tpu.memref_slice %arg9[%scan3A_22, %get3A_1325, %get3A_1326] : memref<2x352x128xf32, #tpu.memory_space<vmem>> -> memref<1x352x128xf32, #tpu.memory_space<vmem>>
        %get3A_1328 = tpu.memref_squeeze %get3A_1327 : memref<1x352x128xf32, #tpu.memory_space<vmem>> -> memref<352x128xf32, #tpu.memory_space<vmem>>
        %get3A_1329 = arith.index_cast %add3A_1275 : i32 to index
        %get3A_1330 = arith.constant 80 : index
        %get3A_1331 = tpu.vector_load %get3A_1328[%get3A_1329, %get3A_1330] {strides = array<i32>} : memref<352x128xf32, #tpu.memory_space<vmem>>, vector<1x16xf32>,
        %get3A_1332 = vector.shape_cast %get3A_1331 : vector<1x16xf32> to vector<16xf32>
        %mul3A_1333 = arith.mulf %get3A_148, %get3A_1332 : vector<16xf32>
        %add3A_1334 = arith.addf %add3A_1324, %mul3A_1333 : vector<16xf32>
        %get3A_1335 = arith.constant 0 : i32
        %get3A_1336 = arith.constant 0 : i32
        %get3A_1337 = tpu.memref_slice %arg9[%scan3A_22, %get3A_1335, %get3A_1336] : memref<2x352x128xf32, #tpu.memory_space<vmem>> -> memref<1x352x128xf32, #tpu.memory_space<vmem>>
        %get3A_1338 = tpu.memref_squeeze %get3A_1337 : memref<1x352x128xf32, #tpu.memory_space<vmem>> -> memref<352x128xf32, #tpu.memory_space<vmem>>
        %get3A_1339 = arith.index_cast %add3A_1275 : i32 to index
        %get3A_1340 = arith.constant 96 : index
        %get3A_1341 = tpu.vector_load %get3A_1338[%get3A_1339, %get3A_1340] {strides = array<i32>} : memref<352x128xf32, #tpu.memory_space<vmem>>, vector<1x16xf32>,
        %get3A_1342 = vector.shape_cast %get3A_1341 : vector<1x16xf32> to vector<16xf32>
        %mul3A_1343 = arith.mulf %get3A_156, %get3A_1342 : vector<16xf32>
        %add3A_1344 = arith.addf %add3A_1334, %mul3A_1343 : vector<16xf32>
        %get3A_1345 = arith.constant 0 : i32
        %get3A_1346 = arith.constant 0 : i32
        %get3A_1347 = tpu.memref_slice %arg9[%scan3A_22, %get3A_1345, %get3A_1346] : memref<2x352x128xf32, #tpu.memory_space<vmem>> -> memref<1x352x128xf32, #tpu.memory_space<vmem>>
        %get3A_1348 = tpu.memref_squeeze %get3A_1347 : memref<1x352x128xf32, #tpu.memory_space<vmem>> -> memref<352x128xf32, #tpu.memory_space<vmem>>
        %get3A_1349 = arith.index_cast %add3A_1275 : i32 to index
        %get3A_1350 = arith.constant 112 : index
        %get3A_1351 = tpu.vector_load %get3A_1348[%get3A_1349, %get3A_1350] {strides = array<i32>} : memref<352x128xf32, #tpu.memory_space<vmem>>, vector<1x16xf32>,
        %get3A_1352 = vector.shape_cast %get3A_1351 : vector<1x16xf32> to vector<16xf32>
        %mul3A_1353 = arith.mulf %get3A_164, %get3A_1352 : vector<16xf32>
        %add3A_1354 = arith.addf %add3A_1344, %mul3A_1353 : vector<16xf32>
        %mul3A_1355 = arith.constant 20 : i32
        %mul3A_1356 = arith.muli %scan3A_101, %mul3A_1355 : i32
        %add3A_1357 = arith.constant 32 : i32
        %add3A_1358 = arith.addi %add3A_1357, %mul3A_1356 : i32
        %add3A_1359 = arith.constant 14 : i32
        %add3A_1360 = arith.addi %add3A_1358, %add3A_1359 : i32
        %get3A_1361 = arith.constant 0 : i32
        %get3A_1362 = arith.constant 0 : i32
        %get3A_1363 = tpu.memref_slice %arg9[%scan3A_22, %get3A_1361, %get3A_1362] : memref<2x352x128xf32, #tpu.memory_space<vmem>> -> memref<1x352x128xf32, #tpu.memory_space<vmem>>
        %get3A_1364 = tpu.memref_squeeze %get3A_1363 : memref<1x352x128xf32, #tpu.memory_space<vmem>> -> memref<352x128xf32, #tpu.memory_space<vmem>>
        %get3A_1365 = arith.index_cast %add3A_1360 : i32 to index
        %get3A_1366 = arith.constant 0 : index
        %get3A_1367 = tpu.vector_load %get3A_1364[%get3A_1365, %get3A_1366] {strides = array<i32>} : memref<352x128xf32, #tpu.memory_space<vmem>>, vector<1x16xf32>,
        %get3A_1368 = vector.shape_cast %get3A_1367 : vector<1x16xf32> to vector<16xf32>
        %mul3A_1369 = arith.mulf %get3A_108, %get3A_1368 : vector<16xf32>
        %get3A_1370 = arith.constant 0 : i32
        %get3A_1371 = arith.constant 0 : i32
        %get3A_1372 = tpu.memref_slice %arg9[%scan3A_22, %get3A_1370, %get3A_1371] : memref<2x352x128xf32, #tpu.memory_space<vmem>> -> memref<1x352x128xf32, #tpu.memory_space<vmem>>
        %get3A_1373 = tpu.memref_squeeze %get3A_1372 : memref<1x352x128xf32, #tpu.memory_space<vmem>> -> memref<352x128xf32, #tpu.memory_space<vmem>>
        %get3A_1374 = arith.index_cast %add3A_1360 : i32 to index
        %get3A_1375 = arith.constant 16 : index
        %get3A_1376 = tpu.vector_load %get3A_1373[%get3A_1374, %get3A_1375] {strides = array<i32>} : memref<352x128xf32, #tpu.memory_space<vmem>>, vector<1x16xf32>,
        %get3A_1377 = vector.shape_cast %get3A_1376 : vector<1x16xf32> to vector<16xf32>
        %mul3A_1378 = arith.mulf %get3A_116, %get3A_1377 : vector<16xf32>
        %add3A_1379 = arith.addf %mul3A_1369, %mul3A_1378 : vector<16xf32>
        %get3A_1380 = arith.constant 0 : i32
        %get3A_1381 = arith.constant 0 : i32
        %get3A_1382 = tpu.memref_slice %arg9[%scan3A_22, %get3A_1380, %get3A_1381] : memref<2x352x128xf32, #tpu.memory_space<vmem>> -> memref<1x352x128xf32, #tpu.memory_space<vmem>>
        %get3A_1383 = tpu.memref_squeeze %get3A_1382 : memref<1x352x128xf32, #tpu.memory_space<vmem>> -> memref<352x128xf32, #tpu.memory_space<vmem>>
        %get3A_1384 = arith.index_cast %add3A_1360 : i32 to index
        %get3A_1385 = arith.constant 32 : index
        %get3A_1386 = tpu.vector_load %get3A_1383[%get3A_1384, %get3A_1385] {strides = array<i32>} : memref<352x128xf32, #tpu.memory_space<vmem>>, vector<1x16xf32>,
        %get3A_1387 = vector.shape_cast %get3A_1386 : vector<1x16xf32> to vector<16xf32>
        %mul3A_1388 = arith.mulf %get3A_124, %get3A_1387 : vector<16xf32>
        %add3A_1389 = arith.addf %add3A_1379, %mul3A_1388 : vector<16xf32>
        %get3A_1390 = arith.constant 0 : i32
        %get3A_1391 = arith.constant 0 : i32
        %get3A_1392 = tpu.memref_slice %arg9[%scan3A_22, %get3A_1390, %get3A_1391] : memref<2x352x128xf32, #tpu.memory_space<vmem>> -> memref<1x352x128xf32, #tpu.memory_space<vmem>>
        %get3A_1393 = tpu.memref_squeeze %get3A_1392 : memref<1x352x128xf32, #tpu.memory_space<vmem>> -> memref<352x128xf32, #tpu.memory_space<vmem>>
        %get3A_1394 = arith.index_cast %add3A_1360 : i32 to index
        %get3A_1395 = arith.constant 48 : index
        %get3A_1396 = tpu.vector_load %get3A_1393[%get3A_1394, %get3A_1395] {strides = array<i32>} : memref<352x128xf32, #tpu.memory_space<vmem>>, vector<1x16xf32>,
        %get3A_1397 = vector.shape_cast %get3A_1396 : vector<1x16xf32> to vector<16xf32>
        %mul3A_1398 = arith.mulf %get3A_132, %get3A_1397 : vector<16xf32>
        %add3A_1399 = arith.addf %add3A_1389, %mul3A_1398 : vector<16xf32>
        %get3A_1400 = arith.constant 0 : i32
        %get3A_1401 = arith.constant 0 : i32
        %get3A_1402 = tpu.memref_slice %arg9[%scan3A_22, %get3A_1400, %get3A_1401] : memref<2x352x128xf32, #tpu.memory_space<vmem>> -> memref<1x352x128xf32, #tpu.memory_space<vmem>>
        %get3A_1403 = tpu.memref_squeeze %get3A_1402 : memref<1x352x128xf32, #tpu.memory_space<vmem>> -> memref<352x128xf32, #tpu.memory_space<vmem>>
        %get3A_1404 = arith.index_cast %add3A_1360 : i32 to index
        %get3A_1405 = arith.constant 64 : index
        %get3A_1406 = tpu.vector_load %get3A_1403[%get3A_1404, %get3A_1405] {strides = array<i32>} : memref<352x128xf32, #tpu.memory_space<vmem>>, vector<1x16xf32>,
        %get3A_1407 = vector.shape_cast %get3A_1406 : vector<1x16xf32> to vector<16xf32>
        %mul3A_1408 = arith.mulf %get3A_140, %get3A_1407 : vector<16xf32>
        %add3A_1409 = arith.addf %add3A_1399, %mul3A_1408 : vector<16xf32>
        %get3A_1410 = arith.constant 0 : i32
        %get3A_1411 = arith.constant 0 : i32
        %get3A_1412 = tpu.memref_slice %arg9[%scan3A_22, %get3A_1410, %get3A_1411] : memref<2x352x128xf32, #tpu.memory_space<vmem>> -> memref<1x352x128xf32, #tpu.memory_space<vmem>>
        %get3A_1413 = tpu.memref_squeeze %get3A_1412 : memref<1x352x128xf32, #tpu.memory_space<vmem>> -> memref<352x128xf32, #tpu.memory_space<vmem>>
        %get3A_1414 = arith.index_cast %add3A_1360 : i32 to index
        %get3A_1415 = arith.constant 80 : index
        %get3A_1416 = tpu.vector_load %get3A_1413[%get3A_1414, %get3A_1415] {strides = array<i32>} : memref<352x128xf32, #tpu.memory_space<vmem>>, vector<1x16xf32>,
        %get3A_1417 = vector.shape_cast %get3A_1416 : vector<1x16xf32> to vector<16xf32>
        %mul3A_1418 = arith.mulf %get3A_148, %get3A_1417 : vector<16xf32>
        %add3A_1419 = arith.addf %add3A_1409, %mul3A_1418 : vector<16xf32>
        %get3A_1420 = arith.constant 0 : i32
        %get3A_1421 = arith.constant 0 : i32
        %get3A_1422 = tpu.memref_slice %arg9[%scan3A_22, %get3A_1420, %get3A_1421] : memref<2x352x128xf32, #tpu.memory_space<vmem>> -> memref<1x352x128xf32, #tpu.memory_space<vmem>>
        %get3A_1423 = tpu.memref_squeeze %get3A_1422 : memref<1x352x128xf32, #tpu.memory_space<vmem>> -> memref<352x128xf32, #tpu.memory_space<vmem>>
        %get3A_1424 = arith.index_cast %add3A_1360 : i32 to index
        %get3A_1425 = arith.constant 96 : index
        %get3A_1426 = tpu.vector_load %get3A_1423[%get3A_1424, %get3A_1425] {strides = array<i32>} : memref<352x128xf32, #tpu.memory_space<vmem>>, vector<1x16xf32>,
        %get3A_1427 = vector.shape_cast %get3A_1426 : vector<1x16xf32> to vector<16xf32>
        %mul3A_1428 = arith.mulf %get3A_156, %get3A_1427 : vector<16xf32>
        %add3A_1429 = arith.addf %add3A_1419, %mul3A_1428 : vector<16xf32>
        %get3A_1430 = arith.constant 0 : i32
        %get3A_1431 = arith.constant 0 : i32
        %get3A_1432 = tpu.memref_slice %arg9[%scan3A_22, %get3A_1430, %get3A_1431] : memref<2x352x128xf32, #tpu.memory_space<vmem>> -> memref<1x352x128xf32, #tpu.memory_space<vmem>>
        %get3A_1433 = tpu.memref_squeeze %get3A_1432 : memref<1x352x128xf32, #tpu.memory_space<vmem>> -> memref<352x128xf32, #tpu.memory_space<vmem>>
        %get3A_1434 = arith.index_cast %add3A_1360 : i32 to index
        %get3A_1435 = arith.constant 112 : index
        %get3A_1436 = tpu.vector_load %get3A_1433[%get3A_1434, %get3A_1435] {strides = array<i32>} : memref<352x128xf32, #tpu.memory_space<vmem>>, vector<1x16xf32>,
        %get3A_1437 = vector.shape_cast %get3A_1436 : vector<1x16xf32> to vector<16xf32>
        %mul3A_1438 = arith.mulf %get3A_164, %get3A_1437 : vector<16xf32>
        %add3A_1439 = arith.addf %add3A_1429, %mul3A_1438 : vector<16xf32>
        %mul3A_1440 = arith.constant 20 : i32
        %mul3A_1441 = arith.muli %scan3A_101, %mul3A_1440 : i32
        %add3A_1442 = arith.constant 32 : i32
        %add3A_1443 = arith.addi %add3A_1442, %mul3A_1441 : i32
        %add3A_1444 = arith.constant 15 : i32
        %add3A_1445 = arith.addi %add3A_1443, %add3A_1444 : i32
        %get3A_1446 = arith.constant 0 : i32
        %get3A_1447 = arith.constant 0 : i32
        %get3A_1448 = tpu.memref_slice %arg9[%scan3A_22, %get3A_1446, %get3A_1447] : memref<2x352x128xf32, #tpu.memory_space<vmem>> -> memref<1x352x128xf32, #tpu.memory_space<vmem>>
        %get3A_1449 = tpu.memref_squeeze %get3A_1448 : memref<1x352x128xf32, #tpu.memory_space<vmem>> -> memref<352x128xf32, #tpu.memory_space<vmem>>
        %get3A_1450 = arith.index_cast %add3A_1445 : i32 to index
        %get3A_1451 = arith.constant 0 : index
        %get3A_1452 = tpu.vector_load %get3A_1449[%get3A_1450, %get3A_1451] {strides = array<i32>} : memref<352x128xf32, #tpu.memory_space<vmem>>, vector<1x16xf32>,
        %get3A_1453 = vector.shape_cast %get3A_1452 : vector<1x16xf32> to vector<16xf32>
        %mul3A_1454 = arith.mulf %get3A_108, %get3A_1453 : vector<16xf32>
        %get3A_1455 = arith.constant 0 : i32
        %get3A_1456 = arith.constant 0 : i32
        %get3A_1457 = tpu.memref_slice %arg9[%scan3A_22, %get3A_1455, %get3A_1456] : memref<2x352x128xf32, #tpu.memory_space<vmem>> -> memref<1x352x128xf32, #tpu.memory_space<vmem>>
        %get3A_1458 = tpu.memref_squeeze %get3A_1457 : memref<1x352x128xf32, #tpu.memory_space<vmem>> -> memref<352x128xf32, #tpu.memory_space<vmem>>
        %get3A_1459 = arith.index_cast %add3A_1445 : i32 to index
        %get3A_1460 = arith.constant 16 : index
        %get3A_1461 = tpu.vector_load %get3A_1458[%get3A_1459, %get3A_1460] {strides = array<i32>} : memref<352x128xf32, #tpu.memory_space<vmem>>, vector<1x16xf32>,
        %get3A_1462 = vector.shape_cast %get3A_1461 : vector<1x16xf32> to vector<16xf32>
        %mul3A_1463 = arith.mulf %get3A_116, %get3A_1462 : vector<16xf32>
        %add3A_1464 = arith.addf %mul3A_1454, %mul3A_1463 : vector<16xf32>
        %get3A_1465 = arith.constant 0 : i32
        %get3A_1466 = arith.constant 0 : i32
        %get3A_1467 = tpu.memref_slice %arg9[%scan3A_22, %get3A_1465, %get3A_1466] : memref<2x352x128xf32, #tpu.memory_space<vmem>> -> memref<1x352x128xf32, #tpu.memory_space<vmem>>
        %get3A_1468 = tpu.memref_squeeze %get3A_1467 : memref<1x352x128xf32, #tpu.memory_space<vmem>> -> memref<352x128xf32, #tpu.memory_space<vmem>>
        %get3A_1469 = arith.index_cast %add3A_1445 : i32 to index
        %get3A_1470 = arith.constant 32 : index
        %get3A_1471 = tpu.vector_load %get3A_1468[%get3A_1469, %get3A_1470] {strides = array<i32>} : memref<352x128xf32, #tpu.memory_space<vmem>>, vector<1x16xf32>,
        %get3A_1472 = vector.shape_cast %get3A_1471 : vector<1x16xf32> to vector<16xf32>
        %mul3A_1473 = arith.mulf %get3A_124, %get3A_1472 : vector<16xf32>
        %add3A_1474 = arith.addf %add3A_1464, %mul3A_1473 : vector<16xf32>
        %get3A_1475 = arith.constant 0 : i32
        %get3A_1476 = arith.constant 0 : i32
        %get3A_1477 = tpu.memref_slice %arg9[%scan3A_22, %get3A_1475, %get3A_1476] : memref<2x352x128xf32, #tpu.memory_space<vmem>> -> memref<1x352x128xf32, #tpu.memory_space<vmem>>
        %get3A_1478 = tpu.memref_squeeze %get3A_1477 : memref<1x352x128xf32, #tpu.memory_space<vmem>> -> memref<352x128xf32, #tpu.memory_space<vmem>>
        %get3A_1479 = arith.index_cast %add3A_1445 : i32 to index
        %get3A_1480 = arith.constant 48 : index
        %get3A_1481 = tpu.vector_load %get3A_1478[%get3A_1479, %get3A_1480] {strides = array<i32>} : memref<352x128xf32, #tpu.memory_space<vmem>>, vector<1x16xf32>,
        %get3A_1482 = vector.shape_cast %get3A_1481 : vector<1x16xf32> to vector<16xf32>
        %mul3A_1483 = arith.mulf %get3A_132, %get3A_1482 : vector<16xf32>
        %add3A_1484 = arith.addf %add3A_1474, %mul3A_1483 : vector<16xf32>
        %get3A_1485 = arith.constant 0 : i32
        %get3A_1486 = arith.constant 0 : i32
        %get3A_1487 = tpu.memref_slice %arg9[%scan3A_22, %get3A_1485, %get3A_1486] : memref<2x352x128xf32, #tpu.memory_space<vmem>> -> memref<1x352x128xf32, #tpu.memory_space<vmem>>
        %get3A_1488 = tpu.memref_squeeze %get3A_1487 : memref<1x352x128xf32, #tpu.memory_space<vmem>> -> memref<352x128xf32, #tpu.memory_space<vmem>>
        %get3A_1489 = arith.index_cast %add3A_1445 : i32 to index
        %get3A_1490 = arith.constant 64 : index
        %get3A_1491 = tpu.vector_load %get3A_1488[%get3A_1489, %get3A_1490] {strides = array<i32>} : memref<352x128xf32, #tpu.memory_space<vmem>>, vector<1x16xf32>,
        %get3A_1492 = vector.shape_cast %get3A_1491 : vector<1x16xf32> to vector<16xf32>
        %mul3A_1493 = arith.mulf %get3A_140, %get3A_1492 : vector<16xf32>
        %add3A_1494 = arith.addf %add3A_1484, %mul3A_1493 : vector<16xf32>
        %get3A_1495 = arith.constant 0 : i32
        %get3A_1496 = arith.constant 0 : i32
        %get3A_1497 = tpu.memref_slice %arg9[%scan3A_22, %get3A_1495, %get3A_1496] : memref<2x352x128xf32, #tpu.memory_space<vmem>> -> memref<1x352x128xf32, #tpu.memory_space<vmem>>
        %get3A_1498 = tpu.memref_squeeze %get3A_1497 : memref<1x352x128xf32, #tpu.memory_space<vmem>> -> memref<352x128xf32, #tpu.memory_space<vmem>>
        %get3A_1499 = arith.index_cast %add3A_1445 : i32 to index
        %get3A_1500 = arith.constant 80 : index
        %get3A_1501 = tpu.vector_load %get3A_1498[%get3A_1499, %get3A_1500] {strides = array<i32>} : memref<352x128xf32, #tpu.memory_space<vmem>>, vector<1x16xf32>,
        %get3A_1502 = vector.shape_cast %get3A_1501 : vector<1x16xf32> to vector<16xf32>
        %mul3A_1503 = arith.mulf %get3A_148, %get3A_1502 : vector<16xf32>
        %add3A_1504 = arith.addf %add3A_1494, %mul3A_1503 : vector<16xf32>
        %get3A_1505 = arith.constant 0 : i32
        %get3A_1506 = arith.constant 0 : i32
        %get3A_1507 = tpu.memref_slice %arg9[%scan3A_22, %get3A_1505, %get3A_1506] : memref<2x352x128xf32, #tpu.memory_space<vmem>> -> memref<1x352x128xf32, #tpu.memory_space<vmem>>
        %get3A_1508 = tpu.memref_squeeze %get3A_1507 : memref<1x352x128xf32, #tpu.memory_space<vmem>> -> memref<352x128xf32, #tpu.memory_space<vmem>>
        %get3A_1509 = arith.index_cast %add3A_1445 : i32 to index
        %get3A_1510 = arith.constant 96 : index
        %get3A_1511 = tpu.vector_load %get3A_1508[%get3A_1509, %get3A_1510] {strides = array<i32>} : memref<352x128xf32, #tpu.memory_space<vmem>>, vector<1x16xf32>,
        %get3A_1512 = vector.shape_cast %get3A_1511 : vector<1x16xf32> to vector<16xf32>
        %mul3A_1513 = arith.mulf %get3A_156, %get3A_1512 : vector<16xf32>
        %add3A_1514 = arith.addf %add3A_1504, %mul3A_1513 : vector<16xf32>
        %get3A_1515 = arith.constant 0 : i32
        %get3A_1516 = arith.constant 0 : i32
        %get3A_1517 = tpu.memref_slice %arg9[%scan3A_22, %get3A_1515, %get3A_1516] : memref<2x352x128xf32, #tpu.memory_space<vmem>> -> memref<1x352x128xf32, #tpu.memory_space<vmem>>
        %get3A_1518 = tpu.memref_squeeze %get3A_1517 : memref<1x352x128xf32, #tpu.memory_space<vmem>> -> memref<352x128xf32, #tpu.memory_space<vmem>>
        %get3A_1519 = arith.index_cast %add3A_1445 : i32 to index
        %get3A_1520 = arith.constant 112 : index
        %get3A_1521 = tpu.vector_load %get3A_1518[%get3A_1519, %get3A_1520] {strides = array<i32>} : memref<352x128xf32, #tpu.memory_space<vmem>>, vector<1x16xf32>,
        %get3A_1522 = vector.shape_cast %get3A_1521 : vector<1x16xf32> to vector<16xf32>
        %mul3A_1523 = arith.mulf %get3A_164, %get3A_1522 : vector<16xf32>
        %add3A_1524 = arith.addf %add3A_1514, %mul3A_1523 : vector<16xf32>
        %and3A = arith.constant 8 : i32
        %and3A_1525 = vector.broadcast %and3A : i32 to vector<16xi32>
        %and3A_1526 = arith.andi %iota3A, %and3A_1525 : vector<16xi32>
        %eq3A = arith.constant 0 : i32
        %eq3A_1527 = vector.broadcast %eq3A : i32 to vector<16xi32>
        %eq3A_1528 = arith.cmpi eq, %and3A_1526, %eq3A_1527 : vector<16xi32>
        %xor3A = arith.constant 8 : i32
        %xor3A_1529 = vector.broadcast %xor3A : i32 to vector<16xi32>
        %xor3A_1530 = arith.xori %iota3A, %xor3A_1529 : vector<16xi32>
        %broadcast_in_dim3A_1531 = vector.shape_cast %xor3A_1530 : vector<16xi32> to vector<16x1xi32>
        %gather3A = vector.shape_cast %broadcast_in_dim3A_1531 : vector<16x1xi32> to vector<16xi32>
        %gather3A_1532 = tpu.dynamic_gather %add3A_249[%gather3A] in [0] : vector<16xf32>, vector<16xi32> -> vector<16xf32>
        %add3A_1533 = arith.addf %add3A_249, %gather3A_1532 : vector<16xf32>
        %xor3A_1534 = arith.constant 8 : i32
        %xor3A_1535 = vector.broadcast %xor3A_1534 : i32 to vector<16xi32>
        %xor3A_1536 = arith.xori %iota3A, %xor3A_1535 : vector<16xi32>
        %broadcast_in_dim3A_1537 = vector.shape_cast %xor3A_1536 : vector<16xi32> to vector<16x1xi32>
        %gather3A_1538 = vector.shape_cast %broadcast_in_dim3A_1537 : vector<16x1xi32> to vector<16xi32>
        %gather3A_1539 = tpu.dynamic_gather %add3A_929[%gather3A_1538] in [0] : vector<16xf32>, vector<16xi32> -> vector<16xf32>
        %add3A_1540 = arith.addf %add3A_929, %gather3A_1539 : vector<16xf32>
        %select_n3A = arith.select %eq3A_1528, %add3A_1533, %add3A_1540 : vector<16xi1>, vector<16xf32>
        %xor3A_1541 = arith.constant 8 : i32
        %xor3A_1542 = vector.broadcast %xor3A_1541 : i32 to vector<16xi32>
        %xor3A_1543 = arith.xori %iota3A, %xor3A_1542 : vector<16xi32>
        %broadcast_in_dim3A_1544 = vector.shape_cast %xor3A_1543 : vector<16xi32> to vector<16x1xi32>
        %gather3A_1545 = vector.shape_cast %broadcast_in_dim3A_1544 : vector<16x1xi32> to vector<16xi32>
        %gather3A_1546 = tpu.dynamic_gather %add3A_589[%gather3A_1545] in [0] : vector<16xf32>, vector<16xi32> -> vector<16xf32>
        %add3A_1547 = arith.addf %add3A_589, %gather3A_1546 : vector<16xf32>
        %xor3A_1548 = arith.constant 8 : i32
        %xor3A_1549 = vector.broadcast %xor3A_1548 : i32 to vector<16xi32>
        %xor3A_1550 = arith.xori %iota3A, %xor3A_1549 : vector<16xi32>
        %broadcast_in_dim3A_1551 = vector.shape_cast %xor3A_1550 : vector<16xi32> to vector<16x1xi32>
        %gather3A_1552 = vector.shape_cast %broadcast_in_dim3A_1551 : vector<16x1xi32> to vector<16xi32>
        %gather3A_1553 = tpu.dynamic_gather %add3A_1269[%gather3A_1552] in [0] : vector<16xf32>, vector<16xi32> -> vector<16xf32>
        %add3A_1554 = arith.addf %add3A_1269, %gather3A_1553 : vector<16xf32>
        %select_n3A_1555 = arith.select %eq3A_1528, %add3A_1547, %add3A_1554 : vector<16xi1>, vector<16xf32>
        %xor3A_1556 = arith.constant 8 : i32
        %xor3A_1557 = vector.broadcast %xor3A_1556 : i32 to vector<16xi32>
        %xor3A_1558 = arith.xori %iota3A, %xor3A_1557 : vector<16xi32>
        %broadcast_in_dim3A_1559 = vector.shape_cast %xor3A_1558 : vector<16xi32> to vector<16x1xi32>
        %gather3A_1560 = vector.shape_cast %broadcast_in_dim3A_1559 : vector<16x1xi32> to vector<16xi32>
        %gather3A_1561 = tpu.dynamic_gather %add3A_419[%gather3A_1560] in [0] : vector<16xf32>, vector<16xi32> -> vector<16xf32>
        %add3A_1562 = arith.addf %add3A_419, %gather3A_1561 : vector<16xf32>
        %xor3A_1563 = arith.constant 8 : i32
        %xor3A_1564 = vector.broadcast %xor3A_1563 : i32 to vector<16xi32>
        %xor3A_1565 = arith.xori %iota3A, %xor3A_1564 : vector<16xi32>
        %broadcast_in_dim3A_1566 = vector.shape_cast %xor3A_1565 : vector<16xi32> to vector<16x1xi32>
        %gather3A_1567 = vector.shape_cast %broadcast_in_dim3A_1566 : vector<16x1xi32> to vector<16xi32>
        %gather3A_1568 = tpu.dynamic_gather %add3A_1099[%gather3A_1567] in [0] : vector<16xf32>, vector<16xi32> -> vector<16xf32>
        %add3A_1569 = arith.addf %add3A_1099, %gather3A_1568 : vector<16xf32>
        %select_n3A_1570 = arith.select %eq3A_1528, %add3A_1562, %add3A_1569 : vector<16xi1>, vector<16xf32>
        %xor3A_1571 = arith.constant 8 : i32
        %xor3A_1572 = vector.broadcast %xor3A_1571 : i32 to vector<16xi32>
        %xor3A_1573 = arith.xori %iota3A, %xor3A_1572 : vector<16xi32>
        %broadcast_in_dim3A_1574 = vector.shape_cast %xor3A_1573 : vector<16xi32> to vector<16x1xi32>
        %gather3A_1575 = vector.shape_cast %broadcast_in_dim3A_1574 : vector<16x1xi32> to vector<16xi32>
        %gather3A_1576 = tpu.dynamic_gather %add3A_759[%gather3A_1575] in [0] : vector<16xf32>, vector<16xi32> -> vector<16xf32>
        %add3A_1577 = arith.addf %add3A_759, %gather3A_1576 : vector<16xf32>
        %xor3A_1578 = arith.constant 8 : i32
        %xor3A_1579 = vector.broadcast %xor3A_1578 : i32 to vector<16xi32>
        %xor3A_1580 = arith.xori %iota3A, %xor3A_1579 : vector<16xi32>
        %broadcast_in_dim3A_1581 = vector.shape_cast %xor3A_1580 : vector<16xi32> to vector<16x1xi32>
        %gather3A_1582 = vector.shape_cast %broadcast_in_dim3A_1581 : vector<16x1xi32> to vector<16xi32>
        %gather3A_1583 = tpu.dynamic_gather %add3A_1439[%gather3A_1582] in [0] : vector<16xf32>, vector<16xi32> -> vector<16xf32>
        %add3A_1584 = arith.addf %add3A_1439, %gather3A_1583 : vector<16xf32>
        %select_n3A_1585 = arith.select %eq3A_1528, %add3A_1577, %add3A_1584 : vector<16xi1>, vector<16xf32>
        %xor3A_1586 = arith.constant 8 : i32
        %xor3A_1587 = vector.broadcast %xor3A_1586 : i32 to vector<16xi32>
        %xor3A_1588 = arith.xori %iota3A, %xor3A_1587 : vector<16xi32>
        %broadcast_in_dim3A_1589 = vector.shape_cast %xor3A_1588 : vector<16xi32> to vector<16x1xi32>
        %gather3A_1590 = vector.shape_cast %broadcast_in_dim3A_1589 : vector<16x1xi32> to vector<16xi32>
        %gather3A_1591 = tpu.dynamic_gather %add3A_334[%gather3A_1590] in [0] : vector<16xf32>, vector<16xi32> -> vector<16xf32>
        %add3A_1592 = arith.addf %add3A_334, %gather3A_1591 : vector<16xf32>
        %xor3A_1593 = arith.constant 8 : i32
        %xor3A_1594 = vector.broadcast %xor3A_1593 : i32 to vector<16xi32>
        %xor3A_1595 = arith.xori %iota3A, %xor3A_1594 : vector<16xi32>
        %broadcast_in_dim3A_1596 = vector.shape_cast %xor3A_1595 : vector<16xi32> to vector<16x1xi32>
        %gather3A_1597 = vector.shape_cast %broadcast_in_dim3A_1596 : vector<16x1xi32> to vector<16xi32>
        %gather3A_1598 = tpu.dynamic_gather %add3A_1014[%gather3A_1597] in [0] : vector<16xf32>, vector<16xi32> -> vector<16xf32>
        %add3A_1599 = arith.addf %add3A_1014, %gather3A_1598 : vector<16xf32>
        %select_n3A_1600 = arith.select %eq3A_1528, %add3A_1592, %add3A_1599 : vector<16xi1>, vector<16xf32>
        %xor3A_1601 = arith.constant 8 : i32
        %xor3A_1602 = vector.broadcast %xor3A_1601 : i32 to vector<16xi32>
        %xor3A_1603 = arith.xori %iota3A, %xor3A_1602 : vector<16xi32>
        %broadcast_in_dim3A_1604 = vector.shape_cast %xor3A_1603 : vector<16xi32> to vector<16x1xi32>
        %gather3A_1605 = vector.shape_cast %broadcast_in_dim3A_1604 : vector<16x1xi32> to vector<16xi32>
        %gather3A_1606 = tpu.dynamic_gather %add3A_674[%gather3A_1605] in [0] : vector<16xf32>, vector<16xi32> -> vector<16xf32>
        %add3A_1607 = arith.addf %add3A_674, %gather3A_1606 : vector<16xf32>
        %xor3A_1608 = arith.constant 8 : i32
        %xor3A_1609 = vector.broadcast %xor3A_1608 : i32 to vector<16xi32>
        %xor3A_1610 = arith.xori %iota3A, %xor3A_1609 : vector<16xi32>
        %broadcast_in_dim3A_1611 = vector.shape_cast %xor3A_1610 : vector<16xi32> to vector<16x1xi32>
        %gather3A_1612 = vector.shape_cast %broadcast_in_dim3A_1611 : vector<16x1xi32> to vector<16xi32>
        %gather3A_1613 = tpu.dynamic_gather %add3A_1354[%gather3A_1612] in [0] : vector<16xf32>, vector<16xi32> -> vector<16xf32>
        %add3A_1614 = arith.addf %add3A_1354, %gather3A_1613 : vector<16xf32>
        %select_n3A_1615 = arith.select %eq3A_1528, %add3A_1607, %add3A_1614 : vector<16xi1>, vector<16xf32>
        %xor3A_1616 = arith.constant 8 : i32
        %xor3A_1617 = vector.broadcast %xor3A_1616 : i32 to vector<16xi32>
        %xor3A_1618 = arith.xori %iota3A, %xor3A_1617 : vector<16xi32>
        %broadcast_in_dim3A_1619 = vector.shape_cast %xor3A_1618 : vector<16xi32> to vector<16x1xi32>
        %gather3A_1620 = vector.shape_cast %broadcast_in_dim3A_1619 : vector<16x1xi32> to vector<16xi32>
        %gather3A_1621 = tpu.dynamic_gather %add3A_504[%gather3A_1620] in [0] : vector<16xf32>, vector<16xi32> -> vector<16xf32>
        %add3A_1622 = arith.addf %add3A_504, %gather3A_1621 : vector<16xf32>
        %xor3A_1623 = arith.constant 8 : i32
        %xor3A_1624 = vector.broadcast %xor3A_1623 : i32 to vector<16xi32>
        %xor3A_1625 = arith.xori %iota3A, %xor3A_1624 : vector<16xi32>
        %broadcast_in_dim3A_1626 = vector.shape_cast %xor3A_1625 : vector<16xi32> to vector<16x1xi32>
        %gather3A_1627 = vector.shape_cast %broadcast_in_dim3A_1626 : vector<16x1xi32> to vector<16xi32>
        %gather3A_1628 = tpu.dynamic_gather %add3A_1184[%gather3A_1627] in [0] : vector<16xf32>, vector<16xi32> -> vector<16xf32>
        %add3A_1629 = arith.addf %add3A_1184, %gather3A_1628 : vector<16xf32>
        %select_n3A_1630 = arith.select %eq3A_1528, %add3A_1622, %add3A_1629 : vector<16xi1>, vector<16xf32>
        %xor3A_1631 = arith.constant 8 : i32
        %xor3A_1632 = vector.broadcast %xor3A_1631 : i32 to vector<16xi32>
        %xor3A_1633 = arith.xori %iota3A, %xor3A_1632 : vector<16xi32>
        %broadcast_in_dim3A_1634 = vector.shape_cast %xor3A_1633 : vector<16xi32> to vector<16x1xi32>
        %gather3A_1635 = vector.shape_cast %broadcast_in_dim3A_1634 : vector<16x1xi32> to vector<16xi32>
        %gather3A_1636 = tpu.dynamic_gather %add3A_844[%gather3A_1635] in [0] : vector<16xf32>, vector<16xi32> -> vector<16xf32>
        %add3A_1637 = arith.addf %add3A_844, %gather3A_1636 : vector<16xf32>
        %xor3A_1638 = arith.constant 8 : i32
        %xor3A_1639 = vector.broadcast %xor3A_1638 : i32 to vector<16xi32>
        %xor3A_1640 = arith.xori %iota3A, %xor3A_1639 : vector<16xi32>
        %broadcast_in_dim3A_1641 = vector.shape_cast %xor3A_1640 : vector<16xi32> to vector<16x1xi32>
        %gather3A_1642 = vector.shape_cast %broadcast_in_dim3A_1641 : vector<16x1xi32> to vector<16xi32>
        %gather3A_1643 = tpu.dynamic_gather %add3A_1524[%gather3A_1642] in [0] : vector<16xf32>, vector<16xi32> -> vector<16xf32>
        %add3A_1644 = arith.addf %add3A_1524, %gather3A_1643 : vector<16xf32>
        %select_n3A_1645 = arith.select %eq3A_1528, %add3A_1637, %add3A_1644 : vector<16xi1>, vector<16xf32>
        %and3A_1646 = arith.constant 4 : i32
        %and3A_1647 = vector.broadcast %and3A_1646 : i32 to vector<16xi32>
        %and3A_1648 = arith.andi %iota3A, %and3A_1647 : vector<16xi32>
        %eq3A_1649 = arith.constant 0 : i32
        %eq3A_1650 = vector.broadcast %eq3A_1649 : i32 to vector<16xi32>
        %eq3A_1651 = arith.cmpi eq, %and3A_1648, %eq3A_1650 : vector<16xi32>
        %xor3A_1652 = arith.constant 4 : i32
        %xor3A_1653 = vector.broadcast %xor3A_1652 : i32 to vector<16xi32>
        %xor3A_1654 = arith.xori %iota3A, %xor3A_1653 : vector<16xi32>
        %broadcast_in_dim3A_1655 = vector.shape_cast %xor3A_1654 : vector<16xi32> to vector<16x1xi32>
        %gather3A_1656 = vector.shape_cast %broadcast_in_dim3A_1655 : vector<16x1xi32> to vector<16xi32>
        %gather3A_1657 = tpu.dynamic_gather %select_n3A[%gather3A_1656] in [0] : vector<16xf32>, vector<16xi32> -> vector<16xf32>
        %add3A_1658 = arith.addf %select_n3A, %gather3A_1657 : vector<16xf32>
        %xor3A_1659 = arith.constant 4 : i32
        %xor3A_1660 = vector.broadcast %xor3A_1659 : i32 to vector<16xi32>
        %xor3A_1661 = arith.xori %iota3A, %xor3A_1660 : vector<16xi32>
        %broadcast_in_dim3A_1662 = vector.shape_cast %xor3A_1661 : vector<16xi32> to vector<16x1xi32>
        %gather3A_1663 = vector.shape_cast %broadcast_in_dim3A_1662 : vector<16x1xi32> to vector<16xi32>
        %gather3A_1664 = tpu.dynamic_gather %select_n3A_1555[%gather3A_1663] in [0] : vector<16xf32>, vector<16xi32> -> vector<16xf32>
        %add3A_1665 = arith.addf %select_n3A_1555, %gather3A_1664 : vector<16xf32>
        %select_n3A_1666 = arith.select %eq3A_1651, %add3A_1658, %add3A_1665 : vector<16xi1>, vector<16xf32>
        %xor3A_1667 = arith.constant 4 : i32
        %xor3A_1668 = vector.broadcast %xor3A_1667 : i32 to vector<16xi32>
        %xor3A_1669 = arith.xori %iota3A, %xor3A_1668 : vector<16xi32>
        %broadcast_in_dim3A_1670 = vector.shape_cast %xor3A_1669 : vector<16xi32> to vector<16x1xi32>
        %gather3A_1671 = vector.shape_cast %broadcast_in_dim3A_1670 : vector<16x1xi32> to vector<16xi32>
        %gather3A_1672 = tpu.dynamic_gather %select_n3A_1570[%gather3A_1671] in [0] : vector<16xf32>, vector<16xi32> -> vector<16xf32>
        %add3A_1673 = arith.addf %select_n3A_1570, %gather3A_1672 : vector<16xf32>
        %xor3A_1674 = arith.constant 4 : i32
        %xor3A_1675 = vector.broadcast %xor3A_1674 : i32 to vector<16xi32>
        %xor3A_1676 = arith.xori %iota3A, %xor3A_1675 : vector<16xi32>
        %broadcast_in_dim3A_1677 = vector.shape_cast %xor3A_1676 : vector<16xi32> to vector<16x1xi32>
        %gather3A_1678 = vector.shape_cast %broadcast_in_dim3A_1677 : vector<16x1xi32> to vector<16xi32>
        %gather3A_1679 = tpu.dynamic_gather %select_n3A_1585[%gather3A_1678] in [0] : vector<16xf32>, vector<16xi32> -> vector<16xf32>
        %add3A_1680 = arith.addf %select_n3A_1585, %gather3A_1679 : vector<16xf32>
        %select_n3A_1681 = arith.select %eq3A_1651, %add3A_1673, %add3A_1680 : vector<16xi1>, vector<16xf32>
        %xor3A_1682 = arith.constant 4 : i32
        %xor3A_1683 = vector.broadcast %xor3A_1682 : i32 to vector<16xi32>
        %xor3A_1684 = arith.xori %iota3A, %xor3A_1683 : vector<16xi32>
        %broadcast_in_dim3A_1685 = vector.shape_cast %xor3A_1684 : vector<16xi32> to vector<16x1xi32>
        %gather3A_1686 = vector.shape_cast %broadcast_in_dim3A_1685 : vector<16x1xi32> to vector<16xi32>
        %gather3A_1687 = tpu.dynamic_gather %select_n3A_1600[%gather3A_1686] in [0] : vector<16xf32>, vector<16xi32> -> vector<16xf32>
        %add3A_1688 = arith.addf %select_n3A_1600, %gather3A_1687 : vector<16xf32>
        %xor3A_1689 = arith.constant 4 : i32
        %xor3A_1690 = vector.broadcast %xor3A_1689 : i32 to vector<16xi32>
        %xor3A_1691 = arith.xori %iota3A, %xor3A_1690 : vector<16xi32>
        %broadcast_in_dim3A_1692 = vector.shape_cast %xor3A_1691 : vector<16xi32> to vector<16x1xi32>
        %gather3A_1693 = vector.shape_cast %broadcast_in_dim3A_1692 : vector<16x1xi32> to vector<16xi32>
        %gather3A_1694 = tpu.dynamic_gather %select_n3A_1615[%gather3A_1693] in [0] : vector<16xf32>, vector<16xi32> -> vector<16xf32>
        %add3A_1695 = arith.addf %select_n3A_1615, %gather3A_1694 : vector<16xf32>
        %select_n3A_1696 = arith.select %eq3A_1651, %add3A_1688, %add3A_1695 : vector<16xi1>, vector<16xf32>
        %xor3A_1697 = arith.constant 4 : i32
        %xor3A_1698 = vector.broadcast %xor3A_1697 : i32 to vector<16xi32>
        %xor3A_1699 = arith.xori %iota3A, %xor3A_1698 : vector<16xi32>
        %broadcast_in_dim3A_1700 = vector.shape_cast %xor3A_1699 : vector<16xi32> to vector<16x1xi32>
        %gather3A_1701 = vector.shape_cast %broadcast_in_dim3A_1700 : vector<16x1xi32> to vector<16xi32>
        %gather3A_1702 = tpu.dynamic_gather %select_n3A_1630[%gather3A_1701] in [0] : vector<16xf32>, vector<16xi32> -> vector<16xf32>
        %add3A_1703 = arith.addf %select_n3A_1630, %gather3A_1702 : vector<16xf32>
        %xor3A_1704 = arith.constant 4 : i32
        %xor3A_1705 = vector.broadcast %xor3A_1704 : i32 to vector<16xi32>
        %xor3A_1706 = arith.xori %iota3A, %xor3A_1705 : vector<16xi32>
        %broadcast_in_dim3A_1707 = vector.shape_cast %xor3A_1706 : vector<16xi32> to vector<16x1xi32>
        %gather3A_1708 = vector.shape_cast %broadcast_in_dim3A_1707 : vector<16x1xi32> to vector<16xi32>
        %gather3A_1709 = tpu.dynamic_gather %select_n3A_1645[%gather3A_1708] in [0] : vector<16xf32>, vector<16xi32> -> vector<16xf32>
        %add3A_1710 = arith.addf %select_n3A_1645, %gather3A_1709 : vector<16xf32>
        %select_n3A_1711 = arith.select %eq3A_1651, %add3A_1703, %add3A_1710 : vector<16xi1>, vector<16xf32>
        %and3A_1712 = arith.constant 2 : i32
        %and3A_1713 = vector.broadcast %and3A_1712 : i32 to vector<16xi32>
        %and3A_1714 = arith.andi %iota3A, %and3A_1713 : vector<16xi32>
        %eq3A_1715 = arith.constant 0 : i32
        %eq3A_1716 = vector.broadcast %eq3A_1715 : i32 to vector<16xi32>
        %eq3A_1717 = arith.cmpi eq, %and3A_1714, %eq3A_1716 : vector<16xi32>
        %xor3A_1718 = arith.constant 2 : i32
        %xor3A_1719 = vector.broadcast %xor3A_1718 : i32 to vector<16xi32>
        %xor3A_1720 = arith.xori %iota3A, %xor3A_1719 : vector<16xi32>
        %broadcast_in_dim3A_1721 = vector.shape_cast %xor3A_1720 : vector<16xi32> to vector<16x1xi32>
        %gather3A_1722 = vector.shape_cast %broadcast_in_dim3A_1721 : vector<16x1xi32> to vector<16xi32>
        %gather3A_1723 = tpu.dynamic_gather %select_n3A_1666[%gather3A_1722] in [0] : vector<16xf32>, vector<16xi32> -> vector<16xf32>
        %add3A_1724 = arith.addf %select_n3A_1666, %gather3A_1723 : vector<16xf32>
        %xor3A_1725 = arith.constant 2 : i32
        %xor3A_1726 = vector.broadcast %xor3A_1725 : i32 to vector<16xi32>
        %xor3A_1727 = arith.xori %iota3A, %xor3A_1726 : vector<16xi32>
        %broadcast_in_dim3A_1728 = vector.shape_cast %xor3A_1727 : vector<16xi32> to vector<16x1xi32>
        %gather3A_1729 = vector.shape_cast %broadcast_in_dim3A_1728 : vector<16x1xi32> to vector<16xi32>
        %gather3A_1730 = tpu.dynamic_gather %select_n3A_1681[%gather3A_1729] in [0] : vector<16xf32>, vector<16xi32> -> vector<16xf32>
        %add3A_1731 = arith.addf %select_n3A_1681, %gather3A_1730 : vector<16xf32>
        %select_n3A_1732 = arith.select %eq3A_1717, %add3A_1724, %add3A_1731 : vector<16xi1>, vector<16xf32>
        %xor3A_1733 = arith.constant 2 : i32
        %xor3A_1734 = vector.broadcast %xor3A_1733 : i32 to vector<16xi32>
        %xor3A_1735 = arith.xori %iota3A, %xor3A_1734 : vector<16xi32>
        %broadcast_in_dim3A_1736 = vector.shape_cast %xor3A_1735 : vector<16xi32> to vector<16x1xi32>
        %gather3A_1737 = vector.shape_cast %broadcast_in_dim3A_1736 : vector<16x1xi32> to vector<16xi32>
        %gather3A_1738 = tpu.dynamic_gather %select_n3A_1696[%gather3A_1737] in [0] : vector<16xf32>, vector<16xi32> -> vector<16xf32>
        %add3A_1739 = arith.addf %select_n3A_1696, %gather3A_1738 : vector<16xf32>
        %xor3A_1740 = arith.constant 2 : i32
        %xor3A_1741 = vector.broadcast %xor3A_1740 : i32 to vector<16xi32>
        %xor3A_1742 = arith.xori %iota3A, %xor3A_1741 : vector<16xi32>
        %broadcast_in_dim3A_1743 = vector.shape_cast %xor3A_1742 : vector<16xi32> to vector<16x1xi32>
        %gather3A_1744 = vector.shape_cast %broadcast_in_dim3A_1743 : vector<16x1xi32> to vector<16xi32>
        %gather3A_1745 = tpu.dynamic_gather %select_n3A_1711[%gather3A_1744] in [0] : vector<16xf32>, vector<16xi32> -> vector<16xf32>
        %add3A_1746 = arith.addf %select_n3A_1711, %gather3A_1745 : vector<16xf32>
        %select_n3A_1747 = arith.select %eq3A_1717, %add3A_1739, %add3A_1746 : vector<16xi1>, vector<16xf32>
        %and3A_1748 = arith.constant 1 : i32
        %and3A_1749 = vector.broadcast %and3A_1748 : i32 to vector<16xi32>
        %and3A_1750 = arith.andi %iota3A, %and3A_1749 : vector<16xi32>
        %eq3A_1751 = arith.constant 0 : i32
        %eq3A_1752 = vector.broadcast %eq3A_1751 : i32 to vector<16xi32>
        %eq3A_1753 = arith.cmpi eq, %and3A_1750, %eq3A_1752 : vector<16xi32>
        %xor3A_1754 = arith.constant 1 : i32
        %xor3A_1755 = vector.broadcast %xor3A_1754 : i32 to vector<16xi32>
        %xor3A_1756 = arith.xori %iota3A, %xor3A_1755 : vector<16xi32>
        %broadcast_in_dim3A_1757 = vector.shape_cast %xor3A_1756 : vector<16xi32> to vector<16x1xi32>
        %gather3A_1758 = vector.shape_cast %broadcast_in_dim3A_1757 : vector<16x1xi32> to vector<16xi32>
        %gather3A_1759 = tpu.dynamic_gather %select_n3A_1732[%gather3A_1758] in [0] : vector<16xf32>, vector<16xi32> -> vector<16xf32>
        %add3A_1760 = arith.addf %select_n3A_1732, %gather3A_1759 : vector<16xf32>
        %xor3A_1761 = arith.constant 1 : i32
        %xor3A_1762 = vector.broadcast %xor3A_1761 : i32 to vector<16xi32>
        %xor3A_1763 = arith.xori %iota3A, %xor3A_1762 : vector<16xi32>
        %broadcast_in_dim3A_1764 = vector.shape_cast %xor3A_1763 : vector<16xi32> to vector<16x1xi32>
        %gather3A_1765 = vector.shape_cast %broadcast_in_dim3A_1764 : vector<16x1xi32> to vector<16xi32>
        %gather3A_1766 = tpu.dynamic_gather %select_n3A_1747[%gather3A_1765] in [0] : vector<16xf32>, vector<16xi32> -> vector<16xf32>
        %add3A_1767 = arith.addf %select_n3A_1747, %gather3A_1766 : vector<16xf32>
        %select_n3A_1768 = arith.select %eq3A_1753, %add3A_1760, %add3A_1767 : vector<16xi1>, vector<16xf32>
        %mul3A_1769 = arith.constant 16 : i32
        %mul3A_1770 = arith.muli %scan3A_101, %mul3A_1769 : i32
        %swap3A = arith.index_cast %mul3A_1770 : i32 to index
        %swap3A_1771 = tpu.vector_load %arg10[%swap3A] {strides = array<i32>} : memref<256xf32, #tpu.memory_space<vmem>>, vector<16xf32>,
        %swap3A_1772 = vector.shape_cast %swap3A_1771 : vector<16xf32> to vector<16xf32>
        %swap3A_1773 = vector.shape_cast %select_n3A_1768 : vector<16xf32> to vector<16xf32>
        tpu.vector_store %arg10[%swap3A], %swap3A_1773 {strides = array<i32>} : memref<256xf32, #tpu.memory_space<vmem>>, vector<16xf32>,
        %add3A_1774 = arith.constant 16 : i32
        %add3A_1775 = arith.addi %add3A_1774, %scan3A_101 : i32
        %get3A_1776 = arith.constant 0 : i32
        %get3A_1777 = arith.constant 0 : i32
        %get3A_1778 = tpu.memref_slice %arg9[%scan3A_22, %get3A_1776, %get3A_1777] : memref<2x352x128xf32, #tpu.memory_space<vmem>> -> memref<1x352x128xf32, #tpu.memory_space<vmem>>
        %get3A_1779 = tpu.memref_squeeze %get3A_1778 : memref<1x352x128xf32, #tpu.memory_space<vmem>> -> memref<352x128xf32, #tpu.memory_space<vmem>>
        %get3A_1780 = arith.index_cast %add3A_1775 : i32 to index
        %get3A_1781 = arith.constant 0 : index
        %get3A_1782 = tpu.vector_load %get3A_1779[%get3A_1780, %get3A_1781] {strides = array<i32>} : memref<352x128xf32, #tpu.memory_space<vmem>>, vector<1x16xf32>,
        %get3A_1783 = vector.shape_cast %get3A_1782 : vector<1x16xf32> to vector<16xf32>
        %mul3A_1784 = arith.mulf %get3A_108, %get3A_1783 : vector<16xf32>
        %get3A_1785 = arith.constant 0 : i32
        %get3A_1786 = arith.constant 0 : i32
        %get3A_1787 = tpu.memref_slice %arg9[%scan3A_22, %get3A_1785, %get3A_1786] : memref<2x352x128xf32, #tpu.memory_space<vmem>> -> memref<1x352x128xf32, #tpu.memory_space<vmem>>
        %get3A_1788 = tpu.memref_squeeze %get3A_1787 : memref<1x352x128xf32, #tpu.memory_space<vmem>> -> memref<352x128xf32, #tpu.memory_space<vmem>>
        %get3A_1789 = arith.index_cast %add3A_1775 : i32 to index
        %get3A_1790 = arith.constant 16 : index
        %get3A_1791 = tpu.vector_load %get3A_1788[%get3A_1789, %get3A_1790] {strides = array<i32>} : memref<352x128xf32, #tpu.memory_space<vmem>>, vector<1x16xf32>,
        %get3A_1792 = vector.shape_cast %get3A_1791 : vector<1x16xf32> to vector<16xf32>
        %mul3A_1793 = arith.mulf %get3A_116, %get3A_1792 : vector<16xf32>
        %add3A_1794 = arith.addf %mul3A_1784, %mul3A_1793 : vector<16xf32>
        %get3A_1795 = arith.constant 0 : i32
        %get3A_1796 = arith.constant 0 : i32
        %get3A_1797 = tpu.memref_slice %arg9[%scan3A_22, %get3A_1795, %get3A_1796] : memref<2x352x128xf32, #tpu.memory_space<vmem>> -> memref<1x352x128xf32, #tpu.memory_space<vmem>>
        %get3A_1798 = tpu.memref_squeeze %get3A_1797 : memref<1x352x128xf32, #tpu.memory_space<vmem>> -> memref<352x128xf32, #tpu.memory_space<vmem>>
        %get3A_1799 = arith.index_cast %add3A_1775 : i32 to index
        %get3A_1800 = arith.constant 32 : index
        %get3A_1801 = tpu.vector_load %get3A_1798[%get3A_1799, %get3A_1800] {strides = array<i32>} : memref<352x128xf32, #tpu.memory_space<vmem>>, vector<1x16xf32>,
        %get3A_1802 = vector.shape_cast %get3A_1801 : vector<1x16xf32> to vector<16xf32>
        %mul3A_1803 = arith.mulf %get3A_124, %get3A_1802 : vector<16xf32>
        %add3A_1804 = arith.addf %add3A_1794, %mul3A_1803 : vector<16xf32>
        %get3A_1805 = arith.constant 0 : i32
        %get3A_1806 = arith.constant 0 : i32
        %get3A_1807 = tpu.memref_slice %arg9[%scan3A_22, %get3A_1805, %get3A_1806] : memref<2x352x128xf32, #tpu.memory_space<vmem>> -> memref<1x352x128xf32, #tpu.memory_space<vmem>>
        %get3A_1808 = tpu.memref_squeeze %get3A_1807 : memref<1x352x128xf32, #tpu.memory_space<vmem>> -> memref<352x128xf32, #tpu.memory_space<vmem>>
        %get3A_1809 = arith.index_cast %add3A_1775 : i32 to index
        %get3A_1810 = arith.constant 48 : index
        %get3A_1811 = tpu.vector_load %get3A_1808[%get3A_1809, %get3A_1810] {strides = array<i32>} : memref<352x128xf32, #tpu.memory_space<vmem>>, vector<1x16xf32>,
        %get3A_1812 = vector.shape_cast %get3A_1811 : vector<1x16xf32> to vector<16xf32>
        %mul3A_1813 = arith.mulf %get3A_132, %get3A_1812 : vector<16xf32>
        %add3A_1814 = arith.addf %add3A_1804, %mul3A_1813 : vector<16xf32>
        %get3A_1815 = arith.constant 0 : i32
        %get3A_1816 = arith.constant 0 : i32
        %get3A_1817 = tpu.memref_slice %arg9[%scan3A_22, %get3A_1815, %get3A_1816] : memref<2x352x128xf32, #tpu.memory_space<vmem>> -> memref<1x352x128xf32, #tpu.memory_space<vmem>>
        %get3A_1818 = tpu.memref_squeeze %get3A_1817 : memref<1x352x128xf32, #tpu.memory_space<vmem>> -> memref<352x128xf32, #tpu.memory_space<vmem>>
        %get3A_1819 = arith.index_cast %add3A_1775 : i32 to index
        %get3A_1820 = arith.constant 64 : index
        %get3A_1821 = tpu.vector_load %get3A_1818[%get3A_1819, %get3A_1820] {strides = array<i32>} : memref<352x128xf32, #tpu.memory_space<vmem>>, vector<1x16xf32>,
        %get3A_1822 = vector.shape_cast %get3A_1821 : vector<1x16xf32> to vector<16xf32>
        %mul3A_1823 = arith.mulf %get3A_140, %get3A_1822 : vector<16xf32>
        %add3A_1824 = arith.addf %add3A_1814, %mul3A_1823 : vector<16xf32>
        %get3A_1825 = arith.constant 0 : i32
        %get3A_1826 = arith.constant 0 : i32
        %get3A_1827 = tpu.memref_slice %arg9[%scan3A_22, %get3A_1825, %get3A_1826] : memref<2x352x128xf32, #tpu.memory_space<vmem>> -> memref<1x352x128xf32, #tpu.memory_space<vmem>>
        %get3A_1828 = tpu.memref_squeeze %get3A_1827 : memref<1x352x128xf32, #tpu.memory_space<vmem>> -> memref<352x128xf32, #tpu.memory_space<vmem>>
        %get3A_1829 = arith.index_cast %add3A_1775 : i32 to index
        %get3A_1830 = arith.constant 80 : index
        %get3A_1831 = tpu.vector_load %get3A_1828[%get3A_1829, %get3A_1830] {strides = array<i32>} : memref<352x128xf32, #tpu.memory_space<vmem>>, vector<1x16xf32>,
        %get3A_1832 = vector.shape_cast %get3A_1831 : vector<1x16xf32> to vector<16xf32>
        %mul3A_1833 = arith.mulf %get3A_148, %get3A_1832 : vector<16xf32>
        %add3A_1834 = arith.addf %add3A_1824, %mul3A_1833 : vector<16xf32>
        %get3A_1835 = arith.constant 0 : i32
        %get3A_1836 = arith.constant 0 : i32
        %get3A_1837 = tpu.memref_slice %arg9[%scan3A_22, %get3A_1835, %get3A_1836] : memref<2x352x128xf32, #tpu.memory_space<vmem>> -> memref<1x352x128xf32, #tpu.memory_space<vmem>>
        %get3A_1838 = tpu.memref_squeeze %get3A_1837 : memref<1x352x128xf32, #tpu.memory_space<vmem>> -> memref<352x128xf32, #tpu.memory_space<vmem>>
        %get3A_1839 = arith.index_cast %add3A_1775 : i32 to index
        %get3A_1840 = arith.constant 96 : index
        %get3A_1841 = tpu.vector_load %get3A_1838[%get3A_1839, %get3A_1840] {strides = array<i32>} : memref<352x128xf32, #tpu.memory_space<vmem>>, vector<1x16xf32>,
        %get3A_1842 = vector.shape_cast %get3A_1841 : vector<1x16xf32> to vector<16xf32>
        %mul3A_1843 = arith.mulf %get3A_156, %get3A_1842 : vector<16xf32>
        %add3A_1844 = arith.addf %add3A_1834, %mul3A_1843 : vector<16xf32>
        %get3A_1845 = arith.constant 0 : i32
        %get3A_1846 = arith.constant 0 : i32
        %get3A_1847 = tpu.memref_slice %arg9[%scan3A_22, %get3A_1845, %get3A_1846] : memref<2x352x128xf32, #tpu.memory_space<vmem>> -> memref<1x352x128xf32, #tpu.memory_space<vmem>>
        %get3A_1848 = tpu.memref_squeeze %get3A_1847 : memref<1x352x128xf32, #tpu.memory_space<vmem>> -> memref<352x128xf32, #tpu.memory_space<vmem>>
        %get3A_1849 = arith.index_cast %add3A_1775 : i32 to index
        %get3A_1850 = arith.constant 112 : index
        %get3A_1851 = tpu.vector_load %get3A_1848[%get3A_1849, %get3A_1850] {strides = array<i32>} : memref<352x128xf32, #tpu.memory_space<vmem>>, vector<1x16xf32>,
        %get3A_1852 = vector.shape_cast %get3A_1851 : vector<1x16xf32> to vector<16xf32>
        %mul3A_1853 = arith.mulf %get3A_164, %get3A_1852 : vector<16xf32>
        %add3A_1854 = arith.addf %add3A_1844, %mul3A_1853 : vector<16xf32>
        %mul3A_1855 = arith.constant 20 : i32
        %mul3A_1856 = arith.muli %scan3A_101, %mul3A_1855 : i32
        %add3A_1857 = arith.constant 32 : i32
        %add3A_1858 = arith.addi %add3A_1857, %mul3A_1856 : i32
        %add3A_1859 = arith.constant 16 : i32
        %add3A_1860 = arith.addi %add3A_1858, %add3A_1859 : i32
        %get3A_1861 = arith.constant 0 : i32
        %get3A_1862 = arith.constant 0 : i32
        %get3A_1863 = tpu.memref_slice %arg9[%scan3A_22, %get3A_1861, %get3A_1862] : memref<2x352x128xf32, #tpu.memory_space<vmem>> -> memref<1x352x128xf32, #tpu.memory_space<vmem>>
        %get3A_1864 = tpu.memref_squeeze %get3A_1863 : memref<1x352x128xf32, #tpu.memory_space<vmem>> -> memref<352x128xf32, #tpu.memory_space<vmem>>
        %get3A_1865 = arith.index_cast %add3A_1860 : i32 to index
        %get3A_1866 = arith.constant 0 : index
        %get3A_1867 = tpu.vector_load %get3A_1864[%get3A_1865, %get3A_1866] {strides = array<i32>} : memref<352x128xf32, #tpu.memory_space<vmem>>, vector<1x16xf32>,
        %get3A_1868 = vector.shape_cast %get3A_1867 : vector<1x16xf32> to vector<16xf32>
        %mul3A_1869 = arith.mulf %get3A_108, %get3A_1868 : vector<16xf32>
        %get3A_1870 = arith.constant 0 : i32
        %get3A_1871 = arith.constant 0 : i32
        %get3A_1872 = tpu.memref_slice %arg9[%scan3A_22, %get3A_1870, %get3A_1871] : memref<2x352x128xf32, #tpu.memory_space<vmem>> -> memref<1x352x128xf32, #tpu.memory_space<vmem>>
        %get3A_1873 = tpu.memref_squeeze %get3A_1872 : memref<1x352x128xf32, #tpu.memory_space<vmem>> -> memref<352x128xf32, #tpu.memory_space<vmem>>
        %get3A_1874 = arith.index_cast %add3A_1860 : i32 to index
        %get3A_1875 = arith.constant 16 : index
        %get3A_1876 = tpu.vector_load %get3A_1873[%get3A_1874, %get3A_1875] {strides = array<i32>} : memref<352x128xf32, #tpu.memory_space<vmem>>, vector<1x16xf32>,
        %get3A_1877 = vector.shape_cast %get3A_1876 : vector<1x16xf32> to vector<16xf32>
        %mul3A_1878 = arith.mulf %get3A_116, %get3A_1877 : vector<16xf32>
        %add3A_1879 = arith.addf %mul3A_1869, %mul3A_1878 : vector<16xf32>
        %get3A_1880 = arith.constant 0 : i32
        %get3A_1881 = arith.constant 0 : i32
        %get3A_1882 = tpu.memref_slice %arg9[%scan3A_22, %get3A_1880, %get3A_1881] : memref<2x352x128xf32, #tpu.memory_space<vmem>> -> memref<1x352x128xf32, #tpu.memory_space<vmem>>
        %get3A_1883 = tpu.memref_squeeze %get3A_1882 : memref<1x352x128xf32, #tpu.memory_space<vmem>> -> memref<352x128xf32, #tpu.memory_space<vmem>>
        %get3A_1884 = arith.index_cast %add3A_1860 : i32 to index
        %get3A_1885 = arith.constant 32 : index
        %get3A_1886 = tpu.vector_load %get3A_1883[%get3A_1884, %get3A_1885] {strides = array<i32>} : memref<352x128xf32, #tpu.memory_space<vmem>>, vector<1x16xf32>,
        %get3A_1887 = vector.shape_cast %get3A_1886 : vector<1x16xf32> to vector<16xf32>
        %mul3A_1888 = arith.mulf %get3A_124, %get3A_1887 : vector<16xf32>
        %add3A_1889 = arith.addf %add3A_1879, %mul3A_1888 : vector<16xf32>
        %get3A_1890 = arith.constant 0 : i32
        %get3A_1891 = arith.constant 0 : i32
        %get3A_1892 = tpu.memref_slice %arg9[%scan3A_22, %get3A_1890, %get3A_1891] : memref<2x352x128xf32, #tpu.memory_space<vmem>> -> memref<1x352x128xf32, #tpu.memory_space<vmem>>
        %get3A_1893 = tpu.memref_squeeze %get3A_1892 : memref<1x352x128xf32, #tpu.memory_space<vmem>> -> memref<352x128xf32, #tpu.memory_space<vmem>>
        %get3A_1894 = arith.index_cast %add3A_1860 : i32 to index
        %get3A_1895 = arith.constant 48 : index
        %get3A_1896 = tpu.vector_load %get3A_1893[%get3A_1894, %get3A_1895] {strides = array<i32>} : memref<352x128xf32, #tpu.memory_space<vmem>>, vector<1x16xf32>,
        %get3A_1897 = vector.shape_cast %get3A_1896 : vector<1x16xf32> to vector<16xf32>
        %mul3A_1898 = arith.mulf %get3A_132, %get3A_1897 : vector<16xf32>
        %add3A_1899 = arith.addf %add3A_1889, %mul3A_1898 : vector<16xf32>
        %get3A_1900 = arith.constant 0 : i32
        %get3A_1901 = arith.constant 0 : i32
        %get3A_1902 = tpu.memref_slice %arg9[%scan3A_22, %get3A_1900, %get3A_1901] : memref<2x352x128xf32, #tpu.memory_space<vmem>> -> memref<1x352x128xf32, #tpu.memory_space<vmem>>
        %get3A_1903 = tpu.memref_squeeze %get3A_1902 : memref<1x352x128xf32, #tpu.memory_space<vmem>> -> memref<352x128xf32, #tpu.memory_space<vmem>>
        %get3A_1904 = arith.index_cast %add3A_1860 : i32 to index
        %get3A_1905 = arith.constant 64 : index
        %get3A_1906 = tpu.vector_load %get3A_1903[%get3A_1904, %get3A_1905] {strides = array<i32>} : memref<352x128xf32, #tpu.memory_space<vmem>>, vector<1x16xf32>,
        %get3A_1907 = vector.shape_cast %get3A_1906 : vector<1x16xf32> to vector<16xf32>
        %mul3A_1908 = arith.mulf %get3A_140, %get3A_1907 : vector<16xf32>
        %add3A_1909 = arith.addf %add3A_1899, %mul3A_1908 : vector<16xf32>
        %get3A_1910 = arith.constant 0 : i32
        %get3A_1911 = arith.constant 0 : i32
        %get3A_1912 = tpu.memref_slice %arg9[%scan3A_22, %get3A_1910, %get3A_1911] : memref<2x352x128xf32, #tpu.memory_space<vmem>> -> memref<1x352x128xf32, #tpu.memory_space<vmem>>
        %get3A_1913 = tpu.memref_squeeze %get3A_1912 : memref<1x352x128xf32, #tpu.memory_space<vmem>> -> memref<352x128xf32, #tpu.memory_space<vmem>>
        %get3A_1914 = arith.index_cast %add3A_1860 : i32 to index
        %get3A_1915 = arith.constant 80 : index
        %get3A_1916 = tpu.vector_load %get3A_1913[%get3A_1914, %get3A_1915] {strides = array<i32>} : memref<352x128xf32, #tpu.memory_space<vmem>>, vector<1x16xf32>,
        %get3A_1917 = vector.shape_cast %get3A_1916 : vector<1x16xf32> to vector<16xf32>
        %mul3A_1918 = arith.mulf %get3A_148, %get3A_1917 : vector<16xf32>
        %add3A_1919 = arith.addf %add3A_1909, %mul3A_1918 : vector<16xf32>
        %get3A_1920 = arith.constant 0 : i32
        %get3A_1921 = arith.constant 0 : i32
        %get3A_1922 = tpu.memref_slice %arg9[%scan3A_22, %get3A_1920, %get3A_1921] : memref<2x352x128xf32, #tpu.memory_space<vmem>> -> memref<1x352x128xf32, #tpu.memory_space<vmem>>
        %get3A_1923 = tpu.memref_squeeze %get3A_1922 : memref<1x352x128xf32, #tpu.memory_space<vmem>> -> memref<352x128xf32, #tpu.memory_space<vmem>>
        %get3A_1924 = arith.index_cast %add3A_1860 : i32 to index
        %get3A_1925 = arith.constant 96 : index
        %get3A_1926 = tpu.vector_load %get3A_1923[%get3A_1924, %get3A_1925] {strides = array<i32>} : memref<352x128xf32, #tpu.memory_space<vmem>>, vector<1x16xf32>,
        %get3A_1927 = vector.shape_cast %get3A_1926 : vector<1x16xf32> to vector<16xf32>
        %mul3A_1928 = arith.mulf %get3A_156, %get3A_1927 : vector<16xf32>
        %add3A_1929 = arith.addf %add3A_1919, %mul3A_1928 : vector<16xf32>
        %get3A_1930 = arith.constant 0 : i32
        %get3A_1931 = arith.constant 0 : i32
        %get3A_1932 = tpu.memref_slice %arg9[%scan3A_22, %get3A_1930, %get3A_1931] : memref<2x352x128xf32, #tpu.memory_space<vmem>> -> memref<1x352x128xf32, #tpu.memory_space<vmem>>
        %get3A_1933 = tpu.memref_squeeze %get3A_1932 : memref<1x352x128xf32, #tpu.memory_space<vmem>> -> memref<352x128xf32, #tpu.memory_space<vmem>>
        %get3A_1934 = arith.index_cast %add3A_1860 : i32 to index
        %get3A_1935 = arith.constant 112 : index
        %get3A_1936 = tpu.vector_load %get3A_1933[%get3A_1934, %get3A_1935] {strides = array<i32>} : memref<352x128xf32, #tpu.memory_space<vmem>>, vector<1x16xf32>,
        %get3A_1937 = vector.shape_cast %get3A_1936 : vector<1x16xf32> to vector<16xf32>
        %mul3A_1938 = arith.mulf %get3A_164, %get3A_1937 : vector<16xf32>
        %add3A_1939 = arith.addf %add3A_1929, %mul3A_1938 : vector<16xf32>
        %mul3A_1940 = arith.constant 20 : i32
        %mul3A_1941 = arith.muli %scan3A_101, %mul3A_1940 : i32
        %add3A_1942 = arith.constant 32 : i32
        %add3A_1943 = arith.addi %add3A_1942, %mul3A_1941 : i32
        %add3A_1944 = arith.constant 17 : i32
        %add3A_1945 = arith.addi %add3A_1943, %add3A_1944 : i32
        %get3A_1946 = arith.constant 0 : i32
        %get3A_1947 = arith.constant 0 : i32
        %get3A_1948 = tpu.memref_slice %arg9[%scan3A_22, %get3A_1946, %get3A_1947] : memref<2x352x128xf32, #tpu.memory_space<vmem>> -> memref<1x352x128xf32, #tpu.memory_space<vmem>>
        %get3A_1949 = tpu.memref_squeeze %get3A_1948 : memref<1x352x128xf32, #tpu.memory_space<vmem>> -> memref<352x128xf32, #tpu.memory_space<vmem>>
        %get3A_1950 = arith.index_cast %add3A_1945 : i32 to index
        %get3A_1951 = arith.constant 0 : index
        %get3A_1952 = tpu.vector_load %get3A_1949[%get3A_1950, %get3A_1951] {strides = array<i32>} : memref<352x128xf32, #tpu.memory_space<vmem>>, vector<1x16xf32>,
        %get3A_1953 = vector.shape_cast %get3A_1952 : vector<1x16xf32> to vector<16xf32>
        %mul3A_1954 = arith.mulf %get3A_108, %get3A_1953 : vector<16xf32>
        %get3A_1955 = arith.constant 0 : i32
        %get3A_1956 = arith.constant 0 : i32
        %get3A_1957 = tpu.memref_slice %arg9[%scan3A_22, %get3A_1955, %get3A_1956] : memref<2x352x128xf32, #tpu.memory_space<vmem>> -> memref<1x352x128xf32, #tpu.memory_space<vmem>>
        %get3A_1958 = tpu.memref_squeeze %get3A_1957 : memref<1x352x128xf32, #tpu.memory_space<vmem>> -> memref<352x128xf32, #tpu.memory_space<vmem>>
        %get3A_1959 = arith.index_cast %add3A_1945 : i32 to index
        %get3A_1960 = arith.constant 16 : index
        %get3A_1961 = tpu.vector_load %get3A_1958[%get3A_1959, %get3A_1960] {strides = array<i32>} : memref<352x128xf32, #tpu.memory_space<vmem>>, vector<1x16xf32>,
        %get3A_1962 = vector.shape_cast %get3A_1961 : vector<1x16xf32> to vector<16xf32>
        %mul3A_1963 = arith.mulf %get3A_116, %get3A_1962 : vector<16xf32>
        %add3A_1964 = arith.addf %mul3A_1954, %mul3A_1963 : vector<16xf32>
        %get3A_1965 = arith.constant 0 : i32
        %get3A_1966 = arith.constant 0 : i32
        %get3A_1967 = tpu.memref_slice %arg9[%scan3A_22, %get3A_1965, %get3A_1966] : memref<2x352x128xf32, #tpu.memory_space<vmem>> -> memref<1x352x128xf32, #tpu.memory_space<vmem>>
        %get3A_1968 = tpu.memref_squeeze %get3A_1967 : memref<1x352x128xf32, #tpu.memory_space<vmem>> -> memref<352x128xf32, #tpu.memory_space<vmem>>
        %get3A_1969 = arith.index_cast %add3A_1945 : i32 to index
        %get3A_1970 = arith.constant 32 : index
        %get3A_1971 = tpu.vector_load %get3A_1968[%get3A_1969, %get3A_1970] {strides = array<i32>} : memref<352x128xf32, #tpu.memory_space<vmem>>, vector<1x16xf32>,
        %get3A_1972 = vector.shape_cast %get3A_1971 : vector<1x16xf32> to vector<16xf32>
        %mul3A_1973 = arith.mulf %get3A_124, %get3A_1972 : vector<16xf32>
        %add3A_1974 = arith.addf %add3A_1964, %mul3A_1973 : vector<16xf32>
        %get3A_1975 = arith.constant 0 : i32
        %get3A_1976 = arith.constant 0 : i32
        %get3A_1977 = tpu.memref_slice %arg9[%scan3A_22, %get3A_1975, %get3A_1976] : memref<2x352x128xf32, #tpu.memory_space<vmem>> -> memref<1x352x128xf32, #tpu.memory_space<vmem>>
        %get3A_1978 = tpu.memref_squeeze %get3A_1977 : memref<1x352x128xf32, #tpu.memory_space<vmem>> -> memref<352x128xf32, #tpu.memory_space<vmem>>
        %get3A_1979 = arith.index_cast %add3A_1945 : i32 to index
        %get3A_1980 = arith.constant 48 : index
        %get3A_1981 = tpu.vector_load %get3A_1978[%get3A_1979, %get3A_1980] {strides = array<i32>} : memref<352x128xf32, #tpu.memory_space<vmem>>, vector<1x16xf32>,
        %get3A_1982 = vector.shape_cast %get3A_1981 : vector<1x16xf32> to vector<16xf32>
        %mul3A_1983 = arith.mulf %get3A_132, %get3A_1982 : vector<16xf32>
        %add3A_1984 = arith.addf %add3A_1974, %mul3A_1983 : vector<16xf32>
        %get3A_1985 = arith.constant 0 : i32
        %get3A_1986 = arith.constant 0 : i32
        %get3A_1987 = tpu.memref_slice %arg9[%scan3A_22, %get3A_1985, %get3A_1986] : memref<2x352x128xf32, #tpu.memory_space<vmem>> -> memref<1x352x128xf32, #tpu.memory_space<vmem>>
        %get3A_1988 = tpu.memref_squeeze %get3A_1987 : memref<1x352x128xf32, #tpu.memory_space<vmem>> -> memref<352x128xf32, #tpu.memory_space<vmem>>
        %get3A_1989 = arith.index_cast %add3A_1945 : i32 to index
        %get3A_1990 = arith.constant 64 : index
        %get3A_1991 = tpu.vector_load %get3A_1988[%get3A_1989, %get3A_1990] {strides = array<i32>} : memref<352x128xf32, #tpu.memory_space<vmem>>, vector<1x16xf32>,
        %get3A_1992 = vector.shape_cast %get3A_1991 : vector<1x16xf32> to vector<16xf32>
        %mul3A_1993 = arith.mulf %get3A_140, %get3A_1992 : vector<16xf32>
        %add3A_1994 = arith.addf %add3A_1984, %mul3A_1993 : vector<16xf32>
        %get3A_1995 = arith.constant 0 : i32
        %get3A_1996 = arith.constant 0 : i32
        %get3A_1997 = tpu.memref_slice %arg9[%scan3A_22, %get3A_1995, %get3A_1996] : memref<2x352x128xf32, #tpu.memory_space<vmem>> -> memref<1x352x128xf32, #tpu.memory_space<vmem>>
        %get3A_1998 = tpu.memref_squeeze %get3A_1997 : memref<1x352x128xf32, #tpu.memory_space<vmem>> -> memref<352x128xf32, #tpu.memory_space<vmem>>
        %get3A_1999 = arith.index_cast %add3A_1945 : i32 to index
        %get3A_2000 = arith.constant 80 : index
        %get3A_2001 = tpu.vector_load %get3A_1998[%get3A_1999, %get3A_2000] {strides = array<i32>} : memref<352x128xf32, #tpu.memory_space<vmem>>, vector<1x16xf32>,
        %get3A_2002 = vector.shape_cast %get3A_2001 : vector<1x16xf32> to vector<16xf32>
        %mul3A_2003 = arith.mulf %get3A_148, %get3A_2002 : vector<16xf32>
        %add3A_2004 = arith.addf %add3A_1994, %mul3A_2003 : vector<16xf32>
        %get3A_2005 = arith.constant 0 : i32
        %get3A_2006 = arith.constant 0 : i32
        %get3A_2007 = tpu.memref_slice %arg9[%scan3A_22, %get3A_2005, %get3A_2006] : memref<2x352x128xf32, #tpu.memory_space<vmem>> -> memref<1x352x128xf32, #tpu.memory_space<vmem>>
        %get3A_2008 = tpu.memref_squeeze %get3A_2007 : memref<1x352x128xf32, #tpu.memory_space<vmem>> -> memref<352x128xf32, #tpu.memory_space<vmem>>
        %get3A_2009 = arith.index_cast %add3A_1945 : i32 to index
        %get3A_2010 = arith.constant 96 : index
        %get3A_2011 = tpu.vector_load %get3A_2008[%get3A_2009, %get3A_2010] {strides = array<i32>} : memref<352x128xf32, #tpu.memory_space<vmem>>, vector<1x16xf32>,
        %get3A_2012 = vector.shape_cast %get3A_2011 : vector<1x16xf32> to vector<16xf32>
        %mul3A_2013 = arith.mulf %get3A_156, %get3A_2012 : vector<16xf32>
        %add3A_2014 = arith.addf %add3A_2004, %mul3A_2013 : vector<16xf32>
        %get3A_2015 = arith.constant 0 : i32
        %get3A_2016 = arith.constant 0 : i32
        %get3A_2017 = tpu.memref_slice %arg9[%scan3A_22, %get3A_2015, %get3A_2016] : memref<2x352x128xf32, #tpu.memory_space<vmem>> -> memref<1x352x128xf32, #tpu.memory_space<vmem>>
        %get3A_2018 = tpu.memref_squeeze %get3A_2017 : memref<1x352x128xf32, #tpu.memory_space<vmem>> -> memref<352x128xf32, #tpu.memory_space<vmem>>
        %get3A_2019 = arith.index_cast %add3A_1945 : i32 to index
        %get3A_2020 = arith.constant 112 : index
        %get3A_2021 = tpu.vector_load %get3A_2018[%get3A_2019, %get3A_2020] {strides = array<i32>} : memref<352x128xf32, #tpu.memory_space<vmem>>, vector<1x16xf32>,
        %get3A_2022 = vector.shape_cast %get3A_2021 : vector<1x16xf32> to vector<16xf32>
        %mul3A_2023 = arith.mulf %get3A_164, %get3A_2022 : vector<16xf32>
        %add3A_2024 = arith.addf %add3A_2014, %mul3A_2023 : vector<16xf32>
        %mul3A_2025 = arith.constant 20 : i32
        %mul3A_2026 = arith.muli %scan3A_101, %mul3A_2025 : i32
        %add3A_2027 = arith.constant 32 : i32
        %add3A_2028 = arith.addi %add3A_2027, %mul3A_2026 : i32
        %add3A_2029 = arith.constant 18 : i32
        %add3A_2030 = arith.addi %add3A_2028, %add3A_2029 : i32
        %get3A_2031 = arith.constant 0 : i32
        %get3A_2032 = arith.constant 0 : i32
        %get3A_2033 = tpu.memref_slice %arg9[%scan3A_22, %get3A_2031, %get3A_2032] : memref<2x352x128xf32, #tpu.memory_space<vmem>> -> memref<1x352x128xf32, #tpu.memory_space<vmem>>
        %get3A_2034 = tpu.memref_squeeze %get3A_2033 : memref<1x352x128xf32, #tpu.memory_space<vmem>> -> memref<352x128xf32, #tpu.memory_space<vmem>>
        %get3A_2035 = arith.index_cast %add3A_2030 : i32 to index
        %get3A_2036 = arith.constant 0 : index
        %get3A_2037 = tpu.vector_load %get3A_2034[%get3A_2035, %get3A_2036] {strides = array<i32>} : memref<352x128xf32, #tpu.memory_space<vmem>>, vector<1x16xf32>,
        %get3A_2038 = vector.shape_cast %get3A_2037 : vector<1x16xf32> to vector<16xf32>
        %mul3A_2039 = arith.mulf %get3A_108, %get3A_2038 : vector<16xf32>
        %get3A_2040 = arith.constant 0 : i32
        %get3A_2041 = arith.constant 0 : i32
        %get3A_2042 = tpu.memref_slice %arg9[%scan3A_22, %get3A_2040, %get3A_2041] : memref<2x352x128xf32, #tpu.memory_space<vmem>> -> memref<1x352x128xf32, #tpu.memory_space<vmem>>
        %get3A_2043 = tpu.memref_squeeze %get3A_2042 : memref<1x352x128xf32, #tpu.memory_space<vmem>> -> memref<352x128xf32, #tpu.memory_space<vmem>>
        %get3A_2044 = arith.index_cast %add3A_2030 : i32 to index
        %get3A_2045 = arith.constant 16 : index
        %get3A_2046 = tpu.vector_load %get3A_2043[%get3A_2044, %get3A_2045] {strides = array<i32>} : memref<352x128xf32, #tpu.memory_space<vmem>>, vector<1x16xf32>,
        %get3A_2047 = vector.shape_cast %get3A_2046 : vector<1x16xf32> to vector<16xf32>
        %mul3A_2048 = arith.mulf %get3A_116, %get3A_2047 : vector<16xf32>
        %add3A_2049 = arith.addf %mul3A_2039, %mul3A_2048 : vector<16xf32>
        %get3A_2050 = arith.constant 0 : i32
        %get3A_2051 = arith.constant 0 : i32
        %get3A_2052 = tpu.memref_slice %arg9[%scan3A_22, %get3A_2050, %get3A_2051] : memref<2x352x128xf32, #tpu.memory_space<vmem>> -> memref<1x352x128xf32, #tpu.memory_space<vmem>>
        %get3A_2053 = tpu.memref_squeeze %get3A_2052 : memref<1x352x128xf32, #tpu.memory_space<vmem>> -> memref<352x128xf32, #tpu.memory_space<vmem>>
        %get3A_2054 = arith.index_cast %add3A_2030 : i32 to index
        %get3A_2055 = arith.constant 32 : index
        %get3A_2056 = tpu.vector_load %get3A_2053[%get3A_2054, %get3A_2055] {strides = array<i32>} : memref<352x128xf32, #tpu.memory_space<vmem>>, vector<1x16xf32>,
        %get3A_2057 = vector.shape_cast %get3A_2056 : vector<1x16xf32> to vector<16xf32>
        %mul3A_2058 = arith.mulf %get3A_124, %get3A_2057 : vector<16xf32>
        %add3A_2059 = arith.addf %add3A_2049, %mul3A_2058 : vector<16xf32>
        %get3A_2060 = arith.constant 0 : i32
        %get3A_2061 = arith.constant 0 : i32
        %get3A_2062 = tpu.memref_slice %arg9[%scan3A_22, %get3A_2060, %get3A_2061] : memref<2x352x128xf32, #tpu.memory_space<vmem>> -> memref<1x352x128xf32, #tpu.memory_space<vmem>>
        %get3A_2063 = tpu.memref_squeeze %get3A_2062 : memref<1x352x128xf32, #tpu.memory_space<vmem>> -> memref<352x128xf32, #tpu.memory_space<vmem>>
        %get3A_2064 = arith.index_cast %add3A_2030 : i32 to index
        %get3A_2065 = arith.constant 48 : index
        %get3A_2066 = tpu.vector_load %get3A_2063[%get3A_2064, %get3A_2065] {strides = array<i32>} : memref<352x128xf32, #tpu.memory_space<vmem>>, vector<1x16xf32>,
        %get3A_2067 = vector.shape_cast %get3A_2066 : vector<1x16xf32> to vector<16xf32>
        %mul3A_2068 = arith.mulf %get3A_132, %get3A_2067 : vector<16xf32>
        %add3A_2069 = arith.addf %add3A_2059, %mul3A_2068 : vector<16xf32>
        %get3A_2070 = arith.constant 0 : i32
        %get3A_2071 = arith.constant 0 : i32
        %get3A_2072 = tpu.memref_slice %arg9[%scan3A_22, %get3A_2070, %get3A_2071] : memref<2x352x128xf32, #tpu.memory_space<vmem>> -> memref<1x352x128xf32, #tpu.memory_space<vmem>>
        %get3A_2073 = tpu.memref_squeeze %get3A_2072 : memref<1x352x128xf32, #tpu.memory_space<vmem>> -> memref<352x128xf32, #tpu.memory_space<vmem>>
        %get3A_2074 = arith.index_cast %add3A_2030 : i32 to index
        %get3A_2075 = arith.constant 64 : index
        %get3A_2076 = tpu.vector_load %get3A_2073[%get3A_2074, %get3A_2075] {strides = array<i32>} : memref<352x128xf32, #tpu.memory_space<vmem>>, vector<1x16xf32>,
        %get3A_2077 = vector.shape_cast %get3A_2076 : vector<1x16xf32> to vector<16xf32>
        %mul3A_2078 = arith.mulf %get3A_140, %get3A_2077 : vector<16xf32>
        %add3A_2079 = arith.addf %add3A_2069, %mul3A_2078 : vector<16xf32>
        %get3A_2080 = arith.constant 0 : i32
        %get3A_2081 = arith.constant 0 : i32
        %get3A_2082 = tpu.memref_slice %arg9[%scan3A_22, %get3A_2080, %get3A_2081] : memref<2x352x128xf32, #tpu.memory_space<vmem>> -> memref<1x352x128xf32, #tpu.memory_space<vmem>>
        %get3A_2083 = tpu.memref_squeeze %get3A_2082 : memref<1x352x128xf32, #tpu.memory_space<vmem>> -> memref<352x128xf32, #tpu.memory_space<vmem>>
        %get3A_2084 = arith.index_cast %add3A_2030 : i32 to index
        %get3A_2085 = arith.constant 80 : index
        %get3A_2086 = tpu.vector_load %get3A_2083[%get3A_2084, %get3A_2085] {strides = array<i32>} : memref<352x128xf32, #tpu.memory_space<vmem>>, vector<1x16xf32>,
        %get3A_2087 = vector.shape_cast %get3A_2086 : vector<1x16xf32> to vector<16xf32>
        %mul3A_2088 = arith.mulf %get3A_148, %get3A_2087 : vector<16xf32>
        %add3A_2089 = arith.addf %add3A_2079, %mul3A_2088 : vector<16xf32>
        %get3A_2090 = arith.constant 0 : i32
        %get3A_2091 = arith.constant 0 : i32
        %get3A_2092 = tpu.memref_slice %arg9[%scan3A_22, %get3A_2090, %get3A_2091] : memref<2x352x128xf32, #tpu.memory_space<vmem>> -> memref<1x352x128xf32, #tpu.memory_space<vmem>>
        %get3A_2093 = tpu.memref_squeeze %get3A_2092 : memref<1x352x128xf32, #tpu.memory_space<vmem>> -> memref<352x128xf32, #tpu.memory_space<vmem>>
        %get3A_2094 = arith.index_cast %add3A_2030 : i32 to index
        %get3A_2095 = arith.constant 96 : index
        %get3A_2096 = tpu.vector_load %get3A_2093[%get3A_2094, %get3A_2095] {strides = array<i32>} : memref<352x128xf32, #tpu.memory_space<vmem>>, vector<1x16xf32>,
        %get3A_2097 = vector.shape_cast %get3A_2096 : vector<1x16xf32> to vector<16xf32>
        %mul3A_2098 = arith.mulf %get3A_156, %get3A_2097 : vector<16xf32>
        %add3A_2099 = arith.addf %add3A_2089, %mul3A_2098 : vector<16xf32>
        %get3A_2100 = arith.constant 0 : i32
        %get3A_2101 = arith.constant 0 : i32
        %get3A_2102 = tpu.memref_slice %arg9[%scan3A_22, %get3A_2100, %get3A_2101] : memref<2x352x128xf32, #tpu.memory_space<vmem>> -> memref<1x352x128xf32, #tpu.memory_space<vmem>>
        %get3A_2103 = tpu.memref_squeeze %get3A_2102 : memref<1x352x128xf32, #tpu.memory_space<vmem>> -> memref<352x128xf32, #tpu.memory_space<vmem>>
        %get3A_2104 = arith.index_cast %add3A_2030 : i32 to index
        %get3A_2105 = arith.constant 112 : index
        %get3A_2106 = tpu.vector_load %get3A_2103[%get3A_2104, %get3A_2105] {strides = array<i32>} : memref<352x128xf32, #tpu.memory_space<vmem>>, vector<1x16xf32>,
        %get3A_2107 = vector.shape_cast %get3A_2106 : vector<1x16xf32> to vector<16xf32>
        %mul3A_2108 = arith.mulf %get3A_164, %get3A_2107 : vector<16xf32>
        %add3A_2109 = arith.addf %add3A_2099, %mul3A_2108 : vector<16xf32>
        %mul3A_2110 = arith.constant 20 : i32
        %mul3A_2111 = arith.muli %scan3A_101, %mul3A_2110 : i32
        %add3A_2112 = arith.constant 32 : i32
        %add3A_2113 = arith.addi %add3A_2112, %mul3A_2111 : i32
        %add3A_2114 = arith.constant 19 : i32
        %add3A_2115 = arith.addi %add3A_2113, %add3A_2114 : i32
        %get3A_2116 = arith.constant 0 : i32
        %get3A_2117 = arith.constant 0 : i32
        %get3A_2118 = tpu.memref_slice %arg9[%scan3A_22, %get3A_2116, %get3A_2117] : memref<2x352x128xf32, #tpu.memory_space<vmem>> -> memref<1x352x128xf32, #tpu.memory_space<vmem>>
        %get3A_2119 = tpu.memref_squeeze %get3A_2118 : memref<1x352x128xf32, #tpu.memory_space<vmem>> -> memref<352x128xf32, #tpu.memory_space<vmem>>
        %get3A_2120 = arith.index_cast %add3A_2115 : i32 to index
        %get3A_2121 = arith.constant 0 : index
        %get3A_2122 = tpu.vector_load %get3A_2119[%get3A_2120, %get3A_2121] {strides = array<i32>} : memref<352x128xf32, #tpu.memory_space<vmem>>, vector<1x16xf32>,
        %get3A_2123 = vector.shape_cast %get3A_2122 : vector<1x16xf32> to vector<16xf32>
        %mul3A_2124 = arith.mulf %get3A_108, %get3A_2123 : vector<16xf32>
        %get3A_2125 = arith.constant 0 : i32
        %get3A_2126 = arith.constant 0 : i32
        %get3A_2127 = tpu.memref_slice %arg9[%scan3A_22, %get3A_2125, %get3A_2126] : memref<2x352x128xf32, #tpu.memory_space<vmem>> -> memref<1x352x128xf32, #tpu.memory_space<vmem>>
        %get3A_2128 = tpu.memref_squeeze %get3A_2127 : memref<1x352x128xf32, #tpu.memory_space<vmem>> -> memref<352x128xf32, #tpu.memory_space<vmem>>
        %get3A_2129 = arith.index_cast %add3A_2115 : i32 to index
        %get3A_2130 = arith.constant 16 : index
        %get3A_2131 = tpu.vector_load %get3A_2128[%get3A_2129, %get3A_2130] {strides = array<i32>} : memref<352x128xf32, #tpu.memory_space<vmem>>, vector<1x16xf32>,
        %get3A_2132 = vector.shape_cast %get3A_2131 : vector<1x16xf32> to vector<16xf32>
        %mul3A_2133 = arith.mulf %get3A_116, %get3A_2132 : vector<16xf32>
        %add3A_2134 = arith.addf %mul3A_2124, %mul3A_2133 : vector<16xf32>
        %get3A_2135 = arith.constant 0 : i32
        %get3A_2136 = arith.constant 0 : i32
        %get3A_2137 = tpu.memref_slice %arg9[%scan3A_22, %get3A_2135, %get3A_2136] : memref<2x352x128xf32, #tpu.memory_space<vmem>> -> memref<1x352x128xf32, #tpu.memory_space<vmem>>
        %get3A_2138 = tpu.memref_squeeze %get3A_2137 : memref<1x352x128xf32, #tpu.memory_space<vmem>> -> memref<352x128xf32, #tpu.memory_space<vmem>>
        %get3A_2139 = arith.index_cast %add3A_2115 : i32 to index
        %get3A_2140 = arith.constant 32 : index
        %get3A_2141 = tpu.vector_load %get3A_2138[%get3A_2139, %get3A_2140] {strides = array<i32>} : memref<352x128xf32, #tpu.memory_space<vmem>>, vector<1x16xf32>,
        %get3A_2142 = vector.shape_cast %get3A_2141 : vector<1x16xf32> to vector<16xf32>
        %mul3A_2143 = arith.mulf %get3A_124, %get3A_2142 : vector<16xf32>
        %add3A_2144 = arith.addf %add3A_2134, %mul3A_2143 : vector<16xf32>
        %get3A_2145 = arith.constant 0 : i32
        %get3A_2146 = arith.constant 0 : i32
        %get3A_2147 = tpu.memref_slice %arg9[%scan3A_22, %get3A_2145, %get3A_2146] : memref<2x352x128xf32, #tpu.memory_space<vmem>> -> memref<1x352x128xf32, #tpu.memory_space<vmem>>
        %get3A_2148 = tpu.memref_squeeze %get3A_2147 : memref<1x352x128xf32, #tpu.memory_space<vmem>> -> memref<352x128xf32, #tpu.memory_space<vmem>>
        %get3A_2149 = arith.index_cast %add3A_2115 : i32 to index
        %get3A_2150 = arith.constant 48 : index
        %get3A_2151 = tpu.vector_load %get3A_2148[%get3A_2149, %get3A_2150] {strides = array<i32>} : memref<352x128xf32, #tpu.memory_space<vmem>>, vector<1x16xf32>,
        %get3A_2152 = vector.shape_cast %get3A_2151 : vector<1x16xf32> to vector<16xf32>
        %mul3A_2153 = arith.mulf %get3A_132, %get3A_2152 : vector<16xf32>
        %add3A_2154 = arith.addf %add3A_2144, %mul3A_2153 : vector<16xf32>
        %get3A_2155 = arith.constant 0 : i32
        %get3A_2156 = arith.constant 0 : i32
        %get3A_2157 = tpu.memref_slice %arg9[%scan3A_22, %get3A_2155, %get3A_2156] : memref<2x352x128xf32, #tpu.memory_space<vmem>> -> memref<1x352x128xf32, #tpu.memory_space<vmem>>
        %get3A_2158 = tpu.memref_squeeze %get3A_2157 : memref<1x352x128xf32, #tpu.memory_space<vmem>> -> memref<352x128xf32, #tpu.memory_space<vmem>>
        %get3A_2159 = arith.index_cast %add3A_2115 : i32 to index
        %get3A_2160 = arith.constant 64 : index
        %get3A_2161 = tpu.vector_load %get3A_2158[%get3A_2159, %get3A_2160] {strides = array<i32>} : memref<352x128xf32, #tpu.memory_space<vmem>>, vector<1x16xf32>,
        %get3A_2162 = vector.shape_cast %get3A_2161 : vector<1x16xf32> to vector<16xf32>
        %mul3A_2163 = arith.mulf %get3A_140, %get3A_2162 : vector<16xf32>
        %add3A_2164 = arith.addf %add3A_2154, %mul3A_2163 : vector<16xf32>
        %get3A_2165 = arith.constant 0 : i32
        %get3A_2166 = arith.constant 0 : i32
        %get3A_2167 = tpu.memref_slice %arg9[%scan3A_22, %get3A_2165, %get3A_2166] : memref<2x352x128xf32, #tpu.memory_space<vmem>> -> memref<1x352x128xf32, #tpu.memory_space<vmem>>
        %get3A_2168 = tpu.memref_squeeze %get3A_2167 : memref<1x352x128xf32, #tpu.memory_space<vmem>> -> memref<352x128xf32, #tpu.memory_space<vmem>>
        %get3A_2169 = arith.index_cast %add3A_2115 : i32 to index
        %get3A_2170 = arith.constant 80 : index
        %get3A_2171 = tpu.vector_load %get3A_2168[%get3A_2169, %get3A_2170] {strides = array<i32>} : memref<352x128xf32, #tpu.memory_space<vmem>>, vector<1x16xf32>,
        %get3A_2172 = vector.shape_cast %get3A_2171 : vector<1x16xf32> to vector<16xf32>
        %mul3A_2173 = arith.mulf %get3A_148, %get3A_2172 : vector<16xf32>
        %add3A_2174 = arith.addf %add3A_2164, %mul3A_2173 : vector<16xf32>
        %get3A_2175 = arith.constant 0 : i32
        %get3A_2176 = arith.constant 0 : i32
        %get3A_2177 = tpu.memref_slice %arg9[%scan3A_22, %get3A_2175, %get3A_2176] : memref<2x352x128xf32, #tpu.memory_space<vmem>> -> memref<1x352x128xf32, #tpu.memory_space<vmem>>
        %get3A_2178 = tpu.memref_squeeze %get3A_2177 : memref<1x352x128xf32, #tpu.memory_space<vmem>> -> memref<352x128xf32, #tpu.memory_space<vmem>>
        %get3A_2179 = arith.index_cast %add3A_2115 : i32 to index
        %get3A_2180 = arith.constant 96 : index
        %get3A_2181 = tpu.vector_load %get3A_2178[%get3A_2179, %get3A_2180] {strides = array<i32>} : memref<352x128xf32, #tpu.memory_space<vmem>>, vector<1x16xf32>,
        %get3A_2182 = vector.shape_cast %get3A_2181 : vector<1x16xf32> to vector<16xf32>
        %mul3A_2183 = arith.mulf %get3A_156, %get3A_2182 : vector<16xf32>
        %add3A_2184 = arith.addf %add3A_2174, %mul3A_2183 : vector<16xf32>
        %get3A_2185 = arith.constant 0 : i32
        %get3A_2186 = arith.constant 0 : i32
        %get3A_2187 = tpu.memref_slice %arg9[%scan3A_22, %get3A_2185, %get3A_2186] : memref<2x352x128xf32, #tpu.memory_space<vmem>> -> memref<1x352x128xf32, #tpu.memory_space<vmem>>
        %get3A_2188 = tpu.memref_squeeze %get3A_2187 : memref<1x352x128xf32, #tpu.memory_space<vmem>> -> memref<352x128xf32, #tpu.memory_space<vmem>>
        %get3A_2189 = arith.index_cast %add3A_2115 : i32 to index
        %get3A_2190 = arith.constant 112 : index
        %get3A_2191 = tpu.vector_load %get3A_2188[%get3A_2189, %get3A_2190] {strides = array<i32>} : memref<352x128xf32, #tpu.memory_space<vmem>>, vector<1x16xf32>,
        %get3A_2192 = vector.shape_cast %get3A_2191 : vector<1x16xf32> to vector<16xf32>
        %mul3A_2193 = arith.mulf %get3A_164, %get3A_2192 : vector<16xf32>
        %add3A_2194 = arith.addf %add3A_2184, %mul3A_2193 : vector<16xf32>
        %xor3A_2195 = arith.constant 8 : i32
        %xor3A_2196 = vector.broadcast %xor3A_2195 : i32 to vector<16xi32>
        %xor3A_2197 = arith.xori %iota3A, %xor3A_2196 : vector<16xi32>
        %broadcast_in_dim3A_2198 = vector.shape_cast %xor3A_2197 : vector<16xi32> to vector<16x1xi32>
        %gather3A_2199 = vector.shape_cast %broadcast_in_dim3A_2198 : vector<16x1xi32> to vector<16xi32>
        %gather3A_2200 = tpu.dynamic_gather %add3A_1854[%gather3A_2199] in [0] : vector<16xf32>, vector<16xi32> -> vector<16xf32>
        %add3A_2201 = arith.addf %add3A_1854, %gather3A_2200 : vector<16xf32>
        %xor3A_2202 = arith.constant 8 : i32
        %xor3A_2203 = vector.broadcast %xor3A_2202 : i32 to vector<16xi32>
        %xor3A_2204 = arith.xori %iota3A, %xor3A_2203 : vector<16xi32>
        %broadcast_in_dim3A_2205 = vector.shape_cast %xor3A_2204 : vector<16xi32> to vector<16x1xi32>
        %gather3A_2206 = vector.shape_cast %broadcast_in_dim3A_2205 : vector<16x1xi32> to vector<16xi32>
        %gather3A_2207 = tpu.dynamic_gather %add3A_2194[%gather3A_2206] in [0] : vector<16xf32>, vector<16xi32> -> vector<16xf32>
        %add3A_2208 = arith.addf %add3A_2194, %gather3A_2207 : vector<16xf32>
        %xor3A_2209 = arith.constant 8 : i32
        %xor3A_2210 = vector.broadcast %xor3A_2209 : i32 to vector<16xi32>
        %xor3A_2211 = arith.xori %iota3A, %xor3A_2210 : vector<16xi32>
        %broadcast_in_dim3A_2212 = vector.shape_cast %xor3A_2211 : vector<16xi32> to vector<16x1xi32>
        %gather3A_2213 = vector.shape_cast %broadcast_in_dim3A_2212 : vector<16x1xi32> to vector<16xi32>
        %gather3A_2214 = tpu.dynamic_gather %add3A_2024[%gather3A_2213] in [0] : vector<16xf32>, vector<16xi32> -> vector<16xf32>
        %add3A_2215 = arith.addf %add3A_2024, %gather3A_2214 : vector<16xf32>
        %xor3A_2216 = arith.constant 8 : i32
        %xor3A_2217 = vector.broadcast %xor3A_2216 : i32 to vector<16xi32>
        %xor3A_2218 = arith.xori %iota3A, %xor3A_2217 : vector<16xi32>
        %broadcast_in_dim3A_2219 = vector.shape_cast %xor3A_2218 : vector<16xi32> to vector<16x1xi32>
        %gather3A_2220 = vector.shape_cast %broadcast_in_dim3A_2219 : vector<16x1xi32> to vector<16xi32>
        %gather3A_2221 = tpu.dynamic_gather %broadcast_in_dim3A_3[%gather3A_2220] in [0] : vector<16xf32>, vector<16xi32> -> vector<16xf32>
        %add3A_2222 = arith.addf %broadcast_in_dim3A_3, %gather3A_2221 : vector<16xf32>
        %xor3A_2223 = arith.constant 8 : i32
        %xor3A_2224 = vector.broadcast %xor3A_2223 : i32 to vector<16xi32>
        %xor3A_2225 = arith.xori %iota3A, %xor3A_2224 : vector<16xi32>
        %broadcast_in_dim3A_2226 = vector.shape_cast %xor3A_2225 : vector<16xi32> to vector<16x1xi32>
        %gather3A_2227 = vector.shape_cast %broadcast_in_dim3A_2226 : vector<16x1xi32> to vector<16xi32>
        %gather3A_2228 = tpu.dynamic_gather %add3A_1939[%gather3A_2227] in [0] : vector<16xf32>, vector<16xi32> -> vector<16xf32>
        %add3A_2229 = arith.addf %add3A_1939, %gather3A_2228 : vector<16xf32>
        %xor3A_2230 = arith.constant 8 : i32
        %xor3A_2231 = vector.broadcast %xor3A_2230 : i32 to vector<16xi32>
        %xor3A_2232 = arith.xori %iota3A, %xor3A_2231 : vector<16xi32>
        %broadcast_in_dim3A_2233 = vector.shape_cast %xor3A_2232 : vector<16xi32> to vector<16x1xi32>
        %gather3A_2234 = vector.shape_cast %broadcast_in_dim3A_2233 : vector<16x1xi32> to vector<16xi32>
        %gather3A_2235 = tpu.dynamic_gather %broadcast_in_dim3A_3[%gather3A_2234] in [0] : vector<16xf32>, vector<16xi32> -> vector<16xf32>
        %add3A_2236 = arith.addf %broadcast_in_dim3A_3, %gather3A_2235 : vector<16xf32>
        %xor3A_2237 = arith.constant 8 : i32
        %xor3A_2238 = vector.broadcast %xor3A_2237 : i32 to vector<16xi32>
        %xor3A_2239 = arith.xori %iota3A, %xor3A_2238 : vector<16xi32>
        %broadcast_in_dim3A_2240 = vector.shape_cast %xor3A_2239 : vector<16xi32> to vector<16x1xi32>
        %gather3A_2241 = vector.shape_cast %broadcast_in_dim3A_2240 : vector<16x1xi32> to vector<16xi32>
        %gather3A_2242 = tpu.dynamic_gather %add3A_2109[%gather3A_2241] in [0] : vector<16xf32>, vector<16xi32> -> vector<16xf32>
        %add3A_2243 = arith.addf %add3A_2109, %gather3A_2242 : vector<16xf32>
        %xor3A_2244 = arith.constant 8 : i32
        %xor3A_2245 = vector.broadcast %xor3A_2244 : i32 to vector<16xi32>
        %xor3A_2246 = arith.xori %iota3A, %xor3A_2245 : vector<16xi32>
        %broadcast_in_dim3A_2247 = vector.shape_cast %xor3A_2246 : vector<16xi32> to vector<16x1xi32>
        %gather3A_2248 = vector.shape_cast %broadcast_in_dim3A_2247 : vector<16x1xi32> to vector<16xi32>
        %gather3A_2249 = tpu.dynamic_gather %broadcast_in_dim3A_3[%gather3A_2248] in [0] : vector<16xf32>, vector<16xi32> -> vector<16xf32>
        %add3A_2250 = arith.addf %broadcast_in_dim3A_3, %gather3A_2249 : vector<16xf32>
        %and3A_2251 = arith.constant 4 : i32
        %and3A_2252 = vector.broadcast %and3A_2251 : i32 to vector<16xi32>
        %and3A_2253 = arith.andi %iota3A, %and3A_2252 : vector<16xi32>
        %eq3A_2254 = arith.constant 0 : i32
        %eq3A_2255 = vector.broadcast %eq3A_2254 : i32 to vector<16xi32>
        %eq3A_2256 = arith.cmpi eq, %and3A_2253, %eq3A_2255 : vector<16xi32>
        %xor3A_2257 = arith.constant 4 : i32
        %xor3A_2258 = vector.broadcast %xor3A_2257 : i32 to vector<16xi32>
        %xor3A_2259 = arith.xori %iota3A, %xor3A_2258 : vector<16xi32>
        %broadcast_in_dim3A_2260 = vector.shape_cast %xor3A_2259 : vector<16xi32> to vector<16x1xi32>
        %gather3A_2261 = vector.shape_cast %broadcast_in_dim3A_2260 : vector<16x1xi32> to vector<16xi32>
        %gather3A_2262 = tpu.dynamic_gather %add3A_2201[%gather3A_2261] in [0] : vector<16xf32>, vector<16xi32> -> vector<16xf32>
        %add3A_2263 = arith.addf %add3A_2201, %gather3A_2262 : vector<16xf32>
        %xor3A_2264 = arith.constant 4 : i32
        %xor3A_2265 = vector.broadcast %xor3A_2264 : i32 to vector<16xi32>
        %xor3A_2266 = arith.xori %iota3A, %xor3A_2265 : vector<16xi32>
        %broadcast_in_dim3A_2267 = vector.shape_cast %xor3A_2266 : vector<16xi32> to vector<16x1xi32>
        %gather3A_2268 = vector.shape_cast %broadcast_in_dim3A_2267 : vector<16x1xi32> to vector<16xi32>
        %gather3A_2269 = tpu.dynamic_gather %add3A_2208[%gather3A_2268] in [0] : vector<16xf32>, vector<16xi32> -> vector<16xf32>
        %add3A_2270 = arith.addf %add3A_2208, %gather3A_2269 : vector<16xf32>
        %select_n3A_2271 = arith.select %eq3A_2256, %add3A_2263, %add3A_2270 : vector<16xi1>, vector<16xf32>
        %xor3A_2272 = arith.constant 4 : i32
        %xor3A_2273 = vector.broadcast %xor3A_2272 : i32 to vector<16xi32>
        %xor3A_2274 = arith.xori %iota3A, %xor3A_2273 : vector<16xi32>
        %broadcast_in_dim3A_2275 = vector.shape_cast %xor3A_2274 : vector<16xi32> to vector<16x1xi32>
        %gather3A_2276 = vector.shape_cast %broadcast_in_dim3A_2275 : vector<16x1xi32> to vector<16xi32>
        %gather3A_2277 = tpu.dynamic_gather %add3A_2215[%gather3A_2276] in [0] : vector<16xf32>, vector<16xi32> -> vector<16xf32>
        %add3A_2278 = arith.addf %add3A_2215, %gather3A_2277 : vector<16xf32>
        %xor3A_2279 = arith.constant 4 : i32
        %xor3A_2280 = vector.broadcast %xor3A_2279 : i32 to vector<16xi32>
        %xor3A_2281 = arith.xori %iota3A, %xor3A_2280 : vector<16xi32>
        %broadcast_in_dim3A_2282 = vector.shape_cast %xor3A_2281 : vector<16xi32> to vector<16x1xi32>
        %gather3A_2283 = vector.shape_cast %broadcast_in_dim3A_2282 : vector<16x1xi32> to vector<16xi32>
        %gather3A_2284 = tpu.dynamic_gather %add3A_2222[%gather3A_2283] in [0] : vector<16xf32>, vector<16xi32> -> vector<16xf32>
        %add3A_2285 = arith.addf %add3A_2222, %gather3A_2284 : vector<16xf32>
        %select_n3A_2286 = arith.select %eq3A_2256, %add3A_2278, %add3A_2285 : vector<16xi1>, vector<16xf32>
        %xor3A_2287 = arith.constant 4 : i32
        %xor3A_2288 = vector.broadcast %xor3A_2287 : i32 to vector<16xi32>
        %xor3A_2289 = arith.xori %iota3A, %xor3A_2288 : vector<16xi32>
        %broadcast_in_dim3A_2290 = vector.shape_cast %xor3A_2289 : vector<16xi32> to vector<16x1xi32>
        %gather3A_2291 = vector.shape_cast %broadcast_in_dim3A_2290 : vector<16x1xi32> to vector<16xi32>
        %gather3A_2292 = tpu.dynamic_gather %add3A_2229[%gather3A_2291] in [0] : vector<16xf32>, vector<16xi32> -> vector<16xf32>
        %add3A_2293 = arith.addf %add3A_2229, %gather3A_2292 : vector<16xf32>
        %xor3A_2294 = arith.constant 4 : i32
        %xor3A_2295 = vector.broadcast %xor3A_2294 : i32 to vector<16xi32>
        %xor3A_2296 = arith.xori %iota3A, %xor3A_2295 : vector<16xi32>
        %broadcast_in_dim3A_2297 = vector.shape_cast %xor3A_2296 : vector<16xi32> to vector<16x1xi32>
        %gather3A_2298 = vector.shape_cast %broadcast_in_dim3A_2297 : vector<16x1xi32> to vector<16xi32>
        %gather3A_2299 = tpu.dynamic_gather %add3A_2236[%gather3A_2298] in [0] : vector<16xf32>, vector<16xi32> -> vector<16xf32>
        %add3A_2300 = arith.addf %add3A_2236, %gather3A_2299 : vector<16xf32>
        %select_n3A_2301 = arith.select %eq3A_2256, %add3A_2293, %add3A_2300 : vector<16xi1>, vector<16xf32>
        %xor3A_2302 = arith.constant 4 : i32
        %xor3A_2303 = vector.broadcast %xor3A_2302 : i32 to vector<16xi32>
        %xor3A_2304 = arith.xori %iota3A, %xor3A_2303 : vector<16xi32>
        %broadcast_in_dim3A_2305 = vector.shape_cast %xor3A_2304 : vector<16xi32> to vector<16x1xi32>
        %gather3A_2306 = vector.shape_cast %broadcast_in_dim3A_2305 : vector<16x1xi32> to vector<16xi32>
        %gather3A_2307 = tpu.dynamic_gather %add3A_2243[%gather3A_2306] in [0] : vector<16xf32>, vector<16xi32> -> vector<16xf32>
        %add3A_2308 = arith.addf %add3A_2243, %gather3A_2307 : vector<16xf32>
        %xor3A_2309 = arith.constant 4 : i32
        %xor3A_2310 = vector.broadcast %xor3A_2309 : i32 to vector<16xi32>
        %xor3A_2311 = arith.xori %iota3A, %xor3A_2310 : vector<16xi32>
        %broadcast_in_dim3A_2312 = vector.shape_cast %xor3A_2311 : vector<16xi32> to vector<16x1xi32>
        %gather3A_2313 = vector.shape_cast %broadcast_in_dim3A_2312 : vector<16x1xi32> to vector<16xi32>
        %gather3A_2314 = tpu.dynamic_gather %add3A_2250[%gather3A_2313] in [0] : vector<16xf32>, vector<16xi32> -> vector<16xf32>
        %add3A_2315 = arith.addf %add3A_2250, %gather3A_2314 : vector<16xf32>
        %select_n3A_2316 = arith.select %eq3A_2256, %add3A_2308, %add3A_2315 : vector<16xi1>, vector<16xf32>
        %and3A_2317 = arith.constant 2 : i32
        %and3A_2318 = vector.broadcast %and3A_2317 : i32 to vector<16xi32>
        %and3A_2319 = arith.andi %iota3A, %and3A_2318 : vector<16xi32>
        %eq3A_2320 = arith.constant 0 : i32
        %eq3A_2321 = vector.broadcast %eq3A_2320 : i32 to vector<16xi32>
        %eq3A_2322 = arith.cmpi eq, %and3A_2319, %eq3A_2321 : vector<16xi32>
        %xor3A_2323 = arith.constant 2 : i32
        %xor3A_2324 = vector.broadcast %xor3A_2323 : i32 to vector<16xi32>
        %xor3A_2325 = arith.xori %iota3A, %xor3A_2324 : vector<16xi32>
        %broadcast_in_dim3A_2326 = vector.shape_cast %xor3A_2325 : vector<16xi32> to vector<16x1xi32>
        %gather3A_2327 = vector.shape_cast %broadcast_in_dim3A_2326 : vector<16x1xi32> to vector<16xi32>
        %gather3A_2328 = tpu.dynamic_gather %select_n3A_2271[%gather3A_2327] in [0] : vector<16xf32>, vector<16xi32> -> vector<16xf32>
        %add3A_2329 = arith.addf %select_n3A_2271, %gather3A_2328 : vector<16xf32>
        %xor3A_2330 = arith.constant 2 : i32
        %xor3A_2331 = vector.broadcast %xor3A_2330 : i32 to vector<16xi32>
        %xor3A_2332 = arith.xori %iota3A, %xor3A_2331 : vector<16xi32>
        %broadcast_in_dim3A_2333 = vector.shape_cast %xor3A_2332 : vector<16xi32> to vector<16x1xi32>
        %gather3A_2334 = vector.shape_cast %broadcast_in_dim3A_2333 : vector<16x1xi32> to vector<16xi32>
        %gather3A_2335 = tpu.dynamic_gather %select_n3A_2286[%gather3A_2334] in [0] : vector<16xf32>, vector<16xi32> -> vector<16xf32>
        %add3A_2336 = arith.addf %select_n3A_2286, %gather3A_2335 : vector<16xf32>
        %select_n3A_2337 = arith.select %eq3A_2322, %add3A_2329, %add3A_2336 : vector<16xi1>, vector<16xf32>
        %xor3A_2338 = arith.constant 2 : i32
        %xor3A_2339 = vector.broadcast %xor3A_2338 : i32 to vector<16xi32>
        %xor3A_2340 = arith.xori %iota3A, %xor3A_2339 : vector<16xi32>
        %broadcast_in_dim3A_2341 = vector.shape_cast %xor3A_2340 : vector<16xi32> to vector<16x1xi32>
        %gather3A_2342 = vector.shape_cast %broadcast_in_dim3A_2341 : vector<16x1xi32> to vector<16xi32>
        %gather3A_2343 = tpu.dynamic_gather %select_n3A_2301[%gather3A_2342] in [0] : vector<16xf32>, vector<16xi32> -> vector<16xf32>
        %add3A_2344 = arith.addf %select_n3A_2301, %gather3A_2343 : vector<16xf32>
        %xor3A_2345 = arith.constant 2 : i32
        %xor3A_2346 = vector.broadcast %xor3A_2345 : i32 to vector<16xi32>
        %xor3A_2347 = arith.xori %iota3A, %xor3A_2346 : vector<16xi32>
        %broadcast_in_dim3A_2348 = vector.shape_cast %xor3A_2347 : vector<16xi32> to vector<16x1xi32>
        %gather3A_2349 = vector.shape_cast %broadcast_in_dim3A_2348 : vector<16x1xi32> to vector<16xi32>
        %gather3A_2350 = tpu.dynamic_gather %select_n3A_2316[%gather3A_2349] in [0] : vector<16xf32>, vector<16xi32> -> vector<16xf32>
        %add3A_2351 = arith.addf %select_n3A_2316, %gather3A_2350 : vector<16xf32>
        %select_n3A_2352 = arith.select %eq3A_2322, %add3A_2344, %add3A_2351 : vector<16xi1>, vector<16xf32>
        %and3A_2353 = arith.constant 1 : i32
        %and3A_2354 = vector.broadcast %and3A_2353 : i32 to vector<16xi32>
        %and3A_2355 = arith.andi %iota3A, %and3A_2354 : vector<16xi32>
        %eq3A_2356 = arith.constant 0 : i32
        %eq3A_2357 = vector.broadcast %eq3A_2356 : i32 to vector<16xi32>
        %eq3A_2358 = arith.cmpi eq, %and3A_2355, %eq3A_2357 : vector<16xi32>
        %xor3A_2359 = arith.constant 1 : i32
        %xor3A_2360 = vector.broadcast %xor3A_2359 : i32 to vector<16xi32>
        %xor3A_2361 = arith.xori %iota3A, %xor3A_2360 : vector<16xi32>
        %broadcast_in_dim3A_2362 = vector.shape_cast %xor3A_2361 : vector<16xi32> to vector<16x1xi32>
        %gather3A_2363 = vector.shape_cast %broadcast_in_dim3A_2362 : vector<16x1xi32> to vector<16xi32>
        %gather3A_2364 = tpu.dynamic_gather %select_n3A_2337[%gather3A_2363] in [0] : vector<16xf32>, vector<16xi32> -> vector<16xf32>
        %add3A_2365 = arith.addf %select_n3A_2337, %gather3A_2364 : vector<16xf32>
        %xor3A_2366 = arith.constant 1 : i32
        %xor3A_2367 = vector.broadcast %xor3A_2366 : i32 to vector<16xi32>
        %xor3A_2368 = arith.xori %iota3A, %xor3A_2367 : vector<16xi32>
        %broadcast_in_dim3A_2369 = vector.shape_cast %xor3A_2368 : vector<16xi32> to vector<16x1xi32>
        %gather3A_2370 = vector.shape_cast %broadcast_in_dim3A_2369 : vector<16x1xi32> to vector<16xi32>
        %gather3A_2371 = tpu.dynamic_gather %select_n3A_2352[%gather3A_2370] in [0] : vector<16xf32>, vector<16xi32> -> vector<16xf32>
        %add3A_2372 = arith.addf %select_n3A_2352, %gather3A_2371 : vector<16xf32>
        %select_n3A_2373 = arith.select %eq3A_2358, %add3A_2365, %add3A_2372 : vector<16xi1>, vector<16xf32>
        %mul3A_2374 = arith.constant 16 : i32
        %mul3A_2375 = arith.muli %scan3A_101, %mul3A_2374 : i32
        %swap3A_2376 = arith.index_cast %mul3A_2375 : i32 to index
        %swap3A_2377 = tpu.vector_load %arg11[%swap3A_2376] {strides = array<i32>} : memref<256xf32, #tpu.memory_space<vmem>>, vector<16xf32>,
        %swap3A_2378 = vector.shape_cast %swap3A_2377 : vector<16xf32> to vector<16xf32>
        %swap3A_2379 = vector.shape_cast %select_n3A_2373 : vector<16xf32> to vector<16xf32>
        tpu.vector_store %arg11[%swap3A_2376], %swap3A_2379 {strides = array<i32>} : memref<256xf32, #tpu.memory_space<vmem>>, vector<16xf32>,
      }
      %scan3A_96 = arith.constant 16 : i32
      %mul3A_97 = arith.constant 16 : i32
      %mul3A_98 = arith.muli %add3A_90, %mul3A_97 : i32
      "tpu.region"() ({
        %run_scoped3A_101 = tpu.sem_alloc : memref<!tpu.dma_semaphore, #tpu.memory_space<semaphore_mem>>
        %dma_start3A_102 = tpu.memref_slice %arg6[%mul3A_98] : memref<262144xf32, #tpu.memory_space<hbm>> -> memref<256xf32, #tpu.memory_space<hbm>>
        %dma_start3A_103 = tpu.memref_slice %arg6[%mul3A_98] : memref<262144xf32, #tpu.memory_space<hbm>> -> memref<256xf32, #tpu.memory_space<hbm>>
        tpu.enqueue_dma source(%arg10 : memref<256xf32, #tpu.memory_space<vmem>>) target(%dma_start3A_103 : memref<256xf32, #tpu.memory_space<hbm>>) target_semaphore(%run_scoped3A_101 : memref<!tpu.dma_semaphore, #tpu.memory_space<semaphore_mem>>)
        %dma_wait3A_104 = tpu.memref_slice %arg6[%mul3A_98] : memref<262144xf32, #tpu.memory_space<hbm>> -> memref<256xf32, #tpu.memory_space<hbm>>
        %dma_wait3A_105 = tpu.memref_slice %arg6[%mul3A_98] : memref<262144xf32, #tpu.memory_space<hbm>> -> memref<256xf32, #tpu.memory_space<hbm>>
        tpu.wait_dma2 semaphore(%run_scoped3A_101 : memref<!tpu.dma_semaphore, #tpu.memory_space<semaphore_mem>>) src(%arg10 : memref<256xf32, #tpu.memory_space<vmem>>) dst(%dma_wait3A_105 : memref<256xf32, #tpu.memory_space<hbm>>)
        tpu.yield
      }) : () -> ()
      %mul3A_99 = arith.constant 16 : i32
      %mul3A_100 = arith.muli %add3A_90, %mul3A_99 : i32
      "tpu.region"() ({
        %run_scoped3A_101 = tpu.sem_alloc : memref<!tpu.dma_semaphore, #tpu.memory_space<semaphore_mem>>
        %dma_start3A_102 = tpu.memref_slice %arg7[%mul3A_100] : memref<262144xf32, #tpu.memory_space<hbm>> -> memref<256xf32, #tpu.memory_space<hbm>>
        %dma_start3A_103 = tpu.memref_slice %arg7[%mul3A_100] : memref<262144xf32, #tpu.memory_space<hbm>> -> memref<256xf32, #tpu.memory_space<hbm>>
        tpu.enqueue_dma source(%arg11 : memref<256xf32, #tpu.memory_space<vmem>>) target(%dma_start3A_103 : memref<256xf32, #tpu.memory_space<hbm>>) target_semaphore(%run_scoped3A_101 : memref<!tpu.dma_semaphore, #tpu.memory_space<semaphore_mem>>)
        %dma_wait3A_104 = tpu.memref_slice %arg7[%mul3A_100] : memref<262144xf32, #tpu.memory_space<hbm>> -> memref<256xf32, #tpu.memory_space<hbm>>
        %dma_wait3A_105 = tpu.memref_slice %arg7[%mul3A_100] : memref<262144xf32, #tpu.memory_space<hbm>> -> memref<256xf32, #tpu.memory_space<hbm>>
        tpu.wait_dma2 semaphore(%run_scoped3A_101 : memref<!tpu.dma_semaphore, #tpu.memory_space<semaphore_mem>>) src(%arg11 : memref<256xf32, #tpu.memory_space<vmem>>) dst(%dma_wait3A_105 : memref<256xf32, #tpu.memory_space<hbm>>)
        tpu.yield
      }) : () -> ()
    }
    %scan3A_29 = arith.constant 16 : i32
    return
  }
}

module attributes {stable_mosaic.version = 14 : i64} {
  func.func @body(%arg0: i32, %arg1: i32, %arg2: memref<8000x100xf32, #tpu.memory_space<vmem>>, %arg3: memref<8000x100xf32, #tpu.memory_space<vmem>>, %arg4: memref<1x8000x128xf32, #tpu.memory_space<vmem>>) attributes {dimension_semantics = [#tpu.dimension_semantics<arbitrary>, #tpu.dimension_semantics<arbitrary>], iteration_bounds = array<i64: 2, 125>, scalar_prefetch = 0 : i64, scratch_operands = 0 : i64, tpu.core_type = #tpu.core_type<tc>, window_params = [{transform_indices = @transform_0, window_bounds = array<i64: 8000, 100>}, {transform_indices = @transform_1, window_bounds = array<i64: 8000, 100>}, {transform_indices = @transform_2, window_bounds = array<i64: 1, 8000, 128>}]} {
    %broadcast_in_dim3A = arith.constant 0.000000e+00 : f32
    %broadcast_in_dim3A_0 = vector.broadcast %broadcast_in_dim3A : f32 to vector<8000x28xf32>
    %eq3A = arith.constant 0 : i32
    %eq3A_1 = arith.cmpi eq, %arg0, %eq3A : i32
    %convert_element_type3A = arith.extui %eq3A_1 : i1 to i32
    %cond3A = arith.constant 0 : i32
    %cond3A_2 = arith.cmpi ne, %convert_element_type3A, %cond3A : i32
    scf.if %cond3A_2 {
      %get3A = arith.constant 0 : index
      %get3A_8 = arith.constant 0 : index
      %get3A_9 = vector.load %arg2[%get3A, %get3A_8] : memref<8000x100xf32, #tpu.memory_space<vmem>>, vector<8000x100xf32>
      %swap3A = arith.constant 0 : index
      %swap3A_10 = arith.constant 0 : index
      %swap3A_11 = arith.constant 0 : index
      %swap3A_12 = vector.load %arg4[%swap3A, %swap3A_10, %swap3A_11] : memref<1x8000x128xf32, #tpu.memory_space<vmem>>, vector<1x8000x100xf32>
      %swap3A_13 = vector.shape_cast %swap3A_12 : vector<1x8000x100xf32> to vector<8000x100xf32>
      %swap3A_14 = vector.shape_cast %get3A_9 : vector<8000x100xf32> to vector<1x8000x100xf32>
      tpu.vector_store %arg4[%swap3A, %swap3A_10, %swap3A_11], %swap3A_14 {strides = array<i32>} : memref<1x8000x128xf32, #tpu.memory_space<vmem>>, vector<1x8000x100xf32>,
      %swap3A_15 = arith.constant 0 : index
      %swap3A_16 = arith.constant 0 : index
      %swap3A_17 = arith.constant 100 : index
      %swap3A_18 = vector.load %arg4[%swap3A_15, %swap3A_16, %swap3A_17] : memref<1x8000x128xf32, #tpu.memory_space<vmem>>, vector<1x8000x28xf32>
      %swap3A_19 = vector.shape_cast %swap3A_18 : vector<1x8000x28xf32> to vector<8000x28xf32>
      %swap3A_20 = vector.shape_cast %broadcast_in_dim3A_0 : vector<8000x28xf32> to vector<1x8000x28xf32>
      tpu.vector_store %arg4[%swap3A_15, %swap3A_16, %swap3A_17], %swap3A_20 {strides = array<i32>} : memref<1x8000x128xf32, #tpu.memory_space<vmem>>, vector<1x8000x28xf32>,
    } else {
    }
    %eq3A_3 = arith.constant 1 : i32
    %eq3A_4 = arith.cmpi eq, %arg0, %eq3A_3 : i32
    %convert_element_type3A_5 = arith.extui %eq3A_4 : i1 to i32
    %cond3A_6 = arith.constant 0 : i32
    %cond3A_7 = arith.cmpi ne, %convert_element_type3A_5, %cond3A_6 : i32
    scf.if %cond3A_7 {
      %get3A = arith.constant 0 : index
      %get3A_8 = arith.constant 0 : index
      %get3A_9 = vector.load %arg3[%get3A, %get3A_8] : memref<8000x100xf32, #tpu.memory_space<vmem>>, vector<8000x100xf32>
      %swap3A = arith.constant 0 : index
      %swap3A_10 = arith.constant 0 : index
      %swap3A_11 = arith.constant 0 : index
      %swap3A_12 = vector.load %arg4[%swap3A, %swap3A_10, %swap3A_11] : memref<1x8000x128xf32, #tpu.memory_space<vmem>>, vector<1x8000x100xf32>
      %swap3A_13 = vector.shape_cast %swap3A_12 : vector<1x8000x100xf32> to vector<8000x100xf32>
      %swap3A_14 = vector.shape_cast %get3A_9 : vector<8000x100xf32> to vector<1x8000x100xf32>
      tpu.vector_store %arg4[%swap3A, %swap3A_10, %swap3A_11], %swap3A_14 {strides = array<i32>} : memref<1x8000x128xf32, #tpu.memory_space<vmem>>, vector<1x8000x100xf32>,
      %swap3A_15 = arith.constant 0 : index
      %swap3A_16 = arith.constant 0 : index
      %swap3A_17 = arith.constant 100 : index
      %swap3A_18 = vector.load %arg4[%swap3A_15, %swap3A_16, %swap3A_17] : memref<1x8000x128xf32, #tpu.memory_space<vmem>>, vector<1x8000x28xf32>
      %swap3A_19 = vector.shape_cast %swap3A_18 : vector<1x8000x28xf32> to vector<8000x28xf32>
      %swap3A_20 = vector.shape_cast %broadcast_in_dim3A_0 : vector<8000x28xf32> to vector<1x8000x28xf32>
      tpu.vector_store %arg4[%swap3A_15, %swap3A_16, %swap3A_17], %swap3A_20 {strides = array<i32>} : memref<1x8000x128xf32, #tpu.memory_space<vmem>>, vector<1x8000x28xf32>,
    } else {
    }
    return
  }
  func.func @transform_0(%arg0: i32, %arg1: i32) -> (i32, i32) {
    %eq3A = arith.constant 0 : i32
    %eq3A_0 = arith.cmpi eq, %arg0, %eq3A : i32
    %jit3A = arith.constant 0 : i32
    %select_n3A = arith.select %eq3A_0, %arg1, %jit3A : i32
    %c0_i32 = arith.constant 0 : i32
    %c0_i32_1 = arith.constant 0 : i32
    return %select_n3A, %c0_i32 : i32, i32
  }
  func.func @transform_1(%arg0: i32, %arg1: i32) -> (i32, i32) {
    %eq3A = arith.constant 0 : i32
    %eq3A_0 = arith.cmpi eq, %arg0, %eq3A : i32
    %jit3A = arith.constant 0 : i32
    %select_n3A = arith.select %eq3A_0, %jit3A, %arg1 : i32
    %c0_i32 = arith.constant 0 : i32
    %c0_i32_1 = arith.constant 0 : i32
    return %select_n3A, %c0_i32 : i32, i32
  }
  func.func @transform_2(%arg0: i32, %arg1: i32) -> (i32, i32, i32) {
    %c0_i32 = arith.constant 0 : i32
    %c0_i32_0 = arith.constant 0 : i32
    return %arg0, %arg1, %c0_i32 : i32, i32, i32
  }
}

</mosaic_0001>

<sc_bundles>
// kernel: kernel.4.cloned.1.call-start
scs
__scs_entry_jumppad:
0x0: {  	(pc) =	sbr.rel $0x88, $3  }
0x1: {  	(tag) =	ssettag $0x0;
	lr =	simm.s32 $0x1  }
0x2: {  	[smem:$0x3F9C] =	sst lr;
	_ =	strace $0xD0000000  }
0x3: {  	_ = 	snop  }
0x4: {  	_ = 	snop  }
0x5: {  	_ = 	snop  }
0x6: {  	_ = 	snop  }
0x7: {  	_ = 	snop  }
__scs_overlays_trampoline_lowered:
0x8: {  	[smem:$0x3FAB] =	sst s0  }
0x9: {  	[smem:$0x3FAC] =	sst s1  }
0xa: {  	[smem:$0x3FAD] =	sst s2  }
0xb: {  	[smem:$0x3FAE] =	sst s3  }
0xc: {  	[smem:$0x3FAF] =	sst s4  }
0xd: {  	[smem:$0x3FB0] =	sst s5  }
0xe: {  	[smem:$0x3FB1] =	sst s6  }
0xf: {  	[smem:$0x3FB2] =	sst s7  }
0x10: {  	[smem:$0x3FB3] =	sst s8  }
0x11: {  	[smem:$0x3FB4] =	sst s9;
	s0 =	simm.s32 @!p0 $0x0  }
0x12: {  	s1 =	sld [smem:$0x3F9A];
	s0 =	simm.s32 @p0 $0x1  }
0x13: {  	[smem:$0x3FB5] =	sst s0;
	s0 =	simm.s32 @!p1 $0x0  }
0x14: {  	s2 =	sld [smem:$0x3F99];
	s0 =	simm.s32 @p1 $0x1  }
0x15: {  	[smem:$0x3FB6] =	sst s0;
	s0 =	simm.s32 @!p2 $0x0  }
0x16: {  	s3 =	sld [smem:$0x3FDB];
	s0 =	simm.s32 @p2 $0x1  }
0x17: {  	s4 =	simm.s32 $0x1BF5;
	[smem:$0x3FB8] =	sst s0  }
0x18: {  	s0 =	sld [smem:$0x3F9B];
	_ =	swait.ge [sflag:s4], $0x0  }
0x19: {  	s7 =	sld [smem:$0x3F9C]  }
0x1a: {  	s8 =	sadd.s32 $0xFFFFE003, lr  }
0x1b: {  	s9 =	sadd.s32 $0xFFFFFEF7, lr;
	s5 =	simm.s32 $0xFFFFFFFF;
	p2 =	slt.u32 s8, $0xFFFFF086  }
0x1c: {  	p1 =	slt.u32 s9, $0xF7A;
	s5 =	simm.s32 @!p2 $0x0  }
0x1d: {  	s5 =	simm.s32 @p1 $0x1;
	p0 =	seq.s32 s7, s2  }
0x1e: {  	s7 =	smul.u32 @!p0 $0xF7A, s2;
	p2 =	seq.s32 @!p0 s5, $0x0  }
0x1f: {  	s9 =	smul.u32 $0xF7A, s1;
	s8 =	simm.s32 @!p0 $0x1BF5;
	p2 =	por !p2, p0  }
0x20: {  	[sflag:s8] =	ssyncset.s32 @!p0 $0xFFFFF086;
	s6 =	sadd.s32 @!p0 s3, s7;
	s7 =	simm.s32 @!p0 $0x108  }
0x21: {  	s3 =	sadd.s32 s3, s9;
	s6 =	sadd.s32 @!p0 $0x88, s6;
	s7 =	simm.s32 @p2 $0x1082  }
0x22: {  	[simem:s7], [sflag:s8] =	dma.local @!p0 [hbm:s6], $0xF7A  }
0x23: {  	s9 =	sor.u32 $0xD0000000, s2;
	s6 =	simm.s32 $0x108;
	_ =	swait.ge @!p0 [sflag:s8], $0x0  }
0x24: {  	s3 =	sadd.s32 $0x88, s3;
	s6 =	simm.s32 @!p1 $0x1082;
	[sflag:s4] =	ssyncset.s32 $0xFFFFF086  }
0x25: {  	[simem:s6], [sflag:s4] =	dma.local [hbm:s3], $0xF7A  }
0x26: {  	[smem:$0x3F9C] =	sst s1;
	(tag) =	ssettag s2;
	_ =	strace s9  }
0x27: {  	s1 =	sld [smem:$0x3FAC]  }
0x28: {  	s2 =	sld [smem:$0x3FAD]  }
0x29: {  	s4 =	sld [smem:$0x3FAF]  }
0x2a: {  	p0 =	seq.s32 s5, $0x0;
	s5 =	sld [smem:$0x3FB0]  }
0x2b: {  	s6 =	sld [smem:$0x3FB1]  }
0x2c: {  	s7 =	sld [smem:$0x3FB2]  }
0x2d: {  	s3 =	simm.s32 $0x108;
	s8 =	sld [smem:$0x3FB3]  }
0x2e: {  	s3 =	simm.s32 @!p0 $0x1082;
	s9 =	sld [smem:$0x3FB4]  }
0x2f: {  	lr =	sadd.s32 s0, s3;
	s0 =	sld [smem:$0x3FAB]  }
0x30: {  	s3 =	sld [smem:$0x3FAE]  }
0x31: {  	[smem:$0x3FB7] =	sst s10  }
0x32: {  	s10 =	sld [smem:$0x3FB5];
	_ =	sdelay $0x3  }
0x33: {  	p0 =	seq.s32 s10, $0x1;
	s10 =	sld [smem:$0x3FB7];
	_ =	sdelay $0x3  }
0x34: {  	[smem:$0x3FB7] =	sst s10  }
0x35: {  	s10 =	sld [smem:$0x3FB6];
	_ =	sdelay $0x3  }
0x36: {  	p1 =	seq.s32 s10, $0x1;
	s10 =	sld [smem:$0x3FB7];
	_ =	sdelay $0x3  }
0x37: {  	[smem:$0x3FB7] =	sst s10  }
0x38: {  	s10 =	sld [smem:$0x3FB8]  }
0x39: {  	_ = 	snop;
	(pc) =	sbr.ind lr, $3  }
0x3a: {  	_ = 	snop  }
0x3b: {  	_ = 	snop  }
0x3c: {  	p2 =	seq.s32 s10, $0x1;
	s10 =	sld [smem:$0x3FB7]  }
0x3d: {  	_ =	shalt  }
0x3e: {  	_ =	shalt  }
0x3f: {  	_ =	shalt  }
0x40: {  	_ =	shalt  }
0x41: {  	_ =	shalt  }
0x42: {  	_ =	shalt  }
0x43: {  	_ =	shalt  }
0x44: {  	_ =	shalt  }
0x45: {  	_ =	shalt  }
0x46: {  	_ =	shalt  }
0x47: {  	_ =	shalt  }
0x48: {  	_ =	shalt  }
0x49: {  	_ =	shalt  }
0x4a: {  	_ =	shalt  }
0x4b: {  	_ =	shalt  }
0x4c: {  	_ =	shalt  }
0x4d: {  	_ =	shalt  }
0x4e: {  	_ =	shalt  }
0x4f: {  	_ =	shalt  }
0x50: {  	_ =	shalt  }
0x51: {  	_ =	shalt  }
0x52: {  	_ =	shalt  }
0x53: {  	_ =	shalt  }
0x54: {  	_ =	shalt  }
0x55: {  	_ =	shalt  }
0x56: {  	_ =	shalt  }
0x57: {  	_ =	shalt  }
0x58: {  	_ =	shalt  }
0x59: {  	_ =	shalt  }
0x5a: {  	_ =	shalt  }
0x5b: {  	_ =	shalt  }
0x5c: {  	_ =	shalt  }
0x5d: {  	_ =	shalt  }
0x5e: {  	_ =	shalt  }
0x5f: {  	_ =	shalt  }
0x60: {  	_ =	shalt  }
0x61: {  	_ =	shalt  }
0x62: {  	_ =	shalt  }
0x63: {  	_ =	shalt  }
0x64: {  	_ =	shalt  }
0x65: {  	_ =	shalt  }
0x66: {  	_ =	shalt  }
0x67: {  	_ =	shalt  }
0x68: {  	_ =	shalt  }
0x69: {  	_ =	shalt  }
0x6a: {  	_ =	shalt  }
0x6b: {  	_ =	shalt  }
0x6c: {  	_ =	shalt  }
0x6d: {  	_ =	shalt  }
0x6e: {  	_ =	shalt  }
0x6f: {  	_ =	shalt  }
0x70: {  	_ =	shalt  }
0x71: {  	_ =	shalt  }
0x72: {  	_ =	shalt  }
0x73: {  	_ =	shalt  }
0x74: {  	_ =	shalt  }
0x75: {  	_ =	shalt  }
0x76: {  	_ =	shalt  }
0x77: {  	_ =	shalt  }
0x78: {  	_ =	shalt  }
0x79: {  	_ =	shalt  }
0x7a: {  	_ =	shalt  }
0x7b: {  	_ =	shalt  }
0x7c: {  	_ =	shalt  }
0x7d: {  	_ =	shalt  }
0x7e: {  	_ =	shalt  }
0x7f: {  	_ =	shalt  }
0x80: {  	_ =	shalt  }
0x81: {  	_ =	shalt  }
0x82: {  	_ =	shalt  }
0x83: {  	_ =	shalt  }
0x84: {  	_ =	shalt  }
0x85: {  	_ =	shalt  }
0x86: {  	_ =	shalt  }
0x87: {  	_ =	shalt  }
.Lfunc_end0:
.L_simem_size_0:
called_computation_lowered:
.L_overlay_start_0:
0x88: {  	s2 =	sld [smem:$0x3FD9]  }
0x89: {  	s3 =	sld [smem:$0x3FFE];
	_ =	sdelay $0x1  }
0x8a: {  	s1 =	srdreg.scid  }
0x8b: {  	s0 =	sand.u32 $0x1, s1  }
0x8c: {  	s14 =	sshll.u32 s0, $0xA;
	s2 =	sadd.s32 s3, s2  }
0x8d: {  	s2 =	sadd.s32 s2, s14  }
0x8e: {  	[smem:$0x3FC3] =	sst s2  }
0x8f: {  	_ = 	snop  }
0x90: {  	s2 =	sld [smem:$0x3FD0];
	_ =	sdelay $0x2  }
0x91: {  	s4 =	simm.s32 $0xA;
	s5 =	simm.s32 $0x10;
	s15 =	sld [smem:$0x3FC9]  }
0x92: {  	[smem:s5], [sflag:s4] =	dma.local [hbm:s2], $0x1  }
0x93: {  	_ =	swait.eq [sflag:s4], $0x1  }
0x94: {  	[sflag:s4] =	ssyncset.done $0x0  }
0x95: {  	s16 =	sld [smem:$0x10];
	[sflag:s4] =	ssyncadd.s32 $0xFFFFFFFF  }
0x96: {  	s17 =	sld [smem:$0x11];
	(tm) =	ssettm $0x1  }
0x97: {  	s18 =	sld [smem:$0x3FFB];
	_ =	sdelay $0x3  }
0x98: {  	_ =	strace s18  }
0x99: {  	s5 =	sld [smem:$0x3FFC];
	_ =	sdelay $0x3  }
0x9a: {  	_ =	strace s5  }
0x9b: {  	s5 =	sld [smem:$0x3FFD];
	_ =	sdelay $0x3  }
0x9c: {  	_ =	strace s5  }
0x9d: {  	_ =	strace $0x8FFFFFFF  }
0x9e: {  	s19 =	sld [smem:$0x3FDB];
	_ =	sdelay $0x1  }
0x9f: {  	s6 =	simm.s32 $_scs_section_size  }
0xa0: {  	s7 =	simm.s32 $_size__tile_overlayer_lowered;
	s8 =	simm.s32 $_tile_overlayer_lowered  }
0xa1: {  	s22 =	simm.s32 $0x1BFF;
	s21 =	sshll.u32 s8, $0x1;
	s5 =	sadd.s32 s6, s19  }
0xa2: {  	s9 =	simm.s32 $0x0;
	s20 =	sshll.u32 s7, $0x1;
	s7 =	sadd.s32 s21, s5  }
0xa3: {  	[timem:s9], [sflag:s22] =	dma.local [hbm:s7], s20  }
0xa4: {  	_ =	swait.ge [sflag:s22], s20  }
0xa5: {  	s6 =	ssub.s32 $0x0, s20;
	[sflag:s22] =	ssyncset.done $0x0  }
0xa6: {  	[sflag:s22] =	ssyncadd.s32 s6;
	_ =	sdelay $0x1  }
0xa7: {  	s23 =	simm.s32 $0x1B8B  }
0xa8: {  	_ =	swait.ge [sflag:s23], $0x1  }
0xa9: {  	[sflag:s23] =	ssyncset.done $0x0  }
0xaa: {  	s25 =	simm.s32 $0x1B8E;
	s24 =	sld [smem:$0x3FFE];
	[sflag:s23] =	ssyncadd.s32 $0xFFFFFFFF  }
0xab: {  	s26 =	simm.s32 $execute0_lowered;
	[smem:$0x3FD2] =	sst s25  }
0xac: {  	s7 =	sshll.u32 s26, $0x1;
	_ =	strace $0x80000046;
	[dreg:$0x1] =	wrdreg $0xFFFFFFFF  }
0xad: {  	s28 =	simm.s32 $_size_execute0_lowered;
	s5 =	sadd.s32 s5, s7;
	[dreg:$0x0] =	wrdreg $0x0  }
0xae: {  	s7 =	sshll.u32 s28, $0x1;
	[dreg:$0x2] =	wrdreg s5  }
0xaf: {  	[dreg:$0x3] =	wrdreg s7  }
0xb0: {  	[dreg:$0x4] =	wrdreg $0xC0  }
0xb1: {  	_ =	task [dreg:s9], $0x5FFFF  }
0xb2: {  	[dreg:$0x1] =	wrdreg $0xFFFFFFFF  }
0xb3: {  	[dreg:$0x0] =	wrdreg $0x60  }
0xb4: {  	[dreg:$0x2] =	wrdreg s15  }
0xb5: {  	[dreg:$0x3] =	wrdreg s16  }
0xb6: {  	[dreg:$0x4] =	wrdreg s17  }
0xb7: {  	[dreg:$0x5] =	wrdreg s24  }
0xb8: {  	[dreg:$0x6] =	wrdreg $0x9  }
0xb9: {  	_ =	task.clear_ibuf [dreg:s9], $0x7FFFF;
	_ =	strace $0x90000046  }
0xba: {  	s29 =	simm.s32 $0x9;
	_ =	strace $0x80000048  }
0xbb: {  	_ =	swait.ge [sflag:s29], $0x1  }
0xbc: {  	[sflag:s29] =	ssyncadd.s32 $0xFFFFFFFF  }
0xbd: {  	_ =	strace $0x90000048  }
0xbe: {  	_ =	sfence  }
0xbf: {  	s30 =	sld [smem:$0x0];
	_ =	sdelay $0x2  }
0xc0: {  	s31 =	sshll.u32 s1, $0xD;
	s1 =	sshrl.u32 s1, $0x2  }
0xc1: {  	s3 =	sand.u32 $0x4000, s31;
	s1 =	sadd.s32 s1, s30  }
0xc2: {  	s0 =	sor.u32 s3, s0;
	s1 =	sshll.u32 s1, $0x11  }
0xc3: {  	s0 =	sor.u32 s1, s0  }
0xc4: {  	s0 =	sadd.s32 $0x8F2B, s0  }
0xc5: {  	[sflag:s0] =	ssyncadd.remote.s32 $0x1  }
0xc6: {  	_ =	sfence.sel $0xFFFF  }
0xc7: {  	[dreg:$0x0] =	wrdreg $0xFFFFFFFF;
	(pc) =	sbr.abs _section_cstart, $3  }
0xc8: {  	[dreg:$0x1] =	wrdreg $0xFFFFFFFF  }
0xc9: {  	_ =	task.clear_ibuf [dreg:s9], $0x2FFFF;
	_ =	strace $0x9FFFFFFF  }
0xca: {  	(tm) =	ssettm $0x7FFFFFFF  }
0xcb: {  	_ =	shalt  }
tec
execute0_lowered:
.L_overlay_start_1:
0x0: {  	(tag) =	ssettag $0x1  }
0x1: {  	v0 =	vimm.s32 $0x76543210  }
0x2: {  	v1 =	vimm.s32 $0xFEDCBA98;
	v2 =	vimm.s32 $0xBA98FEDC;
	v3 =	vimm.s32 $0x32107654  }
0x3: {  	v4 =	vimm.s32 $0xDCFE98BA;
	v5 =	vimm.s32 $0x54761032;
	v1 =	vunpack.c.l.s4.s8 v1  }
0x4: {  	v0 =	vunpack.c.l.s4.s8 v0;
	v2 =	vunpack.c.l.s4.s8 v2;
	v3 =	vunpack.c.l.s4.s8 v3  }
0x5: {  	vm0 =	vcmask $0x2F20;
	vm1 =	vcmask $0xF00;
	v1 =	vunpack.c.0.s8.s32 v1  }
0x6: {  	s0 =	rddreg [dreg:$0x0];
	v0 =	vunpack.c.0.s8.s32 v0;
	v2 =	vunpack.c.0.s8.s32 v2;
	v3 =	vunpack.c.0.s8.s32 v3  }
0x7: {  	s1 =	rddreg [dreg:$0x1];
	vm2 =	vcmask $0x1710;
	v4 =	vunpack.c.l.s4.s8 v4;
	v1 =	vand.u32 $0xF, v1  }
0x8: {  	s2 =	rddreg [dreg:$0x2];
	v0 =	vcombine.low v1, v0;
	v1 =	vcombine.low v3, v2;
	v2 =	vunpack.c.l.s4.s8 v5  }
0x9: {  	s3 =	rddreg [dreg:$0x3];
	s4 =	simm.s32 $0x0;
	s5 =	srdreg.scid;
	vm3 =	vcmask $0x700;
	v63 =	vimm.s32 $0x67452301;
	vm4 =	vcmask $0x300  }
0xa: {  	s8 =	stileid.u32;
	s16 =	simm.s32 $0x3;
	s19 =	simm.s32 $0x160;
	vm0 =	vmor vm1, vm0;
	v3 =	vunpack.c.0.s8.s32 v4;
	v2 =	vunpack.c.0.s8.s32 v2  }
0xb: {  	s21 =	simm.s32 $0x170;
	s22 =	simm.s32 $0x180;
	s23 =	simm.s32 $0xB2C0;
	vm1 =	vmor vm3, vm2;
	vm2 =	vcmask $0x2720;
	vm3 =	vcmask $0xB08  }
0xc: {  	s24 =	simm.s32 $0x1;
	s25 =	simm.s32 $0x162C0;
	s28 =	simm.s32 $0x2;
	vm3 =	vmor vm4, vm3;
	v2 =	vcombine.low v2, v3;
	v3 =	vimm.s32 $0xEFCDAB89  }
0xd: {  	s29 =	simm.s32 $0x0;
	[smem:$0x7FF] =	sst s4;
	s6 =	sadd.s32 $0x1E85600, s3;
	vm4 =	vcmask $0x1310;
	v4 =	vunpack.c.l.s4.s8 v63;
	v3 =	vunpack.c.l.s4.s8 v3  }
0xe: {  	s5 =	sand.u32 $0x1, s5;
	s7 =	sadd.s32 $0x8E00, s3;
	s10 =	sshll.u32 s8, $0x1;
	vm1 =	vmor vm1, vm2;
	vm2 =	vcmask $0x3730;
	vm3 =	vmor vm3, vm4  }
0xf: {  	s8 =	sadd.s32 $0xE00, s3;
	s9 =	ssub.s32 $0x2, s5;
	s5 =	sor.u32 s5, s10;
	vm4 =	vcmask $0x1B18;
	v4 =	vunpack.c.0.s8.s32 v4;
	v3 =	vunpack.c.0.s8.s32 v3  }
0x10: {  	_ =	strace $0x80000047;
	s26 =	sshrl.u32 s9, $0x1;
	s30 =	sshll.u32 s5, $0x6;
	vm1 =	vmor vm1, vm2;
	vm2 =	vmor vm3, vm4;
	vm3 =	vcmask $0x2320  }
0x11: {  	s11 =	smul.u32 $0x500, s5;
	s15 =	sshll.u32 s5, $0x9;
	s12 =	sshll.u32 s5, $0xA;
	vm4 =	vcmask $0x2B28;
	vm3 =	vmor vm2, vm3;
	v3 =	vcombine.low v4, v3  }
0x12: {  	s3 =	ssub.s32 s9, s26;
	s31 =	sadd.s32 s0, s30;
	s10 =	sadd.s32 s1, s30;
	vm3 =	vmor vm3, vm4;
	vm4 =	vcmask $0x3330;
	v30 =	vand.u32 $0xF, v2  }
0x13: {  	s13 =	sor.u32 $0x20, s15;
	s15 =	sor.u32 $0x10, s15;
	s26 =	simm.s32 $0x163C0;
	vm3 =	vmor vm3, vm4;
	vm4 =	vcmask $0x3B38;
	[tilespmem:$0x1FFE0] =	vst v30;
	v31 =	vand.u32 $0xF, v3  }
0x14: {  	[dreg:$0x5] =	wrdreg s31;
	s11 =	sadd.s32 s2, s11;
	s14 =	smax.u32 s3, $0x1;
	vm2 =	vmmov $0xff;
	v1 =	vand.u32 $0xF, v1;
	vm3 =	vmor vm3, vm4;
	[tilespmem:$0x1FFF0] =	vst v31  }
.LBB2_1:
0x15: {  	s3 =	rddreg [dreg:$0x5]  }
0x16: {  	[tilespmem:s4], [sflag:$0x3] =	stream.linear.gather [hbm4b:s3+s4], $0x10, $0x38;
	[tilespmem:$0x164C0] =	vst v63  }
0x17: {  	_ =	swait.ge [sflag:s16], $0x10  }
0x18: {  	[sflag:s16] =	ssyncset.done $0x0  }
0x19: {  	s18 =	simm.s32 $0x10;
	[sflag:s16] =	ssyncadd.s32 $0xFFFFFFF0  }
0x1a: {  	[tilespmem:s18], [sflag:$0x3] =	stream.linear.gather [hbm4b:s10+s4], $0x10, $0x38;
	[tilespmem:$0x164C0] =	vst v63  }
0x1b: {  	_ =	swait.ge [sflag:s16], $0x10  }
0x1c: {  	[sflag:s16] =	ssyncset.done $0x0  }
0x1d: {  	s20 =	simm.s32 $0x20;
	[sflag:s16] =	ssyncadd.s32 $0xFFFFFFF0  }
0x1e: {  	[tilespmem:s20], [sflag:$0x3] =	stream.linear.gather [hbm4b:s11+s4], $0x140, $0x38;
	[tilespmem:$0x164C0] =	vst v63  }
0x1f: {  	_ =	swait.ge [sflag:s16], $0x140  }
0x20: {  	[sflag:s16] =	ssyncset.done $0x0  }
0x21: {  	s31 =	simm.s32 $0x2C0;
	s30 =	simm.s32 $0x0;
	[sflag:s16] =	ssyncadd.s32 $0xFFFFFEC0  }
0x22: {  	[tilespmem:s31], [sflag:$0x1] =	stream.indirect.gather [hbm4b:s6+s19], $0x80, s4, s19, $0xb8;
	[tilespmem:$0x164C0] =	vst v63  }
.LBB2_2:
0x23: {  	s3 =	sshll.u32 s30, $0x5  }
0x24: {  	s31 =	sor.u32 s15, s3  }
0x25: {  	s9 =	sshrl.u32 s31, $0x3  }
0x26: {  	s5 =	simm.s32 $0x0;
	s17 =	sadd.s32 s0, s9  }
0x27: {  	[tilespmem:s19], [sflag:$0x3] =	stream.linear.gather [hbm4b:s17+s5], $0x10, $0x38;
	[tilespmem:$0x164C0] =	vst v63  }
0x28: {  	_ =	swait.ge [sflag:s16], $0x10  }
0x29: {  	[sflag:s16] =	ssyncset.done $0x0  }
0x2a: {  	s20 =	smul.u32 $0x14, s31;
	s9 =	sadd.s32 s1, s9;
	[sflag:s16] =	ssyncadd.s32 $0xFFFFFFF0  }
0x2b: {  	[tilespmem:s21], [sflag:$0x3] =	stream.linear.gather [hbm4b:s9+s5], $0x10, $0x38;
	[tilespmem:$0x164C0] =	vst v63  }
0x2c: {  	_ =	swait.ge [sflag:s16], $0x10  }
0x2d: {  	s9 =	sshrl.u32 s20, $0x3;
	[sflag:s16] =	ssyncset.done $0x0  }
0x2e: {  	s9 =	sadd.s32 s2, s9;
	[sflag:s16] =	ssyncadd.s32 $0xFFFFFFF0  }
0x2f: {  	[tilespmem:s22], [sflag:$0x3] =	stream.linear.gather [hbm4b:s9+s5], $0x140, $0x38;
	[tilespmem:$0x164C0] =	vst v63  }
0x30: {  	_ =	swait.ge [sflag:s16], $0x140  }
0x31: {  	[sflag:s16] =	ssyncset.done $0x0  }
0x32: {  	[sflag:s16] =	ssyncadd.s32 $0xFFFFFEC0  }
0x33: {  	[tilespmem:s23], [sflag:$0x2] =	stream.indirect.gather [hbm4b:s6+s19], $0x80, s19, s19, $0xb8;
	[tilespmem:$0x164C0] =	vst v63  }
0x34: {  	_ =	swait.ge [sflag:s24], $0xB000  }
0x35: {  	[sflag:s24] =	ssyncset.done $0x0  }
0x36: {  	s18 =	simm.s32 $0xAC0;
	s17 =	simm.s32 $0x1CB0;
	[sflag:s24] =	ssyncadd.s32 $0xFFFF5000  }
.LBB2_3:
0x37: {  	v10 =	vld [tilespmem:s18+$0xFFFFF800]  }
0x38: {  	v11 =	vld [tilespmem:s18+$0xFFFFF810]  }
0x39: {  	v9 =	vld [tilespmem:s18+$0xFFFFF820]  }
0x3a: {  	v8 =	vld [tilespmem:s18+$0xFFFFF830]  }
0x3b: {  	v7 =	vld [tilespmem:s18+$0xFFFFF840]  }
0x3c: {  	v6 =	vld [tilespmem:s18+$0xFFFFF850]  }
0x3d: {  	v5 =	vld [tilespmem:s18+$0xFFFFF860]  }
0x3e: {  	v4 =	vld [tilespmem:s18+$0xFFFFF870]  }
0x3f: {  	v12 =	vld [tilespmem:s17+$0xFFFFF610]  }
0x40: {  	v13 =	vld [tilespmem:s17+$0xFFFFF620]  }
0x41: {  	v14 =	vld [tilespmem:s17+$0xFFFFF630]  }
0x42: {  	v15 =	vld [tilespmem:s17+$0xFFFFF640]  }
0x43: {  	v20 =	vld [tilespmem:s17+$0xFFFFF650]  }
0x44: {  	v21 =	vld [tilespmem:s17+$0xFFFFF660]  }
0x45: {  	v25 =	vld [tilespmem:s17+$0xFFFFF670]  }
0x46: {  	v26 =	vld [tilespmem:s17+$0xFFFFF680]  }
0x47: {  	v18 =	vld [tilespmem:s17+$0xFFFFF690]  }
0x48: {  	v19 =	vld [tilespmem:s17+$0xFFFFF6A0]  }
0x49: {  	v27 =	vld [tilespmem:s17+$0xFFFFF6B0]  }
0x4a: {  	v28 =	vld [tilespmem:s17+$0xFFFFF6C0]  }
0x4b: {  	v29 =	vld [tilespmem:s17+$0xFFFFF6D0]  }
0x4c: {  	v30 =	vld [tilespmem:s17+$0xFFFFF6E0]  }
0x4d: {  	v31 =	vld [tilespmem:s17+$0xFFFFF6F0]  }
0x4e: {  	v32 =	vld [tilespmem:s17+$0xFFFFF700]  }
0x4f: {  	v33 =	vld [tilespmem:s17+$0xFFFFF710]  }
0x50: {  	v34 =	vld [tilespmem:s17+$0xFFFFF720]  }
0x51: {  	v35 =	vld [tilespmem:s17+$0xFFFFF730]  }
0x52: {  	v36 =	vld [tilespmem:s17+$0xFFFFF740]  }
0x53: {  	v37 =	vld [tilespmem:s17+$0xFFFFF750]  }
0x54: {  	v38 =	vld [tilespmem:s17+$0xFFFFF760]  }
0x55: {  	v39 =	vld [tilespmem:s17+$0xFFFFF770]  }
0x56: {  	v40 =	vld [tilespmem:s17+$0xFFFFF780]  }
0x57: {  	v41 =	vld [tilespmem:s17+$0xFFFFF790]  }
0x58: {  	v42 =	vld [tilespmem:s17+$0xFFFFF7A0]  }
0x59: {  	v43 =	vld [tilespmem:s17+$0xFFFFF7B0]  }
0x5a: {  	v44 =	vld [tilespmem:s17+$0xFFFFF7C0]  }
0x5b: {  	v45 =	vld [tilespmem:s17+$0xFFFFF7D0]  }
0x5c: {  	v46 =	vld [tilespmem:s17+$0xFFFFF7E0]  }
0x5d: {  	v47 =	vld [tilespmem:s17+$0xFFFFF7F0]  }
0x5e: {  	v48 =	vld [tilespmem:s17+$0xFFFFF800]  }
0x5f: {  	v49 =	vld [tilespmem:s17+$0xFFFFF810]  }
0x60: {  	v50 =	vld [tilespmem:s17+$0xFFFFF820]  }
0x61: {  	v51 =	vld [tilespmem:s17+$0xFFFFF830]  }
0x62: {  	v52 =	vld [tilespmem:s17+$0xFFFFF840]  }
0x63: {  	v53 =	vld [tilespmem:s17+$0xFFFFF850]  }
0x64: {  	v54 =	vld [tilespmem:s17+$0xFFFFF860]  }
0x65: {  	v23 =	vld [tilespmem:s17+$0xFFFFF870]  }
0x66: {  	v16 =	vld [tilespmem:s17+$0xFFFFF880]  }
0x67: {  	v55 =	vld [tilespmem:s17+$0xFFFFF890]  }
0x68: {  	v56 =	vld [tilespmem:s17+$0xFFFFF8A0]  }
0x69: {  	v57 =	vld [tilespmem:s17+$0xFFFFF8B0]  }
0x6a: {  	v58 =	vld [tilespmem:s17+$0xFFFFF8C0]  }
0x6b: {  	v59 =	vld [tilespmem:s17+$0xFFFFF8D0]  }
0x6c: {  	v60 =	vld [tilespmem:s17+$0xFFFFF8E0]  }
0x6d: {  	v61 =	vld [tilespmem:s17+$0xFFFFF8F0]  }
0x6e: {  	v17 =	vld [tilespmem:s17+$0xFFFFF900]  }
0x6f: {  	v62 =	vld [tilespmem:s17+$0xFFFFF910]  }
0x70: {  	v63 =	vld [tilespmem:s17+$0xFFFFF920]  }
0x71: {  	v3 =	vld [tilespmem:s17+$0xFFFFF930]  }
0x72: {  	v2 =	vld [tilespmem:s17+$0xFFFFF940];
	v12 =	vmul.f32 v12, v10;
	v13 =	vmul.f32 v13, v11  }
0x73: {  	v24 =	vld [tilespmem:s17+$0xFFFFF950];
	v18 =	vmul.f32 v18, v10;
	v19 =	vmul.f32 v19, v11  }
0x74: {  	v22 =	vld [tilespmem:s17+$0xFFFFF960];
	v12 =	vadd.f32 v13, v12;
	v13 =	vmul.f32 v14, v9  }
0x75: {  	v27 =	vmul.f32 v27, v9;
	v14 =	vadd.f32 v19, v18;
	v19 =	vld [tilespmem:s17+$0xFFFFF970]  }
0x76: {  	v18 =	vld [tilespmem:s17+$0xFFFFF980];
	v12 =	vadd.f32 v13, v12;
	v13 =	vmul.f32 v15, v8  }
0x77: {  	v20 =	vmul.f32 v20, v7;
	v14 =	vadd.f32 v27, v14;
	v15 =	vmul.f32 v28, v8;
	v27 =	vld [tilespmem:s17+$0xFFFFF990]  }
0x78: {  	v25 =	vmul.f32 v25, v5;
	v35 =	vmul.f32 v35, v9;
	v28 =	vld [tilespmem:s17+$0xFFFFF9A0];
	v12 =	vadd.f32 v13, v12  }
0x79: {  	v14 =	vadd.f32 v15, v14;
	v15 =	vmul.f32 v29, v7;
	v29 =	vld [tilespmem:s17+$0xFFFFF9B0];
	v13 =	vmul.f32 v21, v6  }
0x7a: {  	v21 =	vmul.f32 v34, v11;
	v34 =	vmul.f32 v42, v11;
	v42 =	vld [tilespmem:s17+$0xFFFFFA10];
	v12 =	vadd.f32 v20, v12  }
0x7b: {  	v31 =	vmul.f32 v31, v5;
	v20 =	vld [tilespmem:s17+$0xFFFFF9C0];
	v14 =	vadd.f32 v15, v14;
	v15 =	vmul.f32 v30, v6  }
0x7c: {  	v30 =	vld [tilespmem:s17+$0xFFFFF9D0];
	v27 =	vmul.f32 v27, v10;
	v12 =	vadd.f32 v13, v12;
	v13 =	vmul.f32 v33, v10  }
0x7d: {  	v28 =	vmul.f32 v28, v11;
	v33 =	vld [tilespmem:s17+$0xFFFFF9E0];
	v14 =	vadd.f32 v15, v14;
	v15 =	vmul.f32 v41, v10  }
0x7e: {  	v44 =	vmul.f32 v44, v8;
	v26 =	vmul.f32 v26, v4;
	v41 =	vld [tilespmem:s17+$0xFFFFF9F0];
	v13 =	vadd.f32 v21, v13  }
0x7f: {  	v27 =	vadd.f32 v28, v27;
	v28 =	vld [tilespmem:s17+$0xFFFFFB70];
	v15 =	vadd.f32 v34, v15;
	v34 =	vmul.f32 v43, v9  }
0x80: {  	v32 =	vmul.f32 v32, v4;
	v21 =	vld [tilespmem:s17+$0xFFFFFA00];
	v43 =	vmul.f32 v36, v8;
	v13 =	vadd.f32 v35, v13  }
0x81: {  	v12 =	vadd.f32 v25, v12;
	v36 =	vmul.f32 v37, v7;
	v37 =	vld [tilespmem:s17+$0xFFFFFA40];
	v15 =	vadd.f32 v34, v15  }
0x82: {  	v45 =	vmul.f32 v45, v7;
	v14 =	vadd.f32 v31, v14;
	v35 =	vld [tilespmem:s17+$0xFFFFFA20];
	v25 =	vadd.f32 v43, v13  }
0x83: {  	v46 =	vmul.f32 v46, v6;
	v34 =	vld [tilespmem:s17+$0xFFFFFA30];
	v15 =	vadd.f32 v44, v15;
	v13 =	vadd.f32 v26, v12  }
0x84: {  	v43 =	vld [tilespmem:s17+$0xFFFFFA50];
	v44 =	vmul.f32 v38, v6;
	v12 =	vadd.f32 v32, v14;
	v32 =	vmul.f32 v49, v10  }
0x85: {  	v38 =	vld [tilespmem:s17+$0xFFFFFA60];
	v49 =	vmul.f32 v50, v11;
	v50 =	vmul.f32 v55, v10  }
0x86: {  	v55 =	vmul.f32 v56, v11;
	v56 =	vmul.f32 v51, v9;
	v51 =	vld [tilespmem:s17+$0xFFFFFB40]  }
0x87: {  	v39 =	vmul.f32 v39, v5;
	v47 =	vmul.f32 v47, v5;
	v26 =	vadd.f32 v36, v25;
	v25 =	vld [tilespmem:s17+$0xFFFFFA70]  }
0x88: {  	v40 =	vmul.f32 v40, v4;
	v48 =	vmul.f32 v48, v4;
	v32 =	vadd.f32 v49, v32;
	v49 =	vld [tilespmem:s17+$0xFFFFFAB0]  }
0x89: {  	v23 =	vmul.f32 v23, v5;
	v45 =	vadd.f32 v45, v15;
	v15 =	vadd.f32 v55, v50;
	v50 =	vld [tilespmem:s17+$0xFFFFFAE0]  }
0x8a: {  	v3 =	vmul.f32 v3, v9;
	v55 =	vmul.f32 v57, v9;
	v36 =	vld [tilespmem:s17+$0xFFFFFB00]  }
0x8b: {  	v57 =	vmul.f32 v58, v8;
	v58 =	vmul.f32 v53, v7;
	v53 =	vld [tilespmem:s17+$0xFFFFFB20]  }
0x8c: {  	v2 =	vmul.f32 v2, v8;
	v16 =	vmul.f32 v16, v4;
	v31 =	vadd.f32 v44, v26;
	v26 =	vld [tilespmem:s17+$0xFFFFFA80]  }
0x8d: {  	v19 =	vmul.f32 v19, v5;
	v18 =	vmul.f32 v18, v4;
	v14 =	vadd.f32 v46, v45;
	v45 =	vld [tilespmem:s17+$0xFFFFFA90]  }
0x8e: {  	v20 =	vmul.f32 v20, v8;
	v41 =	vmul.f32 v41, v5;
	v46 =	vld [tilespmem:s17+$0xFFFFFAA0]  }
0x8f: {  	v21 =	vmul.f32 v21, v4;
	v32 =	vadd.f32 v56, v32;
	v56 =	vmul.f32 v52, v8;
	v52 =	vld [tilespmem:s17+$0xFFFFFAF0]  }
0x90: {  	v15 =	vadd.f32 v55, v15;
	v55 =	vmul.f32 v33, v6;
	v33 =	vld [tilespmem:s17+$0xFFFFFBC0];
	v31 =	vadd.f32 v39, v31  }
0x91: {  	v39 =	vld [tilespmem:s17+$0xFFFFFAC0];
	v14 =	vadd.f32 v47, v14;
	v32 =	vadd.f32 v56, v32;
	v56 =	vmul.f32 v59, v7  }
0x92: {  	v47 =	vld [tilespmem:s17+$0xFFFFFAD0];
	v44 =	vadd.f32 v57, v15;
	v25 =	vmul.f32 v25, v5;
	v36 =	vmul.f32 v36, v4  }
0x93: {  	v57 =	vadd.f32 v58, v32;
	v58 =	vmul.f32 v54, v6;
	v14 =	vadd.f32 v48, v14;
	v48 =	vld [tilespmem:s17+$0xFFFFFB10]  }
0x94: {  	v15 =	vadd.f32 v40, v31;
	v59 =	vadd.f32 v56, v44;
	v56 =	vmul.f32 v60, v6;
	v44 =	vld [tilespmem:s17+$0xFFFFFB30]  }
0x95: {  	v60 =	vmul.f32 v29, v9;
	v29 =	vld [tilespmem:s17+$0xFFFFFB50];
	v26 =	vmul.f32 v26, v4;
	v31 =	vadd.f32 v58, v57  }
0x96: {  	v54 =	vld [tilespmem:s17+$0xFFFFFBA0];
	v57 =	vmul.f32 v62, v10;
	v58 =	vmul.f32 v63, v11;
	v40 =	vadd.f32 v56, v59  }
0x97: {  	v59 =	vmul.f32 v61, v5;
	v27 =	vadd.f32 v60, v27;
	v63 =	vmul.f32 v30, v7;
	v30 =	vld [tilespmem:s17+$0xFFFFFB90]  }
0x98: {  	v62 =	vmul.f32 v17, v4;
	v56 =	vld [tilespmem:s17+$0xFFFFFBB0];
	v60 =	vmul.f32 v34, v9;
	v32 =	vadd.f32 v58, v57  }
0x99: {  	v34 =	vld [tilespmem:s17+$0xFFFFFBE0];
	v23 =	vadd.f32 v23, v31;
	v61 =	vadd.f32 v59, v40;
	v57 =	vmul.f32 v35, v11  }
0x9a: {  	v31 =	vld [tilespmem:s17+$0xFFFFFB60];
	v20 =	vadd.f32 v20, v27;
	v58 =	vmul.f32 v45, v10;
	v59 =	vmul.f32 v46, v11  }
0x9b: {  	v40 =	vld [tilespmem:s17+$0xFFFFFBD0];
	v45 =	vmul.f32 v43, v7;
	v46 =	vmul.f32 v47, v7;
	v3 =	vadd.f32 v3, v32  }
0x9c: {  	v43 =	vld [tilespmem:s17+$0xFFFFFC30];
	v17 =	vadd.f32 v16, v23;
	v16 =	vadd.f32 v62, v61;
	v61 =	vmul.f32 v49, v9  }
0x9d: {  	v20 =	vadd.f32 v63, v20;
	v62 =	vmul.f32 v37, v8;
	v32 =	vld [tilespmem:s17+$0xFFFFFC00];
	v63 =	vmul.f32 v39, v8  }
0x9e: {  	v23 =	vadd.f32 v59, v58;
	v37 =	vld [tilespmem:s17+$0xFFFFFC10];
	v49 =	vmul.f32 v50, v6;
	v50 =	vmul.f32 v53, v11  }
0x9f: {  	v39 =	vld [tilespmem:s17+$0xFFFFFC60];
	v58 =	vmul.f32 v51, v8;
	v2 =	vadd.f32 v2, v3;
	v3 =	vmul.f32 v24, v7  }
0xa0: {  	v53 =	vmul.f32 v30, v10;
	v30 =	vld [tilespmem:s17+$0xFFFFFC70];
	v20 =	vadd.f32 v55, v20;
	v23 =	vadd.f32 v61, v23  }
0xa1: {  	v56 =	vmul.f32 v56, v9;
	v24 =	vld [tilespmem:s17+$0xFFFFFB80];
	v2 =	vadd.f32 v3, v2;
	v3 =	vmul.f32 v22, v6  }
0xa2: {  	v55 =	vmul.f32 v52, v5;
	v20 =	vadd.f32 v41, v20;
	v41 =	vld [tilespmem:s17+$0xFFFFFC20];
	v23 =	vadd.f32 v63, v23  }
0xa3: {  	v63 =	vmul.f32 v40, v7;
	v40 =	vld [tilespmem:s17+$0xFFFFFCD0];
	v2 =	vadd.f32 v3, v2;
	v3 =	vmul.f32 v42, v10  }
0xa4: {  	v59 =	vld [tilespmem:s17+$0xFFFFFCA0];
	v22 =	vmul.f32 v54, v11;
	v54 =	vmul.f32 v44, v9  }
0xa5: {  	v32 =	vmul.f32 v32, v4;
	v47 =	vadd.f32 v46, v23;
	v23 =	vld [tilespmem:s17+$0xFFFFFC50];
	v3 =	vadd.f32 v57, v3  }
0xa6: {  	v46 =	vmul.f32 v34, v6;
	v30 =	vmul.f32 v30, v5;
	v2 =	vadd.f32 v19, v2;
	v57 =	vld [tilespmem:s17+$0xFFFFFC90]  }
0xa7: {  	v52 =	vld [tilespmem:s17+$0xFFFFFD20];
	v24 =	vmul.f32 v24, v4;
	v51 =	vmul.f32 v41, v11;
	v3 =	vadd.f32 v60, v3  }
0xa8: {  	v61 =	vld [tilespmem:s17+$0xFFFFFCB0];
	v40 =	vmul.f32 v40, v7;
	v19 =	vadd.f32 v18, v2;
	v18 =	vadd.f32 v21, v20  }
0xa9: {  	v42 =	vld [tilespmem:s17+$0xFFFFFBF0];
	v20 =	vadd.f32 v49, v47;
	v21 =	vadd.f32 v22, v53;
	v60 =	vmul.f32 v33, v8  }
0xaa: {  	v47 =	vmul.f32 v28, v5;
	v28 =	vld [tilespmem:s17+$0xFFFFFD00];
	v23 =	vmul.f32 v23, v7;
	v3 =	vadd.f32 v62, v3  }
0xab: {  	v49 =	vld [tilespmem:s17+$0xFFFFFD10];
	v20 =	vadd.f32 v55, v20;
	v62 =	vmul.f32 v29, v7;
	v53 =	vmul.f32 v57, v10  }
0xac: {  	v21 =	vadd.f32 v56, v21;
	v29 =	vld [tilespmem:s17+$0xFFFFFCC0];
	v57 =	vmul.f32 v43, v9;
	v43 =	vmul.f32 v52, v11  }
0xad: {  	v55 =	vld [tilespmem:s17+$0xFFFFFD90];
	v52 =	vmul.f32 v39, v6;
	v2 =	vadd.f32 v45, v3;
	v3 =	vmul.f32 v38, v6  }
0xae: {  	v21 =	vadd.f32 v60, v21;
	v45 =	vmul.f32 v31, v6;
	v20 =	vadd.f32 v36, v20;
	v31 =	vld [tilespmem:s17+$0xFFFFFCF0]  }
0xaf: {  	v41 =	vld [tilespmem:s17+$0xFFFFFD40];
	v28 =	vmul.f32 v28, v4;
	v2 =	vadd.f32 v3, v2;
	v3 =	vmul.f32 v48, v10  }
0xb0: {  	v38 =	vld [tilespmem:s17+$0xFFFFFC40];
	v21 =	vadd.f32 v63, v21;
	v48 =	vmul.f32 v42, v5;
	v42 =	vmul.f32 v49, v10  }
0xb1: {  	v60 =	vld [tilespmem:s17+$0xFFFFFD30];
	v63 =	vmul.f32 v29, v8;
	v3 =	vadd.f32 v50, v3;
	v2 =	vadd.f32 v25, v2  }
0xb2: {  	v49 =	vld [tilespmem:s17+$0xFFFFFDD0];
	v35 =	vmul.f32 v55, v10;
	v21 =	vadd.f32 v46, v21;
	v50 =	vmul.f32 v37, v10  }
0xb3: {  	v55 =	vld [tilespmem:s17+$0xFFFFFD70];
	v31 =	vmul.f32 v31, v5;
	v3 =	vadd.f32 v54, v3;
	v2 =	vadd.f32 v26, v2  }
0xb4: {  	v26 =	vld [tilespmem:s17+$0xFFFFFCE0];
	v21 =	vadd.f32 v48, v21;
	v54 =	vmul.f32 v59, v11;
	v56 =	vadd.f32 v51, v50  }
0xb5: {  	v59 =	vmul.f32 v61, v9;
	v61 =	vmul.f32 v38, v8;
	v51 =	vld [tilespmem:s17+$0xFFFFFD60];
	v3 =	vadd.f32 v58, v3  }
0xb6: {  	v38 =	vperm.xlane v17, v0;
	v58 =	vld [tilespmem:s17+$0xFFFFFDA0];
	v21 =	vadd.f32 v32, v21;
	v22 =	vadd.f32 v54, v53  }
0xb7: {  	v54 =	vld [tilespmem:s17+$0xFFFFFDE0];
	v32 =	vmul.f32 v49, v7;
	v49 =	vperm.xlane v16, v0;
	v3 =	vadd.f32 v62, v3  }
0xb8: {  	v48 =	vmul.f32 v60, v9;
	v17 =	vadd.f32 v38, v17;
	v62 =	vld [tilespmem:s17+$0xFFFFFDB0];
	v22 =	vadd.f32 v59, v22  }
0xb9: {  	v53 =	vmul.f32 v41, v8;
	v16 =	vadd.f32 v49, v16;
	v3 =	vadd.f32 v45, v3  }
0xba: {  	v46 =	vld [tilespmem:s17+$0xFFFFFD50];
	v26 =	vmul.f32 v26, v6;
	v60 =	vmul.f32 v51, v6;
	v22 =	vadd.f32 v63, v22  }
0xbb: {  	v63 =	vmul.f32 v55, v5;
	v36 =	vmul.f32 v58, v11;
	v3 =	vadd.f32 v47, v3  }
0xbc: {  	v45 =	vld [tilespmem:s17+$0xFFFFFDC0];
	v47 =	vadd.f32 v43, v42;
	v22 =	vadd.f32 v40, v22;
	v40 =	vperm.xlane v15, v0  }
0xbd: {  	v59 =	vld [tilespmem:s17+$0xFFFFFD80];
	v50 =	vadd.f32 v36, v35;
	v33 =	vmul.f32 v62, v9;
	v62 =	vmul.f32 v54, v6  }
0xbe: {  	v36 =	vperm.xlane v13, v0;
	v54 =	vperm.xlane v18, v0;
	v3 =	vadd.f32 v24, v3  }
0xbf: {  	v24 =	vadd.f32 v57, v56;
	v56 =	vmul.f32 v46, v7;
	v22 =	vadd.f32 v26, v22  }
0xc0: {  	v44 =	vld [tilespmem:s17+$0xFFFFFC80];
	v42 =	vadd.f32 v40, v15;
	v46 =	vperm.xlane v12, v0;
	v29 =	vadd.f32 v33, v50  }
0xc1: {  	v57 =	vld [tilespmem:s17+$0xFFFFFDF0];
	v37 =	vmul.f32 v45, v8;
	v13 =	vadd.f32 v36, v13;
	v24 =	vadd.f32 v61, v24  }
0xc2: {  	v33 =	vmul.f32 v59, v4;
	v22 =	vadd.f32 v31, v22;
	v12 =	vadd.f32 v46, v12  }
0xc3: {  	v41 =	vperm.xlane v3, v0;
	v58 =	vadd.f32 v37, v29;
	v23 =	vadd.f32 v23, v24  }
0xc4: {  	v37 =	vperm.xlane v2, v0;
	v24 =	vadd.f32 v48, v47;
	v22 =	vadd.f32 v28, v22  }
0xc5: {  	v3 =	vadd.f32 v41, v3;
	v47 =	vperm.xlane v20, v0;
	v26 =	vadd.f32 v32, v58  }
0xc6: {  	v61 =	vld [tilespmem:s17+$0xFFFFFE00];
	v27 =	vmul.f32 v57, v5;
	v32 =	vmul.f32 v44, v4;
	v2 =	vadd.f32 v37, v2  }
0xc7: {  	v44 =	vperm.xlane v19, v0;
	v57 =	vadd.f32 v54, v18;
	v24 =	vadd.f32 v53, v24  }
0xc8: {  	v23 =	vadd.f32 v52, v23;
	v3 =	vsel vm2, v42, v3;
	v50 =	vadd.f32 v47, v20  }
0xc9: {  	v51 =	vperm.xlane v22, v0;
	v52 =	vperm.xlane v14, v0;
	v24 =	vadd.f32 v56, v24  }
0xca: {  	v53 =	vperm.xlane v21, v0;
	v26 =	vadd.f32 v62, v26;
	v23 =	vadd.f32 v30, v23  }
0xcb: {  	v35 =	vmul.f32 v61, v4;
	v20 =	vadd.f32 v51, v22;
	v24 =	vadd.f32 v60, v24  }
0xcc: {  	v2 =	vsel vm2, v13, v2;
	v14 =	vadd.f32 v52, v14;
	v26 =	vadd.f32 v27, v26  }
0xcd: {  	v61 =	vperm.xlane v3, v1;
	v23 =	vadd.f32 v32, v23;
	v24 =	vadd.f32 v63, v24  }
0xce: {  	v56 =	vadd.f32 v53, v21;
	v12 =	vsel vm2, v12, v50;
	v26 =	vadd.f32 v35, v26  }
0xcf: {  	v59 =	vperm.xlane v2, v1;
	v39 =	vperm.xlane v23, v0;
	v24 =	vadd.f32 v33, v24  }
0xd0: {  	v16 =	vsel vm2, v16, v20;
	v14 =	vsel vm2, v14, v56;
	v55 =	vperm.xlane v26, v0  }
0xd1: {  	v2 =	vadd.f32 v59, v2;
	v23 =	vadd.f32 v39, v23;
	v45 =	vperm.xlane v24, v0  }
0xd2: {  	v25 =	vperm.xlane v14, v1;
	v63 =	vperm.xlane v12, v1;
	v58 =	vadd.f32 v55, v26  }
0xd3: {  	v43 =	vsel vm2, v17, v23;
	v17 =	vadd.f32 v44, v19;
	v48 =	vadd.f32 v45, v24  }
0xd4: {  	v14 =	vadd.f32 v25, v14;
	v60 =	vperm.xlane v43, v1;
	v13 =	vsel vm2, v57, v58  }
0xd5: {  	v30 =	vld [tilespmem:$0x1FFE0];
	v24 =	vperm.xlane v16, v1;
	v26 =	vperm.xlane v13, v1;
	v17 =	vsel vm2, v17, v48  }
0xd6: {  	v12 =	vadd.f32 v63, v12;
	v15 =	vadd.f32 v60, v43;
	v62 =	vperm.xlane v17, v1  }
0xd7: {  	v16 =	vadd.f32 v24, v16;
	v13 =	vadd.f32 v26, v13  }
0xd8: {  	v3 =	vadd.f32 v61, v3;
	v17 =	vadd.f32 v62, v17  }
0xd9: {  	v2 =	vsel vm0, v2, v15;
	v12 =	vsel vm0, v12, v16;
	v13 =	vsel vm0, v14, v13  }
0xda: {  	v27 =	vperm.xlane v2, v30;
	v16 =	vperm.xlane v12, v30;
	v3 =	vsel vm0, v3, v17  }
0xdb: {  	v31 =	vld [tilespmem:$0x1FFF0];
	v29 =	vperm.xlane v13, v30;
	v28 =	vperm.xlane v3, v30  }
0xdc: {  	v2 =	vadd.f32 v27, v2;
	v12 =	vadd.f32 v16, v12  }
0xdd: {  	v13 =	vadd.f32 v29, v13;
	v3 =	vadd.f32 v28, v3;
	_ =	sdelay $0x1  }
0xde: {  	v2 =	vsel vm1, v2, v3;
	v3 =	vsel vm1, v12, v13  }
0xdf: {  	v32 =	vperm.xlane v2, v31;
	v13 =	vperm.xlane v3, v31;
	_ =	sdelay $0x1  }
0xe0: {  	v2 =	vadd.f32 v32, v2;
	v3 =	vadd.f32 v13, v3;
	_ =	sdelay $0x1  }
0xe1: {  	s9 =	sshra.s32 s5, $0x2;
	v2 =	vsel vm3, v2, v3  }
0xe2: {  	[tilespmem:s9+$0x162C0] =	vst v2  }
0xe3: {  	v2 =	vld [tilespmem:s18+$0x0]  }
0xe4: {  	v3 =	vld [tilespmem:s18+$0x10]  }
0xe5: {  	v33 =	vld [tilespmem:s18+$0x20]  }
0xe6: {  	v34 =	vld [tilespmem:s18+$0x30]  }
0xe7: {  	v35 =	vld [tilespmem:s18+$0x40]  }
0xe8: {  	v36 =	vld [tilespmem:s18+$0x50]  }
0xe9: {  	v37 =	vld [tilespmem:s18+$0x60]  }
0xea: {  	v38 =	vld [tilespmem:s18+$0x70]  }
0xeb: {  	v39 =	vld [tilespmem:s17+$0xFFFFFE10]  }
0xec: {  	v40 =	vld [tilespmem:s17+$0xFFFFFE20]  }
0xed: {  	v41 =	vld [tilespmem:s17+$0xFFFFFE30]  }
0xee: {  	v42 =	vld [tilespmem:s17+$0xFFFFFE40]  }
0xef: {  	v43 =	vld [tilespmem:s17+$0xFFFFFE50]  }
0xf0: {  	v44 =	vld [tilespmem:s17+$0xFFFFFE60]  }
0xf1: {  	v45 =	vld [tilespmem:s17+$0xFFFFFE70]  }
0xf2: {  	v25 =	vld [tilespmem:s17+$0xFFFFFE80]  }
0xf3: {  	v47 =	vld [tilespmem:s17+$0xFFFFFEA0]  }
0xf4: {  	v48 =	vld [tilespmem:s17+$0xFFFFFEB0]  }
0xf5: {  	v49 =	vld [tilespmem:s17+$0xFFFFFEC0]  }
0xf6: {  	v55 =	vld [tilespmem:s17+$0xFFFFFF90];
	v2 =	vmul.f32 v2, v10;
	v3 =	vmul.f32 v3, v11  }
0xf7: {  	v56 =	vld [tilespmem:s17+$0xFFFFFFA0];
	v18 =	vmul.f32 v39, v10;
	v19 =	vmul.f32 v40, v11  }
0xf8: {  	v58 =	vld [tilespmem:s17+$0xFFFFFF20];
	v54 =	vmul.f32 v41, v9;
	v17 =	vmul.f32 v38, v4  }
0xf9: {  	v50 =	vld [tilespmem:s17+$0xFFFFFED0];
	v57 =	vmul.f32 v42, v8;
	v2 =	vadd.f32 v3, v2;
	v3 =	vmul.f32 v33, v9  }
0xfa: {  	v51 =	vld [tilespmem:s17+$0xFFFFFEE0];
	v12 =	vmul.f32 v47, v11;
	v60 =	vmul.f32 v43, v7  }
0xfb: {  	v52 =	vld [tilespmem:s17+$0xFFFFFEF0];
	v62 =	vmul.f32 v48, v9;
	v2 =	vadd.f32 v3, v2;
	v3 =	vmul.f32 v34, v8  }
0xfc: {  	v46 =	vld [tilespmem:s17+$0xFFFFFE90];
	v20 =	vmul.f32 v55, v10;
	v16 =	vmul.f32 v56, v11  }
0xfd: {  	v53 =	vld [tilespmem:s17+$0xFFFFFF10];
	v11 =	vmul.f32 v58, v11;
	v2 =	vadd.f32 v3, v2;
	v3 =	vmul.f32 v35, v7  }
0xfe: {  	v59 =	vld [tilespmem:s17+$0xFFFFFFB0];
	v13 =	vmul.f32 v49, v8;
	v39 =	vmul.f32 v50, v7  }
0xff: {  	v41 =	vmul.f32 v45, v5;
	v43 =	vld [tilespmem:s17+$0xFFFFFF00];
	v2 =	vadd.f32 v3, v2;
	v3 =	vmul.f32 v36, v6  }
0x100: {  	v61 =	vld [tilespmem:s17+$0xFFFFFF30];
	v14 =	vmul.f32 v51, v6;
	v45 =	vmul.f32 v52, v5;
	v18 =	vadd.f32 v19, v18  }
0x101: {  	v63 =	vld [tilespmem:s17+$0xFFFFFFC0];
	v47 =	vmul.f32 v25, v4;
	v2 =	vadd.f32 v3, v2;
	v3 =	vmul.f32 v37, v5  }
0x102: {  	v27 =	vld [tilespmem:s17+$0xFFFFFF40];
	v33 =	vmul.f32 v44, v6;
	v16 =	vadd.f32 v16, v20;
	v18 =	vadd.f32 v54, v18  }
0x103: {  	v32 =	vld [tilespmem:s17+$0xFFFFFFD0];
	v2 =	vadd.f32 v3, v2;
	v3 =	vmul.f32 v46, v10;
	v10 =	vmul.f32 v53, v10  }
0x104: {  	v34 =	vld [tilespmem:s17+$0xFFFFFF50];
	v48 =	vmul.f32 v43, v4;
	v18 =	vadd.f32 v57, v18;
	v35 =	vmul.f32 v59, v9  }
0x105: {  	v9 =	vmul.f32 v61, v9;
	v36 =	vld [tilespmem:s17+$0xFFFFFFE0];
	v3 =	vadd.f32 v12, v3;
	v10 =	vadd.f32 v11, v10  }
0x106: {  	v16 =	vadd.f32 v35, v16;
	v37 =	vld [tilespmem:s17+$0xFFFFFF60];
	v2 =	vadd.f32 v17, v2;
	v17 =	vmul.f32 v63, v8  }
0x107: {  	v38 =	vld [tilespmem:s17+$0xFFFFFFF0];
	v8 =	vmul.f32 v27, v8;
	v3 =	vadd.f32 v62, v3;
	v9 =	vadd.f32 v9, v10  }
0x108: {  	v40 =	vld [tilespmem:s17+$0xFFFFFF70];
	v18 =	vadd.f32 v60, v18;
	v12 =	vmul.f32 v32, v7;
	v16 =	vadd.f32 v17, v16  }
0x109: {  	v42 =	vld [tilespmem:s17+$0x0];
	v7 =	vmul.f32 v34, v7;
	v3 =	vadd.f32 v13, v3;
	v8 =	vadd.f32 v8, v9  }
0x10a: {  	v44 =	vld [tilespmem:s17+$0xFFFFFF80];
	v15 =	vadd.f32 v33, v18;
	v11 =	vmul.f32 v36, v6;
	v12 =	vadd.f32 v12, v16  }
0x10b: {  	v6 =	vmul.f32 v37, v6;
	v3 =	vadd.f32 v39, v3;
	v7 =	vadd.f32 v7, v8  }
0x10c: {  	v15 =	vadd.f32 v41, v15;
	v10 =	vmul.f32 v38, v5;
	v11 =	vadd.f32 v11, v12  }
0x10d: {  	v5 =	vmul.f32 v40, v5;
	v3 =	vadd.f32 v14, v3;
	v6 =	vadd.f32 v6, v7  }
0x10e: {  	v50 =	vadd.f32 v47, v15;
	v9 =	vmul.f32 v42, v4;
	v46 =	vadd.f32 v10, v11  }
0x10f: {  	v4 =	vmul.f32 v44, v4;
	v3 =	vadd.f32 v45, v3;
	v5 =	vadd.f32 v5, v6  }
0x110: {  	v49 =	vadd.f32 v9, v46  }
0x111: {  	v10 =	vperm.xlane v50, v0;
	v3 =	vadd.f32 v48, v3;
	v4 =	vadd.f32 v4, v5  }
0x112: {  	v51 =	vperm.xlane v2, v0;
	v52 =	vperm.xlane v49, v0  }
0x113: {  	v7 =	vadd.f32 v10, v50;
	v53 =	vperm.xlane v3, v0;
	v55 =	vperm.xlane v4, v0  }
0x114: {  	v2 =	vadd.f32 v51, v2;
	v54 =	vadd.f32 v52, v49  }
0x115: {  	v10 =	vperm.xlane v7, v1;
	v3 =	vadd.f32 v53, v3;
	v4 =	vadd.f32 v55, v4  }
0x116: {  	v56 =	vperm.xlane v2, v1;
	v8 =	vperm.xlane v54, v1  }
0x117: {  	v7 =	vadd.f32 v10, v7;
	v9 =	vperm.xlane v3, v1;
	v57 =	vperm.xlane v4, v1  }
0x118: {  	v2 =	vadd.f32 v56, v2;
	v5 =	vadd.f32 v8, v54  }
0x119: {  	v58 =	vnsel vm0, $0x0, v7;
	v3 =	vadd.f32 v9, v3;
	v4 =	vadd.f32 v57, v4  }
0x11a: {  	v61 =	vperm.xlane v58, v30;
	v2 =	vsel vm0, v2, v5  }
0x11b: {  	v59 =	vperm.xlane v2, v30;
	v3 =	vnsel vm0, $0x0, v3;
	v4 =	vnsel vm0, $0x0, v4  }
0x11c: {  	v60 =	vperm.xlane v3, v30;
	v62 =	vperm.xlane v4, v30  }
0x11d: {  	v5 =	vadd.f32 v61, v58;
	v2 =	vadd.f32 v59, v2  }
0x11e: {  	v3 =	vadd.f32 v60, v3;
	v4 =	vadd.f32 v62, v4;
	_ =	sdelay $0x1  }
0x11f: {  	v2 =	vsel vm1, v2, v3;
	v3 =	vsel vm1, v5, v4  }
0x120: {  	p0 =	sne.s32 s5, $0x3C0;
	v63 =	vperm.xlane v2, v31;
	v5 =	vperm.xlane v3, v31  }
.Ltmp0:
0x121: {  	_ = 	snop;
	(pc) =	sbr.rel @p0 .LBB2_3-.Ltmp0, $3  }
0x122: {  	v2 =	vadd.f32 v63, v2;
	v3 =	vadd.f32 v5, v3;
	_ =	sdelay $0x1  }
0x123: {  	v2 =	vsel vm3, v2, v3  }
0x124: {  	s5 =	sadd.s32 $0x40, s5;
	s18 =	sadd.s32 $0x80, s18;
	s17 =	sadd.s32 $0xA00, s17;
	[tilespmem:s9+$0x163C0] =	vst v2  }
0x125: {  	s5 =	sshll.u32 s30, $0x6  }
0x126: {  	s5 =	sadd.s32 s12, s5  }
0x127: {  	s9 =	sadd.s32 s7, s5  }
0x128: {  	[hbm4b:s9+s4] =	stream.linear.scatter [tilespmem:s25], [sflag:$0x3], $0x100, $0x38;
	[tilespmem:$0x164C0] =	vst v63  }
0x129: {  	_ =	swait.ge [sflag:s16], $0x100  }
0x12a: {  	[sflag:s16] =	ssyncset.done $0x0  }
0x12b: {  	p0 =	seq.s32 s30, $0xF;
	s5 =	sadd.s32 s8, s5;
	[sflag:s16] =	ssyncadd.s32 $0xFFFFFF00  }
0x12c: {  	[hbm4b:s5+s4] =	stream.linear.scatter [tilespmem:s26], [sflag:$0x3], $0x100, $0x38;
	[tilespmem:$0x164C0] =	vst v63  }
0x12d: {  	s3 =	sadd.s32 @!p0 s3, s13;
	_ =	swait.ge [sflag:s16], $0x100  }
0x12e: {  	s5 =	sshrl.u32 @!p0 s3, $0x3;
	[sflag:s16] =	ssyncset.done $0x0  }
0x12f: {  	s17 =	simm.s32 @!p0 $0x0;
	s9 =	sadd.s32 @!p0 s0, s5;
	[sflag:s16] =	ssyncadd.s32 $0xFFFFFF00  }
0x130: {  	[tilespmem:s17], [sflag:$0x3] =	stream.linear.gather @!p0 [hbm4b:s9+s17], $0x10, $0x38;
	[tilespmem:$0x164C0] =	vst v63  }
0x131: {  	s9 =	simm.s32 @!p0 $0x3  }
0x132: {  	_ =	swait.ge @!p0 [sflag:s9], $0x10  }
0x133: {  	s18 =	simm.s32 @!p0 $0x10;
	[sflag:s9] =	ssyncset.done @!p0 $0x0  }
0x134: {  	s3 =	smul.u32 @!p0 $0x14, s3;
	s5 =	sadd.s32 @!p0 s1, s5;
	[sflag:s9] =	ssyncadd.s32 @!p0 $0xFFFFFFF0  }
0x135: {  	[tilespmem:s18], [sflag:$0x3] =	stream.linear.gather @!p0 [hbm4b:s5+s17], $0x10, $0x38;
	[tilespmem:$0x164C0] =	vst v63  }
0x136: {  	_ =	swait.ge @!p0 [sflag:s9], $0x10  }
0x137: {  	s3 =	sshrl.u32 @!p0 s3, $0x3;
	[sflag:s9] =	ssyncset.done @!p0 $0x0  }
0x138: {  	s3 =	sadd.s32 @!p0 s2, s3;
	s5 =	simm.s32 @!p0 $0x20;
	[sflag:s9] =	ssyncadd.s32 @!p0 $0xFFFFFFF0  }
0x139: {  	[tilespmem:s5], [sflag:$0x3] =	stream.linear.gather @!p0 [hbm4b:s3+s17], $0x140, $0x38;
	[tilespmem:$0x164C0] =	vst v63  }
0x13a: {  	_ =	swait.ge @!p0 [sflag:s9], $0x140  }
0x13b: {  	[sflag:s9] =	ssyncset.done @!p0 $0x0  }
0x13c: {  	s3 =	simm.s32 @!p0 $0x160;
	s5 =	simm.s32 @!p0 $0x2C0;
	[sflag:s9] =	ssyncadd.s32 @!p0 $0xFFFFFEC0  }
0x13d: {  	[tilespmem:s5], [sflag:$0x1] =	stream.indirect.gather @!p0 [hbm4b:s6+s3], $0x80, s17, s3, $0xb8;
	[tilespmem:$0x164C0] =	vst v63  }
0x13e: {  	_ =	swait.ge [sflag:s28], $0xB000  }
0x13f: {  	s18 =	simm.s32 $0x0;
	s3 =	simm.s32 $0x162C0;
	[sflag:s28] =	ssyncset.done $0x0  }
0x140: {  	s5 =	simm.s32 $0x163C0;
	s17 =	simm.s32 $0x0;
	[sflag:s28] =	ssyncadd.s32 $0xFFFF5000  }
.LBB2_5:
0x141: {  	s9 =	sshra.s32 s17, $0x2  }
0x142: {  	v10 =	vld [tilespmem:s9+$0xB2C0]  }
0x143: {  	v11 =	vld [tilespmem:s9+$0xB2D0]  }
0x144: {  	v9 =	vld [tilespmem:s9+$0xB2E0]  }
0x145: {  	v8 =	vld [tilespmem:s9+$0xB2F0]  }
0x146: {  	v7 =	vld [tilespmem:s9+$0xB300]  }
0x147: {  	v6 =	vld [tilespmem:s9+$0xB310]  }
0x148: {  	v5 =	vld [tilespmem:s9+$0xB320]  }
0x149: {  	s20 =	sshra.s32 s18, $0x2;
	v4 =	vld [tilespmem:s9+$0xB330]  }
0x14a: {  	v2 =	vld [tilespmem:s20+$0xC2C0]  }
0x14b: {  	v3 =	vld [tilespmem:s20+$0xC2D0]  }
0x14c: {  	v12 =	vld [tilespmem:s20+$0xC2E0]  }
0x14d: {  	v13 =	vld [tilespmem:s20+$0xC2F0]  }
0x14e: {  	v14 =	vld [tilespmem:s20+$0xC300]  }
0x14f: {  	v15 =	vld [tilespmem:s20+$0xC310]  }
0x150: {  	v20 =	vld [tilespmem:s20+$0xC320]  }
0x151: {  	v25 =	vld [tilespmem:s20+$0xC330]  }
0x152: {  	v18 =	vld [tilespmem:s20+$0xC340]  }
0x153: {  	v19 =	vld [tilespmem:s20+$0xC350]  }
0x154: {  	v21 =	vld [tilespmem:s20+$0xC360]  }
0x155: {  	v26 =	vld [tilespmem:s20+$0xC370]  }
0x156: {  	v27 =	vld [tilespmem:s20+$0xC380]  }
0x157: {  	v28 =	vld [tilespmem:s20+$0xC390]  }
0x158: {  	v29 =	vld [tilespmem:s20+$0xC3A0]  }
0x159: {  	v30 =	vld [tilespmem:s20+$0xC3B0]  }
0x15a: {  	v31 =	vld [tilespmem:s20+$0xC3C0]  }
0x15b: {  	v32 =	vld [tilespmem:s20+$0xC3D0]  }
0x15c: {  	v33 =	vld [tilespmem:s20+$0xC3E0]  }
0x15d: {  	v34 =	vld [tilespmem:s20+$0xC3F0]  }
0x15e: {  	v35 =	vld [tilespmem:s20+$0xC400]  }
0x15f: {  	v36 =	vld [tilespmem:s20+$0xC410]  }
0x160: {  	v37 =	vld [tilespmem:s20+$0xC420]  }
0x161: {  	v38 =	vld [tilespmem:s20+$0xC430]  }
0x162: {  	v39 =	vld [tilespmem:s20+$0xC440]  }
0x163: {  	v40 =	vld [tilespmem:s20+$0xC450]  }
0x164: {  	v41 =	vld [tilespmem:s20+$0xC460]  }
0x165: {  	v42 =	vld [tilespmem:s20+$0xC470]  }
0x166: {  	v43 =	vld [tilespmem:s20+$0xC480]  }
0x167: {  	v44 =	vld [tilespmem:s20+$0xC490]  }
0x168: {  	v45 =	vld [tilespmem:s20+$0xC4A0]  }
0x169: {  	v46 =	vld [tilespmem:s20+$0xC4B0]  }
0x16a: {  	v47 =	vld [tilespmem:s20+$0xC4C0]  }
0x16b: {  	v48 =	vld [tilespmem:s20+$0xC4D0]  }
0x16c: {  	v49 =	vld [tilespmem:s20+$0xC4E0]  }
0x16d: {  	v50 =	vld [tilespmem:s20+$0xC4F0]  }
0x16e: {  	v51 =	vld [tilespmem:s20+$0xC500]  }
0x16f: {  	v52 =	vld [tilespmem:s20+$0xC510]  }
0x170: {  	v23 =	vld [tilespmem:s20+$0xC520]  }
0x171: {  	v16 =	vld [tilespmem:s20+$0xC530]  }
0x172: {  	v53 =	vld [tilespmem:s20+$0xC540]  }
0x173: {  	v54 =	vld [tilespmem:s20+$0xC550]  }
0x174: {  	v55 =	vld [tilespmem:s20+$0xC560]  }
0x175: {  	v56 =	vld [tilespmem:s20+$0xC570]  }
0x176: {  	v57 =	vld [tilespmem:s20+$0xC580]  }
0x177: {  	v58 =	vld [tilespmem:s20+$0xC590]  }
0x178: {  	v59 =	vld [tilespmem:s20+$0xC5A0]  }
0x179: {  	v17 =	vld [tilespmem:s20+$0xC5B0]  }
0x17a: {  	v60 =	vld [tilespmem:s20+$0xC5C0]  }
0x17b: {  	v61 =	vld [tilespmem:s20+$0xC5D0]  }
0x17c: {  	v62 =	vld [tilespmem:s20+$0xC5E0]  }
0x17d: {  	v63 =	vld [tilespmem:s20+$0xC5F0];
	v2 =	vmul.f32 v2, v10;
	v3 =	vmul.f32 v3, v11  }
0x17e: {  	v24 =	vld [tilespmem:s20+$0xC600];
	v18 =	vmul.f32 v18, v10;
	v19 =	vmul.f32 v19, v11  }
0x17f: {  	v22 =	vld [tilespmem:s20+$0xC610];
	v2 =	vadd.f32 v3, v2;
	v3 =	vmul.f32 v12, v9  }
0x180: {  	v21 =	vmul.f32 v21, v9;
	v20 =	vmul.f32 v20, v5;
	v12 =	vadd.f32 v19, v18;
	v19 =	vld [tilespmem:s20+$0xC620]  }
0x181: {  	v33 =	vmul.f32 v33, v9;
	v29 =	vmul.f32 v29, v5;
	v18 =	vld [tilespmem:s20+$0xC630];
	v2 =	vadd.f32 v3, v2  }
0x182: {  	v3 =	vmul.f32 v13, v8;
	v12 =	vadd.f32 v21, v12;
	v21 =	vmul.f32 v26, v8;
	v26 =	vld [tilespmem:s20+$0xC640]  }
0x183: {  	v42 =	vmul.f32 v42, v8;
	v13 =	vmul.f32 v28, v6;
	v28 =	vld [tilespmem:s20+$0xC680]  }
0x184: {  	v25 =	vmul.f32 v25, v4;
	v2 =	vadd.f32 v3, v2;
	v3 =	vmul.f32 v14, v7;
	v14 =	vld [tilespmem:s20+$0xC650]  }
0x185: {  	v30 =	vmul.f32 v30, v4;
	v12 =	vadd.f32 v21, v12;
	v21 =	vmul.f32 v27, v7;
	v27 =	vld [tilespmem:s20+$0xC660]  }
0x186: {  	v44 =	vmul.f32 v44, v6;
	v2 =	vadd.f32 v3, v2;
	v3 =	vmul.f32 v15, v6;
	v15 =	vld [tilespmem:s20+$0xC670]  }
0x187: {  	v12 =	vadd.f32 v21, v12;
	v21 =	vmul.f32 v32, v11;
	v32 =	vmul.f32 v40, v11;
	v40 =	vld [tilespmem:s20+$0xC6C0]  }
0x188: {  	v37 =	vmul.f32 v37, v5;
	v2 =	vadd.f32 v3, v2;
	v3 =	vmul.f32 v31, v10;
	v31 =	vld [tilespmem:s20+$0xC690]  }
0x189: {  	v45 =	vmul.f32 v45, v5;
	v12 =	vadd.f32 v13, v12;
	v13 =	vmul.f32 v39, v10;
	v39 =	vld [tilespmem:s20+$0xC6A0]  }
0x18a: {  	v26 =	vmul.f32 v26, v10;
	v14 =	vmul.f32 v14, v11;
	v3 =	vadd.f32 v21, v3;
	v21 =	vld [tilespmem:s20+$0xC6B0]  }
0x18b: {  	v13 =	vadd.f32 v32, v13;
	v32 =	vmul.f32 v41, v9;
	v41 =	vmul.f32 v34, v8;
	v34 =	vld [tilespmem:s20+$0xC6F0]  }
0x18c: {  	v2 =	vadd.f32 v20, v2;
	v20 =	vmul.f32 v35, v7;
	v35 =	vmul.f32 v43, v7;
	v43 =	vld [tilespmem:s20+$0xC740]  }
0x18d: {  	v56 =	vmul.f32 v56, v8;
	v38 =	vmul.f32 v38, v4;
	v14 =	vadd.f32 v14, v26;
	v26 =	vld [tilespmem:s20+$0xC820]  }
0x18e: {  	v46 =	vmul.f32 v46, v4;
	v12 =	vadd.f32 v29, v12;
	v3 =	vadd.f32 v33, v3;
	v33 =	vld [tilespmem:s20+$0xC6D0]  }
0x18f: {  	v23 =	vmul.f32 v23, v5;
	v16 =	vmul.f32 v16, v4;
	v13 =	vadd.f32 v32, v13;
	v32 =	vld [tilespmem:s20+$0xC6E0]  }
0x190: {  	v12 =	vadd.f32 v30, v12;
	v30 =	vmul.f32 v53, v10;
	v53 =	vmul.f32 v49, v9;
	v49 =	vld [tilespmem:s20+$0xC790]  }
0x191: {  	v24 =	vmul.f32 v24, v7;
	v22 =	vmul.f32 v22, v6;
	v3 =	vadd.f32 v41, v3;
	v41 =	vld [tilespmem:s20+$0xC700]  }
0x192: {  	v19 =	vmul.f32 v19, v5;
	v29 =	vadd.f32 v42, v13;
	v13 =	vadd.f32 v25, v2;
	v25 =	vld [tilespmem:s20+$0xC720]  }
0x193: {  	v18 =	vmul.f32 v18, v4;
	v42 =	vld [tilespmem:s20+$0xC7C0];
	v2 =	vadd.f32 v20, v3;
	v3 =	vmul.f32 v36, v6  }
0x194: {  	v15 =	vmul.f32 v15, v8;
	v39 =	vmul.f32 v39, v5;
	v29 =	vadd.f32 v35, v29;
	v20 =	vld [tilespmem:s20+$0xC730]  }
0x195: {  	v36 =	vld [tilespmem:s20+$0xC710];
	v2 =	vadd.f32 v3, v2;
	v3 =	vmul.f32 v47, v10;
	v47 =	vmul.f32 v48, v11  }
0x196: {  	v21 =	vmul.f32 v21, v4;
	v29 =	vadd.f32 v44, v29;
	v48 =	vmul.f32 v54, v11;
	v44 =	vld [tilespmem:s20+$0xC750]  }
0x197: {  	v54 =	vmul.f32 v55, v9;
	v55 =	vmul.f32 v50, v8;
	v50 =	vld [tilespmem:s20+$0xC7A0];
	v3 =	vadd.f32 v47, v3  }
0x198: {  	v25 =	vmul.f32 v25, v5;
	v30 =	vadd.f32 v48, v30;
	v47 =	vld [tilespmem:s20+$0xC760];
	v2 =	vadd.f32 v37, v2  }
0x199: {  	v37 =	vld [tilespmem:s20+$0xC770];
	v29 =	vadd.f32 v45, v29;
	v20 =	vmul.f32 v20, v4;
	v3 =	vadd.f32 v53, v3  }
0x19a: {  	v45 =	vld [tilespmem:s20+$0xC780];
	v30 =	vadd.f32 v54, v30;
	v53 =	vmul.f32 v51, v7;
	v54 =	vmul.f32 v57, v7  }
0x19b: {  	v48 =	vld [tilespmem:s20+$0xC7B0];
	v57 =	vmul.f32 v58, v6;
	v58 =	vmul.f32 v60, v10  }
0x19c: {  	v60 =	vmul.f32 v61, v11;
	v51 =	vld [tilespmem:s20+$0xC7D0];
	v61 =	vmul.f32 v62, v9  }
0x19d: {  	v62 =	vmul.f32 v59, v5;
	v59 =	vmul.f32 v28, v7;
	v28 =	vld [tilespmem:s20+$0xC840]  }
0x19e: {  	v35 =	vadd.f32 v55, v3;
	v30 =	vadd.f32 v56, v30;
	v55 =	vmul.f32 v52, v6;
	v52 =	vld [tilespmem:s20+$0xC7F0]  }
0x19f: {  	v50 =	vmul.f32 v50, v5;
	v3 =	vadd.f32 v38, v2;
	v2 =	vadd.f32 v46, v29;
	v46 =	vld [tilespmem:s20+$0xC810]  }
0x1a0: {  	v38 =	vadd.f32 v60, v58;
	v58 =	vmul.f32 v17, v4;
	v56 =	vadd.f32 v54, v30;
	v30 =	vld [tilespmem:s20+$0xC7E0]  }
0x1a1: {  	v35 =	vadd.f32 v53, v35;
	v53 =	vmul.f32 v43, v10;
	v54 =	vmul.f32 v44, v11;
	v43 =	vld [tilespmem:s20+$0xC8A0]  }
0x1a2: {  	v44 =	vmul.f32 v49, v6;
	v49 =	vmul.f32 v28, v10;
	v28 =	vld [tilespmem:s20+$0xC920]  }
0x1a3: {  	v35 =	vadd.f32 v55, v35;
	v29 =	vadd.f32 v57, v56;
	v55 =	vmul.f32 v27, v9;
	v27 =	vld [tilespmem:s20+$0xC800]  }
0x1a4: {  	v56 =	vadd.f32 v61, v38;
	v57 =	vmul.f32 v63, v8;
	v38 =	vld [tilespmem:s20+$0xC830];
	v61 =	vmul.f32 v31, v6  }
0x1a5: {  	v63 =	vmul.f32 v33, v11;
	v33 =	vld [tilespmem:s20+$0xC870];
	v23 =	vadd.f32 v23, v35;
	v14 =	vadd.f32 v55, v14  }
0x1a6: {  	v31 =	vld [tilespmem:s20+$0xC8B0];
	v29 =	vadd.f32 v62, v29;
	v35 =	vadd.f32 v57, v56;
	v62 =	vmul.f32 v40, v10  }
0x1a7: {  	v40 =	vld [tilespmem:s20+$0xC880];
	v55 =	vmul.f32 v32, v9;
	v56 =	vmul.f32 v47, v9;
	v14 =	vadd.f32 v15, v14  }
0x1a8: {  	v32 =	vld [tilespmem:s20+$0xC890];
	v47 =	vmul.f32 v51, v11;
	v17 =	vadd.f32 v16, v23;
	v60 =	vadd.f32 v24, v35  }
0x1a9: {  	v30 =	vmul.f32 v30, v9;
	v24 =	vld [tilespmem:s20+$0xC850];
	v16 =	vadd.f32 v58, v29;
	v23 =	vadd.f32 v63, v62  }
0x1aa: {  	v29 =	vld [tilespmem:s20+$0xC860];
	v15 =	vadd.f32 v54, v53;
	v58 =	vmul.f32 v34, v8;
	v62 =	vmul.f32 v36, v6  }
0x1ab: {  	v35 =	vld [tilespmem:s20+$0xC8C0];
	v54 =	vmul.f32 v52, v8;
	v28 =	vmul.f32 v28, v5;
	v14 =	vadd.f32 v59, v14  }
0x1ac: {  	v36 =	vld [tilespmem:s20+$0xC8F0];
	v31 =	vmul.f32 v31, v4;
	v22 =	vadd.f32 v22, v60;
	v57 =	vadd.f32 v55, v23  }
0x1ad: {  	v53 =	vld [tilespmem:s20+$0xC940];
	v15 =	vadd.f32 v56, v15;
	v59 =	vmul.f32 v37, v8;
	v60 =	vmul.f32 v41, v7  }
0x1ae: {  	v34 =	vld [tilespmem:s20+$0xC930];
	v56 =	vmul.f32 v33, v8;
	v14 =	vadd.f32 v61, v14;
	v19 =	vadd.f32 v19, v22  }
0x1af: {  	v37 =	vld [tilespmem:s20+$0xC8D0];
	v22 =	vadd.f32 v58, v57;
	v61 =	vmul.f32 v45, v7;
	v45 =	vmul.f32 v42, v10  }
0x1b0: {  	v41 =	vld [tilespmem:s20+$0xC910];
	v15 =	vadd.f32 v59, v15;
	v58 =	vmul.f32 v27, v7;
	v59 =	vmul.f32 v48, v4  }
0x1b1: {  	v55 =	vld [tilespmem:s20+$0xC950];
	v24 =	vmul.f32 v24, v11;
	v51 =	vmul.f32 v29, v9;
	v14 =	vadd.f32 v39, v14  }
0x1b2: {  	v57 =	vld [tilespmem:s20+$0xC960];
	v52 =	vmul.f32 v53, v10;
	v19 =	vadd.f32 v18, v19;
	v22 =	vadd.f32 v60, v22  }
0x1b3: {  	v27 =	vld [tilespmem:s20+$0xC970];
	v23 =	vadd.f32 v47, v45;
	v60 =	vmul.f32 v40, v7;
	v45 =	vmul.f32 v26, v5  }
0x1b4: {  	v48 =	vld [tilespmem:s20+$0xC9C0];
	v63 =	vadd.f32 v61, v15;
	v47 =	vmul.f32 v43, v5;
	v40 =	vperm.xlane v3, v0  }
0x1b5: {  	v42 =	vld [tilespmem:s20+$0xCA70];
	v15 =	vadd.f32 v24, v49;
	v49 =	vmul.f32 v35, v10;
	v18 =	vadd.f32 v21, v14  }
0x1b6: {  	v39 =	vld [tilespmem:s20+$0xC8E0];
	v53 =	vmul.f32 v55, v11;
	v22 =	vadd.f32 v62, v22;
	v14 =	vadd.f32 v44, v63  }
0x1b7: {  	v61 =	vld [tilespmem:s20+$0xC980];
	v23 =	vadd.f32 v30, v23;
	v63 =	vmul.f32 v46, v6;
	v44 =	vmul.f32 v32, v6  }
0x1b8: {  	v43 =	vld [tilespmem:s20+$0xCA00];
	v46 =	vmul.f32 v38, v4;
	v3 =	vadd.f32 v40, v3;
	v15 =	vadd.f32 v51, v15  }
0x1b9: {  	v21 =	vld [tilespmem:s20+$0xC900];
	v24 =	vadd.f32 v53, v52;
	v57 =	vmul.f32 v57, v9;
	v27 =	vmul.f32 v27, v8  }
0x1ba: {  	v32 =	vld [tilespmem:s20+$0xC9A0];
	v53 =	vmul.f32 v42, v8;
	v22 =	vadd.f32 v25, v22;
	v14 =	vadd.f32 v50, v14  }
0x1bb: {  	v51 =	vld [tilespmem:s20+$0xC9D0];
	v23 =	vadd.f32 v54, v23;
	v50 =	vmul.f32 v37, v11;
	v15 =	vadd.f32 v56, v15  }
0x1bc: {  	v25 =	vld [tilespmem:s20+$0xC990];
	v55 =	vmul.f32 v39, v9;
	v24 =	vadd.f32 v57, v24;
	v20 =	vadd.f32 v20, v22  }
0x1bd: {  	v54 =	vld [tilespmem:s20+$0xCA40];
	v61 =	vmul.f32 v61, v7;
	v62 =	vadd.f32 v58, v23;
	v14 =	vadd.f32 v59, v14  }
0x1be: {  	v52 =	vld [tilespmem:s20+$0xCA20];
	v23 =	vadd.f32 v50, v49;
	v59 =	vmul.f32 v36, v8;
	v49 =	vmul.f32 v41, v6  }
0x1bf: {  	v56 =	vld [tilespmem:s20+$0xCA50];
	v36 =	vperm.xlane v13, v0;
	v15 =	vadd.f32 v60, v15;
	v24 =	vadd.f32 v27, v24  }
0x1c0: {  	v57 =	vld [tilespmem:s20+$0xCA30];
	v21 =	vmul.f32 v21, v7;
	v22 =	vadd.f32 v63, v62;
	v23 =	vadd.f32 v55, v23  }
0x1c1: {  	v58 =	vld [tilespmem:s20+$0xC9E0];
	v63 =	vmul.f32 v48, v10;
	v37 =	vmul.f32 v51, v11;
	v13 =	vadd.f32 v36, v13  }
0x1c2: {  	v60 =	vld [tilespmem:s20+$0xCA60];
	v15 =	vadd.f32 v44, v15;
	v30 =	vmul.f32 v54, v10;
	v25 =	vmul.f32 v25, v6  }
0x1c3: {  	v62 =	vld [tilespmem:s20+$0xC9F0];
	v24 =	vadd.f32 v61, v24;
	v54 =	vmul.f32 v43, v7;
	v43 =	vperm.xlane v19, v0  }
0x1c4: {  	v48 =	vld [tilespmem:s20+$0xCA10];
	v22 =	vadd.f32 v45, v22;
	v23 =	vadd.f32 v59, v23;
	v35 =	vmul.f32 v56, v11  }
0x1c5: {  	v51 =	vld [tilespmem:s20+$0xCA90];
	v44 =	vadd.f32 v37, v63;
	v63 =	vmul.f32 v34, v4;
	v34 =	vmul.f32 v57, v4  }
0x1c6: {  	v55 =	vld [tilespmem:s20+$0xCAA0];
	v37 =	vperm.xlane v20, v0;
	v15 =	vadd.f32 v47, v15;
	v24 =	vadd.f32 v25, v24  }
0x1c7: {  	v45 =	vmul.f32 v58, v9;
	v19 =	vadd.f32 v43, v19;
	v22 =	vadd.f32 v46, v22  }
0x1c8: {  	v21 =	vadd.f32 v21, v23;
	v47 =	vadd.f32 v35, v30;
	v33 =	vmul.f32 v60, v9  }
0x1c9: {  	v38 =	vld [tilespmem:s20+$0xC9B0];
	v60 =	vmul.f32 v32, v5;
	v20 =	vadd.f32 v37, v20;
	v50 =	vmul.f32 v62, v8  }
0x1ca: {  	v15 =	vadd.f32 v31, v15;
	v58 =	vmul.f32 v48, v6;
	v61 =	vmul.f32 v51, v6  }
0x1cb: {  	v23 =	vadd.f32 v45, v44;
	v62 =	vmul.f32 v52, v5;
	v27 =	vmul.f32 v55, v5  }
0x1cc: {  	v46 =	vld [tilespmem:s20+$0xCA80];
	v45 =	vperm.xlane v12, v0;
	v48 =	vperm.xlane v16, v0;
	v29 =	vadd.f32 v33, v47  }
0x1cd: {  	v52 =	vperm.xlane v18, v0;
	v21 =	vadd.f32 v49, v21;
	v24 =	vadd.f32 v60, v24  }
0x1ce: {  	v33 =	vmul.f32 v38, v4;
	v38 =	vperm.xlane v17, v0;
	v23 =	vadd.f32 v50, v23  }
0x1cf: {  	v41 =	vperm.xlane v22, v0;
	v12 =	vadd.f32 v45, v12;
	v16 =	vadd.f32 v48, v16  }
0x1d0: {  	v59 =	vld [tilespmem:s20+$0xCAB0];
	v50 =	vperm.xlane v2, v0;
	v56 =	vadd.f32 v53, v29;
	v21 =	vadd.f32 v28, v21  }
0x1d1: {  	v24 =	vadd.f32 v33, v24;
	v17 =	vadd.f32 v38, v17;
	v31 =	vmul.f32 v46, v7  }
0x1d2: {  	v51 =	vperm.xlane v15, v0;
	v42 =	vadd.f32 v41, v22;
	v23 =	vadd.f32 v54, v23  }
0x1d3: {  	v13 =	vsel vm2, v13, v20;
	v2 =	vadd.f32 v50, v2;
	v25 =	vadd.f32 v31, v56  }
0x1d4: {  	v46 =	vperm.xlane v14, v0;
	v15 =	vadd.f32 v51, v15;
	v54 =	vadd.f32 v52, v18  }
0x1d5: {  	v35 =	vmul.f32 v59, v4;
	v23 =	vadd.f32 v58, v23;
	v25 =	vadd.f32 v61, v25  }
0x1d6: {  	v21 =	vadd.f32 v63, v21;
	v3 =	vsel vm2, v3, v42;
	v14 =	vadd.f32 v46, v14  }
0x1d7: {  	v49 =	vperm.xlane v24, v0;
	v23 =	vadd.f32 v62, v23;
	v25 =	vadd.f32 v27, v25  }
0x1d8: {  	v56 =	vperm.xlane v13, v1;
	v2 =	vsel vm2, v2, v15;
	v58 =	vperm.xlane v3, v1  }
0x1d9: {  	v39 =	vperm.xlane v21, v0;
	v23 =	vadd.f32 v34, v23;
	v25 =	vadd.f32 v35, v25  }
0x1da: {  	v20 =	vadd.f32 v49, v24;
	v12 =	vsel vm2, v12, v14;
	v13 =	vadd.f32 v56, v13  }
0x1db: {  	v3 =	vadd.f32 v58, v3;
	v44 =	vperm.xlane v23, v0;
	v53 =	vperm.xlane v25, v0  }
0x1dc: {  	v62 =	vperm.xlane v2, v1;
	v21 =	vadd.f32 v39, v21;
	v60 =	vperm.xlane v12, v1  }
0x1dd: {  	v16 =	vsel vm2, v16, v20;
	v47 =	vadd.f32 v44, v23;
	v55 =	vadd.f32 v53, v25  }
0x1de: {  	v30 =	vld [tilespmem:$0x1FFE0];
	v61 =	vperm.xlane v16, v1;
	v17 =	vsel vm2, v17, v21;
	v12 =	vadd.f32 v60, v12  }
0x1df: {  	v57 =	vperm.xlane v17, v1;
	v19 =	vsel vm2, v19, v47;
	v14 =	vsel vm2, v54, v55  }
0x1e0: {  	v24 =	vadd.f32 v61, v16;
	v59 =	vperm.xlane v19, v1;
	v63 =	vperm.xlane v14, v1  }
0x1e1: {  	v2 =	vadd.f32 v62, v2;
	v17 =	vadd.f32 v57, v17  }
0x1e2: {  	v12 =	vsel vm0, v12, v24;
	v18 =	vadd.f32 v59, v19;
	v14 =	vadd.f32 v63, v14  }
0x1e3: {  	v27 =	vperm.xlane v12, v30;
	v13 =	vsel vm0, v13, v17  }
0x1e4: {  	v25 =	vperm.xlane v13, v30;
	v3 =	vsel vm0, v3, v18;
	v2 =	vsel vm0, v2, v14  }
0x1e5: {  	v31 =	vld [tilespmem:$0x1FFF0];
	v26 =	vperm.xlane v3, v30;
	v28 =	vperm.xlane v2, v30  }
0x1e6: {  	v12 =	vadd.f32 v27, v12;
	v13 =	vadd.f32 v25, v13  }
0x1e7: {  	v3 =	vadd.f32 v26, v3;
	v2 =	vadd.f32 v28, v2;
	_ =	sdelay $0x1  }
0x1e8: {  	v3 =	vsel vm1, v13, v3;
	v2 =	vsel vm1, v12, v2  }
0x1e9: {  	v29 =	vperm.xlane v3, v31;
	v32 =	vperm.xlane v2, v31;
	_ =	sdelay $0x1  }
0x1ea: {  	v3 =	vadd.f32 v29, v3;
	v2 =	vadd.f32 v32, v2;
	_ =	sdelay $0x1  }
0x1eb: {  	v2 =	vsel vm3, v3, v2  }
0x1ec: {  	[tilespmem:s3+$0x0] =	vst v2  }
0x1ed: {  	v2 =	vld [tilespmem:s9+$0xBAC0]  }
0x1ee: {  	v3 =	vld [tilespmem:s9+$0xBAD0]  }
0x1ef: {  	v33 =	vld [tilespmem:s9+$0xBAE0]  }
0x1f0: {  	v34 =	vld [tilespmem:s9+$0xBAF0]  }
0x1f1: {  	v35 =	vld [tilespmem:s9+$0xBB00]  }
0x1f2: {  	v36 =	vld [tilespmem:s9+$0xBB10]  }
0x1f3: {  	v37 =	vld [tilespmem:s9+$0xBB20]  }
0x1f4: {  	v38 =	vld [tilespmem:s9+$0xBB30]  }
0x1f5: {  	v39 =	vld [tilespmem:s20+$0xCAC0]  }
0x1f6: {  	v40 =	vld [tilespmem:s20+$0xCAD0]  }
0x1f7: {  	v41 =	vld [tilespmem:s20+$0xCAE0]  }
0x1f8: {  	v42 =	vld [tilespmem:s20+$0xCAF0]  }
0x1f9: {  	v43 =	vld [tilespmem:s20+$0xCB00]  }
0x1fa: {  	v44 =	vld [tilespmem:s20+$0xCB10]  }
0x1fb: {  	v45 =	vld [tilespmem:s20+$0xCB20]  }
0x1fc: {  	v25 =	vld [tilespmem:s20+$0xCB30]  }
0x1fd: {  	v47 =	vld [tilespmem:s20+$0xCB50]  }
0x1fe: {  	v48 =	vld [tilespmem:s20+$0xCB60]  }
0x1ff: {  	v49 =	vld [tilespmem:s20+$0xCB70]  }
0x200: {  	v55 =	vld [tilespmem:s20+$0xCC40];
	v2 =	vmul.f32 v2, v10;
	v3 =	vmul.f32 v3, v11  }
0x201: {  	v56 =	vld [tilespmem:s20+$0xCC50];
	v18 =	vmul.f32 v39, v10;
	v19 =	vmul.f32 v40, v11  }
0x202: {  	v58 =	vld [tilespmem:s20+$0xCBD0];
	v54 =	vmul.f32 v41, v9;
	v17 =	vmul.f32 v38, v4  }
0x203: {  	v50 =	vld [tilespmem:s20+$0xCB80];
	v57 =	vmul.f32 v42, v8;
	v2 =	vadd.f32 v3, v2;
	v3 =	vmul.f32 v33, v9  }
0x204: {  	v51 =	vld [tilespmem:s20+$0xCB90];
	v12 =	vmul.f32 v47, v11;
	v60 =	vmul.f32 v43, v7  }
0x205: {  	v52 =	vld [tilespmem:s20+$0xCBA0];
	v62 =	vmul.f32 v48, v9;
	v2 =	vadd.f32 v3, v2;
	v3 =	vmul.f32 v34, v8  }
0x206: {  	v46 =	vld [tilespmem:s20+$0xCB40];
	v20 =	vmul.f32 v55, v10;
	v16 =	vmul.f32 v56, v11  }
0x207: {  	v53 =	vld [tilespmem:s20+$0xCBC0];
	v11 =	vmul.f32 v58, v11;
	v2 =	vadd.f32 v3, v2;
	v3 =	vmul.f32 v35, v7  }
0x208: {  	v59 =	vld [tilespmem:s20+$0xCC60];
	v13 =	vmul.f32 v49, v8;
	v39 =	vmul.f32 v50, v7  }
0x209: {  	v41 =	vmul.f32 v45, v5;
	v43 =	vld [tilespmem:s20+$0xCBB0];
	v2 =	vadd.f32 v3, v2;
	v3 =	vmul.f32 v36, v6  }
0x20a: {  	v61 =	vld [tilespmem:s20+$0xCBE0];
	v14 =	vmul.f32 v51, v6;
	v45 =	vmul.f32 v52, v5;
	v18 =	vadd.f32 v19, v18  }
0x20b: {  	v63 =	vld [tilespmem:s20+$0xCC70];
	v47 =	vmul.f32 v25, v4;
	v2 =	vadd.f32 v3, v2;
	v3 =	vmul.f32 v37, v5  }
0x20c: {  	v27 =	vld [tilespmem:s20+$0xCBF0];
	v33 =	vmul.f32 v44, v6;
	v16 =	vadd.f32 v16, v20;
	v18 =	vadd.f32 v54, v18  }
0x20d: {  	v32 =	vld [tilespmem:s20+$0xCC80];
	v2 =	vadd.f32 v3, v2;
	v3 =	vmul.f32 v46, v10;
	v10 =	vmul.f32 v53, v10  }
0x20e: {  	v34 =	vld [tilespmem:s20+$0xCC00];
	v48 =	vmul.f32 v43, v4;
	v18 =	vadd.f32 v57, v18;
	v35 =	vmul.f32 v59, v9  }
0x20f: {  	v9 =	vmul.f32 v61, v9;
	v36 =	vld [tilespmem:s20+$0xCC90];
	v3 =	vadd.f32 v12, v3;
	v10 =	vadd.f32 v11, v10  }
0x210: {  	v16 =	vadd.f32 v35, v16;
	v37 =	vld [tilespmem:s20+$0xCC10];
	v2 =	vadd.f32 v17, v2;
	v17 =	vmul.f32 v63, v8  }
0x211: {  	v38 =	vld [tilespmem:s20+$0xCCA0];
	v8 =	vmul.f32 v27, v8;
	v3 =	vadd.f32 v62, v3;
	v9 =	vadd.f32 v9, v10  }
0x212: {  	v40 =	vld [tilespmem:s20+$0xCC20];
	v18 =	vadd.f32 v60, v18;
	v12 =	vmul.f32 v32, v7;
	v16 =	vadd.f32 v17, v16  }
0x213: {  	v42 =	vld [tilespmem:s20+$0xCCB0];
	v7 =	vmul.f32 v34, v7;
	v3 =	vadd.f32 v13, v3;
	v8 =	vadd.f32 v8, v9  }
0x214: {  	v44 =	vld [tilespmem:s20+$0xCC30];
	v15 =	vadd.f32 v33, v18;
	v11 =	vmul.f32 v36, v6;
	v12 =	vadd.f32 v12, v16  }
0x215: {  	v6 =	vmul.f32 v37, v6;
	v3 =	vadd.f32 v39, v3;
	v7 =	vadd.f32 v7, v8  }
0x216: {  	v15 =	vadd.f32 v41, v15;
	v10 =	vmul.f32 v38, v5;
	v11 =	vadd.f32 v11, v12  }
0x217: {  	v5 =	vmul.f32 v40, v5;
	v3 =	vadd.f32 v14, v3;
	v6 =	vadd.f32 v6, v7  }
0x218: {  	v50 =	vadd.f32 v47, v15;
	v9 =	vmul.f32 v42, v4;
	v46 =	vadd.f32 v10, v11  }
0x219: {  	v4 =	vmul.f32 v44, v4;
	v3 =	vadd.f32 v45, v3;
	v5 =	vadd.f32 v5, v6  }
0x21a: {  	v49 =	vadd.f32 v9, v46  }
0x21b: {  	v10 =	vperm.xlane v50, v0;
	v3 =	vadd.f32 v48, v3;
	v4 =	vadd.f32 v4, v5  }
0x21c: {  	v51 =	vperm.xlane v2, v0;
	v52 =	vperm.xlane v49, v0  }
0x21d: {  	v7 =	vadd.f32 v10, v50;
	v53 =	vperm.xlane v3, v0;
	v55 =	vperm.xlane v4, v0  }
0x21e: {  	v2 =	vadd.f32 v51, v2;
	v54 =	vadd.f32 v52, v49  }
0x21f: {  	v10 =	vperm.xlane v7, v1;
	v3 =	vadd.f32 v53, v3;
	v4 =	vadd.f32 v55, v4  }
0x220: {  	v56 =	vperm.xlane v2, v1;
	v8 =	vperm.xlane v54, v1  }
0x221: {  	v7 =	vadd.f32 v10, v7;
	v9 =	vperm.xlane v3, v1;
	v57 =	vperm.xlane v4, v1  }
0x222: {  	v2 =	vadd.f32 v56, v2;
	v5 =	vadd.f32 v8, v54  }
0x223: {  	v58 =	vnsel vm0, $0x0, v7;
	v3 =	vadd.f32 v9, v3;
	v4 =	vadd.f32 v57, v4  }
0x224: {  	v61 =	vperm.xlane v58, v30;
	v2 =	vsel vm0, v2, v5  }
0x225: {  	v59 =	vperm.xlane v2, v30;
	v3 =	vnsel vm0, $0x0, v3;
	v4 =	vnsel vm0, $0x0, v4  }
0x226: {  	v60 =	vperm.xlane v3, v30;
	v62 =	vperm.xlane v4, v30  }
0x227: {  	v5 =	vadd.f32 v61, v58;
	v2 =	vadd.f32 v59, v2  }
0x228: {  	v3 =	vadd.f32 v60, v3;
	v4 =	vadd.f32 v62, v4;
	_ =	sdelay $0x1  }
0x229: {  	v2 =	vsel vm1, v2, v3;
	v3 =	vsel vm1, v5, v4  }
0x22a: {  	p0 =	sne.s32 s18, $0x25800;
	v63 =	vperm.xlane v2, v31;
	v5 =	vperm.xlane v3, v31  }
.Ltmp1:
0x22b: {  	_ = 	snop;
	(pc) =	sbr.rel @p0 .LBB2_5-.Ltmp1, $3  }
0x22c: {  	v2 =	vadd.f32 v63, v2;
	v3 =	vadd.f32 v5, v3;
	_ =	sdelay $0x1  }
0x22d: {  	s17 =	sadd.s32 $0x200, s17;
	v2 =	vsel vm3, v2, v3  }
0x22e: {  	s18 =	sadd.s32 $0x2800, s18;
	s3 =	sadd.s32 $0x10, s3;
	[tilespmem:s5+$0x0] =	vst v2;
	s5 =	sadd.s32 $0x10, s5  }
0x22f: {  	s3 =	sshll.u32 s31, $0x1  }
0x230: {  	s3 =	sand.u32 $0x1FFFFFE0, s3  }
0x231: {  	s5 =	sadd.s32 s7, s3  }
0x232: {  	[hbm4b:s5+s4] =	stream.linear.scatter [tilespmem:s25], [sflag:$0x3], $0x100, $0x38;
	[tilespmem:$0x164C0] =	vst v63  }
0x233: {  	s30 =	sadd.s32 $0x1, s30;
	_ =	swait.ge [sflag:s16], $0x100  }
0x234: {  	p0 =	sne.s32 s30, $0x10;
	[sflag:s16] =	ssyncset.done $0x0  }
.Ltmp2:
0x235: {  	s3 =	sadd.s32 s8, s3;
	[sflag:s16] =	ssyncadd.s32 $0xFFFFFF00;
	(pc) =	sbr.rel @p0 .LBB2_2-.Ltmp2, $4  }
0x236: {  	[hbm4b:s3+s4] =	stream.linear.scatter [tilespmem:s26], [sflag:$0x3], $0x100, $0x38;
	[tilespmem:$0x164C0] =	vst v63  }
0x237: {  	_ =	swait.ge [sflag:s16], $0x100  }
0x238: {  	[sflag:s16] =	ssyncset.done $0x0  }
0x239: {  	[sflag:s16] =	ssyncadd.s32 $0xFFFFFF00  }
0x23a: {  	s29 =	sadd.s32 $0x1, s29  }
0x23b: {  	p0 =	sne.s32 s29, s14  }
.Ltmp3:
0x23c: {  	_ = 	snop;
	(pc) =	sbr.rel @p0 .LBB2_1-.Ltmp3, $1  }
0x23d: {  	_ =	sdelay $0x3  }
0x23e: {  	_ =	sfence.sel $0x180000  }
0x23f: {  	[bflag:$0x0] =	sbarrier.arrive $0xFFFF  }
0x240: {  	_ =	strace $0x90000047  }
0x241: {  	s0 =	stileid.u32;
	[bflag:$0x2] =	sbarrier.arrive $0xFFFF  }
0x242: {  	p0 =	sne.s32 s0, $0x0;
	s0 =	rddreg [dreg:$0x4]  }
0x243: {  	s0 =	sadd.s32 @!p0 $0x100000, s0  }
0x244: {  	[sflag:s0] =	ssyncadd.tile.s32 @!p0 $0x1;
	_ =	shalt  }
.Lfunc_end2:
_tile_overlayer_lowered:
.L_overlay_start_2:
0x245: {  	(tag) =	ssettag $0x2  }
0x246: {  	s0 =	rddreg [dreg:$0x0];
	s2 =	stileid.u32  }
0x247: {  	s1 =	rddreg [dreg:$0x1];
	p0 =	sne.s32 s2, $0x0  }
0x248: {  	s3 =	rddreg [dreg:$0x2];
	[bflag:$0x3] =	sbarrier.arrive $0xFFFF;
	s2 =	simm.s32 @!p0 $0x1C03  }
0x249: {  	[timem:s3], [sflag:s2] =	dma.local @!p0 [hbm:s0], s1  }
0x24a: {  	s0 =	simm.s32 @!p0 $0x3  }
0x24b: {  	_ =	swait.ge @!p0 [sflag:s0], s1  }
0x24c: {  	s1 =	ssub.s32 @!p0 $0x0, s1;
	[sflag:s0] =	ssyncset.done @!p0 $0x0  }
0x24d: {  	[sflag:s0] =	ssyncadd.s32 @!p0 s1  }
0x24e: {  	[bflag:$0x3] =	sbarrier.arrive $0xFFFF  }
0x24f: {  	_ =	shalt  }

</sc_bundles>
